<compile_context>
chip_gen: v7x
topology: tpu7x:2x2x1
jax: 0.10.2.dev20260603
libtpu: 0.0.44.dev20260713+nightly
codegen_flags: <defaults>
</compile_context>

<pallas_src>
import functools

import jax
import jax.numpy as jnp
from jax import lax
from jax.experimental import pallas as pl
from jax.experimental.pallas import tpu as pltpu
from jax.experimental.pallas import tpu_sc as plsc

_NW = 32
_L = 16
_W = 128


def _sigmoid(x):
    return 1.0 / (1.0 + jnp.exp(-x))


def _stage_a(xs_splat, nb, d, e_pad, src, dst, guards_t, e_total, ini, fin):
    q = ini.shape[0]
    chunk = e_pad // _NW
    n_win = chunk // _W
    mesh = plsc.VectorSubcoreMesh(core_axis_name="c", subcore_axis_name="s")

    @functools.partial(
        pl.kernel,
        out_type=jax.ShapeDtypeStruct((_NW * nb * _L,), jnp.float32),
        mesh=mesh,
        compiler_params=pltpu.CompilerParams(needs_layout_passes=False),
        scratch_types=[
            pltpu.VMEM((chunk,), jnp.int32),
            pltpu.VMEM((chunk,), jnp.int32),
            pltpu.VMEM((q,), jnp.float32),
            pltpu.VMEM((q,), jnp.float32),
            pltpu.VMEM((chunk + _W,), jnp.float32),
            pltpu.VMEM(((n_win + 1) * _L,), jnp.int32),
            pltpu.VMEM((d, _W), jnp.float32),
            pltpu.VMEM((nb * d * _L,), jnp.float32),
            pltpu.VMEM((nb * _L,), jnp.float32),
            pltpu.SemaphoreType.DMA,
        ],
    )
    def ka(xs_hbm, src_hbm, dst_hbm, guards_hbm, ini_hbm, fin_hbm, part_hbm,
           src_v, dst_v, ini_v, fin_v, coefc_v, orig_v, rows_v,
           xs_v, out_v, sem):
        wid = lax.axis_index("s") * 2 + lax.axis_index("c")
        base = wid * chunk
        lanes = lax.broadcasted_iota(jnp.int32, (_L,), 0)
        copies = [
            pltpu.async_copy(xs_hbm, xs_v, sem),
            pltpu.async_copy(ini_hbm, ini_v, sem),
            pltpu.async_copy(fin_hbm, fin_v, sem),
            pltpu.async_copy(src_hbm.at[pl.ds(base, chunk)], src_v, sem),
            pltpu.async_copy(dst_hbm.at[pl.ds(base, chunk)], dst_v, sem),
        ]
        for cp in copies:
            cp.wait()

        def scan_win(w, slot_vec):
            o = w * _W
            any_mask = jnp.zeros((_L,), jnp.bool_)
            gathered = []
            for u in range(_W // _L):
                ou = o + u * _L
                s_idx = jnp.clip(src_v[pl.ds(ou, _L)], 0, q - 1)
                d_idx = jnp.clip(dst_v[pl.ds(ou, _L)], 0, q - 1)
                gathered.append((plsc.load_gather(ini_v, [s_idx]),
                                 plsc.load_gather(fin_v, [d_idx])))
            for u in range(_W // _L):
                a, bb = gathered[u]
                c = a * bb
                e_vec = (base + (o + u * _L)) + lanes
                m = (c != 0.0) & (e_vec < e_total)
                plsc.store_scatter(coefc_v, [slot_vec * _W + (u * _L) + lanes],
                                   jnp.where(m, c, 0.0))
                any_mask = any_mask | m
            plsc.store_scatter(orig_v, [slot_vec * _L + lanes],
                               jnp.full((_L,), base, jnp.int32) + o)
            pc = plsc.all_reduce_population_count(any_mask)
            return slot_vec + (pc > 0).astype(jnp.int32)

        slot_vec = lax.fori_loop(0, n_win, scan_win,
                                 jnp.zeros((_L,), jnp.int32))
        n_slots = jnp.max(slot_vec)

        def dot_body(k, parts):
            eo = pl.multiple_of(jnp.max(orig_v[pl.ds(k * _L, _L)]), _W)
            pltpu.sync_copy(guards_hbm.at[:, pl.ds(eo, _W)], rows_v)
            for g in range(_W // _L):
                coefv = coefc_v[pl.ds(k * _W + g * _L, _L)]

                def do_group(p, g=g, coefv=coefv):
                    def fdot(f, logits):
                        val = rows_v[f, pl.ds(g * _L, _L)]
                        return tuple(
                            logits[b_] + val * xs_v[pl.ds(b_ * d * _L + f * _L, _L)]
                            for b_ in range(nb))
                    logits = lax.fori_loop(
                        0, d, fdot,
                        tuple(jnp.zeros((_L,), jnp.float32) for _ in range(nb)))
                    return tuple(
                        p[b_] + jnp.where(coefv != 0.0,
                                          _sigmoid(logits[b_]) * coefv, 0.0)
                        for b_ in range(nb))

                parts = lax.cond(jnp.any(coefv != 0.0), do_group,
                                 lambda p: p, parts)
            return parts

        parts = lax.fori_loop(
            0, n_slots, dot_body,
            tuple(jnp.zeros((_L,), jnp.float32) for _ in range(nb)))

        for b_ in range(nb):
            out_v[pl.ds(b_ * _L, _L)] = parts[b_]
        pltpu.sync_copy(out_v, part_hbm.at[pl.ds(wid * nb * _L, nb * _L)])

    return ka(xs_splat, src, dst, guards_t, ini, fin)


def _stage_b(partials, nb):
    mesh = plsc.VectorSubcoreMesh(core_axis_name="c", subcore_axis_name="s")
    n_part = partials.shape[0]

    @functools.partial(
        pl.kernel,
        out_type=jax.ShapeDtypeStruct((_L,), jnp.float32),
        mesh=mesh,
        compiler_params=pltpu.CompilerParams(needs_layout_passes=False),
        scratch_types=[
            pltpu.VMEM((n_part,), jnp.float32),
            pltpu.VMEM((_L,), jnp.float32),
        ],
    )
    def kb(part_hbm, out_hbm, pa_v, out_v):
        wid = lax.axis_index("s") * 2 + lax.axis_index("c")
        lanes = lax.broadcasted_iota(jnp.int32, (_L,), 0)

        @pl.when(wid == 0)
        def _():
            pltpu.sync_copy(part_hbm, pa_v)
            out_v[...] = jnp.zeros((_L,), jnp.float32)
            for b_ in range(nb):
                def red(t, acc):
                    return acc + pa_v[pl.ds(t * nb * _L + b_ * _L, _L)]
                acc = lax.fori_loop(0, _NW, red, jnp.zeros((_L,), jnp.float32))
                s = jnp.sum(acc)
                plsc.store_scatter(
                    out_v, [jnp.full((_L,), b_, jnp.int32)],
                    jnp.full((_L,), s, jnp.float32), mask=lanes == 0)
            pltpu.sync_copy(out_v, out_hbm)

    return kb(partials)


def kernel(xs, src, dst, guards, initial_weights, final_weights):
    b, d = xs.shape
    e = src.shape[0]
    e_pad = -(-e // (_NW * _W)) * (_NW * _W)
    guards_t = guards.T
    xs_splat = jnp.broadcast_to(xs[:, :, None], (b, d, _L)).reshape(-1)
    partials = _stage_a(xs_splat, b, d, e_pad, src, dst, guards_t, e,
                        initial_weights, final_weights)
    out16 = _stage_b(partials, b)
    return out16[:b]

# --- scband reference (transcript-rebuilt; emitter-appended) ---
"""Pipeline reference for scband-matrix-operator-89326729822782 (READ-ONLY COPY).

The authoritative reference and input builder live on the scoring server;
editing this copy changes nothing except your own understanding.
"""

import jax, jax.numpy as jnp
import numpy as np

Q = 4096       # num automaton states
E = 167772     # num transitions (guards)
D = 64         # guard / input feature dim
B = 4          # batch of input symbols


def setup_inputs(seed: int = 0) -> dict:
    key = jax.random.key(seed)
    k1, k2, k3, k4 = jax.random.split(key, 4)
    xs = jax.random.normal(k1, (B, D), dtype=jnp.float32)
    src = jax.random.randint(k2, (E,), 0, Q, dtype=jnp.int32)
    dst = jax.random.randint(k3, (E,), 0, Q, dtype=jnp.int32)
    # learned guard parameters for the weight function lambda(x, guard) = sigmoid(<guard, x>)
    guards = jax.random.normal(k4, (E, D), dtype=jnp.float32) * 0.1
    # default initial/final weights: semiring ones at initial/final locations, zeros elsewhere
    initial_weights = jnp.zeros((Q,), dtype=jnp.float32).at[jnp.arange(64)].set(1.0)
    final_weights = jnp.zeros((Q,), dtype=jnp.float32).at[jnp.arange(Q - 64, Q)].set(1.0)
    return {
        "xs": xs,
        "src": src,
        "dst": dst,
        "guards": guards,
        "initial_weights": initial_weights,
        "final_weights": final_weights,
    }


def reference(xs, src, dst, guards, initial_weights, final_weights):
    """MatrixOperator forward over the real (sum-product) semiring.

    For each input symbol x:
      1. weight_function(x, guard_e) = sigmoid(<guard_e, x>) for every transition e
      2. cost_transitions(x): scatter the E transition weights into a dense
         q x q matrix at (src_e, dst_e)  (alge.zeros().at[src, dst].set/add)
      3. accumulate: out = initial_weights (x) M (x) final_weights
    """

    def cost_transitions(x):
        w = jax.nn.sigmoid(guards @ x)                       # [E] transition weights
        M = jnp.zeros((Q, Q), dtype=jnp.float32).at[src, dst].add(w)  # scatter into q x q
        return M

    def step(x):
        M = cost_transitions(x)
        v = initial_weights @ M                              # semiring vec-mat product
        return v @ final_weights                             # accept at final states

    return jax.vmap(step)(xs)                                # [B]

if __name__ == "__main__":
    import jax
    _d = setup_inputs()
    print(jax.jit(kernel)(*tuple(_d.values())))

</pallas_src>

<mosaic_0001>
#map = affine_map<(d0, d1) -> (0)>
#map1 = affine_map<(d0, d1) -> (0, 0)>
module attributes {stable_mosaic.version = 14 : i64} {
  func.func @ka(%arg0: i32, %arg1: i32, %arg2: memref<4096xf32, #tpu.memory_space<hbm>>, %arg3: memref<167772xi32, #tpu.memory_space<hbm>>, %arg4: memref<167772xi32, #tpu.memory_space<hbm>>, %arg5: memref<64x167772xf32, #tpu.memory_space<hbm>>, %arg6: memref<4096xf32, #tpu.memory_space<hbm>>, %arg7: memref<4096xf32, #tpu.memory_space<hbm>>, %arg8: memref<2048xf32, #tpu.memory_space<hbm>>, %arg9: memref<5248xi32, #tpu.memory_space<vmem>>, %arg10: memref<5248xi32, #tpu.memory_space<vmem>>, %arg11: memref<4096xf32, #tpu.memory_space<vmem>>, %arg12: memref<4096xf32, #tpu.memory_space<vmem>>, %arg13: memref<5376xf32, #tpu.memory_space<vmem>>, %arg14: memref<672xi32, #tpu.memory_space<vmem>>, %arg15: memref<64x128xf32, #tpu.memory_space<vmem>>, %arg16: memref<4096xf32, #tpu.memory_space<vmem>>, %arg17: memref<64xf32, #tpu.memory_space<vmem>>, %arg18: memref<!tpu.dma_semaphore, #tpu.memory_space<semaphore_mem>>) attributes {dimension_semantics = [#tpu.dimension_semantics<core_parallel>, #tpu.dimension_semantics<subcore_parallel>], iteration_bounds = array<i64: 2, 16>, scalar_prefetch = 0 : i64, scratch_operands = 10 : i64, tpu.core_type = #tpu.core_type<sc_vector_subcore>, window_params = [{transform_indices = #map}, {transform_indices = #map}, {transform_indices = #map}, {transform_indices = #map1}, {transform_indices = #map}, {transform_indices = #map}, {transform_indices = #map}]} {
    %mul3A = arith.constant 2 : i32
    %mul3A_0 = arith.muli %arg1, %mul3A : i32
    %add3A = arith.addi %mul3A_0, %arg0 : i32
    %mul3A_1 = arith.constant 5248 : i32
    %mul3A_2 = arith.muli %add3A, %mul3A_1 : i32
    %iota3A = tpu.iota {dimensions = array<i32: 0>} : vector<16xi32>
    tpu.enqueue_dma source(%arg2 : memref<4096xf32, #tpu.memory_space<hbm>>) target(%arg16 : memref<4096xf32, #tpu.memory_space<vmem>>) target_semaphore(%arg18 : memref<!tpu.dma_semaphore, #tpu.memory_space<semaphore_mem>>)
    tpu.enqueue_dma source(%arg6 : memref<4096xf32, #tpu.memory_space<hbm>>) target(%arg11 : memref<4096xf32, #tpu.memory_space<vmem>>) target_semaphore(%arg18 : memref<!tpu.dma_semaphore, #tpu.memory_space<semaphore_mem>>)
    tpu.enqueue_dma source(%arg7 : memref<4096xf32, #tpu.memory_space<hbm>>) target(%arg12 : memref<4096xf32, #tpu.memory_space<vmem>>) target_semaphore(%arg18 : memref<!tpu.dma_semaphore, #tpu.memory_space<semaphore_mem>>)
    %dma_start3A = tpu.memref_slice %arg3[%mul3A_2] : memref<167772xi32, #tpu.memory_space<hbm>> -> memref<5248xi32, #tpu.memory_space<hbm>>
    %dma_start3A_3 = tpu.memref_slice %arg3[%mul3A_2] : memref<167772xi32, #tpu.memory_space<hbm>> -> memref<5248xi32, #tpu.memory_space<hbm>>
    tpu.enqueue_dma source(%dma_start3A_3 : memref<5248xi32, #tpu.memory_space<hbm>>) target(%arg9 : memref<5248xi32, #tpu.memory_space<vmem>>) target_semaphore(%arg18 : memref<!tpu.dma_semaphore, #tpu.memory_space<semaphore_mem>>)
    %dma_start3A_4 = tpu.memref_slice %arg4[%mul3A_2] : memref<167772xi32, #tpu.memory_space<hbm>> -> memref<5248xi32, #tpu.memory_space<hbm>>
    %dma_start3A_5 = tpu.memref_slice %arg4[%mul3A_2] : memref<167772xi32, #tpu.memory_space<hbm>> -> memref<5248xi32, #tpu.memory_space<hbm>>
    tpu.enqueue_dma source(%dma_start3A_5 : memref<5248xi32, #tpu.memory_space<hbm>>) target(%arg10 : memref<5248xi32, #tpu.memory_space<vmem>>) target_semaphore(%arg18 : memref<!tpu.dma_semaphore, #tpu.memory_space<semaphore_mem>>)
    tpu.wait_dma2 semaphore(%arg18 : memref<!tpu.dma_semaphore, #tpu.memory_space<semaphore_mem>>) src(%arg2 : memref<4096xf32, #tpu.memory_space<hbm>>) dst(%arg16 : memref<4096xf32, #tpu.memory_space<vmem>>)
    tpu.wait_dma2 semaphore(%arg18 : memref<!tpu.dma_semaphore, #tpu.memory_space<semaphore_mem>>) src(%arg6 : memref<4096xf32, #tpu.memory_space<hbm>>) dst(%arg11 : memref<4096xf32, #tpu.memory_space<vmem>>)
    tpu.wait_dma2 semaphore(%arg18 : memref<!tpu.dma_semaphore, #tpu.memory_space<semaphore_mem>>) src(%arg7 : memref<4096xf32, #tpu.memory_space<hbm>>) dst(%arg12 : memref<4096xf32, #tpu.memory_space<vmem>>)
    %dma_wait3A = tpu.memref_slice %arg3[%mul3A_2] : memref<167772xi32, #tpu.memory_space<hbm>> -> memref<5248xi32, #tpu.memory_space<hbm>>
    %dma_wait3A_6 = tpu.memref_slice %arg3[%mul3A_2] : memref<167772xi32, #tpu.memory_space<hbm>> -> memref<5248xi32, #tpu.memory_space<hbm>>
    tpu.wait_dma2 semaphore(%arg18 : memref<!tpu.dma_semaphore, #tpu.memory_space<semaphore_mem>>) src(%dma_wait3A_6 : memref<5248xi32, #tpu.memory_space<hbm>>) dst(%arg9 : memref<5248xi32, #tpu.memory_space<vmem>>)
    %dma_wait3A_7 = tpu.memref_slice %arg4[%mul3A_2] : memref<167772xi32, #tpu.memory_space<hbm>> -> memref<5248xi32, #tpu.memory_space<hbm>>
    %dma_wait3A_8 = tpu.memref_slice %arg4[%mul3A_2] : memref<167772xi32, #tpu.memory_space<hbm>> -> memref<5248xi32, #tpu.memory_space<hbm>>
    tpu.wait_dma2 semaphore(%arg18 : memref<!tpu.dma_semaphore, #tpu.memory_space<semaphore_mem>>) src(%dma_wait3A_8 : memref<5248xi32, #tpu.memory_space<hbm>>) dst(%arg10 : memref<5248xi32, #tpu.memory_space<vmem>>)
    %broadcast_in_dim3A = arith.constant 0 : i32
    %broadcast_in_dim3A_9 = vector.broadcast %broadcast_in_dim3A : i32 to vector<16xi32>
    %scan3A = arith.constant 0 : i32
    %scan3A_10 = arith.constant 41 : i32
    %scan3A_11 = arith.addi %scan3A, %scan3A_10 : i32
    %scan3A_12 = arith.constant 1 : i32
    %scan3A_13 = scf.for %scan3A_51 = %scan3A to %scan3A_11 step %scan3A_12 iter_args(%scan3A_52 = %broadcast_in_dim3A_9) -> (vector<16xi32>)  : i32 {
      %mul3A_53 = arith.constant 128 : i32
      %mul3A_54 = arith.muli %scan3A_51, %mul3A_53 : i32
      %broadcast_in_dim3A_55 = arith.constant false
      %broadcast_in_dim3A_56 = vector.broadcast %broadcast_in_dim3A_55 : i1 to vector<16xi1>
      %add3A_57 = arith.constant 0 : i32
      %add3A_58 = arith.addi %mul3A_54, %add3A_57 : i32
      %get3A = arith.index_cast %add3A_58 : i32 to index
      %get3A_59 = tpu.vector_load %arg9[%get3A] {strides = array<i32>} : memref<5248xi32, #tpu.memory_space<vmem>>, vector<16xi32>,
      %jit3A = arith.constant 0 : i32
      %jit3A_60 = arith.constant 4095 : i32
      %max3A = vector.broadcast %jit3A : i32 to vector<16xi32>
      %max3A_61 = arith.maxsi %max3A, %get3A_59 : vector<16xi32>
      %min3A = vector.broadcast %jit3A_60 : i32 to vector<16xi32>
      %min3A_62 = arith.minsi %min3A, %max3A_61 : vector<16xi32>
      %get3A_63 = arith.index_cast %add3A_58 : i32 to index
      %get3A_64 = tpu.vector_load %arg10[%get3A_63] {strides = array<i32>} : memref<5248xi32, #tpu.memory_space<vmem>>, vector<16xi32>,
      %jit3A_65 = arith.constant 0 : i32
      %jit3A_66 = arith.constant 4095 : i32
      %max3A_67 = vector.broadcast %jit3A_65 : i32 to vector<16xi32>
      %max3A_68 = arith.maxsi %max3A_67, %get3A_64 : vector<16xi32>
      %min3A_69 = vector.broadcast %jit3A_66 : i32 to vector<16xi32>
      %min3A_70 = arith.minsi %min3A_69, %max3A_68 : vector<16xi32>
      %gather3A = tpu.vector_load_idx %arg11[%min3A_62] : memref<4096xf32, #tpu.memory_space<vmem>>[vector<16xi32>], vector<16xf32>,
      %gather3A_71 = tpu.vector_load_idx %arg12[%min3A_70] : memref<4096xf32, #tpu.memory_space<vmem>>[vector<16xi32>], vector<16xf32>,
      %add3A_72 = arith.constant 16 : i32
      %add3A_73 = arith.addi %mul3A_54, %add3A_72 : i32
      %get3A_74 = arith.index_cast %add3A_73 : i32 to index
      %get3A_75 = tpu.vector_load %arg9[%get3A_74] {strides = array<i32>} : memref<5248xi32, #tpu.memory_space<vmem>>, vector<16xi32>,
      %jit3A_76 = arith.constant 0 : i32
      %jit3A_77 = arith.constant 4095 : i32
      %max3A_78 = vector.broadcast %jit3A_76 : i32 to vector<16xi32>
      %max3A_79 = arith.maxsi %max3A_78, %get3A_75 : vector<16xi32>
      %min3A_80 = vector.broadcast %jit3A_77 : i32 to vector<16xi32>
      %min3A_81 = arith.minsi %min3A_80, %max3A_79 : vector<16xi32>
      %get3A_82 = arith.index_cast %add3A_73 : i32 to index
      %get3A_83 = tpu.vector_load %arg10[%get3A_82] {strides = array<i32>} : memref<5248xi32, #tpu.memory_space<vmem>>, vector<16xi32>,
      %jit3A_84 = arith.constant 0 : i32
      %jit3A_85 = arith.constant 4095 : i32
      %max3A_86 = vector.broadcast %jit3A_84 : i32 to vector<16xi32>
      %max3A_87 = arith.maxsi %max3A_86, %get3A_83 : vector<16xi32>
      %min3A_88 = vector.broadcast %jit3A_85 : i32 to vector<16xi32>
      %min3A_89 = arith.minsi %min3A_88, %max3A_87 : vector<16xi32>
      %gather3A_90 = tpu.vector_load_idx %arg11[%min3A_81] : memref<4096xf32, #tpu.memory_space<vmem>>[vector<16xi32>], vector<16xf32>,
      %gather3A_91 = tpu.vector_load_idx %arg12[%min3A_89] : memref<4096xf32, #tpu.memory_space<vmem>>[vector<16xi32>], vector<16xf32>,
      %add3A_92 = arith.constant 32 : i32
      %add3A_93 = arith.addi %mul3A_54, %add3A_92 : i32
      %get3A_94 = arith.index_cast %add3A_93 : i32 to index
      %get3A_95 = tpu.vector_load %arg9[%get3A_94] {strides = array<i32>} : memref<5248xi32, #tpu.memory_space<vmem>>, vector<16xi32>,
      %jit3A_96 = arith.constant 0 : i32
      %jit3A_97 = arith.constant 4095 : i32
      %max3A_98 = vector.broadcast %jit3A_96 : i32 to vector<16xi32>
      %max3A_99 = arith.maxsi %max3A_98, %get3A_95 : vector<16xi32>
      %min3A_100 = vector.broadcast %jit3A_97 : i32 to vector<16xi32>
      %min3A_101 = arith.minsi %min3A_100, %max3A_99 : vector<16xi32>
      %get3A_102 = arith.index_cast %add3A_93 : i32 to index
      %get3A_103 = tpu.vector_load %arg10[%get3A_102] {strides = array<i32>} : memref<5248xi32, #tpu.memory_space<vmem>>, vector<16xi32>,
      %jit3A_104 = arith.constant 0 : i32
      %jit3A_105 = arith.constant 4095 : i32
      %max3A_106 = vector.broadcast %jit3A_104 : i32 to vector<16xi32>
      %max3A_107 = arith.maxsi %max3A_106, %get3A_103 : vector<16xi32>
      %min3A_108 = vector.broadcast %jit3A_105 : i32 to vector<16xi32>
      %min3A_109 = arith.minsi %min3A_108, %max3A_107 : vector<16xi32>
      %gather3A_110 = tpu.vector_load_idx %arg11[%min3A_101] : memref<4096xf32, #tpu.memory_space<vmem>>[vector<16xi32>], vector<16xf32>,
      %gather3A_111 = tpu.vector_load_idx %arg12[%min3A_109] : memref<4096xf32, #tpu.memory_space<vmem>>[vector<16xi32>], vector<16xf32>,
      %add3A_112 = arith.constant 48 : i32
      %add3A_113 = arith.addi %mul3A_54, %add3A_112 : i32
      %get3A_114 = arith.index_cast %add3A_113 : i32 to index
      %get3A_115 = tpu.vector_load %arg9[%get3A_114] {strides = array<i32>} : memref<5248xi32, #tpu.memory_space<vmem>>, vector<16xi32>,
      %jit3A_116 = arith.constant 0 : i32
      %jit3A_117 = arith.constant 4095 : i32
      %max3A_118 = vector.broadcast %jit3A_116 : i32 to vector<16xi32>
      %max3A_119 = arith.maxsi %max3A_118, %get3A_115 : vector<16xi32>
      %min3A_120 = vector.broadcast %jit3A_117 : i32 to vector<16xi32>
      %min3A_121 = arith.minsi %min3A_120, %max3A_119 : vector<16xi32>
      %get3A_122 = arith.index_cast %add3A_113 : i32 to index
      %get3A_123 = tpu.vector_load %arg10[%get3A_122] {strides = array<i32>} : memref<5248xi32, #tpu.memory_space<vmem>>, vector<16xi32>,
      %jit3A_124 = arith.constant 0 : i32
      %jit3A_125 = arith.constant 4095 : i32
      %max3A_126 = vector.broadcast %jit3A_124 : i32 to vector<16xi32>
      %max3A_127 = arith.maxsi %max3A_126, %get3A_123 : vector<16xi32>
      %min3A_128 = vector.broadcast %jit3A_125 : i32 to vector<16xi32>
      %min3A_129 = arith.minsi %min3A_128, %max3A_127 : vector<16xi32>
      %gather3A_130 = tpu.vector_load_idx %arg11[%min3A_121] : memref<4096xf32, #tpu.memory_space<vmem>>[vector<16xi32>], vector<16xf32>,
      %gather3A_131 = tpu.vector_load_idx %arg12[%min3A_129] : memref<4096xf32, #tpu.memory_space<vmem>>[vector<16xi32>], vector<16xf32>,
      %add3A_132 = arith.constant 64 : i32
      %add3A_133 = arith.addi %mul3A_54, %add3A_132 : i32
      %get3A_134 = arith.index_cast %add3A_133 : i32 to index
      %get3A_135 = tpu.vector_load %arg9[%get3A_134] {strides = array<i32>} : memref<5248xi32, #tpu.memory_space<vmem>>, vector<16xi32>,
      %jit3A_136 = arith.constant 0 : i32
      %jit3A_137 = arith.constant 4095 : i32
      %max3A_138 = vector.broadcast %jit3A_136 : i32 to vector<16xi32>
      %max3A_139 = arith.maxsi %max3A_138, %get3A_135 : vector<16xi32>
      %min3A_140 = vector.broadcast %jit3A_137 : i32 to vector<16xi32>
      %min3A_141 = arith.minsi %min3A_140, %max3A_139 : vector<16xi32>
      %get3A_142 = arith.index_cast %add3A_133 : i32 to index
      %get3A_143 = tpu.vector_load %arg10[%get3A_142] {strides = array<i32>} : memref<5248xi32, #tpu.memory_space<vmem>>, vector<16xi32>,
      %jit3A_144 = arith.constant 0 : i32
      %jit3A_145 = arith.constant 4095 : i32
      %max3A_146 = vector.broadcast %jit3A_144 : i32 to vector<16xi32>
      %max3A_147 = arith.maxsi %max3A_146, %get3A_143 : vector<16xi32>
      %min3A_148 = vector.broadcast %jit3A_145 : i32 to vector<16xi32>
      %min3A_149 = arith.minsi %min3A_148, %max3A_147 : vector<16xi32>
      %gather3A_150 = tpu.vector_load_idx %arg11[%min3A_141] : memref<4096xf32, #tpu.memory_space<vmem>>[vector<16xi32>], vector<16xf32>,
      %gather3A_151 = tpu.vector_load_idx %arg12[%min3A_149] : memref<4096xf32, #tpu.memory_space<vmem>>[vector<16xi32>], vector<16xf32>,
      %add3A_152 = arith.constant 80 : i32
      %add3A_153 = arith.addi %mul3A_54, %add3A_152 : i32
      %get3A_154 = arith.index_cast %add3A_153 : i32 to index
      %get3A_155 = tpu.vector_load %arg9[%get3A_154] {strides = array<i32>} : memref<5248xi32, #tpu.memory_space<vmem>>, vector<16xi32>,
      %jit3A_156 = arith.constant 0 : i32
      %jit3A_157 = arith.constant 4095 : i32
      %max3A_158 = vector.broadcast %jit3A_156 : i32 to vector<16xi32>
      %max3A_159 = arith.maxsi %max3A_158, %get3A_155 : vector<16xi32>
      %min3A_160 = vector.broadcast %jit3A_157 : i32 to vector<16xi32>
      %min3A_161 = arith.minsi %min3A_160, %max3A_159 : vector<16xi32>
      %get3A_162 = arith.index_cast %add3A_153 : i32 to index
      %get3A_163 = tpu.vector_load %arg10[%get3A_162] {strides = array<i32>} : memref<5248xi32, #tpu.memory_space<vmem>>, vector<16xi32>,
      %jit3A_164 = arith.constant 0 : i32
      %jit3A_165 = arith.constant 4095 : i32
      %max3A_166 = vector.broadcast %jit3A_164 : i32 to vector<16xi32>
      %max3A_167 = arith.maxsi %max3A_166, %get3A_163 : vector<16xi32>
      %min3A_168 = vector.broadcast %jit3A_165 : i32 to vector<16xi32>
      %min3A_169 = arith.minsi %min3A_168, %max3A_167 : vector<16xi32>
      %gather3A_170 = tpu.vector_load_idx %arg11[%min3A_161] : memref<4096xf32, #tpu.memory_space<vmem>>[vector<16xi32>], vector<16xf32>,
      %gather3A_171 = tpu.vector_load_idx %arg12[%min3A_169] : memref<4096xf32, #tpu.memory_space<vmem>>[vector<16xi32>], vector<16xf32>,
      %add3A_172 = arith.constant 96 : i32
      %add3A_173 = arith.addi %mul3A_54, %add3A_172 : i32
      %get3A_174 = arith.index_cast %add3A_173 : i32 to index
      %get3A_175 = tpu.vector_load %arg9[%get3A_174] {strides = array<i32>} : memref<5248xi32, #tpu.memory_space<vmem>>, vector<16xi32>,
      %jit3A_176 = arith.constant 0 : i32
      %jit3A_177 = arith.constant 4095 : i32
      %max3A_178 = vector.broadcast %jit3A_176 : i32 to vector<16xi32>
      %max3A_179 = arith.maxsi %max3A_178, %get3A_175 : vector<16xi32>
      %min3A_180 = vector.broadcast %jit3A_177 : i32 to vector<16xi32>
      %min3A_181 = arith.minsi %min3A_180, %max3A_179 : vector<16xi32>
      %get3A_182 = arith.index_cast %add3A_173 : i32 to index
      %get3A_183 = tpu.vector_load %arg10[%get3A_182] {strides = array<i32>} : memref<5248xi32, #tpu.memory_space<vmem>>, vector<16xi32>,
      %jit3A_184 = arith.constant 0 : i32
      %jit3A_185 = arith.constant 4095 : i32
      %max3A_186 = vector.broadcast %jit3A_184 : i32 to vector<16xi32>
      %max3A_187 = arith.maxsi %max3A_186, %get3A_183 : vector<16xi32>
      %min3A_188 = vector.broadcast %jit3A_185 : i32 to vector<16xi32>
      %min3A_189 = arith.minsi %min3A_188, %max3A_187 : vector<16xi32>
      %gather3A_190 = tpu.vector_load_idx %arg11[%min3A_181] : memref<4096xf32, #tpu.memory_space<vmem>>[vector<16xi32>], vector<16xf32>,
      %gather3A_191 = tpu.vector_load_idx %arg12[%min3A_189] : memref<4096xf32, #tpu.memory_space<vmem>>[vector<16xi32>], vector<16xf32>,
      %add3A_192 = arith.constant 112 : i32
      %add3A_193 = arith.addi %mul3A_54, %add3A_192 : i32
      %get3A_194 = arith.index_cast %add3A_193 : i32 to index
      %get3A_195 = tpu.vector_load %arg9[%get3A_194] {strides = array<i32>} : memref<5248xi32, #tpu.memory_space<vmem>>, vector<16xi32>,
      %jit3A_196 = arith.constant 0 : i32
      %jit3A_197 = arith.constant 4095 : i32
      %max3A_198 = vector.broadcast %jit3A_196 : i32 to vector<16xi32>
      %max3A_199 = arith.maxsi %max3A_198, %get3A_195 : vector<16xi32>
      %min3A_200 = vector.broadcast %jit3A_197 : i32 to vector<16xi32>
      %min3A_201 = arith.minsi %min3A_200, %max3A_199 : vector<16xi32>
      %get3A_202 = arith.index_cast %add3A_193 : i32 to index
      %get3A_203 = tpu.vector_load %arg10[%get3A_202] {strides = array<i32>} : memref<5248xi32, #tpu.memory_space<vmem>>, vector<16xi32>,
      %jit3A_204 = arith.constant 0 : i32
      %jit3A_205 = arith.constant 4095 : i32
      %max3A_206 = vector.broadcast %jit3A_204 : i32 to vector<16xi32>
      %max3A_207 = arith.maxsi %max3A_206, %get3A_203 : vector<16xi32>
      %min3A_208 = vector.broadcast %jit3A_205 : i32 to vector<16xi32>
      %min3A_209 = arith.minsi %min3A_208, %max3A_207 : vector<16xi32>
      %gather3A_210 = tpu.vector_load_idx %arg11[%min3A_201] : memref<4096xf32, #tpu.memory_space<vmem>>[vector<16xi32>], vector<16xf32>,
      %gather3A_211 = tpu.vector_load_idx %arg12[%min3A_209] : memref<4096xf32, #tpu.memory_space<vmem>>[vector<16xi32>], vector<16xf32>,
      %mul3A_212 = arith.mulf %gather3A, %gather3A_71 : vector<16xf32>
      %add3A_213 = arith.constant 0 : i32
      %add3A_214 = arith.addi %mul3A_54, %add3A_213 : i32
      %add3A_215 = arith.addi %mul3A_2, %add3A_214 : i32
      %add3A_216 = vector.broadcast %add3A_215 : i32 to vector<16xi32>
      %add3A_217 = arith.addi %add3A_216, %iota3A : vector<16xi32>
      %ne3A = arith.constant 0.000000e+00 : f32
      %ne3A_218 = vector.broadcast %ne3A : f32 to vector<16xf32>
      %ne3A_219 = arith.cmpf one, %mul3A_212, %ne3A_218 : vector<16xf32>
      %lt3A = arith.constant 167772 : i32
      %lt3A_220 = vector.broadcast %lt3A : i32 to vector<16xi32>
      %lt3A_221 = arith.cmpi slt, %add3A_217, %lt3A_220 : vector<16xi32>
      %and3A = arith.andi %ne3A_219, %lt3A_221 : vector<16xi1>
      %mul3A_222 = arith.constant 128 : i32
      %mul3A_223 = vector.broadcast %mul3A_222 : i32 to vector<16xi32>
      %mul3A_224 = arith.muli %scan3A_52, %mul3A_223 : vector<16xi32>
      %add3A_225 = arith.constant 0 : i32
      %add3A_226 = vector.broadcast %add3A_225 : i32 to vector<16xi32>
      %add3A_227 = arith.addi %mul3A_224, %add3A_226 : vector<16xi32>
      %add3A_228 = arith.addi %add3A_227, %iota3A : vector<16xi32>
      %jit3A_229 = arith.constant 0.000000e+00 : f32
      %broadcast_in_dim3A_230 = vector.broadcast %jit3A_229 : f32 to vector<16xf32>
      %select_n3A = arith.select %and3A, %mul3A_212, %broadcast_in_dim3A_230 : vector<16xi1>, vector<16xf32>
      tpu.vector_store_idx %arg13[%add3A_228], %select_n3A : memref<5376xf32, #tpu.memory_space<vmem>>[vector<16xi32>], vector<16xf32>,
      %or3A = arith.ori %broadcast_in_dim3A_56, %and3A : vector<16xi1>
      %mul3A_231 = arith.mulf %gather3A_90, %gather3A_91 : vector<16xf32>
      %add3A_232 = arith.constant 16 : i32
      %add3A_233 = arith.addi %mul3A_54, %add3A_232 : i32
      %add3A_234 = arith.addi %mul3A_2, %add3A_233 : i32
      %add3A_235 = vector.broadcast %add3A_234 : i32 to vector<16xi32>
      %add3A_236 = arith.addi %add3A_235, %iota3A : vector<16xi32>
      %ne3A_237 = arith.constant 0.000000e+00 : f32
      %ne3A_238 = vector.broadcast %ne3A_237 : f32 to vector<16xf32>
      %ne3A_239 = arith.cmpf one, %mul3A_231, %ne3A_238 : vector<16xf32>
      %lt3A_240 = arith.constant 167772 : i32
      %lt3A_241 = vector.broadcast %lt3A_240 : i32 to vector<16xi32>
      %lt3A_242 = arith.cmpi slt, %add3A_236, %lt3A_241 : vector<16xi32>
      %and3A_243 = arith.andi %ne3A_239, %lt3A_242 : vector<16xi1>
      %mul3A_244 = arith.constant 128 : i32
      %mul3A_245 = vector.broadcast %mul3A_244 : i32 to vector<16xi32>
      %mul3A_246 = arith.muli %scan3A_52, %mul3A_245 : vector<16xi32>
      %add3A_247 = arith.constant 16 : i32
      %add3A_248 = vector.broadcast %add3A_247 : i32 to vector<16xi32>
      %add3A_249 = arith.addi %mul3A_246, %add3A_248 : vector<16xi32>
      %add3A_250 = arith.addi %add3A_249, %iota3A : vector<16xi32>
      %jit3A_251 = arith.constant 0.000000e+00 : f32
      %broadcast_in_dim3A_252 = vector.broadcast %jit3A_251 : f32 to vector<16xf32>
      %select_n3A_253 = arith.select %and3A_243, %mul3A_231, %broadcast_in_dim3A_252 : vector<16xi1>, vector<16xf32>
      tpu.vector_store_idx %arg13[%add3A_250], %select_n3A_253 : memref<5376xf32, #tpu.memory_space<vmem>>[vector<16xi32>], vector<16xf32>,
      %or3A_254 = arith.ori %or3A, %and3A_243 : vector<16xi1>
      %mul3A_255 = arith.mulf %gather3A_110, %gather3A_111 : vector<16xf32>
      %add3A_256 = arith.constant 32 : i32
      %add3A_257 = arith.addi %mul3A_54, %add3A_256 : i32
      %add3A_258 = arith.addi %mul3A_2, %add3A_257 : i32
      %add3A_259 = vector.broadcast %add3A_258 : i32 to vector<16xi32>
      %add3A_260 = arith.addi %add3A_259, %iota3A : vector<16xi32>
      %ne3A_261 = arith.constant 0.000000e+00 : f32
      %ne3A_262 = vector.broadcast %ne3A_261 : f32 to vector<16xf32>
      %ne3A_263 = arith.cmpf one, %mul3A_255, %ne3A_262 : vector<16xf32>
      %lt3A_264 = arith.constant 167772 : i32
      %lt3A_265 = vector.broadcast %lt3A_264 : i32 to vector<16xi32>
      %lt3A_266 = arith.cmpi slt, %add3A_260, %lt3A_265 : vector<16xi32>
      %and3A_267 = arith.andi %ne3A_263, %lt3A_266 : vector<16xi1>
      %mul3A_268 = arith.constant 128 : i32
      %mul3A_269 = vector.broadcast %mul3A_268 : i32 to vector<16xi32>
      %mul3A_270 = arith.muli %scan3A_52, %mul3A_269 : vector<16xi32>
      %add3A_271 = arith.constant 32 : i32
      %add3A_272 = vector.broadcast %add3A_271 : i32 to vector<16xi32>
      %add3A_273 = arith.addi %mul3A_270, %add3A_272 : vector<16xi32>
      %add3A_274 = arith.addi %add3A_273, %iota3A : vector<16xi32>
      %jit3A_275 = arith.constant 0.000000e+00 : f32
      %broadcast_in_dim3A_276 = vector.broadcast %jit3A_275 : f32 to vector<16xf32>
      %select_n3A_277 = arith.select %and3A_267, %mul3A_255, %broadcast_in_dim3A_276 : vector<16xi1>, vector<16xf32>
      tpu.vector_store_idx %arg13[%add3A_274], %select_n3A_277 : memref<5376xf32, #tpu.memory_space<vmem>>[vector<16xi32>], vector<16xf32>,
      %or3A_278 = arith.ori %or3A_254, %and3A_267 : vector<16xi1>
      %mul3A_279 = arith.mulf %gather3A_130, %gather3A_131 : vector<16xf32>
      %add3A_280 = arith.constant 48 : i32
      %add3A_281 = arith.addi %mul3A_54, %add3A_280 : i32
      %add3A_282 = arith.addi %mul3A_2, %add3A_281 : i32
      %add3A_283 = vector.broadcast %add3A_282 : i32 to vector<16xi32>
      %add3A_284 = arith.addi %add3A_283, %iota3A : vector<16xi32>
      %ne3A_285 = arith.constant 0.000000e+00 : f32
      %ne3A_286 = vector.broadcast %ne3A_285 : f32 to vector<16xf32>
      %ne3A_287 = arith.cmpf one, %mul3A_279, %ne3A_286 : vector<16xf32>
      %lt3A_288 = arith.constant 167772 : i32
      %lt3A_289 = vector.broadcast %lt3A_288 : i32 to vector<16xi32>
      %lt3A_290 = arith.cmpi slt, %add3A_284, %lt3A_289 : vector<16xi32>
      %and3A_291 = arith.andi %ne3A_287, %lt3A_290 : vector<16xi1>
      %mul3A_292 = arith.constant 128 : i32
      %mul3A_293 = vector.broadcast %mul3A_292 : i32 to vector<16xi32>
      %mul3A_294 = arith.muli %scan3A_52, %mul3A_293 : vector<16xi32>
      %add3A_295 = arith.constant 48 : i32
      %add3A_296 = vector.broadcast %add3A_295 : i32 to vector<16xi32>
      %add3A_297 = arith.addi %mul3A_294, %add3A_296 : vector<16xi32>
      %add3A_298 = arith.addi %add3A_297, %iota3A : vector<16xi32>
      %jit3A_299 = arith.constant 0.000000e+00 : f32
      %broadcast_in_dim3A_300 = vector.broadcast %jit3A_299 : f32 to vector<16xf32>
      %select_n3A_301 = arith.select %and3A_291, %mul3A_279, %broadcast_in_dim3A_300 : vector<16xi1>, vector<16xf32>
      tpu.vector_store_idx %arg13[%add3A_298], %select_n3A_301 : memref<5376xf32, #tpu.memory_space<vmem>>[vector<16xi32>], vector<16xf32>,
      %or3A_302 = arith.ori %or3A_278, %and3A_291 : vector<16xi1>
      %mul3A_303 = arith.mulf %gather3A_150, %gather3A_151 : vector<16xf32>
      %add3A_304 = arith.constant 64 : i32
      %add3A_305 = arith.addi %mul3A_54, %add3A_304 : i32
      %add3A_306 = arith.addi %mul3A_2, %add3A_305 : i32
      %add3A_307 = vector.broadcast %add3A_306 : i32 to vector<16xi32>
      %add3A_308 = arith.addi %add3A_307, %iota3A : vector<16xi32>
      %ne3A_309 = arith.constant 0.000000e+00 : f32
      %ne3A_310 = vector.broadcast %ne3A_309 : f32 to vector<16xf32>
      %ne3A_311 = arith.cmpf one, %mul3A_303, %ne3A_310 : vector<16xf32>
      %lt3A_312 = arith.constant 167772 : i32
      %lt3A_313 = vector.broadcast %lt3A_312 : i32 to vector<16xi32>
      %lt3A_314 = arith.cmpi slt, %add3A_308, %lt3A_313 : vector<16xi32>
      %and3A_315 = arith.andi %ne3A_311, %lt3A_314 : vector<16xi1>
      %mul3A_316 = arith.constant 128 : i32
      %mul3A_317 = vector.broadcast %mul3A_316 : i32 to vector<16xi32>
      %mul3A_318 = arith.muli %scan3A_52, %mul3A_317 : vector<16xi32>
      %add3A_319 = arith.constant 64 : i32
      %add3A_320 = vector.broadcast %add3A_319 : i32 to vector<16xi32>
      %add3A_321 = arith.addi %mul3A_318, %add3A_320 : vector<16xi32>
      %add3A_322 = arith.addi %add3A_321, %iota3A : vector<16xi32>
      %jit3A_323 = arith.constant 0.000000e+00 : f32
      %broadcast_in_dim3A_324 = vector.broadcast %jit3A_323 : f32 to vector<16xf32>
      %select_n3A_325 = arith.select %and3A_315, %mul3A_303, %broadcast_in_dim3A_324 : vector<16xi1>, vector<16xf32>
      tpu.vector_store_idx %arg13[%add3A_322], %select_n3A_325 : memref<5376xf32, #tpu.memory_space<vmem>>[vector<16xi32>], vector<16xf32>,
      %or3A_326 = arith.ori %or3A_302, %and3A_315 : vector<16xi1>
      %mul3A_327 = arith.mulf %gather3A_170, %gather3A_171 : vector<16xf32>
      %add3A_328 = arith.constant 80 : i32
      %add3A_329 = arith.addi %mul3A_54, %add3A_328 : i32
      %add3A_330 = arith.addi %mul3A_2, %add3A_329 : i32
      %add3A_331 = vector.broadcast %add3A_330 : i32 to vector<16xi32>
      %add3A_332 = arith.addi %add3A_331, %iota3A : vector<16xi32>
      %ne3A_333 = arith.constant 0.000000e+00 : f32
      %ne3A_334 = vector.broadcast %ne3A_333 : f32 to vector<16xf32>
      %ne3A_335 = arith.cmpf one, %mul3A_327, %ne3A_334 : vector<16xf32>
      %lt3A_336 = arith.constant 167772 : i32
      %lt3A_337 = vector.broadcast %lt3A_336 : i32 to vector<16xi32>
      %lt3A_338 = arith.cmpi slt, %add3A_332, %lt3A_337 : vector<16xi32>
      %and3A_339 = arith.andi %ne3A_335, %lt3A_338 : vector<16xi1>
      %mul3A_340 = arith.constant 128 : i32
      %mul3A_341 = vector.broadcast %mul3A_340 : i32 to vector<16xi32>
      %mul3A_342 = arith.muli %scan3A_52, %mul3A_341 : vector<16xi32>
      %add3A_343 = arith.constant 80 : i32
      %add3A_344 = vector.broadcast %add3A_343 : i32 to vector<16xi32>
      %add3A_345 = arith.addi %mul3A_342, %add3A_344 : vector<16xi32>
      %add3A_346 = arith.addi %add3A_345, %iota3A : vector<16xi32>
      %jit3A_347 = arith.constant 0.000000e+00 : f32
      %broadcast_in_dim3A_348 = vector.broadcast %jit3A_347 : f32 to vector<16xf32>
      %select_n3A_349 = arith.select %and3A_339, %mul3A_327, %broadcast_in_dim3A_348 : vector<16xi1>, vector<16xf32>
      tpu.vector_store_idx %arg13[%add3A_346], %select_n3A_349 : memref<5376xf32, #tpu.memory_space<vmem>>[vector<16xi32>], vector<16xf32>,
      %or3A_350 = arith.ori %or3A_326, %and3A_339 : vector<16xi1>
      %mul3A_351 = arith.mulf %gather3A_190, %gather3A_191 : vector<16xf32>
      %add3A_352 = arith.constant 96 : i32
      %add3A_353 = arith.addi %mul3A_54, %add3A_352 : i32
      %add3A_354 = arith.addi %mul3A_2, %add3A_353 : i32
      %add3A_355 = vector.broadcast %add3A_354 : i32 to vector<16xi32>
      %add3A_356 = arith.addi %add3A_355, %iota3A : vector<16xi32>
      %ne3A_357 = arith.constant 0.000000e+00 : f32
      %ne3A_358 = vector.broadcast %ne3A_357 : f32 to vector<16xf32>
      %ne3A_359 = arith.cmpf one, %mul3A_351, %ne3A_358 : vector<16xf32>
      %lt3A_360 = arith.constant 167772 : i32
      %lt3A_361 = vector.broadcast %lt3A_360 : i32 to vector<16xi32>
      %lt3A_362 = arith.cmpi slt, %add3A_356, %lt3A_361 : vector<16xi32>
      %and3A_363 = arith.andi %ne3A_359, %lt3A_362 : vector<16xi1>
      %mul3A_364 = arith.constant 128 : i32
      %mul3A_365 = vector.broadcast %mul3A_364 : i32 to vector<16xi32>
      %mul3A_366 = arith.muli %scan3A_52, %mul3A_365 : vector<16xi32>
      %add3A_367 = arith.constant 96 : i32
      %add3A_368 = vector.broadcast %add3A_367 : i32 to vector<16xi32>
      %add3A_369 = arith.addi %mul3A_366, %add3A_368 : vector<16xi32>
      %add3A_370 = arith.addi %add3A_369, %iota3A : vector<16xi32>
      %jit3A_371 = arith.constant 0.000000e+00 : f32
      %broadcast_in_dim3A_372 = vector.broadcast %jit3A_371 : f32 to vector<16xf32>
      %select_n3A_373 = arith.select %and3A_363, %mul3A_351, %broadcast_in_dim3A_372 : vector<16xi1>, vector<16xf32>
      tpu.vector_store_idx %arg13[%add3A_370], %select_n3A_373 : memref<5376xf32, #tpu.memory_space<vmem>>[vector<16xi32>], vector<16xf32>,
      %or3A_374 = arith.ori %or3A_350, %and3A_363 : vector<16xi1>
      %mul3A_375 = arith.mulf %gather3A_210, %gather3A_211 : vector<16xf32>
      %add3A_376 = arith.constant 112 : i32
      %add3A_377 = arith.addi %mul3A_54, %add3A_376 : i32
      %add3A_378 = arith.addi %mul3A_2, %add3A_377 : i32
      %add3A_379 = vector.broadcast %add3A_378 : i32 to vector<16xi32>
      %add3A_380 = arith.addi %add3A_379, %iota3A : vector<16xi32>
      %ne3A_381 = arith.constant 0.000000e+00 : f32
      %ne3A_382 = vector.broadcast %ne3A_381 : f32 to vector<16xf32>
      %ne3A_383 = arith.cmpf one, %mul3A_375, %ne3A_382 : vector<16xf32>
      %lt3A_384 = arith.constant 167772 : i32
      %lt3A_385 = vector.broadcast %lt3A_384 : i32 to vector<16xi32>
      %lt3A_386 = arith.cmpi slt, %add3A_380, %lt3A_385 : vector<16xi32>
      %and3A_387 = arith.andi %ne3A_383, %lt3A_386 : vector<16xi1>
      %mul3A_388 = arith.constant 128 : i32
      %mul3A_389 = vector.broadcast %mul3A_388 : i32 to vector<16xi32>
      %mul3A_390 = arith.muli %scan3A_52, %mul3A_389 : vector<16xi32>
      %add3A_391 = arith.constant 112 : i32
      %add3A_392 = vector.broadcast %add3A_391 : i32 to vector<16xi32>
      %add3A_393 = arith.addi %mul3A_390, %add3A_392 : vector<16xi32>
      %add3A_394 = arith.addi %add3A_393, %iota3A : vector<16xi32>
      %jit3A_395 = arith.constant 0.000000e+00 : f32
      %broadcast_in_dim3A_396 = vector.broadcast %jit3A_395 : f32 to vector<16xf32>
      %select_n3A_397 = arith.select %and3A_387, %mul3A_375, %broadcast_in_dim3A_396 : vector<16xi1>, vector<16xf32>
      tpu.vector_store_idx %arg13[%add3A_394], %select_n3A_397 : memref<5376xf32, #tpu.memory_space<vmem>>[vector<16xi32>], vector<16xf32>,
      %or3A_398 = arith.ori %or3A_374, %and3A_387 : vector<16xi1>
      %mul3A_399 = arith.constant 16 : i32
      %mul3A_400 = vector.broadcast %mul3A_399 : i32 to vector<16xi32>
      %mul3A_401 = arith.muli %scan3A_52, %mul3A_400 : vector<16xi32>
      %add3A_402 = arith.addi %mul3A_401, %iota3A : vector<16xi32>
      %broadcast_in_dim3A_403 = vector.broadcast %mul3A_2 : i32 to vector<16xi32>
      %add3A_404 = vector.broadcast %mul3A_54 : i32 to vector<16xi32>
      %add3A_405 = arith.addi %broadcast_in_dim3A_403, %add3A_404 : vector<16xi32>
      tpu.vector_store_idx %arg14[%add3A_402], %add3A_405 : memref<672xi32, #tpu.memory_space<vmem>>[vector<16xi32>], vector<16xi32>,
      %all_reduce_population_count3A = tpu.all_reduce %or3A_398 {dim = 0 : i64, kind = #tpu.reduction_kind<sum>} : vector<16xi1> -> vector<16xi32>
      %gt3A = arith.constant 0 : i32
      %gt3A_406 = vector.broadcast %gt3A : i32 to vector<16xi32>
      %gt3A_407 = arith.cmpi sgt, %all_reduce_population_count3A, %gt3A_406 : vector<16xi32>
      %convert_element_type3A = arith.extui %gt3A_407 : vector<16xi1> to vector<16xi32>
      %add3A_408 = arith.addi %scan3A_52, %convert_element_type3A : vector<16xi32>
      scf.yield %add3A_408 : vector<16xi32>
    }
    %scan3A_14 = arith.constant 41 : i32
    %reduce_max3A = arith.constant true
    %reduce_max3A_15 = vector.broadcast %reduce_max3A : i1 to vector<16xi1>
    %reduce_max3A_16 = arith.constant -2147483648 : i32
    %reduce_max3A_17 = vector.broadcast %reduce_max3A_16 : i32 to vector<16xi32>
    %reduce_max3A_18 = arith.xori %scan3A_13, %reduce_max3A_17 : vector<16xi32>
    %reduce_max3A_19 = tpu.scan <max>, %reduce_max3A_18 masked %reduce_max3A_15 : vector<16xi32>, vector<16xi1> -> vector<16xi32>
    %reduce_max3A_20 = arith.xori %reduce_max3A_19, %reduce_max3A_17 : vector<16xi32>
    %reduce_max3A_21 = vector.extract %reduce_max3A_20[15] : i32 from vector<16xi32>
    %broadcast_in_dim3A_22 = arith.constant 0.000000e+00 : f32
    %broadcast_in_dim3A_23 = vector.broadcast %broadcast_in_dim3A_22 : f32 to vector<16xf32>
    %broadcast_in_dim3A_24 = arith.constant 0.000000e+00 : f32
    %broadcast_in_dim3A_25 = vector.broadcast %broadcast_in_dim3A_24 : f32 to vector<16xf32>
    %broadcast_in_dim3A_26 = arith.constant 0.000000e+00 : f32
    %broadcast_in_dim3A_27 = vector.broadcast %broadcast_in_dim3A_26 : f32 to vector<16xf32>
    %broadcast_in_dim3A_28 = arith.constant 0.000000e+00 : f32
    %broadcast_in_dim3A_29 = vector.broadcast %broadcast_in_dim3A_28 : f32 to vector<16xf32>
    %while3A = arith.constant 0 : i32
    %while3A_30 = arith.subi %reduce_max3A_21, %while3A : i32
    %while3A_31 = arith.addi %while3A, %while3A_30 : i32
    %while3A_32 = arith.constant 1 : i32
    %while3A_33 = arith.divsi %while3A_30, %while3A_32 : i32
    %while3A_34 = arith.muli %while3A_33, %while3A_32 : i32
    %while3A_35 = arith.addi %while3A, %while3A_34 : i32
    %while3A_36 = arith.constant 1 : i32
    %while3A_37:4 = scf.for %while3A_51 = %while3A to %while3A_35 step %while3A_36 iter_args(%while3A_52 = %broadcast_in_dim3A_23, %while3A_53 = %broadcast_in_dim3A_25, %while3A_54 = %broadcast_in_dim3A_27, %while3A_55 = %broadcast_in_dim3A_29) -> (vector<16xf32>, vector<16xf32>, vector<16xf32>, vector<16xf32>)  : i32 {
      %mul3A_56 = arith.constant 16 : i32
      %mul3A_57 = arith.muli %while3A_51, %mul3A_56 : i32
      %get3A = arith.index_cast %mul3A_57 : i32 to index
      %get3A_58 = tpu.vector_load %arg14[%get3A] {strides = array<i32>} : memref<672xi32, #tpu.memory_space<vmem>>, vector<16xi32>,
      %reduce_max3A_59 = arith.constant true
      %reduce_max3A_60 = vector.broadcast %reduce_max3A_59 : i1 to vector<16xi1>
      %reduce_max3A_61 = arith.constant -2147483648 : i32
      %reduce_max3A_62 = vector.broadcast %reduce_max3A_61 : i32 to vector<16xi32>
      %reduce_max3A_63 = arith.xori %get3A_58, %reduce_max3A_62 : vector<16xi32>
      %reduce_max3A_64 = tpu.scan <max>, %reduce_max3A_63 masked %reduce_max3A_60 : vector<16xi32>, vector<16xi1> -> vector<16xi32>
      %reduce_max3A_65 = arith.xori %reduce_max3A_64, %reduce_max3A_62 : vector<16xi32>
      %reduce_max3A_66 = vector.extract %reduce_max3A_65[15] : i32 from vector<16xi32>
      %multiple_of3A = tpu.assume_multiple %reduce_max3A_66, 128 : i32
      "tpu.region"() ({
        %run_scoped3A = tpu.sem_alloc : memref<!tpu.dma_semaphore, #tpu.memory_space<semaphore_mem>>
        %dma_start3A_255 = arith.constant 0 : i32
        %dma_start3A_256 = tpu.memref_slice %arg5[%dma_start3A_255, %multiple_of3A] : memref<64x167772xf32, #tpu.memory_space<hbm>> -> memref<64x128xf32, #tpu.memory_space<hbm>>
        %dma_start3A_257 = arith.constant 0 : i32
        %dma_start3A_258 = tpu.memref_slice %arg5[%dma_start3A_257, %multiple_of3A] : memref<64x167772xf32, #tpu.memory_space<hbm>> -> memref<64x128xf32, #tpu.memory_space<hbm>>
        tpu.enqueue_dma source(%dma_start3A_258 : memref<64x128xf32, #tpu.memory_space<hbm>>) target(%arg15 : memref<64x128xf32, #tpu.memory_space<vmem>>) target_semaphore(%run_scoped3A : memref<!tpu.dma_semaphore, #tpu.memory_space<semaphore_mem>>)
        %dma_wait3A_259 = arith.constant 0 : i32
        %dma_wait3A_260 = tpu.memref_slice %arg5[%dma_wait3A_259, %multiple_of3A] : memref<64x167772xf32, #tpu.memory_space<hbm>> -> memref<64x128xf32, #tpu.memory_space<hbm>>
        %dma_wait3A_261 = arith.constant 0 : i32
        %dma_wait3A_262 = tpu.memref_slice %arg5[%dma_wait3A_261, %multiple_of3A] : memref<64x167772xf32, #tpu.memory_space<hbm>> -> memref<64x128xf32, #tpu.memory_space<hbm>>
        tpu.wait_dma2 semaphore(%run_scoped3A : memref<!tpu.dma_semaphore, #tpu.memory_space<semaphore_mem>>) src(%dma_wait3A_262 : memref<64x128xf32, #tpu.memory_space<hbm>>) dst(%arg15 : memref<64x128xf32, #tpu.memory_space<vmem>>)
        tpu.yield
      }) : () -> ()
      %mul3A_67 = arith.constant 128 : i32
      %mul3A_68 = arith.muli %while3A_51, %mul3A_67 : i32
      %add3A_69 = arith.constant 0 : i32
      %add3A_70 = arith.addi %mul3A_68, %add3A_69 : i32
      %get3A_71 = arith.index_cast %add3A_70 : i32 to index
      %get3A_72 = tpu.vector_load %arg13[%get3A_71] {strides = array<i32>} : memref<5376xf32, #tpu.memory_space<vmem>>, vector<16xf32>,
      %ne3A = arith.constant 0.000000e+00 : f32
      %ne3A_73 = vector.broadcast %ne3A : f32 to vector<16xf32>
      %ne3A_74 = arith.cmpf one, %get3A_72, %ne3A_73 : vector<16xf32>
      %reduce_or3A = arith.constant 1.000000e+00 : f32
      %reduce_or3A_75 = arith.constant 0.000000e+00 : f32
      %reduce_or3A_76 = vector.broadcast %reduce_or3A : f32 to vector<16xf32>
      %reduce_or3A_77 = vector.broadcast %reduce_or3A_75 : f32 to vector<16xf32>
      %reduce_or3A_78 = arith.select %ne3A_74, %reduce_or3A_76, %reduce_or3A_77 : vector<16xi1>, vector<16xf32>
      %reduce_or3A_79 = arith.constant true
      %reduce_or3A_80 = vector.broadcast %reduce_or3A_79 : i1 to vector<16xi1>
      %reduce_or3A_81 = tpu.scan <max>, %reduce_or3A_78 masked %reduce_or3A_80 : vector<16xf32>, vector<16xi1> -> vector<16xf32>
      %reduce_or3A_82 = vector.extract %reduce_or3A_81[15] : f32 from vector<16xf32>
      %reduce_or3A_83 = arith.constant 0.000000e+00 : f32
      %reduce_or3A_84 = arith.cmpf ogt, %reduce_or3A_82, %reduce_or3A_83 : f32
      %convert_element_type3A = arith.extui %reduce_or3A_84 : i1 to i32
      %cond3A = arith.constant 0 : i32
      %cond3A_85 = arith.cmpi ne, %convert_element_type3A, %cond3A : i32
      %cond3A_86:4 = scf.if %cond3A_85 -> (vector<16xf32>, vector<16xf32>, vector<16xf32>, vector<16xf32>) {
        %broadcast_in_dim3A_255 = arith.constant 0.000000e+00 : f32
        %broadcast_in_dim3A_256 = vector.broadcast %broadcast_in_dim3A_255 : f32 to vector<16xf32>
        %broadcast_in_dim3A_257 = arith.constant 0.000000e+00 : f32
        %broadcast_in_dim3A_258 = vector.broadcast %broadcast_in_dim3A_257 : f32 to vector<16xf32>
        %broadcast_in_dim3A_259 = arith.constant 0.000000e+00 : f32
        %broadcast_in_dim3A_260 = vector.broadcast %broadcast_in_dim3A_259 : f32 to vector<16xf32>
        %broadcast_in_dim3A_261 = arith.constant 0.000000e+00 : f32
        %broadcast_in_dim3A_262 = vector.broadcast %broadcast_in_dim3A_261 : f32 to vector<16xf32>
        %scan3A_263 = arith.constant 0 : i32
        %scan3A_264 = arith.constant 64 : i32
        %scan3A_265 = arith.addi %scan3A_263, %scan3A_264 : i32
        %scan3A_266 = arith.constant 1 : i32
        %scan3A_267:4 = scf.for %scan3A_336 = %scan3A_263 to %scan3A_265 step %scan3A_266 iter_args(%scan3A_337 = %broadcast_in_dim3A_256, %scan3A_338 = %broadcast_in_dim3A_258, %scan3A_339 = %broadcast_in_dim3A_260, %scan3A_340 = %broadcast_in_dim3A_262) -> (vector<16xf32>, vector<16xf32>, vector<16xf32>, vector<16xf32>)  : i32 {
          %get3A_341 = arith.index_cast %scan3A_336 : i32 to index
          %get3A_342 = arith.constant 0 : index
          %get3A_343 = tpu.vector_load %arg15[%get3A_341, %get3A_342] {strides = array<i32>} : memref<64x128xf32, #tpu.memory_space<vmem>>, vector<16xf32>,
          %mul3A_344 = arith.constant 16 : i32
          %mul3A_345 = arith.muli %scan3A_336, %mul3A_344 : i32
          %add3A_346 = arith.constant 0 : i32
          %add3A_347 = arith.addi %add3A_346, %mul3A_345 : i32
          %get3A_348 = arith.index_cast %add3A_347 : i32 to index
          %get3A_349 = tpu.vector_load %arg16[%get3A_348] {strides = array<i32>} : memref<4096xf32, #tpu.memory_space<vmem>>, vector<16xf32>,
          %mul3A_350 = arith.mulf %get3A_343, %get3A_349 : vector<16xf32>
          %add3A_351 = arith.addf %scan3A_337, %mul3A_350 : vector<16xf32>
          %mul3A_352 = arith.constant 16 : i32
          %mul3A_353 = arith.muli %scan3A_336, %mul3A_352 : i32
          %add3A_354 = arith.constant 1024 : i32
          %add3A_355 = arith.addi %add3A_354, %mul3A_353 : i32
          %get3A_356 = arith.index_cast %add3A_355 : i32 to index
          %get3A_357 = tpu.vector_load %arg16[%get3A_356] {strides = array<i32>} : memref<4096xf32, #tpu.memory_space<vmem>>, vector<16xf32>,
          %mul3A_358 = arith.mulf %get3A_343, %get3A_357 : vector<16xf32>
          %add3A_359 = arith.addf %scan3A_338, %mul3A_358 : vector<16xf32>
          %mul3A_360 = arith.constant 16 : i32
          %mul3A_361 = arith.muli %scan3A_336, %mul3A_360 : i32
          %add3A_362 = arith.constant 2048 : i32
          %add3A_363 = arith.addi %add3A_362, %mul3A_361 : i32
          %get3A_364 = arith.index_cast %add3A_363 : i32 to index
          %get3A_365 = tpu.vector_load %arg16[%get3A_364] {strides = array<i32>} : memref<4096xf32, #tpu.memory_space<vmem>>, vector<16xf32>,
          %mul3A_366 = arith.mulf %get3A_343, %get3A_365 : vector<16xf32>
          %add3A_367 = arith.addf %scan3A_339, %mul3A_366 : vector<16xf32>
          %mul3A_368 = arith.constant 16 : i32
          %mul3A_369 = arith.muli %scan3A_336, %mul3A_368 : i32
          %add3A_370 = arith.constant 3072 : i32
          %add3A_371 = arith.addi %add3A_370, %mul3A_369 : i32
          %get3A_372 = arith.index_cast %add3A_371 : i32 to index
          %get3A_373 = tpu.vector_load %arg16[%get3A_372] {strides = array<i32>} : memref<4096xf32, #tpu.memory_space<vmem>>, vector<16xf32>,
          %mul3A_374 = arith.mulf %get3A_343, %get3A_373 : vector<16xf32>
          %add3A_375 = arith.addf %scan3A_340, %mul3A_374 : vector<16xf32>
          scf.yield %add3A_351, %add3A_359, %add3A_367, %add3A_375 : vector<16xf32>, vector<16xf32>, vector<16xf32>, vector<16xf32>
        }
        %scan3A_268 = arith.constant 64 : i32
        %ne3A_269 = arith.constant 0.000000e+00 : f32
        %ne3A_270 = vector.broadcast %ne3A_269 : f32 to vector<16xf32>
        %ne3A_271 = arith.cmpf one, %get3A_72, %ne3A_270 : vector<16xf32>
        %neg3A = arith.constant 0.000000e+00 : f32
        %neg3A_272 = vector.broadcast %neg3A : f32 to vector<16xf32>
        %neg3A_273 = arith.subf %neg3A_272, %scan3A_267#0 : vector<16xf32>
        %exp3A = math.exp %neg3A_273 : vector<16xf32>
        %add3A_274 = arith.constant 1.000000e+00 : f32
        %add3A_275 = vector.broadcast %add3A_274 : f32 to vector<16xf32>
        %add3A_276 = arith.addf %add3A_275, %exp3A : vector<16xf32>
        %div3A = arith.constant 1.000000e+00 : f32
        %div3A_277 = vector.broadcast %div3A : f32 to vector<16xf32>
        %div3A_278 = arith.divf %div3A_277, %add3A_276 : vector<16xf32>
        %mul3A_279 = arith.mulf %div3A_278, %get3A_72 : vector<16xf32>
        %jit3A = arith.constant 0.000000e+00 : f32
        %broadcast_in_dim3A_280 = vector.broadcast %jit3A : f32 to vector<16xf32>
        %select_n3A = arith.select %ne3A_271, %mul3A_279, %broadcast_in_dim3A_280 : vector<16xi1>, vector<16xf32>
        %add3A_281 = arith.addf %while3A_52, %select_n3A : vector<16xf32>
        %ne3A_282 = arith.constant 0.000000e+00 : f32
        %ne3A_283 = vector.broadcast %ne3A_282 : f32 to vector<16xf32>
        %ne3A_284 = arith.cmpf one, %get3A_72, %ne3A_283 : vector<16xf32>
        %neg3A_285 = arith.constant 0.000000e+00 : f32
        %neg3A_286 = vector.broadcast %neg3A_285 : f32 to vector<16xf32>
        %neg3A_287 = arith.subf %neg3A_286, %scan3A_267#1 : vector<16xf32>
        %exp3A_288 = math.exp %neg3A_287 : vector<16xf32>
        %add3A_289 = arith.constant 1.000000e+00 : f32
        %add3A_290 = vector.broadcast %add3A_289 : f32 to vector<16xf32>
        %add3A_291 = arith.addf %add3A_290, %exp3A_288 : vector<16xf32>
        %div3A_292 = arith.constant 1.000000e+00 : f32
        %div3A_293 = vector.broadcast %div3A_292 : f32 to vector<16xf32>
        %div3A_294 = arith.divf %div3A_293, %add3A_291 : vector<16xf32>
        %mul3A_295 = arith.mulf %div3A_294, %get3A_72 : vector<16xf32>
        %jit3A_296 = arith.constant 0.000000e+00 : f32
        %broadcast_in_dim3A_297 = vector.broadcast %jit3A_296 : f32 to vector<16xf32>
        %select_n3A_298 = arith.select %ne3A_284, %mul3A_295, %broadcast_in_dim3A_297 : vector<16xi1>, vector<16xf32>
        %add3A_299 = arith.addf %while3A_53, %select_n3A_298 : vector<16xf32>
        %ne3A_300 = arith.constant 0.000000e+00 : f32
        %ne3A_301 = vector.broadcast %ne3A_300 : f32 to vector<16xf32>
        %ne3A_302 = arith.cmpf one, %get3A_72, %ne3A_301 : vector<16xf32>
        %neg3A_303 = arith.constant 0.000000e+00 : f32
        %neg3A_304 = vector.broadcast %neg3A_303 : f32 to vector<16xf32>
        %neg3A_305 = arith.subf %neg3A_304, %scan3A_267#2 : vector<16xf32>
        %exp3A_306 = math.exp %neg3A_305 : vector<16xf32>
        %add3A_307 = arith.constant 1.000000e+00 : f32
        %add3A_308 = vector.broadcast %add3A_307 : f32 to vector<16xf32>
        %add3A_309 = arith.addf %add3A_308, %exp3A_306 : vector<16xf32>
        %div3A_310 = arith.constant 1.000000e+00 : f32
        %div3A_311 = vector.broadcast %div3A_310 : f32 to vector<16xf32>
        %div3A_312 = arith.divf %div3A_311, %add3A_309 : vector<16xf32>
        %mul3A_313 = arith.mulf %div3A_312, %get3A_72 : vector<16xf32>
        %jit3A_314 = arith.constant 0.000000e+00 : f32
        %broadcast_in_dim3A_315 = vector.broadcast %jit3A_314 : f32 to vector<16xf32>
        %select_n3A_316 = arith.select %ne3A_302, %mul3A_313, %broadcast_in_dim3A_315 : vector<16xi1>, vector<16xf32>
        %add3A_317 = arith.addf %while3A_54, %select_n3A_316 : vector<16xf32>
        %ne3A_318 = arith.constant 0.000000e+00 : f32
        %ne3A_319 = vector.broadcast %ne3A_318 : f32 to vector<16xf32>
        %ne3A_320 = arith.cmpf one, %get3A_72, %ne3A_319 : vector<16xf32>
        %neg3A_321 = arith.constant 0.000000e+00 : f32
        %neg3A_322 = vector.broadcast %neg3A_321 : f32 to vector<16xf32>
        %neg3A_323 = arith.subf %neg3A_322, %scan3A_267#3 : vector<16xf32>
        %exp3A_324 = math.exp %neg3A_323 : vector<16xf32>
        %add3A_325 = arith.constant 1.000000e+00 : f32
        %add3A_326 = vector.broadcast %add3A_325 : f32 to vector<16xf32>
        %add3A_327 = arith.addf %add3A_326, %exp3A_324 : vector<16xf32>
        %div3A_328 = arith.constant 1.000000e+00 : f32
        %div3A_329 = vector.broadcast %div3A_328 : f32 to vector<16xf32>
        %div3A_330 = arith.divf %div3A_329, %add3A_327 : vector<16xf32>
        %mul3A_331 = arith.mulf %div3A_330, %get3A_72 : vector<16xf32>
        %jit3A_332 = arith.constant 0.000000e+00 : f32
        %broadcast_in_dim3A_333 = vector.broadcast %jit3A_332 : f32 to vector<16xf32>
        %select_n3A_334 = arith.select %ne3A_320, %mul3A_331, %broadcast_in_dim3A_333 : vector<16xi1>, vector<16xf32>
        %add3A_335 = arith.addf %while3A_55, %select_n3A_334 : vector<16xf32>
        scf.yield %add3A_281, %add3A_299, %add3A_317, %add3A_335 : vector<16xf32>, vector<16xf32>, vector<16xf32>, vector<16xf32>
      } else {
        scf.yield %while3A_52, %while3A_53, %while3A_54, %while3A_55 : vector<16xf32>, vector<16xf32>, vector<16xf32>, vector<16xf32>
      }
      %mul3A_87 = arith.constant 128 : i32
      %mul3A_88 = arith.muli %while3A_51, %mul3A_87 : i32
      %add3A_89 = arith.constant 16 : i32
      %add3A_90 = arith.addi %mul3A_88, %add3A_89 : i32
      %get3A_91 = arith.index_cast %add3A_90 : i32 to index
      %get3A_92 = tpu.vector_load %arg13[%get3A_91] {strides = array<i32>} : memref<5376xf32, #tpu.memory_space<vmem>>, vector<16xf32>,
      %ne3A_93 = arith.constant 0.000000e+00 : f32
      %ne3A_94 = vector.broadcast %ne3A_93 : f32 to vector<16xf32>
      %ne3A_95 = arith.cmpf one, %get3A_92, %ne3A_94 : vector<16xf32>
      %reduce_or3A_96 = arith.constant 1.000000e+00 : f32
      %reduce_or3A_97 = arith.constant 0.000000e+00 : f32
      %reduce_or3A_98 = vector.broadcast %reduce_or3A_96 : f32 to vector<16xf32>
      %reduce_or3A_99 = vector.broadcast %reduce_or3A_97 : f32 to vector<16xf32>
      %reduce_or3A_100 = arith.select %ne3A_95, %reduce_or3A_98, %reduce_or3A_99 : vector<16xi1>, vector<16xf32>
      %reduce_or3A_101 = arith.constant true
      %reduce_or3A_102 = vector.broadcast %reduce_or3A_101 : i1 to vector<16xi1>
      %reduce_or3A_103 = tpu.scan <max>, %reduce_or3A_100 masked %reduce_or3A_102 : vector<16xf32>, vector<16xi1> -> vector<16xf32>
      %reduce_or3A_104 = vector.extract %reduce_or3A_103[15] : f32 from vector<16xf32>
      %reduce_or3A_105 = arith.constant 0.000000e+00 : f32
      %reduce_or3A_106 = arith.cmpf ogt, %reduce_or3A_104, %reduce_or3A_105 : f32
      %convert_element_type3A_107 = arith.extui %reduce_or3A_106 : i1 to i32
      %cond3A_108 = arith.constant 0 : i32
      %cond3A_109 = arith.cmpi ne, %convert_element_type3A_107, %cond3A_108 : i32
      %cond3A_110:4 = scf.if %cond3A_109 -> (vector<16xf32>, vector<16xf32>, vector<16xf32>, vector<16xf32>) {
        %broadcast_in_dim3A_255 = arith.constant 0.000000e+00 : f32
        %broadcast_in_dim3A_256 = vector.broadcast %broadcast_in_dim3A_255 : f32 to vector<16xf32>
        %broadcast_in_dim3A_257 = arith.constant 0.000000e+00 : f32
        %broadcast_in_dim3A_258 = vector.broadcast %broadcast_in_dim3A_257 : f32 to vector<16xf32>
        %broadcast_in_dim3A_259 = arith.constant 0.000000e+00 : f32
        %broadcast_in_dim3A_260 = vector.broadcast %broadcast_in_dim3A_259 : f32 to vector<16xf32>
        %broadcast_in_dim3A_261 = arith.constant 0.000000e+00 : f32
        %broadcast_in_dim3A_262 = vector.broadcast %broadcast_in_dim3A_261 : f32 to vector<16xf32>
        %scan3A_263 = arith.constant 0 : i32
        %scan3A_264 = arith.constant 64 : i32
        %scan3A_265 = arith.addi %scan3A_263, %scan3A_264 : i32
        %scan3A_266 = arith.constant 1 : i32
        %scan3A_267:4 = scf.for %scan3A_336 = %scan3A_263 to %scan3A_265 step %scan3A_266 iter_args(%scan3A_337 = %broadcast_in_dim3A_256, %scan3A_338 = %broadcast_in_dim3A_258, %scan3A_339 = %broadcast_in_dim3A_260, %scan3A_340 = %broadcast_in_dim3A_262) -> (vector<16xf32>, vector<16xf32>, vector<16xf32>, vector<16xf32>)  : i32 {
          %get3A_341 = arith.index_cast %scan3A_336 : i32 to index
          %get3A_342 = arith.constant 16 : index
          %get3A_343 = tpu.vector_load %arg15[%get3A_341, %get3A_342] {strides = array<i32>} : memref<64x128xf32, #tpu.memory_space<vmem>>, vector<16xf32>,
          %mul3A_344 = arith.constant 16 : i32
          %mul3A_345 = arith.muli %scan3A_336, %mul3A_344 : i32
          %add3A_346 = arith.constant 0 : i32
          %add3A_347 = arith.addi %add3A_346, %mul3A_345 : i32
          %get3A_348 = arith.index_cast %add3A_347 : i32 to index
          %get3A_349 = tpu.vector_load %arg16[%get3A_348] {strides = array<i32>} : memref<4096xf32, #tpu.memory_space<vmem>>, vector<16xf32>,
          %mul3A_350 = arith.mulf %get3A_343, %get3A_349 : vector<16xf32>
          %add3A_351 = arith.addf %scan3A_337, %mul3A_350 : vector<16xf32>
          %mul3A_352 = arith.constant 16 : i32
          %mul3A_353 = arith.muli %scan3A_336, %mul3A_352 : i32
          %add3A_354 = arith.constant 1024 : i32
          %add3A_355 = arith.addi %add3A_354, %mul3A_353 : i32
          %get3A_356 = arith.index_cast %add3A_355 : i32 to index
          %get3A_357 = tpu.vector_load %arg16[%get3A_356] {strides = array<i32>} : memref<4096xf32, #tpu.memory_space<vmem>>, vector<16xf32>,
          %mul3A_358 = arith.mulf %get3A_343, %get3A_357 : vector<16xf32>
          %add3A_359 = arith.addf %scan3A_338, %mul3A_358 : vector<16xf32>
          %mul3A_360 = arith.constant 16 : i32
          %mul3A_361 = arith.muli %scan3A_336, %mul3A_360 : i32
          %add3A_362 = arith.constant 2048 : i32
          %add3A_363 = arith.addi %add3A_362, %mul3A_361 : i32
          %get3A_364 = arith.index_cast %add3A_363 : i32 to index
          %get3A_365 = tpu.vector_load %arg16[%get3A_364] {strides = array<i32>} : memref<4096xf32, #tpu.memory_space<vmem>>, vector<16xf32>,
          %mul3A_366 = arith.mulf %get3A_343, %get3A_365 : vector<16xf32>
          %add3A_367 = arith.addf %scan3A_339, %mul3A_366 : vector<16xf32>
          %mul3A_368 = arith.constant 16 : i32
          %mul3A_369 = arith.muli %scan3A_336, %mul3A_368 : i32
          %add3A_370 = arith.constant 3072 : i32
          %add3A_371 = arith.addi %add3A_370, %mul3A_369 : i32
          %get3A_372 = arith.index_cast %add3A_371 : i32 to index
          %get3A_373 = tpu.vector_load %arg16[%get3A_372] {strides = array<i32>} : memref<4096xf32, #tpu.memory_space<vmem>>, vector<16xf32>,
          %mul3A_374 = arith.mulf %get3A_343, %get3A_373 : vector<16xf32>
          %add3A_375 = arith.addf %scan3A_340, %mul3A_374 : vector<16xf32>
          scf.yield %add3A_351, %add3A_359, %add3A_367, %add3A_375 : vector<16xf32>, vector<16xf32>, vector<16xf32>, vector<16xf32>
        }
        %scan3A_268 = arith.constant 64 : i32
        %ne3A_269 = arith.constant 0.000000e+00 : f32
        %ne3A_270 = vector.broadcast %ne3A_269 : f32 to vector<16xf32>
        %ne3A_271 = arith.cmpf one, %get3A_92, %ne3A_270 : vector<16xf32>
        %neg3A = arith.constant 0.000000e+00 : f32
        %neg3A_272 = vector.broadcast %neg3A : f32 to vector<16xf32>
        %neg3A_273 = arith.subf %neg3A_272, %scan3A_267#0 : vector<16xf32>
        %exp3A = math.exp %neg3A_273 : vector<16xf32>
        %add3A_274 = arith.constant 1.000000e+00 : f32
        %add3A_275 = vector.broadcast %add3A_274 : f32 to vector<16xf32>
        %add3A_276 = arith.addf %add3A_275, %exp3A : vector<16xf32>
        %div3A = arith.constant 1.000000e+00 : f32
        %div3A_277 = vector.broadcast %div3A : f32 to vector<16xf32>
        %div3A_278 = arith.divf %div3A_277, %add3A_276 : vector<16xf32>
        %mul3A_279 = arith.mulf %div3A_278, %get3A_92 : vector<16xf32>
        %jit3A = arith.constant 0.000000e+00 : f32
        %broadcast_in_dim3A_280 = vector.broadcast %jit3A : f32 to vector<16xf32>
        %select_n3A = arith.select %ne3A_271, %mul3A_279, %broadcast_in_dim3A_280 : vector<16xi1>, vector<16xf32>
        %add3A_281 = arith.addf %cond3A_86#0, %select_n3A : vector<16xf32>
        %ne3A_282 = arith.constant 0.000000e+00 : f32
        %ne3A_283 = vector.broadcast %ne3A_282 : f32 to vector<16xf32>
        %ne3A_284 = arith.cmpf one, %get3A_92, %ne3A_283 : vector<16xf32>
        %neg3A_285 = arith.constant 0.000000e+00 : f32
        %neg3A_286 = vector.broadcast %neg3A_285 : f32 to vector<16xf32>
        %neg3A_287 = arith.subf %neg3A_286, %scan3A_267#1 : vector<16xf32>
        %exp3A_288 = math.exp %neg3A_287 : vector<16xf32>
        %add3A_289 = arith.constant 1.000000e+00 : f32
        %add3A_290 = vector.broadcast %add3A_289 : f32 to vector<16xf32>
        %add3A_291 = arith.addf %add3A_290, %exp3A_288 : vector<16xf32>
        %div3A_292 = arith.constant 1.000000e+00 : f32
        %div3A_293 = vector.broadcast %div3A_292 : f32 to vector<16xf32>
        %div3A_294 = arith.divf %div3A_293, %add3A_291 : vector<16xf32>
        %mul3A_295 = arith.mulf %div3A_294, %get3A_92 : vector<16xf32>
        %jit3A_296 = arith.constant 0.000000e+00 : f32
        %broadcast_in_dim3A_297 = vector.broadcast %jit3A_296 : f32 to vector<16xf32>
        %select_n3A_298 = arith.select %ne3A_284, %mul3A_295, %broadcast_in_dim3A_297 : vector<16xi1>, vector<16xf32>
        %add3A_299 = arith.addf %cond3A_86#1, %select_n3A_298 : vector<16xf32>
        %ne3A_300 = arith.constant 0.000000e+00 : f32
        %ne3A_301 = vector.broadcast %ne3A_300 : f32 to vector<16xf32>
        %ne3A_302 = arith.cmpf one, %get3A_92, %ne3A_301 : vector<16xf32>
        %neg3A_303 = arith.constant 0.000000e+00 : f32
        %neg3A_304 = vector.broadcast %neg3A_303 : f32 to vector<16xf32>
        %neg3A_305 = arith.subf %neg3A_304, %scan3A_267#2 : vector<16xf32>
        %exp3A_306 = math.exp %neg3A_305 : vector<16xf32>
        %add3A_307 = arith.constant 1.000000e+00 : f32
        %add3A_308 = vector.broadcast %add3A_307 : f32 to vector<16xf32>
        %add3A_309 = arith.addf %add3A_308, %exp3A_306 : vector<16xf32>
        %div3A_310 = arith.constant 1.000000e+00 : f32
        %div3A_311 = vector.broadcast %div3A_310 : f32 to vector<16xf32>
        %div3A_312 = arith.divf %div3A_311, %add3A_309 : vector<16xf32>
        %mul3A_313 = arith.mulf %div3A_312, %get3A_92 : vector<16xf32>
        %jit3A_314 = arith.constant 0.000000e+00 : f32
        %broadcast_in_dim3A_315 = vector.broadcast %jit3A_314 : f32 to vector<16xf32>
        %select_n3A_316 = arith.select %ne3A_302, %mul3A_313, %broadcast_in_dim3A_315 : vector<16xi1>, vector<16xf32>
        %add3A_317 = arith.addf %cond3A_86#2, %select_n3A_316 : vector<16xf32>
        %ne3A_318 = arith.constant 0.000000e+00 : f32
        %ne3A_319 = vector.broadcast %ne3A_318 : f32 to vector<16xf32>
        %ne3A_320 = arith.cmpf one, %get3A_92, %ne3A_319 : vector<16xf32>
        %neg3A_321 = arith.constant 0.000000e+00 : f32
        %neg3A_322 = vector.broadcast %neg3A_321 : f32 to vector<16xf32>
        %neg3A_323 = arith.subf %neg3A_322, %scan3A_267#3 : vector<16xf32>
        %exp3A_324 = math.exp %neg3A_323 : vector<16xf32>
        %add3A_325 = arith.constant 1.000000e+00 : f32
        %add3A_326 = vector.broadcast %add3A_325 : f32 to vector<16xf32>
        %add3A_327 = arith.addf %add3A_326, %exp3A_324 : vector<16xf32>
        %div3A_328 = arith.constant 1.000000e+00 : f32
        %div3A_329 = vector.broadcast %div3A_328 : f32 to vector<16xf32>
        %div3A_330 = arith.divf %div3A_329, %add3A_327 : vector<16xf32>
        %mul3A_331 = arith.mulf %div3A_330, %get3A_92 : vector<16xf32>
        %jit3A_332 = arith.constant 0.000000e+00 : f32
        %broadcast_in_dim3A_333 = vector.broadcast %jit3A_332 : f32 to vector<16xf32>
        %select_n3A_334 = arith.select %ne3A_320, %mul3A_331, %broadcast_in_dim3A_333 : vector<16xi1>, vector<16xf32>
        %add3A_335 = arith.addf %cond3A_86#3, %select_n3A_334 : vector<16xf32>
        scf.yield %add3A_281, %add3A_299, %add3A_317, %add3A_335 : vector<16xf32>, vector<16xf32>, vector<16xf32>, vector<16xf32>
      } else {
        scf.yield %cond3A_86#0, %cond3A_86#1, %cond3A_86#2, %cond3A_86#3 : vector<16xf32>, vector<16xf32>, vector<16xf32>, vector<16xf32>
      }
      %mul3A_111 = arith.constant 128 : i32
      %mul3A_112 = arith.muli %while3A_51, %mul3A_111 : i32
      %add3A_113 = arith.constant 32 : i32
      %add3A_114 = arith.addi %mul3A_112, %add3A_113 : i32
      %get3A_115 = arith.index_cast %add3A_114 : i32 to index
      %get3A_116 = tpu.vector_load %arg13[%get3A_115] {strides = array<i32>} : memref<5376xf32, #tpu.memory_space<vmem>>, vector<16xf32>,
      %ne3A_117 = arith.constant 0.000000e+00 : f32
      %ne3A_118 = vector.broadcast %ne3A_117 : f32 to vector<16xf32>
      %ne3A_119 = arith.cmpf one, %get3A_116, %ne3A_118 : vector<16xf32>
      %reduce_or3A_120 = arith.constant 1.000000e+00 : f32
      %reduce_or3A_121 = arith.constant 0.000000e+00 : f32
      %reduce_or3A_122 = vector.broadcast %reduce_or3A_120 : f32 to vector<16xf32>
      %reduce_or3A_123 = vector.broadcast %reduce_or3A_121 : f32 to vector<16xf32>
      %reduce_or3A_124 = arith.select %ne3A_119, %reduce_or3A_122, %reduce_or3A_123 : vector<16xi1>, vector<16xf32>
      %reduce_or3A_125 = arith.constant true
      %reduce_or3A_126 = vector.broadcast %reduce_or3A_125 : i1 to vector<16xi1>
      %reduce_or3A_127 = tpu.scan <max>, %reduce_or3A_124 masked %reduce_or3A_126 : vector<16xf32>, vector<16xi1> -> vector<16xf32>
      %reduce_or3A_128 = vector.extract %reduce_or3A_127[15] : f32 from vector<16xf32>
      %reduce_or3A_129 = arith.constant 0.000000e+00 : f32
      %reduce_or3A_130 = arith.cmpf ogt, %reduce_or3A_128, %reduce_or3A_129 : f32
      %convert_element_type3A_131 = arith.extui %reduce_or3A_130 : i1 to i32
      %cond3A_132 = arith.constant 0 : i32
      %cond3A_133 = arith.cmpi ne, %convert_element_type3A_131, %cond3A_132 : i32
      %cond3A_134:4 = scf.if %cond3A_133 -> (vector<16xf32>, vector<16xf32>, vector<16xf32>, vector<16xf32>) {
        %broadcast_in_dim3A_255 = arith.constant 0.000000e+00 : f32
        %broadcast_in_dim3A_256 = vector.broadcast %broadcast_in_dim3A_255 : f32 to vector<16xf32>
        %broadcast_in_dim3A_257 = arith.constant 0.000000e+00 : f32
        %broadcast_in_dim3A_258 = vector.broadcast %broadcast_in_dim3A_257 : f32 to vector<16xf32>
        %broadcast_in_dim3A_259 = arith.constant 0.000000e+00 : f32
        %broadcast_in_dim3A_260 = vector.broadcast %broadcast_in_dim3A_259 : f32 to vector<16xf32>
        %broadcast_in_dim3A_261 = arith.constant 0.000000e+00 : f32
        %broadcast_in_dim3A_262 = vector.broadcast %broadcast_in_dim3A_261 : f32 to vector<16xf32>
        %scan3A_263 = arith.constant 0 : i32
        %scan3A_264 = arith.constant 64 : i32
        %scan3A_265 = arith.addi %scan3A_263, %scan3A_264 : i32
        %scan3A_266 = arith.constant 1 : i32
        %scan3A_267:4 = scf.for %scan3A_336 = %scan3A_263 to %scan3A_265 step %scan3A_266 iter_args(%scan3A_337 = %broadcast_in_dim3A_256, %scan3A_338 = %broadcast_in_dim3A_258, %scan3A_339 = %broadcast_in_dim3A_260, %scan3A_340 = %broadcast_in_dim3A_262) -> (vector<16xf32>, vector<16xf32>, vector<16xf32>, vector<16xf32>)  : i32 {
          %get3A_341 = arith.index_cast %scan3A_336 : i32 to index
          %get3A_342 = arith.constant 32 : index
          %get3A_343 = tpu.vector_load %arg15[%get3A_341, %get3A_342] {strides = array<i32>} : memref<64x128xf32, #tpu.memory_space<vmem>>, vector<16xf32>,
          %mul3A_344 = arith.constant 16 : i32
          %mul3A_345 = arith.muli %scan3A_336, %mul3A_344 : i32
          %add3A_346 = arith.constant 0 : i32
          %add3A_347 = arith.addi %add3A_346, %mul3A_345 : i32
          %get3A_348 = arith.index_cast %add3A_347 : i32 to index
          %get3A_349 = tpu.vector_load %arg16[%get3A_348] {strides = array<i32>} : memref<4096xf32, #tpu.memory_space<vmem>>, vector<16xf32>,
          %mul3A_350 = arith.mulf %get3A_343, %get3A_349 : vector<16xf32>
          %add3A_351 = arith.addf %scan3A_337, %mul3A_350 : vector<16xf32>
          %mul3A_352 = arith.constant 16 : i32
          %mul3A_353 = arith.muli %scan3A_336, %mul3A_352 : i32
          %add3A_354 = arith.constant 1024 : i32
          %add3A_355 = arith.addi %add3A_354, %mul3A_353 : i32
          %get3A_356 = arith.index_cast %add3A_355 : i32 to index
          %get3A_357 = tpu.vector_load %arg16[%get3A_356] {strides = array<i32>} : memref<4096xf32, #tpu.memory_space<vmem>>, vector<16xf32>,
          %mul3A_358 = arith.mulf %get3A_343, %get3A_357 : vector<16xf32>
          %add3A_359 = arith.addf %scan3A_338, %mul3A_358 : vector<16xf32>
          %mul3A_360 = arith.constant 16 : i32
          %mul3A_361 = arith.muli %scan3A_336, %mul3A_360 : i32
          %add3A_362 = arith.constant 2048 : i32
          %add3A_363 = arith.addi %add3A_362, %mul3A_361 : i32
          %get3A_364 = arith.index_cast %add3A_363 : i32 to index
          %get3A_365 = tpu.vector_load %arg16[%get3A_364] {strides = array<i32>} : memref<4096xf32, #tpu.memory_space<vmem>>, vector<16xf32>,
          %mul3A_366 = arith.mulf %get3A_343, %get3A_365 : vector<16xf32>
          %add3A_367 = arith.addf %scan3A_339, %mul3A_366 : vector<16xf32>
          %mul3A_368 = arith.constant 16 : i32
          %mul3A_369 = arith.muli %scan3A_336, %mul3A_368 : i32
          %add3A_370 = arith.constant 3072 : i32
          %add3A_371 = arith.addi %add3A_370, %mul3A_369 : i32
          %get3A_372 = arith.index_cast %add3A_371 : i32 to index
          %get3A_373 = tpu.vector_load %arg16[%get3A_372] {strides = array<i32>} : memref<4096xf32, #tpu.memory_space<vmem>>, vector<16xf32>,
          %mul3A_374 = arith.mulf %get3A_343, %get3A_373 : vector<16xf32>
          %add3A_375 = arith.addf %scan3A_340, %mul3A_374 : vector<16xf32>
          scf.yield %add3A_351, %add3A_359, %add3A_367, %add3A_375 : vector<16xf32>, vector<16xf32>, vector<16xf32>, vector<16xf32>
        }
        %scan3A_268 = arith.constant 64 : i32
        %ne3A_269 = arith.constant 0.000000e+00 : f32
        %ne3A_270 = vector.broadcast %ne3A_269 : f32 to vector<16xf32>
        %ne3A_271 = arith.cmpf one, %get3A_116, %ne3A_270 : vector<16xf32>
        %neg3A = arith.constant 0.000000e+00 : f32
        %neg3A_272 = vector.broadcast %neg3A : f32 to vector<16xf32>
        %neg3A_273 = arith.subf %neg3A_272, %scan3A_267#0 : vector<16xf32>
        %exp3A = math.exp %neg3A_273 : vector<16xf32>
        %add3A_274 = arith.constant 1.000000e+00 : f32
        %add3A_275 = vector.broadcast %add3A_274 : f32 to vector<16xf32>
        %add3A_276 = arith.addf %add3A_275, %exp3A : vector<16xf32>
        %div3A = arith.constant 1.000000e+00 : f32
        %div3A_277 = vector.broadcast %div3A : f32 to vector<16xf32>
        %div3A_278 = arith.divf %div3A_277, %add3A_276 : vector<16xf32>
        %mul3A_279 = arith.mulf %div3A_278, %get3A_116 : vector<16xf32>
        %jit3A = arith.constant 0.000000e+00 : f32
        %broadcast_in_dim3A_280 = vector.broadcast %jit3A : f32 to vector<16xf32>
        %select_n3A = arith.select %ne3A_271, %mul3A_279, %broadcast_in_dim3A_280 : vector<16xi1>, vector<16xf32>
        %add3A_281 = arith.addf %cond3A_110#0, %select_n3A : vector<16xf32>
        %ne3A_282 = arith.constant 0.000000e+00 : f32
        %ne3A_283 = vector.broadcast %ne3A_282 : f32 to vector<16xf32>
        %ne3A_284 = arith.cmpf one, %get3A_116, %ne3A_283 : vector<16xf32>
        %neg3A_285 = arith.constant 0.000000e+00 : f32
        %neg3A_286 = vector.broadcast %neg3A_285 : f32 to vector<16xf32>
        %neg3A_287 = arith.subf %neg3A_286, %scan3A_267#1 : vector<16xf32>
        %exp3A_288 = math.exp %neg3A_287 : vector<16xf32>
        %add3A_289 = arith.constant 1.000000e+00 : f32
        %add3A_290 = vector.broadcast %add3A_289 : f32 to vector<16xf32>
        %add3A_291 = arith.addf %add3A_290, %exp3A_288 : vector<16xf32>
        %div3A_292 = arith.constant 1.000000e+00 : f32
        %div3A_293 = vector.broadcast %div3A_292 : f32 to vector<16xf32>
        %div3A_294 = arith.divf %div3A_293, %add3A_291 : vector<16xf32>
        %mul3A_295 = arith.mulf %div3A_294, %get3A_116 : vector<16xf32>
        %jit3A_296 = arith.constant 0.000000e+00 : f32
        %broadcast_in_dim3A_297 = vector.broadcast %jit3A_296 : f32 to vector<16xf32>
        %select_n3A_298 = arith.select %ne3A_284, %mul3A_295, %broadcast_in_dim3A_297 : vector<16xi1>, vector<16xf32>
        %add3A_299 = arith.addf %cond3A_110#1, %select_n3A_298 : vector<16xf32>
        %ne3A_300 = arith.constant 0.000000e+00 : f32
        %ne3A_301 = vector.broadcast %ne3A_300 : f32 to vector<16xf32>
        %ne3A_302 = arith.cmpf one, %get3A_116, %ne3A_301 : vector<16xf32>
        %neg3A_303 = arith.constant 0.000000e+00 : f32
        %neg3A_304 = vector.broadcast %neg3A_303 : f32 to vector<16xf32>
        %neg3A_305 = arith.subf %neg3A_304, %scan3A_267#2 : vector<16xf32>
        %exp3A_306 = math.exp %neg3A_305 : vector<16xf32>
        %add3A_307 = arith.constant 1.000000e+00 : f32
        %add3A_308 = vector.broadcast %add3A_307 : f32 to vector<16xf32>
        %add3A_309 = arith.addf %add3A_308, %exp3A_306 : vector<16xf32>
        %div3A_310 = arith.constant 1.000000e+00 : f32
        %div3A_311 = vector.broadcast %div3A_310 : f32 to vector<16xf32>
        %div3A_312 = arith.divf %div3A_311, %add3A_309 : vector<16xf32>
        %mul3A_313 = arith.mulf %div3A_312, %get3A_116 : vector<16xf32>
        %jit3A_314 = arith.constant 0.000000e+00 : f32
        %broadcast_in_dim3A_315 = vector.broadcast %jit3A_314 : f32 to vector<16xf32>
        %select_n3A_316 = arith.select %ne3A_302, %mul3A_313, %broadcast_in_dim3A_315 : vector<16xi1>, vector<16xf32>
        %add3A_317 = arith.addf %cond3A_110#2, %select_n3A_316 : vector<16xf32>
        %ne3A_318 = arith.constant 0.000000e+00 : f32
        %ne3A_319 = vector.broadcast %ne3A_318 : f32 to vector<16xf32>
        %ne3A_320 = arith.cmpf one, %get3A_116, %ne3A_319 : vector<16xf32>
        %neg3A_321 = arith.constant 0.000000e+00 : f32
        %neg3A_322 = vector.broadcast %neg3A_321 : f32 to vector<16xf32>
        %neg3A_323 = arith.subf %neg3A_322, %scan3A_267#3 : vector<16xf32>
        %exp3A_324 = math.exp %neg3A_323 : vector<16xf32>
        %add3A_325 = arith.constant 1.000000e+00 : f32
        %add3A_326 = vector.broadcast %add3A_325 : f32 to vector<16xf32>
        %add3A_327 = arith.addf %add3A_326, %exp3A_324 : vector<16xf32>
        %div3A_328 = arith.constant 1.000000e+00 : f32
        %div3A_329 = vector.broadcast %div3A_328 : f32 to vector<16xf32>
        %div3A_330 = arith.divf %div3A_329, %add3A_327 : vector<16xf32>
        %mul3A_331 = arith.mulf %div3A_330, %get3A_116 : vector<16xf32>
        %jit3A_332 = arith.constant 0.000000e+00 : f32
        %broadcast_in_dim3A_333 = vector.broadcast %jit3A_332 : f32 to vector<16xf32>
        %select_n3A_334 = arith.select %ne3A_320, %mul3A_331, %broadcast_in_dim3A_333 : vector<16xi1>, vector<16xf32>
        %add3A_335 = arith.addf %cond3A_110#3, %select_n3A_334 : vector<16xf32>
        scf.yield %add3A_281, %add3A_299, %add3A_317, %add3A_335 : vector<16xf32>, vector<16xf32>, vector<16xf32>, vector<16xf32>
      } else {
        scf.yield %cond3A_110#0, %cond3A_110#1, %cond3A_110#2, %cond3A_110#3 : vector<16xf32>, vector<16xf32>, vector<16xf32>, vector<16xf32>
      }
      %mul3A_135 = arith.constant 128 : i32
      %mul3A_136 = arith.muli %while3A_51, %mul3A_135 : i32
      %add3A_137 = arith.constant 48 : i32
      %add3A_138 = arith.addi %mul3A_136, %add3A_137 : i32
      %get3A_139 = arith.index_cast %add3A_138 : i32 to index
      %get3A_140 = tpu.vector_load %arg13[%get3A_139] {strides = array<i32>} : memref<5376xf32, #tpu.memory_space<vmem>>, vector<16xf32>,
      %ne3A_141 = arith.constant 0.000000e+00 : f32
      %ne3A_142 = vector.broadcast %ne3A_141 : f32 to vector<16xf32>
      %ne3A_143 = arith.cmpf one, %get3A_140, %ne3A_142 : vector<16xf32>
      %reduce_or3A_144 = arith.constant 1.000000e+00 : f32
      %reduce_or3A_145 = arith.constant 0.000000e+00 : f32
      %reduce_or3A_146 = vector.broadcast %reduce_or3A_144 : f32 to vector<16xf32>
      %reduce_or3A_147 = vector.broadcast %reduce_or3A_145 : f32 to vector<16xf32>
      %reduce_or3A_148 = arith.select %ne3A_143, %reduce_or3A_146, %reduce_or3A_147 : vector<16xi1>, vector<16xf32>
      %reduce_or3A_149 = arith.constant true
      %reduce_or3A_150 = vector.broadcast %reduce_or3A_149 : i1 to vector<16xi1>
      %reduce_or3A_151 = tpu.scan <max>, %reduce_or3A_148 masked %reduce_or3A_150 : vector<16xf32>, vector<16xi1> -> vector<16xf32>
      %reduce_or3A_152 = vector.extract %reduce_or3A_151[15] : f32 from vector<16xf32>
      %reduce_or3A_153 = arith.constant 0.000000e+00 : f32
      %reduce_or3A_154 = arith.cmpf ogt, %reduce_or3A_152, %reduce_or3A_153 : f32
      %convert_element_type3A_155 = arith.extui %reduce_or3A_154 : i1 to i32
      %cond3A_156 = arith.constant 0 : i32
      %cond3A_157 = arith.cmpi ne, %convert_element_type3A_155, %cond3A_156 : i32
      %cond3A_158:4 = scf.if %cond3A_157 -> (vector<16xf32>, vector<16xf32>, vector<16xf32>, vector<16xf32>) {
        %broadcast_in_dim3A_255 = arith.constant 0.000000e+00 : f32
        %broadcast_in_dim3A_256 = vector.broadcast %broadcast_in_dim3A_255 : f32 to vector<16xf32>
        %broadcast_in_dim3A_257 = arith.constant 0.000000e+00 : f32
        %broadcast_in_dim3A_258 = vector.broadcast %broadcast_in_dim3A_257 : f32 to vector<16xf32>
        %broadcast_in_dim3A_259 = arith.constant 0.000000e+00 : f32
        %broadcast_in_dim3A_260 = vector.broadcast %broadcast_in_dim3A_259 : f32 to vector<16xf32>
        %broadcast_in_dim3A_261 = arith.constant 0.000000e+00 : f32
        %broadcast_in_dim3A_262 = vector.broadcast %broadcast_in_dim3A_261 : f32 to vector<16xf32>
        %scan3A_263 = arith.constant 0 : i32
        %scan3A_264 = arith.constant 64 : i32
        %scan3A_265 = arith.addi %scan3A_263, %scan3A_264 : i32
        %scan3A_266 = arith.constant 1 : i32
        %scan3A_267:4 = scf.for %scan3A_336 = %scan3A_263 to %scan3A_265 step %scan3A_266 iter_args(%scan3A_337 = %broadcast_in_dim3A_256, %scan3A_338 = %broadcast_in_dim3A_258, %scan3A_339 = %broadcast_in_dim3A_260, %scan3A_340 = %broadcast_in_dim3A_262) -> (vector<16xf32>, vector<16xf32>, vector<16xf32>, vector<16xf32>)  : i32 {
          %get3A_341 = arith.index_cast %scan3A_336 : i32 to index
          %get3A_342 = arith.constant 48 : index
          %get3A_343 = tpu.vector_load %arg15[%get3A_341, %get3A_342] {strides = array<i32>} : memref<64x128xf32, #tpu.memory_space<vmem>>, vector<16xf32>,
          %mul3A_344 = arith.constant 16 : i32
          %mul3A_345 = arith.muli %scan3A_336, %mul3A_344 : i32
          %add3A_346 = arith.constant 0 : i32
          %add3A_347 = arith.addi %add3A_346, %mul3A_345 : i32
          %get3A_348 = arith.index_cast %add3A_347 : i32 to index
          %get3A_349 = tpu.vector_load %arg16[%get3A_348] {strides = array<i32>} : memref<4096xf32, #tpu.memory_space<vmem>>, vector<16xf32>,
          %mul3A_350 = arith.mulf %get3A_343, %get3A_349 : vector<16xf32>
          %add3A_351 = arith.addf %scan3A_337, %mul3A_350 : vector<16xf32>
          %mul3A_352 = arith.constant 16 : i32
          %mul3A_353 = arith.muli %scan3A_336, %mul3A_352 : i32
          %add3A_354 = arith.constant 1024 : i32
          %add3A_355 = arith.addi %add3A_354, %mul3A_353 : i32
          %get3A_356 = arith.index_cast %add3A_355 : i32 to index
          %get3A_357 = tpu.vector_load %arg16[%get3A_356] {strides = array<i32>} : memref<4096xf32, #tpu.memory_space<vmem>>, vector<16xf32>,
          %mul3A_358 = arith.mulf %get3A_343, %get3A_357 : vector<16xf32>
          %add3A_359 = arith.addf %scan3A_338, %mul3A_358 : vector<16xf32>
          %mul3A_360 = arith.constant 16 : i32
          %mul3A_361 = arith.muli %scan3A_336, %mul3A_360 : i32
          %add3A_362 = arith.constant 2048 : i32
          %add3A_363 = arith.addi %add3A_362, %mul3A_361 : i32
          %get3A_364 = arith.index_cast %add3A_363 : i32 to index
          %get3A_365 = tpu.vector_load %arg16[%get3A_364] {strides = array<i32>} : memref<4096xf32, #tpu.memory_space<vmem>>, vector<16xf32>,
          %mul3A_366 = arith.mulf %get3A_343, %get3A_365 : vector<16xf32>
          %add3A_367 = arith.addf %scan3A_339, %mul3A_366 : vector<16xf32>
          %mul3A_368 = arith.constant 16 : i32
          %mul3A_369 = arith.muli %scan3A_336, %mul3A_368 : i32
          %add3A_370 = arith.constant 3072 : i32
          %add3A_371 = arith.addi %add3A_370, %mul3A_369 : i32
          %get3A_372 = arith.index_cast %add3A_371 : i32 to index
          %get3A_373 = tpu.vector_load %arg16[%get3A_372] {strides = array<i32>} : memref<4096xf32, #tpu.memory_space<vmem>>, vector<16xf32>,
          %mul3A_374 = arith.mulf %get3A_343, %get3A_373 : vector<16xf32>
          %add3A_375 = arith.addf %scan3A_340, %mul3A_374 : vector<16xf32>
          scf.yield %add3A_351, %add3A_359, %add3A_367, %add3A_375 : vector<16xf32>, vector<16xf32>, vector<16xf32>, vector<16xf32>
        }
        %scan3A_268 = arith.constant 64 : i32
        %ne3A_269 = arith.constant 0.000000e+00 : f32
        %ne3A_270 = vector.broadcast %ne3A_269 : f32 to vector<16xf32>
        %ne3A_271 = arith.cmpf one, %get3A_140, %ne3A_270 : vector<16xf32>
        %neg3A = arith.constant 0.000000e+00 : f32
        %neg3A_272 = vector.broadcast %neg3A : f32 to vector<16xf32>
        %neg3A_273 = arith.subf %neg3A_272, %scan3A_267#0 : vector<16xf32>
        %exp3A = math.exp %neg3A_273 : vector<16xf32>
        %add3A_274 = arith.constant 1.000000e+00 : f32
        %add3A_275 = vector.broadcast %add3A_274 : f32 to vector<16xf32>
        %add3A_276 = arith.addf %add3A_275, %exp3A : vector<16xf32>
        %div3A = arith.constant 1.000000e+00 : f32
        %div3A_277 = vector.broadcast %div3A : f32 to vector<16xf32>
        %div3A_278 = arith.divf %div3A_277, %add3A_276 : vector<16xf32>
        %mul3A_279 = arith.mulf %div3A_278, %get3A_140 : vector<16xf32>
        %jit3A = arith.constant 0.000000e+00 : f32
        %broadcast_in_dim3A_280 = vector.broadcast %jit3A : f32 to vector<16xf32>
        %select_n3A = arith.select %ne3A_271, %mul3A_279, %broadcast_in_dim3A_280 : vector<16xi1>, vector<16xf32>
        %add3A_281 = arith.addf %cond3A_134#0, %select_n3A : vector<16xf32>
        %ne3A_282 = arith.constant 0.000000e+00 : f32
        %ne3A_283 = vector.broadcast %ne3A_282 : f32 to vector<16xf32>
        %ne3A_284 = arith.cmpf one, %get3A_140, %ne3A_283 : vector<16xf32>
        %neg3A_285 = arith.constant 0.000000e+00 : f32
        %neg3A_286 = vector.broadcast %neg3A_285 : f32 to vector<16xf32>
        %neg3A_287 = arith.subf %neg3A_286, %scan3A_267#1 : vector<16xf32>
        %exp3A_288 = math.exp %neg3A_287 : vector<16xf32>
        %add3A_289 = arith.constant 1.000000e+00 : f32
        %add3A_290 = vector.broadcast %add3A_289 : f32 to vector<16xf32>
        %add3A_291 = arith.addf %add3A_290, %exp3A_288 : vector<16xf32>
        %div3A_292 = arith.constant 1.000000e+00 : f32
        %div3A_293 = vector.broadcast %div3A_292 : f32 to vector<16xf32>
        %div3A_294 = arith.divf %div3A_293, %add3A_291 : vector<16xf32>
        %mul3A_295 = arith.mulf %div3A_294, %get3A_140 : vector<16xf32>
        %jit3A_296 = arith.constant 0.000000e+00 : f32
        %broadcast_in_dim3A_297 = vector.broadcast %jit3A_296 : f32 to vector<16xf32>
        %select_n3A_298 = arith.select %ne3A_284, %mul3A_295, %broadcast_in_dim3A_297 : vector<16xi1>, vector<16xf32>
        %add3A_299 = arith.addf %cond3A_134#1, %select_n3A_298 : vector<16xf32>
        %ne3A_300 = arith.constant 0.000000e+00 : f32
        %ne3A_301 = vector.broadcast %ne3A_300 : f32 to vector<16xf32>
        %ne3A_302 = arith.cmpf one, %get3A_140, %ne3A_301 : vector<16xf32>
        %neg3A_303 = arith.constant 0.000000e+00 : f32
        %neg3A_304 = vector.broadcast %neg3A_303 : f32 to vector<16xf32>
        %neg3A_305 = arith.subf %neg3A_304, %scan3A_267#2 : vector<16xf32>
        %exp3A_306 = math.exp %neg3A_305 : vector<16xf32>
        %add3A_307 = arith.constant 1.000000e+00 : f32
        %add3A_308 = vector.broadcast %add3A_307 : f32 to vector<16xf32>
        %add3A_309 = arith.addf %add3A_308, %exp3A_306 : vector<16xf32>
        %div3A_310 = arith.constant 1.000000e+00 : f32
        %div3A_311 = vector.broadcast %div3A_310 : f32 to vector<16xf32>
        %div3A_312 = arith.divf %div3A_311, %add3A_309 : vector<16xf32>
        %mul3A_313 = arith.mulf %div3A_312, %get3A_140 : vector<16xf32>
        %jit3A_314 = arith.constant 0.000000e+00 : f32
        %broadcast_in_dim3A_315 = vector.broadcast %jit3A_314 : f32 to vector<16xf32>
        %select_n3A_316 = arith.select %ne3A_302, %mul3A_313, %broadcast_in_dim3A_315 : vector<16xi1>, vector<16xf32>
        %add3A_317 = arith.addf %cond3A_134#2, %select_n3A_316 : vector<16xf32>
        %ne3A_318 = arith.constant 0.000000e+00 : f32
        %ne3A_319 = vector.broadcast %ne3A_318 : f32 to vector<16xf32>
        %ne3A_320 = arith.cmpf one, %get3A_140, %ne3A_319 : vector<16xf32>
        %neg3A_321 = arith.constant 0.000000e+00 : f32
        %neg3A_322 = vector.broadcast %neg3A_321 : f32 to vector<16xf32>
        %neg3A_323 = arith.subf %neg3A_322, %scan3A_267#3 : vector<16xf32>
        %exp3A_324 = math.exp %neg3A_323 : vector<16xf32>
        %add3A_325 = arith.constant 1.000000e+00 : f32
        %add3A_326 = vector.broadcast %add3A_325 : f32 to vector<16xf32>
        %add3A_327 = arith.addf %add3A_326, %exp3A_324 : vector<16xf32>
        %div3A_328 = arith.constant 1.000000e+00 : f32
        %div3A_329 = vector.broadcast %div3A_328 : f32 to vector<16xf32>
        %div3A_330 = arith.divf %div3A_329, %add3A_327 : vector<16xf32>
        %mul3A_331 = arith.mulf %div3A_330, %get3A_140 : vector<16xf32>
        %jit3A_332 = arith.constant 0.000000e+00 : f32
        %broadcast_in_dim3A_333 = vector.broadcast %jit3A_332 : f32 to vector<16xf32>
        %select_n3A_334 = arith.select %ne3A_320, %mul3A_331, %broadcast_in_dim3A_333 : vector<16xi1>, vector<16xf32>
        %add3A_335 = arith.addf %cond3A_134#3, %select_n3A_334 : vector<16xf32>
        scf.yield %add3A_281, %add3A_299, %add3A_317, %add3A_335 : vector<16xf32>, vector<16xf32>, vector<16xf32>, vector<16xf32>
      } else {
        scf.yield %cond3A_134#0, %cond3A_134#1, %cond3A_134#2, %cond3A_134#3 : vector<16xf32>, vector<16xf32>, vector<16xf32>, vector<16xf32>
      }
      %mul3A_159 = arith.constant 128 : i32
      %mul3A_160 = arith.muli %while3A_51, %mul3A_159 : i32
      %add3A_161 = arith.constant 64 : i32
      %add3A_162 = arith.addi %mul3A_160, %add3A_161 : i32
      %get3A_163 = arith.index_cast %add3A_162 : i32 to index
      %get3A_164 = tpu.vector_load %arg13[%get3A_163] {strides = array<i32>} : memref<5376xf32, #tpu.memory_space<vmem>>, vector<16xf32>,
      %ne3A_165 = arith.constant 0.000000e+00 : f32
      %ne3A_166 = vector.broadcast %ne3A_165 : f32 to vector<16xf32>
      %ne3A_167 = arith.cmpf one, %get3A_164, %ne3A_166 : vector<16xf32>
      %reduce_or3A_168 = arith.constant 1.000000e+00 : f32
      %reduce_or3A_169 = arith.constant 0.000000e+00 : f32
      %reduce_or3A_170 = vector.broadcast %reduce_or3A_168 : f32 to vector<16xf32>
      %reduce_or3A_171 = vector.broadcast %reduce_or3A_169 : f32 to vector<16xf32>
      %reduce_or3A_172 = arith.select %ne3A_167, %reduce_or3A_170, %reduce_or3A_171 : vector<16xi1>, vector<16xf32>
      %reduce_or3A_173 = arith.constant true
      %reduce_or3A_174 = vector.broadcast %reduce_or3A_173 : i1 to vector<16xi1>
      %reduce_or3A_175 = tpu.scan <max>, %reduce_or3A_172 masked %reduce_or3A_174 : vector<16xf32>, vector<16xi1> -> vector<16xf32>
      %reduce_or3A_176 = vector.extract %reduce_or3A_175[15] : f32 from vector<16xf32>
      %reduce_or3A_177 = arith.constant 0.000000e+00 : f32
      %reduce_or3A_178 = arith.cmpf ogt, %reduce_or3A_176, %reduce_or3A_177 : f32
      %convert_element_type3A_179 = arith.extui %reduce_or3A_178 : i1 to i32
      %cond3A_180 = arith.constant 0 : i32
      %cond3A_181 = arith.cmpi ne, %convert_element_type3A_179, %cond3A_180 : i32
      %cond3A_182:4 = scf.if %cond3A_181 -> (vector<16xf32>, vector<16xf32>, vector<16xf32>, vector<16xf32>) {
        %broadcast_in_dim3A_255 = arith.constant 0.000000e+00 : f32
        %broadcast_in_dim3A_256 = vector.broadcast %broadcast_in_dim3A_255 : f32 to vector<16xf32>
        %broadcast_in_dim3A_257 = arith.constant 0.000000e+00 : f32
        %broadcast_in_dim3A_258 = vector.broadcast %broadcast_in_dim3A_257 : f32 to vector<16xf32>
        %broadcast_in_dim3A_259 = arith.constant 0.000000e+00 : f32
        %broadcast_in_dim3A_260 = vector.broadcast %broadcast_in_dim3A_259 : f32 to vector<16xf32>
        %broadcast_in_dim3A_261 = arith.constant 0.000000e+00 : f32
        %broadcast_in_dim3A_262 = vector.broadcast %broadcast_in_dim3A_261 : f32 to vector<16xf32>
        %scan3A_263 = arith.constant 0 : i32
        %scan3A_264 = arith.constant 64 : i32
        %scan3A_265 = arith.addi %scan3A_263, %scan3A_264 : i32
        %scan3A_266 = arith.constant 1 : i32
        %scan3A_267:4 = scf.for %scan3A_336 = %scan3A_263 to %scan3A_265 step %scan3A_266 iter_args(%scan3A_337 = %broadcast_in_dim3A_256, %scan3A_338 = %broadcast_in_dim3A_258, %scan3A_339 = %broadcast_in_dim3A_260, %scan3A_340 = %broadcast_in_dim3A_262) -> (vector<16xf32>, vector<16xf32>, vector<16xf32>, vector<16xf32>)  : i32 {
          %get3A_341 = arith.index_cast %scan3A_336 : i32 to index
          %get3A_342 = arith.constant 64 : index
          %get3A_343 = tpu.vector_load %arg15[%get3A_341, %get3A_342] {strides = array<i32>} : memref<64x128xf32, #tpu.memory_space<vmem>>, vector<16xf32>,
          %mul3A_344 = arith.constant 16 : i32
          %mul3A_345 = arith.muli %scan3A_336, %mul3A_344 : i32
          %add3A_346 = arith.constant 0 : i32
          %add3A_347 = arith.addi %add3A_346, %mul3A_345 : i32
          %get3A_348 = arith.index_cast %add3A_347 : i32 to index
          %get3A_349 = tpu.vector_load %arg16[%get3A_348] {strides = array<i32>} : memref<4096xf32, #tpu.memory_space<vmem>>, vector<16xf32>,
          %mul3A_350 = arith.mulf %get3A_343, %get3A_349 : vector<16xf32>
          %add3A_351 = arith.addf %scan3A_337, %mul3A_350 : vector<16xf32>
          %mul3A_352 = arith.constant 16 : i32
          %mul3A_353 = arith.muli %scan3A_336, %mul3A_352 : i32
          %add3A_354 = arith.constant 1024 : i32
          %add3A_355 = arith.addi %add3A_354, %mul3A_353 : i32
          %get3A_356 = arith.index_cast %add3A_355 : i32 to index
          %get3A_357 = tpu.vector_load %arg16[%get3A_356] {strides = array<i32>} : memref<4096xf32, #tpu.memory_space<vmem>>, vector<16xf32>,
          %mul3A_358 = arith.mulf %get3A_343, %get3A_357 : vector<16xf32>
          %add3A_359 = arith.addf %scan3A_338, %mul3A_358 : vector<16xf32>
          %mul3A_360 = arith.constant 16 : i32
          %mul3A_361 = arith.muli %scan3A_336, %mul3A_360 : i32
          %add3A_362 = arith.constant 2048 : i32
          %add3A_363 = arith.addi %add3A_362, %mul3A_361 : i32
          %get3A_364 = arith.index_cast %add3A_363 : i32 to index
          %get3A_365 = tpu.vector_load %arg16[%get3A_364] {strides = array<i32>} : memref<4096xf32, #tpu.memory_space<vmem>>, vector<16xf32>,
          %mul3A_366 = arith.mulf %get3A_343, %get3A_365 : vector<16xf32>
          %add3A_367 = arith.addf %scan3A_339, %mul3A_366 : vector<16xf32>
          %mul3A_368 = arith.constant 16 : i32
          %mul3A_369 = arith.muli %scan3A_336, %mul3A_368 : i32
          %add3A_370 = arith.constant 3072 : i32
          %add3A_371 = arith.addi %add3A_370, %mul3A_369 : i32
          %get3A_372 = arith.index_cast %add3A_371 : i32 to index
          %get3A_373 = tpu.vector_load %arg16[%get3A_372] {strides = array<i32>} : memref<4096xf32, #tpu.memory_space<vmem>>, vector<16xf32>,
          %mul3A_374 = arith.mulf %get3A_343, %get3A_373 : vector<16xf32>
          %add3A_375 = arith.addf %scan3A_340, %mul3A_374 : vector<16xf32>
          scf.yield %add3A_351, %add3A_359, %add3A_367, %add3A_375 : vector<16xf32>, vector<16xf32>, vector<16xf32>, vector<16xf32>
        }
        %scan3A_268 = arith.constant 64 : i32
        %ne3A_269 = arith.constant 0.000000e+00 : f32
        %ne3A_270 = vector.broadcast %ne3A_269 : f32 to vector<16xf32>
        %ne3A_271 = arith.cmpf one, %get3A_164, %ne3A_270 : vector<16xf32>
        %neg3A = arith.constant 0.000000e+00 : f32
        %neg3A_272 = vector.broadcast %neg3A : f32 to vector<16xf32>
        %neg3A_273 = arith.subf %neg3A_272, %scan3A_267#0 : vector<16xf32>
        %exp3A = math.exp %neg3A_273 : vector<16xf32>
        %add3A_274 = arith.constant 1.000000e+00 : f32
        %add3A_275 = vector.broadcast %add3A_274 : f32 to vector<16xf32>
        %add3A_276 = arith.addf %add3A_275, %exp3A : vector<16xf32>
        %div3A = arith.constant 1.000000e+00 : f32
        %div3A_277 = vector.broadcast %div3A : f32 to vector<16xf32>
        %div3A_278 = arith.divf %div3A_277, %add3A_276 : vector<16xf32>
        %mul3A_279 = arith.mulf %div3A_278, %get3A_164 : vector<16xf32>
        %jit3A = arith.constant 0.000000e+00 : f32
        %broadcast_in_dim3A_280 = vector.broadcast %jit3A : f32 to vector<16xf32>
        %select_n3A = arith.select %ne3A_271, %mul3A_279, %broadcast_in_dim3A_280 : vector<16xi1>, vector<16xf32>
        %add3A_281 = arith.addf %cond3A_158#0, %select_n3A : vector<16xf32>
        %ne3A_282 = arith.constant 0.000000e+00 : f32
        %ne3A_283 = vector.broadcast %ne3A_282 : f32 to vector<16xf32>
        %ne3A_284 = arith.cmpf one, %get3A_164, %ne3A_283 : vector<16xf32>
        %neg3A_285 = arith.constant 0.000000e+00 : f32
        %neg3A_286 = vector.broadcast %neg3A_285 : f32 to vector<16xf32>
        %neg3A_287 = arith.subf %neg3A_286, %scan3A_267#1 : vector<16xf32>
        %exp3A_288 = math.exp %neg3A_287 : vector<16xf32>
        %add3A_289 = arith.constant 1.000000e+00 : f32
        %add3A_290 = vector.broadcast %add3A_289 : f32 to vector<16xf32>
        %add3A_291 = arith.addf %add3A_290, %exp3A_288 : vector<16xf32>
        %div3A_292 = arith.constant 1.000000e+00 : f32
        %div3A_293 = vector.broadcast %div3A_292 : f32 to vector<16xf32>
        %div3A_294 = arith.divf %div3A_293, %add3A_291 : vector<16xf32>
        %mul3A_295 = arith.mulf %div3A_294, %get3A_164 : vector<16xf32>
        %jit3A_296 = arith.constant 0.000000e+00 : f32
        %broadcast_in_dim3A_297 = vector.broadcast %jit3A_296 : f32 to vector<16xf32>
        %select_n3A_298 = arith.select %ne3A_284, %mul3A_295, %broadcast_in_dim3A_297 : vector<16xi1>, vector<16xf32>
        %add3A_299 = arith.addf %cond3A_158#1, %select_n3A_298 : vector<16xf32>
        %ne3A_300 = arith.constant 0.000000e+00 : f32
        %ne3A_301 = vector.broadcast %ne3A_300 : f32 to vector<16xf32>
        %ne3A_302 = arith.cmpf one, %get3A_164, %ne3A_301 : vector<16xf32>
        %neg3A_303 = arith.constant 0.000000e+00 : f32
        %neg3A_304 = vector.broadcast %neg3A_303 : f32 to vector<16xf32>
        %neg3A_305 = arith.subf %neg3A_304, %scan3A_267#2 : vector<16xf32>
        %exp3A_306 = math.exp %neg3A_305 : vector<16xf32>
        %add3A_307 = arith.constant 1.000000e+00 : f32
        %add3A_308 = vector.broadcast %add3A_307 : f32 to vector<16xf32>
        %add3A_309 = arith.addf %add3A_308, %exp3A_306 : vector<16xf32>
        %div3A_310 = arith.constant 1.000000e+00 : f32
        %div3A_311 = vector.broadcast %div3A_310 : f32 to vector<16xf32>
        %div3A_312 = arith.divf %div3A_311, %add3A_309 : vector<16xf32>
        %mul3A_313 = arith.mulf %div3A_312, %get3A_164 : vector<16xf32>
        %jit3A_314 = arith.constant 0.000000e+00 : f32
        %broadcast_in_dim3A_315 = vector.broadcast %jit3A_314 : f32 to vector<16xf32>
        %select_n3A_316 = arith.select %ne3A_302, %mul3A_313, %broadcast_in_dim3A_315 : vector<16xi1>, vector<16xf32>
        %add3A_317 = arith.addf %cond3A_158#2, %select_n3A_316 : vector<16xf32>
        %ne3A_318 = arith.constant 0.000000e+00 : f32
        %ne3A_319 = vector.broadcast %ne3A_318 : f32 to vector<16xf32>
        %ne3A_320 = arith.cmpf one, %get3A_164, %ne3A_319 : vector<16xf32>
        %neg3A_321 = arith.constant 0.000000e+00 : f32
        %neg3A_322 = vector.broadcast %neg3A_321 : f32 to vector<16xf32>
        %neg3A_323 = arith.subf %neg3A_322, %scan3A_267#3 : vector<16xf32>
        %exp3A_324 = math.exp %neg3A_323 : vector<16xf32>
        %add3A_325 = arith.constant 1.000000e+00 : f32
        %add3A_326 = vector.broadcast %add3A_325 : f32 to vector<16xf32>
        %add3A_327 = arith.addf %add3A_326, %exp3A_324 : vector<16xf32>
        %div3A_328 = arith.constant 1.000000e+00 : f32
        %div3A_329 = vector.broadcast %div3A_328 : f32 to vector<16xf32>
        %div3A_330 = arith.divf %div3A_329, %add3A_327 : vector<16xf32>
        %mul3A_331 = arith.mulf %div3A_330, %get3A_164 : vector<16xf32>
        %jit3A_332 = arith.constant 0.000000e+00 : f32
        %broadcast_in_dim3A_333 = vector.broadcast %jit3A_332 : f32 to vector<16xf32>
        %select_n3A_334 = arith.select %ne3A_320, %mul3A_331, %broadcast_in_dim3A_333 : vector<16xi1>, vector<16xf32>
        %add3A_335 = arith.addf %cond3A_158#3, %select_n3A_334 : vector<16xf32>
        scf.yield %add3A_281, %add3A_299, %add3A_317, %add3A_335 : vector<16xf32>, vector<16xf32>, vector<16xf32>, vector<16xf32>
      } else {
        scf.yield %cond3A_158#0, %cond3A_158#1, %cond3A_158#2, %cond3A_158#3 : vector<16xf32>, vector<16xf32>, vector<16xf32>, vector<16xf32>
      }
      %mul3A_183 = arith.constant 128 : i32
      %mul3A_184 = arith.muli %while3A_51, %mul3A_183 : i32
      %add3A_185 = arith.constant 80 : i32
      %add3A_186 = arith.addi %mul3A_184, %add3A_185 : i32
      %get3A_187 = arith.index_cast %add3A_186 : i32 to index
      %get3A_188 = tpu.vector_load %arg13[%get3A_187] {strides = array<i32>} : memref<5376xf32, #tpu.memory_space<vmem>>, vector<16xf32>,
      %ne3A_189 = arith.constant 0.000000e+00 : f32
      %ne3A_190 = vector.broadcast %ne3A_189 : f32 to vector<16xf32>
      %ne3A_191 = arith.cmpf one, %get3A_188, %ne3A_190 : vector<16xf32>
      %reduce_or3A_192 = arith.constant 1.000000e+00 : f32
      %reduce_or3A_193 = arith.constant 0.000000e+00 : f32
      %reduce_or3A_194 = vector.broadcast %reduce_or3A_192 : f32 to vector<16xf32>
      %reduce_or3A_195 = vector.broadcast %reduce_or3A_193 : f32 to vector<16xf32>
      %reduce_or3A_196 = arith.select %ne3A_191, %reduce_or3A_194, %reduce_or3A_195 : vector<16xi1>, vector<16xf32>
      %reduce_or3A_197 = arith.constant true
      %reduce_or3A_198 = vector.broadcast %reduce_or3A_197 : i1 to vector<16xi1>
      %reduce_or3A_199 = tpu.scan <max>, %reduce_or3A_196 masked %reduce_or3A_198 : vector<16xf32>, vector<16xi1> -> vector<16xf32>
      %reduce_or3A_200 = vector.extract %reduce_or3A_199[15] : f32 from vector<16xf32>
      %reduce_or3A_201 = arith.constant 0.000000e+00 : f32
      %reduce_or3A_202 = arith.cmpf ogt, %reduce_or3A_200, %reduce_or3A_201 : f32
      %convert_element_type3A_203 = arith.extui %reduce_or3A_202 : i1 to i32
      %cond3A_204 = arith.constant 0 : i32
      %cond3A_205 = arith.cmpi ne, %convert_element_type3A_203, %cond3A_204 : i32
      %cond3A_206:4 = scf.if %cond3A_205 -> (vector<16xf32>, vector<16xf32>, vector<16xf32>, vector<16xf32>) {
        %broadcast_in_dim3A_255 = arith.constant 0.000000e+00 : f32
        %broadcast_in_dim3A_256 = vector.broadcast %broadcast_in_dim3A_255 : f32 to vector<16xf32>
        %broadcast_in_dim3A_257 = arith.constant 0.000000e+00 : f32
        %broadcast_in_dim3A_258 = vector.broadcast %broadcast_in_dim3A_257 : f32 to vector<16xf32>
        %broadcast_in_dim3A_259 = arith.constant 0.000000e+00 : f32
        %broadcast_in_dim3A_260 = vector.broadcast %broadcast_in_dim3A_259 : f32 to vector<16xf32>
        %broadcast_in_dim3A_261 = arith.constant 0.000000e+00 : f32
        %broadcast_in_dim3A_262 = vector.broadcast %broadcast_in_dim3A_261 : f32 to vector<16xf32>
        %scan3A_263 = arith.constant 0 : i32
        %scan3A_264 = arith.constant 64 : i32
        %scan3A_265 = arith.addi %scan3A_263, %scan3A_264 : i32
        %scan3A_266 = arith.constant 1 : i32
        %scan3A_267:4 = scf.for %scan3A_336 = %scan3A_263 to %scan3A_265 step %scan3A_266 iter_args(%scan3A_337 = %broadcast_in_dim3A_256, %scan3A_338 = %broadcast_in_dim3A_258, %scan3A_339 = %broadcast_in_dim3A_260, %scan3A_340 = %broadcast_in_dim3A_262) -> (vector<16xf32>, vector<16xf32>, vector<16xf32>, vector<16xf32>)  : i32 {
          %get3A_341 = arith.index_cast %scan3A_336 : i32 to index
          %get3A_342 = arith.constant 80 : index
          %get3A_343 = tpu.vector_load %arg15[%get3A_341, %get3A_342] {strides = array<i32>} : memref<64x128xf32, #tpu.memory_space<vmem>>, vector<16xf32>,
          %mul3A_344 = arith.constant 16 : i32
          %mul3A_345 = arith.muli %scan3A_336, %mul3A_344 : i32
          %add3A_346 = arith.constant 0 : i32
          %add3A_347 = arith.addi %add3A_346, %mul3A_345 : i32
          %get3A_348 = arith.index_cast %add3A_347 : i32 to index
          %get3A_349 = tpu.vector_load %arg16[%get3A_348] {strides = array<i32>} : memref<4096xf32, #tpu.memory_space<vmem>>, vector<16xf32>,
          %mul3A_350 = arith.mulf %get3A_343, %get3A_349 : vector<16xf32>
          %add3A_351 = arith.addf %scan3A_337, %mul3A_350 : vector<16xf32>
          %mul3A_352 = arith.constant 16 : i32
          %mul3A_353 = arith.muli %scan3A_336, %mul3A_352 : i32
          %add3A_354 = arith.constant 1024 : i32
          %add3A_355 = arith.addi %add3A_354, %mul3A_353 : i32
          %get3A_356 = arith.index_cast %add3A_355 : i32 to index
          %get3A_357 = tpu.vector_load %arg16[%get3A_356] {strides = array<i32>} : memref<4096xf32, #tpu.memory_space<vmem>>, vector<16xf32>,
          %mul3A_358 = arith.mulf %get3A_343, %get3A_357 : vector<16xf32>
          %add3A_359 = arith.addf %scan3A_338, %mul3A_358 : vector<16xf32>
          %mul3A_360 = arith.constant 16 : i32
          %mul3A_361 = arith.muli %scan3A_336, %mul3A_360 : i32
          %add3A_362 = arith.constant 2048 : i32
          %add3A_363 = arith.addi %add3A_362, %mul3A_361 : i32
          %get3A_364 = arith.index_cast %add3A_363 : i32 to index
          %get3A_365 = tpu.vector_load %arg16[%get3A_364] {strides = array<i32>} : memref<4096xf32, #tpu.memory_space<vmem>>, vector<16xf32>,
          %mul3A_366 = arith.mulf %get3A_343, %get3A_365 : vector<16xf32>
          %add3A_367 = arith.addf %scan3A_339, %mul3A_366 : vector<16xf32>
          %mul3A_368 = arith.constant 16 : i32
          %mul3A_369 = arith.muli %scan3A_336, %mul3A_368 : i32
          %add3A_370 = arith.constant 3072 : i32
          %add3A_371 = arith.addi %add3A_370, %mul3A_369 : i32
          %get3A_372 = arith.index_cast %add3A_371 : i32 to index
          %get3A_373 = tpu.vector_load %arg16[%get3A_372] {strides = array<i32>} : memref<4096xf32, #tpu.memory_space<vmem>>, vector<16xf32>,
          %mul3A_374 = arith.mulf %get3A_343, %get3A_373 : vector<16xf32>
          %add3A_375 = arith.addf %scan3A_340, %mul3A_374 : vector<16xf32>
          scf.yield %add3A_351, %add3A_359, %add3A_367, %add3A_375 : vector<16xf32>, vector<16xf32>, vector<16xf32>, vector<16xf32>
        }
        %scan3A_268 = arith.constant 64 : i32
        %ne3A_269 = arith.constant 0.000000e+00 : f32
        %ne3A_270 = vector.broadcast %ne3A_269 : f32 to vector<16xf32>
        %ne3A_271 = arith.cmpf one, %get3A_188, %ne3A_270 : vector<16xf32>
        %neg3A = arith.constant 0.000000e+00 : f32
        %neg3A_272 = vector.broadcast %neg3A : f32 to vector<16xf32>
        %neg3A_273 = arith.subf %neg3A_272, %scan3A_267#0 : vector<16xf32>
        %exp3A = math.exp %neg3A_273 : vector<16xf32>
        %add3A_274 = arith.constant 1.000000e+00 : f32
        %add3A_275 = vector.broadcast %add3A_274 : f32 to vector<16xf32>
        %add3A_276 = arith.addf %add3A_275, %exp3A : vector<16xf32>
        %div3A = arith.constant 1.000000e+00 : f32
        %div3A_277 = vector.broadcast %div3A : f32 to vector<16xf32>
        %div3A_278 = arith.divf %div3A_277, %add3A_276 : vector<16xf32>
        %mul3A_279 = arith.mulf %div3A_278, %get3A_188 : vector<16xf32>
        %jit3A = arith.constant 0.000000e+00 : f32
        %broadcast_in_dim3A_280 = vector.broadcast %jit3A : f32 to vector<16xf32>
        %select_n3A = arith.select %ne3A_271, %mul3A_279, %broadcast_in_dim3A_280 : vector<16xi1>, vector<16xf32>
        %add3A_281 = arith.addf %cond3A_182#0, %select_n3A : vector<16xf32>
        %ne3A_282 = arith.constant 0.000000e+00 : f32
        %ne3A_283 = vector.broadcast %ne3A_282 : f32 to vector<16xf32>
        %ne3A_284 = arith.cmpf one, %get3A_188, %ne3A_283 : vector<16xf32>
        %neg3A_285 = arith.constant 0.000000e+00 : f32
        %neg3A_286 = vector.broadcast %neg3A_285 : f32 to vector<16xf32>
        %neg3A_287 = arith.subf %neg3A_286, %scan3A_267#1 : vector<16xf32>
        %exp3A_288 = math.exp %neg3A_287 : vector<16xf32>
        %add3A_289 = arith.constant 1.000000e+00 : f32
        %add3A_290 = vector.broadcast %add3A_289 : f32 to vector<16xf32>
        %add3A_291 = arith.addf %add3A_290, %exp3A_288 : vector<16xf32>
        %div3A_292 = arith.constant 1.000000e+00 : f32
        %div3A_293 = vector.broadcast %div3A_292 : f32 to vector<16xf32>
        %div3A_294 = arith.divf %div3A_293, %add3A_291 : vector<16xf32>
        %mul3A_295 = arith.mulf %div3A_294, %get3A_188 : vector<16xf32>
        %jit3A_296 = arith.constant 0.000000e+00 : f32
        %broadcast_in_dim3A_297 = vector.broadcast %jit3A_296 : f32 to vector<16xf32>
        %select_n3A_298 = arith.select %ne3A_284, %mul3A_295, %broadcast_in_dim3A_297 : vector<16xi1>, vector<16xf32>
        %add3A_299 = arith.addf %cond3A_182#1, %select_n3A_298 : vector<16xf32>
        %ne3A_300 = arith.constant 0.000000e+00 : f32
        %ne3A_301 = vector.broadcast %ne3A_300 : f32 to vector<16xf32>
        %ne3A_302 = arith.cmpf one, %get3A_188, %ne3A_301 : vector<16xf32>
        %neg3A_303 = arith.constant 0.000000e+00 : f32
        %neg3A_304 = vector.broadcast %neg3A_303 : f32 to vector<16xf32>
        %neg3A_305 = arith.subf %neg3A_304, %scan3A_267#2 : vector<16xf32>
        %exp3A_306 = math.exp %neg3A_305 : vector<16xf32>
        %add3A_307 = arith.constant 1.000000e+00 : f32
        %add3A_308 = vector.broadcast %add3A_307 : f32 to vector<16xf32>
        %add3A_309 = arith.addf %add3A_308, %exp3A_306 : vector<16xf32>
        %div3A_310 = arith.constant 1.000000e+00 : f32
        %div3A_311 = vector.broadcast %div3A_310 : f32 to vector<16xf32>
        %div3A_312 = arith.divf %div3A_311, %add3A_309 : vector<16xf32>
        %mul3A_313 = arith.mulf %div3A_312, %get3A_188 : vector<16xf32>
        %jit3A_314 = arith.constant 0.000000e+00 : f32
        %broadcast_in_dim3A_315 = vector.broadcast %jit3A_314 : f32 to vector<16xf32>
        %select_n3A_316 = arith.select %ne3A_302, %mul3A_313, %broadcast_in_dim3A_315 : vector<16xi1>, vector<16xf32>
        %add3A_317 = arith.addf %cond3A_182#2, %select_n3A_316 : vector<16xf32>
        %ne3A_318 = arith.constant 0.000000e+00 : f32
        %ne3A_319 = vector.broadcast %ne3A_318 : f32 to vector<16xf32>
        %ne3A_320 = arith.cmpf one, %get3A_188, %ne3A_319 : vector<16xf32>
        %neg3A_321 = arith.constant 0.000000e+00 : f32
        %neg3A_322 = vector.broadcast %neg3A_321 : f32 to vector<16xf32>
        %neg3A_323 = arith.subf %neg3A_322, %scan3A_267#3 : vector<16xf32>
        %exp3A_324 = math.exp %neg3A_323 : vector<16xf32>
        %add3A_325 = arith.constant 1.000000e+00 : f32
        %add3A_326 = vector.broadcast %add3A_325 : f32 to vector<16xf32>
        %add3A_327 = arith.addf %add3A_326, %exp3A_324 : vector<16xf32>
        %div3A_328 = arith.constant 1.000000e+00 : f32
        %div3A_329 = vector.broadcast %div3A_328 : f32 to vector<16xf32>
        %div3A_330 = arith.divf %div3A_329, %add3A_327 : vector<16xf32>
        %mul3A_331 = arith.mulf %div3A_330, %get3A_188 : vector<16xf32>
        %jit3A_332 = arith.constant 0.000000e+00 : f32
        %broadcast_in_dim3A_333 = vector.broadcast %jit3A_332 : f32 to vector<16xf32>
        %select_n3A_334 = arith.select %ne3A_320, %mul3A_331, %broadcast_in_dim3A_333 : vector<16xi1>, vector<16xf32>
        %add3A_335 = arith.addf %cond3A_182#3, %select_n3A_334 : vector<16xf32>
        scf.yield %add3A_281, %add3A_299, %add3A_317, %add3A_335 : vector<16xf32>, vector<16xf32>, vector<16xf32>, vector<16xf32>
      } else {
        scf.yield %cond3A_182#0, %cond3A_182#1, %cond3A_182#2, %cond3A_182#3 : vector<16xf32>, vector<16xf32>, vector<16xf32>, vector<16xf32>
      }
      %mul3A_207 = arith.constant 128 : i32
      %mul3A_208 = arith.muli %while3A_51, %mul3A_207 : i32
      %add3A_209 = arith.constant 96 : i32
      %add3A_210 = arith.addi %mul3A_208, %add3A_209 : i32
      %get3A_211 = arith.index_cast %add3A_210 : i32 to index
      %get3A_212 = tpu.vector_load %arg13[%get3A_211] {strides = array<i32>} : memref<5376xf32, #tpu.memory_space<vmem>>, vector<16xf32>,
      %ne3A_213 = arith.constant 0.000000e+00 : f32
      %ne3A_214 = vector.broadcast %ne3A_213 : f32 to vector<16xf32>
      %ne3A_215 = arith.cmpf one, %get3A_212, %ne3A_214 : vector<16xf32>
      %reduce_or3A_216 = arith.constant 1.000000e+00 : f32
      %reduce_or3A_217 = arith.constant 0.000000e+00 : f32
      %reduce_or3A_218 = vector.broadcast %reduce_or3A_216 : f32 to vector<16xf32>
      %reduce_or3A_219 = vector.broadcast %reduce_or3A_217 : f32 to vector<16xf32>
      %reduce_or3A_220 = arith.select %ne3A_215, %reduce_or3A_218, %reduce_or3A_219 : vector<16xi1>, vector<16xf32>
      %reduce_or3A_221 = arith.constant true
      %reduce_or3A_222 = vector.broadcast %reduce_or3A_221 : i1 to vector<16xi1>
      %reduce_or3A_223 = tpu.scan <max>, %reduce_or3A_220 masked %reduce_or3A_222 : vector<16xf32>, vector<16xi1> -> vector<16xf32>
      %reduce_or3A_224 = vector.extract %reduce_or3A_223[15] : f32 from vector<16xf32>
      %reduce_or3A_225 = arith.constant 0.000000e+00 : f32
      %reduce_or3A_226 = arith.cmpf ogt, %reduce_or3A_224, %reduce_or3A_225 : f32
      %convert_element_type3A_227 = arith.extui %reduce_or3A_226 : i1 to i32
      %cond3A_228 = arith.constant 0 : i32
      %cond3A_229 = arith.cmpi ne, %convert_element_type3A_227, %cond3A_228 : i32
      %cond3A_230:4 = scf.if %cond3A_229 -> (vector<16xf32>, vector<16xf32>, vector<16xf32>, vector<16xf32>) {
        %broadcast_in_dim3A_255 = arith.constant 0.000000e+00 : f32
        %broadcast_in_dim3A_256 = vector.broadcast %broadcast_in_dim3A_255 : f32 to vector<16xf32>
        %broadcast_in_dim3A_257 = arith.constant 0.000000e+00 : f32
        %broadcast_in_dim3A_258 = vector.broadcast %broadcast_in_dim3A_257 : f32 to vector<16xf32>
        %broadcast_in_dim3A_259 = arith.constant 0.000000e+00 : f32
        %broadcast_in_dim3A_260 = vector.broadcast %broadcast_in_dim3A_259 : f32 to vector<16xf32>
        %broadcast_in_dim3A_261 = arith.constant 0.000000e+00 : f32
        %broadcast_in_dim3A_262 = vector.broadcast %broadcast_in_dim3A_261 : f32 to vector<16xf32>
        %scan3A_263 = arith.constant 0 : i32
        %scan3A_264 = arith.constant 64 : i32
        %scan3A_265 = arith.addi %scan3A_263, %scan3A_264 : i32
        %scan3A_266 = arith.constant 1 : i32
        %scan3A_267:4 = scf.for %scan3A_336 = %scan3A_263 to %scan3A_265 step %scan3A_266 iter_args(%scan3A_337 = %broadcast_in_dim3A_256, %scan3A_338 = %broadcast_in_dim3A_258, %scan3A_339 = %broadcast_in_dim3A_260, %scan3A_340 = %broadcast_in_dim3A_262) -> (vector<16xf32>, vector<16xf32>, vector<16xf32>, vector<16xf32>)  : i32 {
          %get3A_341 = arith.index_cast %scan3A_336 : i32 to index
          %get3A_342 = arith.constant 96 : index
          %get3A_343 = tpu.vector_load %arg15[%get3A_341, %get3A_342] {strides = array<i32>} : memref<64x128xf32, #tpu.memory_space<vmem>>, vector<16xf32>,
          %mul3A_344 = arith.constant 16 : i32
          %mul3A_345 = arith.muli %scan3A_336, %mul3A_344 : i32
          %add3A_346 = arith.constant 0 : i32
          %add3A_347 = arith.addi %add3A_346, %mul3A_345 : i32
          %get3A_348 = arith.index_cast %add3A_347 : i32 to index
          %get3A_349 = tpu.vector_load %arg16[%get3A_348] {strides = array<i32>} : memref<4096xf32, #tpu.memory_space<vmem>>, vector<16xf32>,
          %mul3A_350 = arith.mulf %get3A_343, %get3A_349 : vector<16xf32>
          %add3A_351 = arith.addf %scan3A_337, %mul3A_350 : vector<16xf32>
          %mul3A_352 = arith.constant 16 : i32
          %mul3A_353 = arith.muli %scan3A_336, %mul3A_352 : i32
          %add3A_354 = arith.constant 1024 : i32
          %add3A_355 = arith.addi %add3A_354, %mul3A_353 : i32
          %get3A_356 = arith.index_cast %add3A_355 : i32 to index
          %get3A_357 = tpu.vector_load %arg16[%get3A_356] {strides = array<i32>} : memref<4096xf32, #tpu.memory_space<vmem>>, vector<16xf32>,
          %mul3A_358 = arith.mulf %get3A_343, %get3A_357 : vector<16xf32>
          %add3A_359 = arith.addf %scan3A_338, %mul3A_358 : vector<16xf32>
          %mul3A_360 = arith.constant 16 : i32
          %mul3A_361 = arith.muli %scan3A_336, %mul3A_360 : i32
          %add3A_362 = arith.constant 2048 : i32
          %add3A_363 = arith.addi %add3A_362, %mul3A_361 : i32
          %get3A_364 = arith.index_cast %add3A_363 : i32 to index
          %get3A_365 = tpu.vector_load %arg16[%get3A_364] {strides = array<i32>} : memref<4096xf32, #tpu.memory_space<vmem>>, vector<16xf32>,
          %mul3A_366 = arith.mulf %get3A_343, %get3A_365 : vector<16xf32>
          %add3A_367 = arith.addf %scan3A_339, %mul3A_366 : vector<16xf32>
          %mul3A_368 = arith.constant 16 : i32
          %mul3A_369 = arith.muli %scan3A_336, %mul3A_368 : i32
          %add3A_370 = arith.constant 3072 : i32
          %add3A_371 = arith.addi %add3A_370, %mul3A_369 : i32
          %get3A_372 = arith.index_cast %add3A_371 : i32 to index
          %get3A_373 = tpu.vector_load %arg16[%get3A_372] {strides = array<i32>} : memref<4096xf32, #tpu.memory_space<vmem>>, vector<16xf32>,
          %mul3A_374 = arith.mulf %get3A_343, %get3A_373 : vector<16xf32>
          %add3A_375 = arith.addf %scan3A_340, %mul3A_374 : vector<16xf32>
          scf.yield %add3A_351, %add3A_359, %add3A_367, %add3A_375 : vector<16xf32>, vector<16xf32>, vector<16xf32>, vector<16xf32>
        }
        %scan3A_268 = arith.constant 64 : i32
        %ne3A_269 = arith.constant 0.000000e+00 : f32
        %ne3A_270 = vector.broadcast %ne3A_269 : f32 to vector<16xf32>
        %ne3A_271 = arith.cmpf one, %get3A_212, %ne3A_270 : vector<16xf32>
        %neg3A = arith.constant 0.000000e+00 : f32
        %neg3A_272 = vector.broadcast %neg3A : f32 to vector<16xf32>
        %neg3A_273 = arith.subf %neg3A_272, %scan3A_267#0 : vector<16xf32>
        %exp3A = math.exp %neg3A_273 : vector<16xf32>
        %add3A_274 = arith.constant 1.000000e+00 : f32
        %add3A_275 = vector.broadcast %add3A_274 : f32 to vector<16xf32>
        %add3A_276 = arith.addf %add3A_275, %exp3A : vector<16xf32>
        %div3A = arith.constant 1.000000e+00 : f32
        %div3A_277 = vector.broadcast %div3A : f32 to vector<16xf32>
        %div3A_278 = arith.divf %div3A_277, %add3A_276 : vector<16xf32>
        %mul3A_279 = arith.mulf %div3A_278, %get3A_212 : vector<16xf32>
        %jit3A = arith.constant 0.000000e+00 : f32
        %broadcast_in_dim3A_280 = vector.broadcast %jit3A : f32 to vector<16xf32>
        %select_n3A = arith.select %ne3A_271, %mul3A_279, %broadcast_in_dim3A_280 : vector<16xi1>, vector<16xf32>
        %add3A_281 = arith.addf %cond3A_206#0, %select_n3A : vector<16xf32>
        %ne3A_282 = arith.constant 0.000000e+00 : f32
        %ne3A_283 = vector.broadcast %ne3A_282 : f32 to vector<16xf32>
        %ne3A_284 = arith.cmpf one, %get3A_212, %ne3A_283 : vector<16xf32>
        %neg3A_285 = arith.constant 0.000000e+00 : f32
        %neg3A_286 = vector.broadcast %neg3A_285 : f32 to vector<16xf32>
        %neg3A_287 = arith.subf %neg3A_286, %scan3A_267#1 : vector<16xf32>
        %exp3A_288 = math.exp %neg3A_287 : vector<16xf32>
        %add3A_289 = arith.constant 1.000000e+00 : f32
        %add3A_290 = vector.broadcast %add3A_289 : f32 to vector<16xf32>
        %add3A_291 = arith.addf %add3A_290, %exp3A_288 : vector<16xf32>
        %div3A_292 = arith.constant 1.000000e+00 : f32
        %div3A_293 = vector.broadcast %div3A_292 : f32 to vector<16xf32>
        %div3A_294 = arith.divf %div3A_293, %add3A_291 : vector<16xf32>
        %mul3A_295 = arith.mulf %div3A_294, %get3A_212 : vector<16xf32>
        %jit3A_296 = arith.constant 0.000000e+00 : f32
        %broadcast_in_dim3A_297 = vector.broadcast %jit3A_296 : f32 to vector<16xf32>
        %select_n3A_298 = arith.select %ne3A_284, %mul3A_295, %broadcast_in_dim3A_297 : vector<16xi1>, vector<16xf32>
        %add3A_299 = arith.addf %cond3A_206#1, %select_n3A_298 : vector<16xf32>
        %ne3A_300 = arith.constant 0.000000e+00 : f32
        %ne3A_301 = vector.broadcast %ne3A_300 : f32 to vector<16xf32>
        %ne3A_302 = arith.cmpf one, %get3A_212, %ne3A_301 : vector<16xf32>
        %neg3A_303 = arith.constant 0.000000e+00 : f32
        %neg3A_304 = vector.broadcast %neg3A_303 : f32 to vector<16xf32>
        %neg3A_305 = arith.subf %neg3A_304, %scan3A_267#2 : vector<16xf32>
        %exp3A_306 = math.exp %neg3A_305 : vector<16xf32>
        %add3A_307 = arith.constant 1.000000e+00 : f32
        %add3A_308 = vector.broadcast %add3A_307 : f32 to vector<16xf32>
        %add3A_309 = arith.addf %add3A_308, %exp3A_306 : vector<16xf32>
        %div3A_310 = arith.constant 1.000000e+00 : f32
        %div3A_311 = vector.broadcast %div3A_310 : f32 to vector<16xf32>
        %div3A_312 = arith.divf %div3A_311, %add3A_309 : vector<16xf32>
        %mul3A_313 = arith.mulf %div3A_312, %get3A_212 : vector<16xf32>
        %jit3A_314 = arith.constant 0.000000e+00 : f32
        %broadcast_in_dim3A_315 = vector.broadcast %jit3A_314 : f32 to vector<16xf32>
        %select_n3A_316 = arith.select %ne3A_302, %mul3A_313, %broadcast_in_dim3A_315 : vector<16xi1>, vector<16xf32>
        %add3A_317 = arith.addf %cond3A_206#2, %select_n3A_316 : vector<16xf32>
        %ne3A_318 = arith.constant 0.000000e+00 : f32
        %ne3A_319 = vector.broadcast %ne3A_318 : f32 to vector<16xf32>
        %ne3A_320 = arith.cmpf one, %get3A_212, %ne3A_319 : vector<16xf32>
        %neg3A_321 = arith.constant 0.000000e+00 : f32
        %neg3A_322 = vector.broadcast %neg3A_321 : f32 to vector<16xf32>
        %neg3A_323 = arith.subf %neg3A_322, %scan3A_267#3 : vector<16xf32>
        %exp3A_324 = math.exp %neg3A_323 : vector<16xf32>
        %add3A_325 = arith.constant 1.000000e+00 : f32
        %add3A_326 = vector.broadcast %add3A_325 : f32 to vector<16xf32>
        %add3A_327 = arith.addf %add3A_326, %exp3A_324 : vector<16xf32>
        %div3A_328 = arith.constant 1.000000e+00 : f32
        %div3A_329 = vector.broadcast %div3A_328 : f32 to vector<16xf32>
        %div3A_330 = arith.divf %div3A_329, %add3A_327 : vector<16xf32>
        %mul3A_331 = arith.mulf %div3A_330, %get3A_212 : vector<16xf32>
        %jit3A_332 = arith.constant 0.000000e+00 : f32
        %broadcast_in_dim3A_333 = vector.broadcast %jit3A_332 : f32 to vector<16xf32>
        %select_n3A_334 = arith.select %ne3A_320, %mul3A_331, %broadcast_in_dim3A_333 : vector<16xi1>, vector<16xf32>
        %add3A_335 = arith.addf %cond3A_206#3, %select_n3A_334 : vector<16xf32>
        scf.yield %add3A_281, %add3A_299, %add3A_317, %add3A_335 : vector<16xf32>, vector<16xf32>, vector<16xf32>, vector<16xf32>
      } else {
        scf.yield %cond3A_206#0, %cond3A_206#1, %cond3A_206#2, %cond3A_206#3 : vector<16xf32>, vector<16xf32>, vector<16xf32>, vector<16xf32>
      }
      %mul3A_231 = arith.constant 128 : i32
      %mul3A_232 = arith.muli %while3A_51, %mul3A_231 : i32
      %add3A_233 = arith.constant 112 : i32
      %add3A_234 = arith.addi %mul3A_232, %add3A_233 : i32
      %get3A_235 = arith.index_cast %add3A_234 : i32 to index
      %get3A_236 = tpu.vector_load %arg13[%get3A_235] {strides = array<i32>} : memref<5376xf32, #tpu.memory_space<vmem>>, vector<16xf32>,
      %ne3A_237 = arith.constant 0.000000e+00 : f32
      %ne3A_238 = vector.broadcast %ne3A_237 : f32 to vector<16xf32>
      %ne3A_239 = arith.cmpf one, %get3A_236, %ne3A_238 : vector<16xf32>
      %reduce_or3A_240 = arith.constant 1.000000e+00 : f32
      %reduce_or3A_241 = arith.constant 0.000000e+00 : f32
      %reduce_or3A_242 = vector.broadcast %reduce_or3A_240 : f32 to vector<16xf32>
      %reduce_or3A_243 = vector.broadcast %reduce_or3A_241 : f32 to vector<16xf32>
      %reduce_or3A_244 = arith.select %ne3A_239, %reduce_or3A_242, %reduce_or3A_243 : vector<16xi1>, vector<16xf32>
      %reduce_or3A_245 = arith.constant true
      %reduce_or3A_246 = vector.broadcast %reduce_or3A_245 : i1 to vector<16xi1>
      %reduce_or3A_247 = tpu.scan <max>, %reduce_or3A_244 masked %reduce_or3A_246 : vector<16xf32>, vector<16xi1> -> vector<16xf32>
      %reduce_or3A_248 = vector.extract %reduce_or3A_247[15] : f32 from vector<16xf32>
      %reduce_or3A_249 = arith.constant 0.000000e+00 : f32
      %reduce_or3A_250 = arith.cmpf ogt, %reduce_or3A_248, %reduce_or3A_249 : f32
      %convert_element_type3A_251 = arith.extui %reduce_or3A_250 : i1 to i32
      %cond3A_252 = arith.constant 0 : i32
      %cond3A_253 = arith.cmpi ne, %convert_element_type3A_251, %cond3A_252 : i32
      %cond3A_254:4 = scf.if %cond3A_253 -> (vector<16xf32>, vector<16xf32>, vector<16xf32>, vector<16xf32>) {
        %broadcast_in_dim3A_255 = arith.constant 0.000000e+00 : f32
        %broadcast_in_dim3A_256 = vector.broadcast %broadcast_in_dim3A_255 : f32 to vector<16xf32>
        %broadcast_in_dim3A_257 = arith.constant 0.000000e+00 : f32
        %broadcast_in_dim3A_258 = vector.broadcast %broadcast_in_dim3A_257 : f32 to vector<16xf32>
        %broadcast_in_dim3A_259 = arith.constant 0.000000e+00 : f32
        %broadcast_in_dim3A_260 = vector.broadcast %broadcast_in_dim3A_259 : f32 to vector<16xf32>
        %broadcast_in_dim3A_261 = arith.constant 0.000000e+00 : f32
        %broadcast_in_dim3A_262 = vector.broadcast %broadcast_in_dim3A_261 : f32 to vector<16xf32>
        %scan3A_263 = arith.constant 0 : i32
        %scan3A_264 = arith.constant 64 : i32
        %scan3A_265 = arith.addi %scan3A_263, %scan3A_264 : i32
        %scan3A_266 = arith.constant 1 : i32
        %scan3A_267:4 = scf.for %scan3A_336 = %scan3A_263 to %scan3A_265 step %scan3A_266 iter_args(%scan3A_337 = %broadcast_in_dim3A_256, %scan3A_338 = %broadcast_in_dim3A_258, %scan3A_339 = %broadcast_in_dim3A_260, %scan3A_340 = %broadcast_in_dim3A_262) -> (vector<16xf32>, vector<16xf32>, vector<16xf32>, vector<16xf32>)  : i32 {
          %get3A_341 = arith.index_cast %scan3A_336 : i32 to index
          %get3A_342 = arith.constant 112 : index
          %get3A_343 = tpu.vector_load %arg15[%get3A_341, %get3A_342] {strides = array<i32>} : memref<64x128xf32, #tpu.memory_space<vmem>>, vector<16xf32>,
          %mul3A_344 = arith.constant 16 : i32
          %mul3A_345 = arith.muli %scan3A_336, %mul3A_344 : i32
          %add3A_346 = arith.constant 0 : i32
          %add3A_347 = arith.addi %add3A_346, %mul3A_345 : i32
          %get3A_348 = arith.index_cast %add3A_347 : i32 to index
          %get3A_349 = tpu.vector_load %arg16[%get3A_348] {strides = array<i32>} : memref<4096xf32, #tpu.memory_space<vmem>>, vector<16xf32>,
          %mul3A_350 = arith.mulf %get3A_343, %get3A_349 : vector<16xf32>
          %add3A_351 = arith.addf %scan3A_337, %mul3A_350 : vector<16xf32>
          %mul3A_352 = arith.constant 16 : i32
          %mul3A_353 = arith.muli %scan3A_336, %mul3A_352 : i32
          %add3A_354 = arith.constant 1024 : i32
          %add3A_355 = arith.addi %add3A_354, %mul3A_353 : i32
          %get3A_356 = arith.index_cast %add3A_355 : i32 to index
          %get3A_357 = tpu.vector_load %arg16[%get3A_356] {strides = array<i32>} : memref<4096xf32, #tpu.memory_space<vmem>>, vector<16xf32>,
          %mul3A_358 = arith.mulf %get3A_343, %get3A_357 : vector<16xf32>
          %add3A_359 = arith.addf %scan3A_338, %mul3A_358 : vector<16xf32>
          %mul3A_360 = arith.constant 16 : i32
          %mul3A_361 = arith.muli %scan3A_336, %mul3A_360 : i32
          %add3A_362 = arith.constant 2048 : i32
          %add3A_363 = arith.addi %add3A_362, %mul3A_361 : i32
          %get3A_364 = arith.index_cast %add3A_363 : i32 to index
          %get3A_365 = tpu.vector_load %arg16[%get3A_364] {strides = array<i32>} : memref<4096xf32, #tpu.memory_space<vmem>>, vector<16xf32>,
          %mul3A_366 = arith.mulf %get3A_343, %get3A_365 : vector<16xf32>
          %add3A_367 = arith.addf %scan3A_339, %mul3A_366 : vector<16xf32>
          %mul3A_368 = arith.constant 16 : i32
          %mul3A_369 = arith.muli %scan3A_336, %mul3A_368 : i32
          %add3A_370 = arith.constant 3072 : i32
          %add3A_371 = arith.addi %add3A_370, %mul3A_369 : i32
          %get3A_372 = arith.index_cast %add3A_371 : i32 to index
          %get3A_373 = tpu.vector_load %arg16[%get3A_372] {strides = array<i32>} : memref<4096xf32, #tpu.memory_space<vmem>>, vector<16xf32>,
          %mul3A_374 = arith.mulf %get3A_343, %get3A_373 : vector<16xf32>
          %add3A_375 = arith.addf %scan3A_340, %mul3A_374 : vector<16xf32>
          scf.yield %add3A_351, %add3A_359, %add3A_367, %add3A_375 : vector<16xf32>, vector<16xf32>, vector<16xf32>, vector<16xf32>
        }
        %scan3A_268 = arith.constant 64 : i32
        %ne3A_269 = arith.constant 0.000000e+00 : f32
        %ne3A_270 = vector.broadcast %ne3A_269 : f32 to vector<16xf32>
        %ne3A_271 = arith.cmpf one, %get3A_236, %ne3A_270 : vector<16xf32>
        %neg3A = arith.constant 0.000000e+00 : f32
        %neg3A_272 = vector.broadcast %neg3A : f32 to vector<16xf32>
        %neg3A_273 = arith.subf %neg3A_272, %scan3A_267#0 : vector<16xf32>
        %exp3A = math.exp %neg3A_273 : vector<16xf32>
        %add3A_274 = arith.constant 1.000000e+00 : f32
        %add3A_275 = vector.broadcast %add3A_274 : f32 to vector<16xf32>
        %add3A_276 = arith.addf %add3A_275, %exp3A : vector<16xf32>
        %div3A = arith.constant 1.000000e+00 : f32
        %div3A_277 = vector.broadcast %div3A : f32 to vector<16xf32>
        %div3A_278 = arith.divf %div3A_277, %add3A_276 : vector<16xf32>
        %mul3A_279 = arith.mulf %div3A_278, %get3A_236 : vector<16xf32>
        %jit3A = arith.constant 0.000000e+00 : f32
        %broadcast_in_dim3A_280 = vector.broadcast %jit3A : f32 to vector<16xf32>
        %select_n3A = arith.select %ne3A_271, %mul3A_279, %broadcast_in_dim3A_280 : vector<16xi1>, vector<16xf32>
        %add3A_281 = arith.addf %cond3A_230#0, %select_n3A : vector<16xf32>
        %ne3A_282 = arith.constant 0.000000e+00 : f32
        %ne3A_283 = vector.broadcast %ne3A_282 : f32 to vector<16xf32>
        %ne3A_284 = arith.cmpf one, %get3A_236, %ne3A_283 : vector<16xf32>
        %neg3A_285 = arith.constant 0.000000e+00 : f32
        %neg3A_286 = vector.broadcast %neg3A_285 : f32 to vector<16xf32>
        %neg3A_287 = arith.subf %neg3A_286, %scan3A_267#1 : vector<16xf32>
        %exp3A_288 = math.exp %neg3A_287 : vector<16xf32>
        %add3A_289 = arith.constant 1.000000e+00 : f32
        %add3A_290 = vector.broadcast %add3A_289 : f32 to vector<16xf32>
        %add3A_291 = arith.addf %add3A_290, %exp3A_288 : vector<16xf32>
        %div3A_292 = arith.constant 1.000000e+00 : f32
        %div3A_293 = vector.broadcast %div3A_292 : f32 to vector<16xf32>
        %div3A_294 = arith.divf %div3A_293, %add3A_291 : vector<16xf32>
        %mul3A_295 = arith.mulf %div3A_294, %get3A_236 : vector<16xf32>
        %jit3A_296 = arith.constant 0.000000e+00 : f32
        %broadcast_in_dim3A_297 = vector.broadcast %jit3A_296 : f32 to vector<16xf32>
        %select_n3A_298 = arith.select %ne3A_284, %mul3A_295, %broadcast_in_dim3A_297 : vector<16xi1>, vector<16xf32>
        %add3A_299 = arith.addf %cond3A_230#1, %select_n3A_298 : vector<16xf32>
        %ne3A_300 = arith.constant 0.000000e+00 : f32
        %ne3A_301 = vector.broadcast %ne3A_300 : f32 to vector<16xf32>
        %ne3A_302 = arith.cmpf one, %get3A_236, %ne3A_301 : vector<16xf32>
        %neg3A_303 = arith.constant 0.000000e+00 : f32
        %neg3A_304 = vector.broadcast %neg3A_303 : f32 to vector<16xf32>
        %neg3A_305 = arith.subf %neg3A_304, %scan3A_267#2 : vector<16xf32>
        %exp3A_306 = math.exp %neg3A_305 : vector<16xf32>
        %add3A_307 = arith.constant 1.000000e+00 : f32
        %add3A_308 = vector.broadcast %add3A_307 : f32 to vector<16xf32>
        %add3A_309 = arith.addf %add3A_308, %exp3A_306 : vector<16xf32>
        %div3A_310 = arith.constant 1.000000e+00 : f32
        %div3A_311 = vector.broadcast %div3A_310 : f32 to vector<16xf32>
        %div3A_312 = arith.divf %div3A_311, %add3A_309 : vector<16xf32>
        %mul3A_313 = arith.mulf %div3A_312, %get3A_236 : vector<16xf32>
        %jit3A_314 = arith.constant 0.000000e+00 : f32
        %broadcast_in_dim3A_315 = vector.broadcast %jit3A_314 : f32 to vector<16xf32>
        %select_n3A_316 = arith.select %ne3A_302, %mul3A_313, %broadcast_in_dim3A_315 : vector<16xi1>, vector<16xf32>
        %add3A_317 = arith.addf %cond3A_230#2, %select_n3A_316 : vector<16xf32>
        %ne3A_318 = arith.constant 0.000000e+00 : f32
        %ne3A_319 = vector.broadcast %ne3A_318 : f32 to vector<16xf32>
        %ne3A_320 = arith.cmpf one, %get3A_236, %ne3A_319 : vector<16xf32>
        %neg3A_321 = arith.constant 0.000000e+00 : f32
        %neg3A_322 = vector.broadcast %neg3A_321 : f32 to vector<16xf32>
        %neg3A_323 = arith.subf %neg3A_322, %scan3A_267#3 : vector<16xf32>
        %exp3A_324 = math.exp %neg3A_323 : vector<16xf32>
        %add3A_325 = arith.constant 1.000000e+00 : f32
        %add3A_326 = vector.broadcast %add3A_325 : f32 to vector<16xf32>
        %add3A_327 = arith.addf %add3A_326, %exp3A_324 : vector<16xf32>
        %div3A_328 = arith.constant 1.000000e+00 : f32
        %div3A_329 = vector.broadcast %div3A_328 : f32 to vector<16xf32>
        %div3A_330 = arith.divf %div3A_329, %add3A_327 : vector<16xf32>
        %mul3A_331 = arith.mulf %div3A_330, %get3A_236 : vector<16xf32>
        %jit3A_332 = arith.constant 0.000000e+00 : f32
        %broadcast_in_dim3A_333 = vector.broadcast %jit3A_332 : f32 to vector<16xf32>
        %select_n3A_334 = arith.select %ne3A_320, %mul3A_331, %broadcast_in_dim3A_333 : vector<16xi1>, vector<16xf32>
        %add3A_335 = arith.addf %cond3A_230#3, %select_n3A_334 : vector<16xf32>
        scf.yield %add3A_281, %add3A_299, %add3A_317, %add3A_335 : vector<16xf32>, vector<16xf32>, vector<16xf32>, vector<16xf32>
      } else {
        scf.yield %cond3A_230#0, %cond3A_230#1, %cond3A_230#2, %cond3A_230#3 : vector<16xf32>, vector<16xf32>, vector<16xf32>, vector<16xf32>
      }
      scf.yield %cond3A_254#0, %cond3A_254#1, %cond3A_254#2, %cond3A_254#3 : vector<16xf32>, vector<16xf32>, vector<16xf32>, vector<16xf32>
    }
    %while3A_38 = arith.constant 1 : i32
    %while3A_39:4 = scf.for %while3A_51 = %while3A_35 to %while3A_31 step %while3A_38 iter_args(%while3A_52 = %while3A_37#0, %while3A_53 = %while3A_37#1, %while3A_54 = %while3A_37#2, %while3A_55 = %while3A_37#3) -> (vector<16xf32>, vector<16xf32>, vector<16xf32>, vector<16xf32>)  : i32 {
      %mul3A_56 = arith.constant 16 : i32
      %mul3A_57 = arith.muli %while3A_51, %mul3A_56 : i32
      %get3A = arith.index_cast %mul3A_57 : i32 to index
      %get3A_58 = tpu.vector_load %arg14[%get3A] {strides = array<i32>} : memref<672xi32, #tpu.memory_space<vmem>>, vector<16xi32>,
      %reduce_max3A_59 = arith.constant true
      %reduce_max3A_60 = vector.broadcast %reduce_max3A_59 : i1 to vector<16xi1>
      %reduce_max3A_61 = arith.constant -2147483648 : i32
      %reduce_max3A_62 = vector.broadcast %reduce_max3A_61 : i32 to vector<16xi32>
      %reduce_max3A_63 = arith.xori %get3A_58, %reduce_max3A_62 : vector<16xi32>
      %reduce_max3A_64 = tpu.scan <max>, %reduce_max3A_63 masked %reduce_max3A_60 : vector<16xi32>, vector<16xi1> -> vector<16xi32>
      %reduce_max3A_65 = arith.xori %reduce_max3A_64, %reduce_max3A_62 : vector<16xi32>
      %reduce_max3A_66 = vector.extract %reduce_max3A_65[15] : i32 from vector<16xi32>
      %multiple_of3A = tpu.assume_multiple %reduce_max3A_66, 128 : i32
      "tpu.region"() ({
        %run_scoped3A = tpu.sem_alloc : memref<!tpu.dma_semaphore, #tpu.memory_space<semaphore_mem>>
        %dma_start3A_255 = arith.constant 0 : i32
        %dma_start3A_256 = tpu.memref_slice %arg5[%dma_start3A_255, %multiple_of3A] : memref<64x167772xf32, #tpu.memory_space<hbm>> -> memref<64x128xf32, #tpu.memory_space<hbm>>
        %dma_start3A_257 = arith.constant 0 : i32
        %dma_start3A_258 = tpu.memref_slice %arg5[%dma_start3A_257, %multiple_of3A] : memref<64x167772xf32, #tpu.memory_space<hbm>> -> memref<64x128xf32, #tpu.memory_space<hbm>>
        tpu.enqueue_dma source(%dma_start3A_258 : memref<64x128xf32, #tpu.memory_space<hbm>>) target(%arg15 : memref<64x128xf32, #tpu.memory_space<vmem>>) target_semaphore(%run_scoped3A : memref<!tpu.dma_semaphore, #tpu.memory_space<semaphore_mem>>)
        %dma_wait3A_259 = arith.constant 0 : i32
        %dma_wait3A_260 = tpu.memref_slice %arg5[%dma_wait3A_259, %multiple_of3A] : memref<64x167772xf32, #tpu.memory_space<hbm>> -> memref<64x128xf32, #tpu.memory_space<hbm>>
        %dma_wait3A_261 = arith.constant 0 : i32
        %dma_wait3A_262 = tpu.memref_slice %arg5[%dma_wait3A_261, %multiple_of3A] : memref<64x167772xf32, #tpu.memory_space<hbm>> -> memref<64x128xf32, #tpu.memory_space<hbm>>
        tpu.wait_dma2 semaphore(%run_scoped3A : memref<!tpu.dma_semaphore, #tpu.memory_space<semaphore_mem>>) src(%dma_wait3A_262 : memref<64x128xf32, #tpu.memory_space<hbm>>) dst(%arg15 : memref<64x128xf32, #tpu.memory_space<vmem>>)
        tpu.yield
      }) : () -> ()
      %mul3A_67 = arith.constant 128 : i32
      %mul3A_68 = arith.muli %while3A_51, %mul3A_67 : i32
      %add3A_69 = arith.constant 0 : i32
      %add3A_70 = arith.addi %mul3A_68, %add3A_69 : i32
      %get3A_71 = arith.index_cast %add3A_70 : i32 to index
      %get3A_72 = tpu.vector_load %arg13[%get3A_71] {strides = array<i32>} : memref<5376xf32, #tpu.memory_space<vmem>>, vector<16xf32>,
      %ne3A = arith.constant 0.000000e+00 : f32
      %ne3A_73 = vector.broadcast %ne3A : f32 to vector<16xf32>
      %ne3A_74 = arith.cmpf one, %get3A_72, %ne3A_73 : vector<16xf32>
      %reduce_or3A = arith.constant 1.000000e+00 : f32
      %reduce_or3A_75 = arith.constant 0.000000e+00 : f32
      %reduce_or3A_76 = vector.broadcast %reduce_or3A : f32 to vector<16xf32>
      %reduce_or3A_77 = vector.broadcast %reduce_or3A_75 : f32 to vector<16xf32>
      %reduce_or3A_78 = arith.select %ne3A_74, %reduce_or3A_76, %reduce_or3A_77 : vector<16xi1>, vector<16xf32>
      %reduce_or3A_79 = arith.constant true
      %reduce_or3A_80 = vector.broadcast %reduce_or3A_79 : i1 to vector<16xi1>
      %reduce_or3A_81 = tpu.scan <max>, %reduce_or3A_78 masked %reduce_or3A_80 : vector<16xf32>, vector<16xi1> -> vector<16xf32>
      %reduce_or3A_82 = vector.extract %reduce_or3A_81[15] : f32 from vector<16xf32>
      %reduce_or3A_83 = arith.constant 0.000000e+00 : f32
      %reduce_or3A_84 = arith.cmpf ogt, %reduce_or3A_82, %reduce_or3A_83 : f32
      %convert_element_type3A = arith.extui %reduce_or3A_84 : i1 to i32
      %cond3A = arith.constant 0 : i32
      %cond3A_85 = arith.cmpi ne, %convert_element_type3A, %cond3A : i32
      %cond3A_86:4 = scf.if %cond3A_85 -> (vector<16xf32>, vector<16xf32>, vector<16xf32>, vector<16xf32>) {
        %broadcast_in_dim3A_255 = arith.constant 0.000000e+00 : f32
        %broadcast_in_dim3A_256 = vector.broadcast %broadcast_in_dim3A_255 : f32 to vector<16xf32>
        %broadcast_in_dim3A_257 = arith.constant 0.000000e+00 : f32
        %broadcast_in_dim3A_258 = vector.broadcast %broadcast_in_dim3A_257 : f32 to vector<16xf32>
        %broadcast_in_dim3A_259 = arith.constant 0.000000e+00 : f32
        %broadcast_in_dim3A_260 = vector.broadcast %broadcast_in_dim3A_259 : f32 to vector<16xf32>
        %broadcast_in_dim3A_261 = arith.constant 0.000000e+00 : f32
        %broadcast_in_dim3A_262 = vector.broadcast %broadcast_in_dim3A_261 : f32 to vector<16xf32>
        %scan3A_263 = arith.constant 0 : i32
        %scan3A_264 = arith.constant 64 : i32
        %scan3A_265 = arith.addi %scan3A_263, %scan3A_264 : i32
        %scan3A_266 = arith.constant 1 : i32
        %scan3A_267:4 = scf.for %scan3A_336 = %scan3A_263 to %scan3A_265 step %scan3A_266 iter_args(%scan3A_337 = %broadcast_in_dim3A_256, %scan3A_338 = %broadcast_in_dim3A_258, %scan3A_339 = %broadcast_in_dim3A_260, %scan3A_340 = %broadcast_in_dim3A_262) -> (vector<16xf32>, vector<16xf32>, vector<16xf32>, vector<16xf32>)  : i32 {
          %get3A_341 = arith.index_cast %scan3A_336 : i32 to index
          %get3A_342 = arith.constant 0 : index
          %get3A_343 = tpu.vector_load %arg15[%get3A_341, %get3A_342] {strides = array<i32>} : memref<64x128xf32, #tpu.memory_space<vmem>>, vector<16xf32>,
          %mul3A_344 = arith.constant 16 : i32
          %mul3A_345 = arith.muli %scan3A_336, %mul3A_344 : i32
          %add3A_346 = arith.constant 0 : i32
          %add3A_347 = arith.addi %add3A_346, %mul3A_345 : i32
          %get3A_348 = arith.index_cast %add3A_347 : i32 to index
          %get3A_349 = tpu.vector_load %arg16[%get3A_348] {strides = array<i32>} : memref<4096xf32, #tpu.memory_space<vmem>>, vector<16xf32>,
          %mul3A_350 = arith.mulf %get3A_343, %get3A_349 : vector<16xf32>
          %add3A_351 = arith.addf %scan3A_337, %mul3A_350 : vector<16xf32>
          %mul3A_352 = arith.constant 16 : i32
          %mul3A_353 = arith.muli %scan3A_336, %mul3A_352 : i32
          %add3A_354 = arith.constant 1024 : i32
          %add3A_355 = arith.addi %add3A_354, %mul3A_353 : i32
          %get3A_356 = arith.index_cast %add3A_355 : i32 to index
          %get3A_357 = tpu.vector_load %arg16[%get3A_356] {strides = array<i32>} : memref<4096xf32, #tpu.memory_space<vmem>>, vector<16xf32>,
          %mul3A_358 = arith.mulf %get3A_343, %get3A_357 : vector<16xf32>
          %add3A_359 = arith.addf %scan3A_338, %mul3A_358 : vector<16xf32>
          %mul3A_360 = arith.constant 16 : i32
          %mul3A_361 = arith.muli %scan3A_336, %mul3A_360 : i32
          %add3A_362 = arith.constant 2048 : i32
          %add3A_363 = arith.addi %add3A_362, %mul3A_361 : i32
          %get3A_364 = arith.index_cast %add3A_363 : i32 to index
          %get3A_365 = tpu.vector_load %arg16[%get3A_364] {strides = array<i32>} : memref<4096xf32, #tpu.memory_space<vmem>>, vector<16xf32>,
          %mul3A_366 = arith.mulf %get3A_343, %get3A_365 : vector<16xf32>
          %add3A_367 = arith.addf %scan3A_339, %mul3A_366 : vector<16xf32>
          %mul3A_368 = arith.constant 16 : i32
          %mul3A_369 = arith.muli %scan3A_336, %mul3A_368 : i32
          %add3A_370 = arith.constant 3072 : i32
          %add3A_371 = arith.addi %add3A_370, %mul3A_369 : i32
          %get3A_372 = arith.index_cast %add3A_371 : i32 to index
          %get3A_373 = tpu.vector_load %arg16[%get3A_372] {strides = array<i32>} : memref<4096xf32, #tpu.memory_space<vmem>>, vector<16xf32>,
          %mul3A_374 = arith.mulf %get3A_343, %get3A_373 : vector<16xf32>
          %add3A_375 = arith.addf %scan3A_340, %mul3A_374 : vector<16xf32>
          scf.yield %add3A_351, %add3A_359, %add3A_367, %add3A_375 : vector<16xf32>, vector<16xf32>, vector<16xf32>, vector<16xf32>
        }
        %scan3A_268 = arith.constant 64 : i32
        %ne3A_269 = arith.constant 0.000000e+00 : f32
        %ne3A_270 = vector.broadcast %ne3A_269 : f32 to vector<16xf32>
        %ne3A_271 = arith.cmpf one, %get3A_72, %ne3A_270 : vector<16xf32>
        %neg3A = arith.constant 0.000000e+00 : f32
        %neg3A_272 = vector.broadcast %neg3A : f32 to vector<16xf32>
        %neg3A_273 = arith.subf %neg3A_272, %scan3A_267#0 : vector<16xf32>
        %exp3A = math.exp %neg3A_273 : vector<16xf32>
        %add3A_274 = arith.constant 1.000000e+00 : f32
        %add3A_275 = vector.broadcast %add3A_274 : f32 to vector<16xf32>
        %add3A_276 = arith.addf %add3A_275, %exp3A : vector<16xf32>
        %div3A = arith.constant 1.000000e+00 : f32
        %div3A_277 = vector.broadcast %div3A : f32 to vector<16xf32>
        %div3A_278 = arith.divf %div3A_277, %add3A_276 : vector<16xf32>
        %mul3A_279 = arith.mulf %div3A_278, %get3A_72 : vector<16xf32>
        %jit3A = arith.constant 0.000000e+00 : f32
        %broadcast_in_dim3A_280 = vector.broadcast %jit3A : f32 to vector<16xf32>
        %select_n3A = arith.select %ne3A_271, %mul3A_279, %broadcast_in_dim3A_280 : vector<16xi1>, vector<16xf32>
        %add3A_281 = arith.addf %while3A_52, %select_n3A : vector<16xf32>
        %ne3A_282 = arith.constant 0.000000e+00 : f32
        %ne3A_283 = vector.broadcast %ne3A_282 : f32 to vector<16xf32>
        %ne3A_284 = arith.cmpf one, %get3A_72, %ne3A_283 : vector<16xf32>
        %neg3A_285 = arith.constant 0.000000e+00 : f32
        %neg3A_286 = vector.broadcast %neg3A_285 : f32 to vector<16xf32>
        %neg3A_287 = arith.subf %neg3A_286, %scan3A_267#1 : vector<16xf32>
        %exp3A_288 = math.exp %neg3A_287 : vector<16xf32>
        %add3A_289 = arith.constant 1.000000e+00 : f32
        %add3A_290 = vector.broadcast %add3A_289 : f32 to vector<16xf32>
        %add3A_291 = arith.addf %add3A_290, %exp3A_288 : vector<16xf32>
        %div3A_292 = arith.constant 1.000000e+00 : f32
        %div3A_293 = vector.broadcast %div3A_292 : f32 to vector<16xf32>
        %div3A_294 = arith.divf %div3A_293, %add3A_291 : vector<16xf32>
        %mul3A_295 = arith.mulf %div3A_294, %get3A_72 : vector<16xf32>
        %jit3A_296 = arith.constant 0.000000e+00 : f32
        %broadcast_in_dim3A_297 = vector.broadcast %jit3A_296 : f32 to vector<16xf32>
        %select_n3A_298 = arith.select %ne3A_284, %mul3A_295, %broadcast_in_dim3A_297 : vector<16xi1>, vector<16xf32>
        %add3A_299 = arith.addf %while3A_53, %select_n3A_298 : vector<16xf32>
        %ne3A_300 = arith.constant 0.000000e+00 : f32
        %ne3A_301 = vector.broadcast %ne3A_300 : f32 to vector<16xf32>
        %ne3A_302 = arith.cmpf one, %get3A_72, %ne3A_301 : vector<16xf32>
        %neg3A_303 = arith.constant 0.000000e+00 : f32
        %neg3A_304 = vector.broadcast %neg3A_303 : f32 to vector<16xf32>
        %neg3A_305 = arith.subf %neg3A_304, %scan3A_267#2 : vector<16xf32>
        %exp3A_306 = math.exp %neg3A_305 : vector<16xf32>
        %add3A_307 = arith.constant 1.000000e+00 : f32
        %add3A_308 = vector.broadcast %add3A_307 : f32 to vector<16xf32>
        %add3A_309 = arith.addf %add3A_308, %exp3A_306 : vector<16xf32>
        %div3A_310 = arith.constant 1.000000e+00 : f32
        %div3A_311 = vector.broadcast %div3A_310 : f32 to vector<16xf32>
        %div3A_312 = arith.divf %div3A_311, %add3A_309 : vector<16xf32>
        %mul3A_313 = arith.mulf %div3A_312, %get3A_72 : vector<16xf32>
        %jit3A_314 = arith.constant 0.000000e+00 : f32
        %broadcast_in_dim3A_315 = vector.broadcast %jit3A_314 : f32 to vector<16xf32>
        %select_n3A_316 = arith.select %ne3A_302, %mul3A_313, %broadcast_in_dim3A_315 : vector<16xi1>, vector<16xf32>
        %add3A_317 = arith.addf %while3A_54, %select_n3A_316 : vector<16xf32>
        %ne3A_318 = arith.constant 0.000000e+00 : f32
        %ne3A_319 = vector.broadcast %ne3A_318 : f32 to vector<16xf32>
        %ne3A_320 = arith.cmpf one, %get3A_72, %ne3A_319 : vector<16xf32>
        %neg3A_321 = arith.constant 0.000000e+00 : f32
        %neg3A_322 = vector.broadcast %neg3A_321 : f32 to vector<16xf32>
        %neg3A_323 = arith.subf %neg3A_322, %scan3A_267#3 : vector<16xf32>
        %exp3A_324 = math.exp %neg3A_323 : vector<16xf32>
        %add3A_325 = arith.constant 1.000000e+00 : f32
        %add3A_326 = vector.broadcast %add3A_325 : f32 to vector<16xf32>
        %add3A_327 = arith.addf %add3A_326, %exp3A_324 : vector<16xf32>
        %div3A_328 = arith.constant 1.000000e+00 : f32
        %div3A_329 = vector.broadcast %div3A_328 : f32 to vector<16xf32>
        %div3A_330 = arith.divf %div3A_329, %add3A_327 : vector<16xf32>
        %mul3A_331 = arith.mulf %div3A_330, %get3A_72 : vector<16xf32>
        %jit3A_332 = arith.constant 0.000000e+00 : f32
        %broadcast_in_dim3A_333 = vector.broadcast %jit3A_332 : f32 to vector<16xf32>
        %select_n3A_334 = arith.select %ne3A_320, %mul3A_331, %broadcast_in_dim3A_333 : vector<16xi1>, vector<16xf32>
        %add3A_335 = arith.addf %while3A_55, %select_n3A_334 : vector<16xf32>
        scf.yield %add3A_281, %add3A_299, %add3A_317, %add3A_335 : vector<16xf32>, vector<16xf32>, vector<16xf32>, vector<16xf32>
      } else {
        scf.yield %while3A_52, %while3A_53, %while3A_54, %while3A_55 : vector<16xf32>, vector<16xf32>, vector<16xf32>, vector<16xf32>
      }
      %mul3A_87 = arith.constant 128 : i32
      %mul3A_88 = arith.muli %while3A_51, %mul3A_87 : i32
      %add3A_89 = arith.constant 16 : i32
      %add3A_90 = arith.addi %mul3A_88, %add3A_89 : i32
      %get3A_91 = arith.index_cast %add3A_90 : i32 to index
      %get3A_92 = tpu.vector_load %arg13[%get3A_91] {strides = array<i32>} : memref<5376xf32, #tpu.memory_space<vmem>>, vector<16xf32>,
      %ne3A_93 = arith.constant 0.000000e+00 : f32
      %ne3A_94 = vector.broadcast %ne3A_93 : f32 to vector<16xf32>
      %ne3A_95 = arith.cmpf one, %get3A_92, %ne3A_94 : vector<16xf32>
      %reduce_or3A_96 = arith.constant 1.000000e+00 : f32
      %reduce_or3A_97 = arith.constant 0.000000e+00 : f32
      %reduce_or3A_98 = vector.broadcast %reduce_or3A_96 : f32 to vector<16xf32>
      %reduce_or3A_99 = vector.broadcast %reduce_or3A_97 : f32 to vector<16xf32>
      %reduce_or3A_100 = arith.select %ne3A_95, %reduce_or3A_98, %reduce_or3A_99 : vector<16xi1>, vector<16xf32>
      %reduce_or3A_101 = arith.constant true
      %reduce_or3A_102 = vector.broadcast %reduce_or3A_101 : i1 to vector<16xi1>
      %reduce_or3A_103 = tpu.scan <max>, %reduce_or3A_100 masked %reduce_or3A_102 : vector<16xf32>, vector<16xi1> -> vector<16xf32>
      %reduce_or3A_104 = vector.extract %reduce_or3A_103[15] : f32 from vector<16xf32>
      %reduce_or3A_105 = arith.constant 0.000000e+00 : f32
      %reduce_or3A_106 = arith.cmpf ogt, %reduce_or3A_104, %reduce_or3A_105 : f32
      %convert_element_type3A_107 = arith.extui %reduce_or3A_106 : i1 to i32
      %cond3A_108 = arith.constant 0 : i32
      %cond3A_109 = arith.cmpi ne, %convert_element_type3A_107, %cond3A_108 : i32
      %cond3A_110:4 = scf.if %cond3A_109 -> (vector<16xf32>, vector<16xf32>, vector<16xf32>, vector<16xf32>) {
        %broadcast_in_dim3A_255 = arith.constant 0.000000e+00 : f32
        %broadcast_in_dim3A_256 = vector.broadcast %broadcast_in_dim3A_255 : f32 to vector<16xf32>
        %broadcast_in_dim3A_257 = arith.constant 0.000000e+00 : f32
        %broadcast_in_dim3A_258 = vector.broadcast %broadcast_in_dim3A_257 : f32 to vector<16xf32>
        %broadcast_in_dim3A_259 = arith.constant 0.000000e+00 : f32
        %broadcast_in_dim3A_260 = vector.broadcast %broadcast_in_dim3A_259 : f32 to vector<16xf32>
        %broadcast_in_dim3A_261 = arith.constant 0.000000e+00 : f32
        %broadcast_in_dim3A_262 = vector.broadcast %broadcast_in_dim3A_261 : f32 to vector<16xf32>
        %scan3A_263 = arith.constant 0 : i32
        %scan3A_264 = arith.constant 64 : i32
        %scan3A_265 = arith.addi %scan3A_263, %scan3A_264 : i32
        %scan3A_266 = arith.constant 1 : i32
        %scan3A_267:4 = scf.for %scan3A_336 = %scan3A_263 to %scan3A_265 step %scan3A_266 iter_args(%scan3A_337 = %broadcast_in_dim3A_256, %scan3A_338 = %broadcast_in_dim3A_258, %scan3A_339 = %broadcast_in_dim3A_260, %scan3A_340 = %broadcast_in_dim3A_262) -> (vector<16xf32>, vector<16xf32>, vector<16xf32>, vector<16xf32>)  : i32 {
          %get3A_341 = arith.index_cast %scan3A_336 : i32 to index
          %get3A_342 = arith.constant 16 : index
          %get3A_343 = tpu.vector_load %arg15[%get3A_341, %get3A_342] {strides = array<i32>} : memref<64x128xf32, #tpu.memory_space<vmem>>, vector<16xf32>,
          %mul3A_344 = arith.constant 16 : i32
          %mul3A_345 = arith.muli %scan3A_336, %mul3A_344 : i32
          %add3A_346 = arith.constant 0 : i32
          %add3A_347 = arith.addi %add3A_346, %mul3A_345 : i32
          %get3A_348 = arith.index_cast %add3A_347 : i32 to index
          %get3A_349 = tpu.vector_load %arg16[%get3A_348] {strides = array<i32>} : memref<4096xf32, #tpu.memory_space<vmem>>, vector<16xf32>,
          %mul3A_350 = arith.mulf %get3A_343, %get3A_349 : vector<16xf32>
          %add3A_351 = arith.addf %scan3A_337, %mul3A_350 : vector<16xf32>
          %mul3A_352 = arith.constant 16 : i32
          %mul3A_353 = arith.muli %scan3A_336, %mul3A_352 : i32
          %add3A_354 = arith.constant 1024 : i32
          %add3A_355 = arith.addi %add3A_354, %mul3A_353 : i32
          %get3A_356 = arith.index_cast %add3A_355 : i32 to index
          %get3A_357 = tpu.vector_load %arg16[%get3A_356] {strides = array<i32>} : memref<4096xf32, #tpu.memory_space<vmem>>, vector<16xf32>,
          %mul3A_358 = arith.mulf %get3A_343, %get3A_357 : vector<16xf32>
          %add3A_359 = arith.addf %scan3A_338, %mul3A_358 : vector<16xf32>
          %mul3A_360 = arith.constant 16 : i32
          %mul3A_361 = arith.muli %scan3A_336, %mul3A_360 : i32
          %add3A_362 = arith.constant 2048 : i32
          %add3A_363 = arith.addi %add3A_362, %mul3A_361 : i32
          %get3A_364 = arith.index_cast %add3A_363 : i32 to index
          %get3A_365 = tpu.vector_load %arg16[%get3A_364] {strides = array<i32>} : memref<4096xf32, #tpu.memory_space<vmem>>, vector<16xf32>,
          %mul3A_366 = arith.mulf %get3A_343, %get3A_365 : vector<16xf32>
          %add3A_367 = arith.addf %scan3A_339, %mul3A_366 : vector<16xf32>
          %mul3A_368 = arith.constant 16 : i32
          %mul3A_369 = arith.muli %scan3A_336, %mul3A_368 : i32
          %add3A_370 = arith.constant 3072 : i32
          %add3A_371 = arith.addi %add3A_370, %mul3A_369 : i32
          %get3A_372 = arith.index_cast %add3A_371 : i32 to index
          %get3A_373 = tpu.vector_load %arg16[%get3A_372] {strides = array<i32>} : memref<4096xf32, #tpu.memory_space<vmem>>, vector<16xf32>,
          %mul3A_374 = arith.mulf %get3A_343, %get3A_373 : vector<16xf32>
          %add3A_375 = arith.addf %scan3A_340, %mul3A_374 : vector<16xf32>
          scf.yield %add3A_351, %add3A_359, %add3A_367, %add3A_375 : vector<16xf32>, vector<16xf32>, vector<16xf32>, vector<16xf32>
        }
        %scan3A_268 = arith.constant 64 : i32
        %ne3A_269 = arith.constant 0.000000e+00 : f32
        %ne3A_270 = vector.broadcast %ne3A_269 : f32 to vector<16xf32>
        %ne3A_271 = arith.cmpf one, %get3A_92, %ne3A_270 : vector<16xf32>
        %neg3A = arith.constant 0.000000e+00 : f32
        %neg3A_272 = vector.broadcast %neg3A : f32 to vector<16xf32>
        %neg3A_273 = arith.subf %neg3A_272, %scan3A_267#0 : vector<16xf32>
        %exp3A = math.exp %neg3A_273 : vector<16xf32>
        %add3A_274 = arith.constant 1.000000e+00 : f32
        %add3A_275 = vector.broadcast %add3A_274 : f32 to vector<16xf32>
        %add3A_276 = arith.addf %add3A_275, %exp3A : vector<16xf32>
        %div3A = arith.constant 1.000000e+00 : f32
        %div3A_277 = vector.broadcast %div3A : f32 to vector<16xf32>
        %div3A_278 = arith.divf %div3A_277, %add3A_276 : vector<16xf32>
        %mul3A_279 = arith.mulf %div3A_278, %get3A_92 : vector<16xf32>
        %jit3A = arith.constant 0.000000e+00 : f32
        %broadcast_in_dim3A_280 = vector.broadcast %jit3A : f32 to vector<16xf32>
        %select_n3A = arith.select %ne3A_271, %mul3A_279, %broadcast_in_dim3A_280 : vector<16xi1>, vector<16xf32>
        %add3A_281 = arith.addf %cond3A_86#0, %select_n3A : vector<16xf32>
        %ne3A_282 = arith.constant 0.000000e+00 : f32
        %ne3A_283 = vector.broadcast %ne3A_282 : f32 to vector<16xf32>
        %ne3A_284 = arith.cmpf one, %get3A_92, %ne3A_283 : vector<16xf32>
        %neg3A_285 = arith.constant 0.000000e+00 : f32
        %neg3A_286 = vector.broadcast %neg3A_285 : f32 to vector<16xf32>
        %neg3A_287 = arith.subf %neg3A_286, %scan3A_267#1 : vector<16xf32>
        %exp3A_288 = math.exp %neg3A_287 : vector<16xf32>
        %add3A_289 = arith.constant 1.000000e+00 : f32
        %add3A_290 = vector.broadcast %add3A_289 : f32 to vector<16xf32>
        %add3A_291 = arith.addf %add3A_290, %exp3A_288 : vector<16xf32>
        %div3A_292 = arith.constant 1.000000e+00 : f32
        %div3A_293 = vector.broadcast %div3A_292 : f32 to vector<16xf32>
        %div3A_294 = arith.divf %div3A_293, %add3A_291 : vector<16xf32>
        %mul3A_295 = arith.mulf %div3A_294, %get3A_92 : vector<16xf32>
        %jit3A_296 = arith.constant 0.000000e+00 : f32
        %broadcast_in_dim3A_297 = vector.broadcast %jit3A_296 : f32 to vector<16xf32>
        %select_n3A_298 = arith.select %ne3A_284, %mul3A_295, %broadcast_in_dim3A_297 : vector<16xi1>, vector<16xf32>
        %add3A_299 = arith.addf %cond3A_86#1, %select_n3A_298 : vector<16xf32>
        %ne3A_300 = arith.constant 0.000000e+00 : f32
        %ne3A_301 = vector.broadcast %ne3A_300 : f32 to vector<16xf32>
        %ne3A_302 = arith.cmpf one, %get3A_92, %ne3A_301 : vector<16xf32>
        %neg3A_303 = arith.constant 0.000000e+00 : f32
        %neg3A_304 = vector.broadcast %neg3A_303 : f32 to vector<16xf32>
        %neg3A_305 = arith.subf %neg3A_304, %scan3A_267#2 : vector<16xf32>
        %exp3A_306 = math.exp %neg3A_305 : vector<16xf32>
        %add3A_307 = arith.constant 1.000000e+00 : f32
        %add3A_308 = vector.broadcast %add3A_307 : f32 to vector<16xf32>
        %add3A_309 = arith.addf %add3A_308, %exp3A_306 : vector<16xf32>
        %div3A_310 = arith.constant 1.000000e+00 : f32
        %div3A_311 = vector.broadcast %div3A_310 : f32 to vector<16xf32>
        %div3A_312 = arith.divf %div3A_311, %add3A_309 : vector<16xf32>
        %mul3A_313 = arith.mulf %div3A_312, %get3A_92 : vector<16xf32>
        %jit3A_314 = arith.constant 0.000000e+00 : f32
        %broadcast_in_dim3A_315 = vector.broadcast %jit3A_314 : f32 to vector<16xf32>
        %select_n3A_316 = arith.select %ne3A_302, %mul3A_313, %broadcast_in_dim3A_315 : vector<16xi1>, vector<16xf32>
        %add3A_317 = arith.addf %cond3A_86#2, %select_n3A_316 : vector<16xf32>
        %ne3A_318 = arith.constant 0.000000e+00 : f32
        %ne3A_319 = vector.broadcast %ne3A_318 : f32 to vector<16xf32>
        %ne3A_320 = arith.cmpf one, %get3A_92, %ne3A_319 : vector<16xf32>
        %neg3A_321 = arith.constant 0.000000e+00 : f32
        %neg3A_322 = vector.broadcast %neg3A_321 : f32 to vector<16xf32>
        %neg3A_323 = arith.subf %neg3A_322, %scan3A_267#3 : vector<16xf32>
        %exp3A_324 = math.exp %neg3A_323 : vector<16xf32>
        %add3A_325 = arith.constant 1.000000e+00 : f32
        %add3A_326 = vector.broadcast %add3A_325 : f32 to vector<16xf32>
        %add3A_327 = arith.addf %add3A_326, %exp3A_324 : vector<16xf32>
        %div3A_328 = arith.constant 1.000000e+00 : f32
        %div3A_329 = vector.broadcast %div3A_328 : f32 to vector<16xf32>
        %div3A_330 = arith.divf %div3A_329, %add3A_327 : vector<16xf32>
        %mul3A_331 = arith.mulf %div3A_330, %get3A_92 : vector<16xf32>
        %jit3A_332 = arith.constant 0.000000e+00 : f32
        %broadcast_in_dim3A_333 = vector.broadcast %jit3A_332 : f32 to vector<16xf32>
        %select_n3A_334 = arith.select %ne3A_320, %mul3A_331, %broadcast_in_dim3A_333 : vector<16xi1>, vector<16xf32>
        %add3A_335 = arith.addf %cond3A_86#3, %select_n3A_334 : vector<16xf32>
        scf.yield %add3A_281, %add3A_299, %add3A_317, %add3A_335 : vector<16xf32>, vector<16xf32>, vector<16xf32>, vector<16xf32>
      } else {
        scf.yield %cond3A_86#0, %cond3A_86#1, %cond3A_86#2, %cond3A_86#3 : vector<16xf32>, vector<16xf32>, vector<16xf32>, vector<16xf32>
      }
      %mul3A_111 = arith.constant 128 : i32
      %mul3A_112 = arith.muli %while3A_51, %mul3A_111 : i32
      %add3A_113 = arith.constant 32 : i32
      %add3A_114 = arith.addi %mul3A_112, %add3A_113 : i32
      %get3A_115 = arith.index_cast %add3A_114 : i32 to index
      %get3A_116 = tpu.vector_load %arg13[%get3A_115] {strides = array<i32>} : memref<5376xf32, #tpu.memory_space<vmem>>, vector<16xf32>,
      %ne3A_117 = arith.constant 0.000000e+00 : f32
      %ne3A_118 = vector.broadcast %ne3A_117 : f32 to vector<16xf32>
      %ne3A_119 = arith.cmpf one, %get3A_116, %ne3A_118 : vector<16xf32>
      %reduce_or3A_120 = arith.constant 1.000000e+00 : f32
      %reduce_or3A_121 = arith.constant 0.000000e+00 : f32
      %reduce_or3A_122 = vector.broadcast %reduce_or3A_120 : f32 to vector<16xf32>
      %reduce_or3A_123 = vector.broadcast %reduce_or3A_121 : f32 to vector<16xf32>
      %reduce_or3A_124 = arith.select %ne3A_119, %reduce_or3A_122, %reduce_or3A_123 : vector<16xi1>, vector<16xf32>
      %reduce_or3A_125 = arith.constant true
      %reduce_or3A_126 = vector.broadcast %reduce_or3A_125 : i1 to vector<16xi1>
      %reduce_or3A_127 = tpu.scan <max>, %reduce_or3A_124 masked %reduce_or3A_126 : vector<16xf32>, vector<16xi1> -> vector<16xf32>
      %reduce_or3A_128 = vector.extract %reduce_or3A_127[15] : f32 from vector<16xf32>
      %reduce_or3A_129 = arith.constant 0.000000e+00 : f32
      %reduce_or3A_130 = arith.cmpf ogt, %reduce_or3A_128, %reduce_or3A_129 : f32
      %convert_element_type3A_131 = arith.extui %reduce_or3A_130 : i1 to i32
      %cond3A_132 = arith.constant 0 : i32
      %cond3A_133 = arith.cmpi ne, %convert_element_type3A_131, %cond3A_132 : i32
      %cond3A_134:4 = scf.if %cond3A_133 -> (vector<16xf32>, vector<16xf32>, vector<16xf32>, vector<16xf32>) {
        %broadcast_in_dim3A_255 = arith.constant 0.000000e+00 : f32
        %broadcast_in_dim3A_256 = vector.broadcast %broadcast_in_dim3A_255 : f32 to vector<16xf32>
        %broadcast_in_dim3A_257 = arith.constant 0.000000e+00 : f32
        %broadcast_in_dim3A_258 = vector.broadcast %broadcast_in_dim3A_257 : f32 to vector<16xf32>
        %broadcast_in_dim3A_259 = arith.constant 0.000000e+00 : f32
        %broadcast_in_dim3A_260 = vector.broadcast %broadcast_in_dim3A_259 : f32 to vector<16xf32>
        %broadcast_in_dim3A_261 = arith.constant 0.000000e+00 : f32
        %broadcast_in_dim3A_262 = vector.broadcast %broadcast_in_dim3A_261 : f32 to vector<16xf32>
        %scan3A_263 = arith.constant 0 : i32
        %scan3A_264 = arith.constant 64 : i32
        %scan3A_265 = arith.addi %scan3A_263, %scan3A_264 : i32
        %scan3A_266 = arith.constant 1 : i32
        %scan3A_267:4 = scf.for %scan3A_336 = %scan3A_263 to %scan3A_265 step %scan3A_266 iter_args(%scan3A_337 = %broadcast_in_dim3A_256, %scan3A_338 = %broadcast_in_dim3A_258, %scan3A_339 = %broadcast_in_dim3A_260, %scan3A_340 = %broadcast_in_dim3A_262) -> (vector<16xf32>, vector<16xf32>, vector<16xf32>, vector<16xf32>)  : i32 {
          %get3A_341 = arith.index_cast %scan3A_336 : i32 to index
          %get3A_342 = arith.constant 32 : index
          %get3A_343 = tpu.vector_load %arg15[%get3A_341, %get3A_342] {strides = array<i32>} : memref<64x128xf32, #tpu.memory_space<vmem>>, vector<16xf32>,
          %mul3A_344 = arith.constant 16 : i32
          %mul3A_345 = arith.muli %scan3A_336, %mul3A_344 : i32
          %add3A_346 = arith.constant 0 : i32
          %add3A_347 = arith.addi %add3A_346, %mul3A_345 : i32
          %get3A_348 = arith.index_cast %add3A_347 : i32 to index
          %get3A_349 = tpu.vector_load %arg16[%get3A_348] {strides = array<i32>} : memref<4096xf32, #tpu.memory_space<vmem>>, vector<16xf32>,
          %mul3A_350 = arith.mulf %get3A_343, %get3A_349 : vector<16xf32>
          %add3A_351 = arith.addf %scan3A_337, %mul3A_350 : vector<16xf32>
          %mul3A_352 = arith.constant 16 : i32
          %mul3A_353 = arith.muli %scan3A_336, %mul3A_352 : i32
          %add3A_354 = arith.constant 1024 : i32
          %add3A_355 = arith.addi %add3A_354, %mul3A_353 : i32
          %get3A_356 = arith.index_cast %add3A_355 : i32 to index
          %get3A_357 = tpu.vector_load %arg16[%get3A_356] {strides = array<i32>} : memref<4096xf32, #tpu.memory_space<vmem>>, vector<16xf32>,
          %mul3A_358 = arith.mulf %get3A_343, %get3A_357 : vector<16xf32>
          %add3A_359 = arith.addf %scan3A_338, %mul3A_358 : vector<16xf32>
          %mul3A_360 = arith.constant 16 : i32
          %mul3A_361 = arith.muli %scan3A_336, %mul3A_360 : i32
          %add3A_362 = arith.constant 2048 : i32
          %add3A_363 = arith.addi %add3A_362, %mul3A_361 : i32
          %get3A_364 = arith.index_cast %add3A_363 : i32 to index
          %get3A_365 = tpu.vector_load %arg16[%get3A_364] {strides = array<i32>} : memref<4096xf32, #tpu.memory_space<vmem>>, vector<16xf32>,
          %mul3A_366 = arith.mulf %get3A_343, %get3A_365 : vector<16xf32>
          %add3A_367 = arith.addf %scan3A_339, %mul3A_366 : vector<16xf32>
          %mul3A_368 = arith.constant 16 : i32
          %mul3A_369 = arith.muli %scan3A_336, %mul3A_368 : i32
          %add3A_370 = arith.constant 3072 : i32
          %add3A_371 = arith.addi %add3A_370, %mul3A_369 : i32
          %get3A_372 = arith.index_cast %add3A_371 : i32 to index
          %get3A_373 = tpu.vector_load %arg16[%get3A_372] {strides = array<i32>} : memref<4096xf32, #tpu.memory_space<vmem>>, vector<16xf32>,
          %mul3A_374 = arith.mulf %get3A_343, %get3A_373 : vector<16xf32>
          %add3A_375 = arith.addf %scan3A_340, %mul3A_374 : vector<16xf32>
          scf.yield %add3A_351, %add3A_359, %add3A_367, %add3A_375 : vector<16xf32>, vector<16xf32>, vector<16xf32>, vector<16xf32>
        }
        %scan3A_268 = arith.constant 64 : i32
        %ne3A_269 = arith.constant 0.000000e+00 : f32
        %ne3A_270 = vector.broadcast %ne3A_269 : f32 to vector<16xf32>
        %ne3A_271 = arith.cmpf one, %get3A_116, %ne3A_270 : vector<16xf32>
        %neg3A = arith.constant 0.000000e+00 : f32
        %neg3A_272 = vector.broadcast %neg3A : f32 to vector<16xf32>
        %neg3A_273 = arith.subf %neg3A_272, %scan3A_267#0 : vector<16xf32>
        %exp3A = math.exp %neg3A_273 : vector<16xf32>
        %add3A_274 = arith.constant 1.000000e+00 : f32
        %add3A_275 = vector.broadcast %add3A_274 : f32 to vector<16xf32>
        %add3A_276 = arith.addf %add3A_275, %exp3A : vector<16xf32>
        %div3A = arith.constant 1.000000e+00 : f32
        %div3A_277 = vector.broadcast %div3A : f32 to vector<16xf32>
        %div3A_278 = arith.divf %div3A_277, %add3A_276 : vector<16xf32>
        %mul3A_279 = arith.mulf %div3A_278, %get3A_116 : vector<16xf32>
        %jit3A = arith.constant 0.000000e+00 : f32
        %broadcast_in_dim3A_280 = vector.broadcast %jit3A : f32 to vector<16xf32>
        %select_n3A = arith.select %ne3A_271, %mul3A_279, %broadcast_in_dim3A_280 : vector<16xi1>, vector<16xf32>
        %add3A_281 = arith.addf %cond3A_110#0, %select_n3A : vector<16xf32>
        %ne3A_282 = arith.constant 0.000000e+00 : f32
        %ne3A_283 = vector.broadcast %ne3A_282 : f32 to vector<16xf32>
        %ne3A_284 = arith.cmpf one, %get3A_116, %ne3A_283 : vector<16xf32>
        %neg3A_285 = arith.constant 0.000000e+00 : f32
        %neg3A_286 = vector.broadcast %neg3A_285 : f32 to vector<16xf32>
        %neg3A_287 = arith.subf %neg3A_286, %scan3A_267#1 : vector<16xf32>
        %exp3A_288 = math.exp %neg3A_287 : vector<16xf32>
        %add3A_289 = arith.constant 1.000000e+00 : f32
        %add3A_290 = vector.broadcast %add3A_289 : f32 to vector<16xf32>
        %add3A_291 = arith.addf %add3A_290, %exp3A_288 : vector<16xf32>
        %div3A_292 = arith.constant 1.000000e+00 : f32
        %div3A_293 = vector.broadcast %div3A_292 : f32 to vector<16xf32>
        %div3A_294 = arith.divf %div3A_293, %add3A_291 : vector<16xf32>
        %mul3A_295 = arith.mulf %div3A_294, %get3A_116 : vector<16xf32>
        %jit3A_296 = arith.constant 0.000000e+00 : f32
        %broadcast_in_dim3A_297 = vector.broadcast %jit3A_296 : f32 to vector<16xf32>
        %select_n3A_298 = arith.select %ne3A_284, %mul3A_295, %broadcast_in_dim3A_297 : vector<16xi1>, vector<16xf32>
        %add3A_299 = arith.addf %cond3A_110#1, %select_n3A_298 : vector<16xf32>
        %ne3A_300 = arith.constant 0.000000e+00 : f32
        %ne3A_301 = vector.broadcast %ne3A_300 : f32 to vector<16xf32>
        %ne3A_302 = arith.cmpf one, %get3A_116, %ne3A_301 : vector<16xf32>
        %neg3A_303 = arith.constant 0.000000e+00 : f32
        %neg3A_304 = vector.broadcast %neg3A_303 : f32 to vector<16xf32>
        %neg3A_305 = arith.subf %neg3A_304, %scan3A_267#2 : vector<16xf32>
        %exp3A_306 = math.exp %neg3A_305 : vector<16xf32>
        %add3A_307 = arith.constant 1.000000e+00 : f32
        %add3A_308 = vector.broadcast %add3A_307 : f32 to vector<16xf32>
        %add3A_309 = arith.addf %add3A_308, %exp3A_306 : vector<16xf32>
        %div3A_310 = arith.constant 1.000000e+00 : f32
        %div3A_311 = vector.broadcast %div3A_310 : f32 to vector<16xf32>
        %div3A_312 = arith.divf %div3A_311, %add3A_309 : vector<16xf32>
        %mul3A_313 = arith.mulf %div3A_312, %get3A_116 : vector<16xf32>
        %jit3A_314 = arith.constant 0.000000e+00 : f32
        %broadcast_in_dim3A_315 = vector.broadcast %jit3A_314 : f32 to vector<16xf32>
        %select_n3A_316 = arith.select %ne3A_302, %mul3A_313, %broadcast_in_dim3A_315 : vector<16xi1>, vector<16xf32>
        %add3A_317 = arith.addf %cond3A_110#2, %select_n3A_316 : vector<16xf32>
        %ne3A_318 = arith.constant 0.000000e+00 : f32
        %ne3A_319 = vector.broadcast %ne3A_318 : f32 to vector<16xf32>
        %ne3A_320 = arith.cmpf one, %get3A_116, %ne3A_319 : vector<16xf32>
        %neg3A_321 = arith.constant 0.000000e+00 : f32
        %neg3A_322 = vector.broadcast %neg3A_321 : f32 to vector<16xf32>
        %neg3A_323 = arith.subf %neg3A_322, %scan3A_267#3 : vector<16xf32>
        %exp3A_324 = math.exp %neg3A_323 : vector<16xf32>
        %add3A_325 = arith.constant 1.000000e+00 : f32
        %add3A_326 = vector.broadcast %add3A_325 : f32 to vector<16xf32>
        %add3A_327 = arith.addf %add3A_326, %exp3A_324 : vector<16xf32>
        %div3A_328 = arith.constant 1.000000e+00 : f32
        %div3A_329 = vector.broadcast %div3A_328 : f32 to vector<16xf32>
        %div3A_330 = arith.divf %div3A_329, %add3A_327 : vector<16xf32>
        %mul3A_331 = arith.mulf %div3A_330, %get3A_116 : vector<16xf32>
        %jit3A_332 = arith.constant 0.000000e+00 : f32
        %broadcast_in_dim3A_333 = vector.broadcast %jit3A_332 : f32 to vector<16xf32>
        %select_n3A_334 = arith.select %ne3A_320, %mul3A_331, %broadcast_in_dim3A_333 : vector<16xi1>, vector<16xf32>
        %add3A_335 = arith.addf %cond3A_110#3, %select_n3A_334 : vector<16xf32>
        scf.yield %add3A_281, %add3A_299, %add3A_317, %add3A_335 : vector<16xf32>, vector<16xf32>, vector<16xf32>, vector<16xf32>
      } else {
        scf.yield %cond3A_110#0, %cond3A_110#1, %cond3A_110#2, %cond3A_110#3 : vector<16xf32>, vector<16xf32>, vector<16xf32>, vector<16xf32>
      }
      %mul3A_135 = arith.constant 128 : i32
      %mul3A_136 = arith.muli %while3A_51, %mul3A_135 : i32
      %add3A_137 = arith.constant 48 : i32
      %add3A_138 = arith.addi %mul3A_136, %add3A_137 : i32
      %get3A_139 = arith.index_cast %add3A_138 : i32 to index
      %get3A_140 = tpu.vector_load %arg13[%get3A_139] {strides = array<i32>} : memref<5376xf32, #tpu.memory_space<vmem>>, vector<16xf32>,
      %ne3A_141 = arith.constant 0.000000e+00 : f32
      %ne3A_142 = vector.broadcast %ne3A_141 : f32 to vector<16xf32>
      %ne3A_143 = arith.cmpf one, %get3A_140, %ne3A_142 : vector<16xf32>
      %reduce_or3A_144 = arith.constant 1.000000e+00 : f32
      %reduce_or3A_145 = arith.constant 0.000000e+00 : f32
      %reduce_or3A_146 = vector.broadcast %reduce_or3A_144 : f32 to vector<16xf32>
      %reduce_or3A_147 = vector.broadcast %reduce_or3A_145 : f32 to vector<16xf32>
      %reduce_or3A_148 = arith.select %ne3A_143, %reduce_or3A_146, %reduce_or3A_147 : vector<16xi1>, vector<16xf32>
      %reduce_or3A_149 = arith.constant true
      %reduce_or3A_150 = vector.broadcast %reduce_or3A_149 : i1 to vector<16xi1>
      %reduce_or3A_151 = tpu.scan <max>, %reduce_or3A_148 masked %reduce_or3A_150 : vector<16xf32>, vector<16xi1> -> vector<16xf32>
      %reduce_or3A_152 = vector.extract %reduce_or3A_151[15] : f32 from vector<16xf32>
      %reduce_or3A_153 = arith.constant 0.000000e+00 : f32
      %reduce_or3A_154 = arith.cmpf ogt, %reduce_or3A_152, %reduce_or3A_153 : f32
      %convert_element_type3A_155 = arith.extui %reduce_or3A_154 : i1 to i32
      %cond3A_156 = arith.constant 0 : i32
      %cond3A_157 = arith.cmpi ne, %convert_element_type3A_155, %cond3A_156 : i32
      %cond3A_158:4 = scf.if %cond3A_157 -> (vector<16xf32>, vector<16xf32>, vector<16xf32>, vector<16xf32>) {
        %broadcast_in_dim3A_255 = arith.constant 0.000000e+00 : f32
        %broadcast_in_dim3A_256 = vector.broadcast %broadcast_in_dim3A_255 : f32 to vector<16xf32>
        %broadcast_in_dim3A_257 = arith.constant 0.000000e+00 : f32
        %broadcast_in_dim3A_258 = vector.broadcast %broadcast_in_dim3A_257 : f32 to vector<16xf32>
        %broadcast_in_dim3A_259 = arith.constant 0.000000e+00 : f32
        %broadcast_in_dim3A_260 = vector.broadcast %broadcast_in_dim3A_259 : f32 to vector<16xf32>
        %broadcast_in_dim3A_261 = arith.constant 0.000000e+00 : f32
        %broadcast_in_dim3A_262 = vector.broadcast %broadcast_in_dim3A_261 : f32 to vector<16xf32>
        %scan3A_263 = arith.constant 0 : i32
        %scan3A_264 = arith.constant 64 : i32
        %scan3A_265 = arith.addi %scan3A_263, %scan3A_264 : i32
        %scan3A_266 = arith.constant 1 : i32
        %scan3A_267:4 = scf.for %scan3A_336 = %scan3A_263 to %scan3A_265 step %scan3A_266 iter_args(%scan3A_337 = %broadcast_in_dim3A_256, %scan3A_338 = %broadcast_in_dim3A_258, %scan3A_339 = %broadcast_in_dim3A_260, %scan3A_340 = %broadcast_in_dim3A_262) -> (vector<16xf32>, vector<16xf32>, vector<16xf32>, vector<16xf32>)  : i32 {
          %get3A_341 = arith.index_cast %scan3A_336 : i32 to index
          %get3A_342 = arith.constant 48 : index
          %get3A_343 = tpu.vector_load %arg15[%get3A_341, %get3A_342] {strides = array<i32>} : memref<64x128xf32, #tpu.memory_space<vmem>>, vector<16xf32>,
          %mul3A_344 = arith.constant 16 : i32
          %mul3A_345 = arith.muli %scan3A_336, %mul3A_344 : i32
          %add3A_346 = arith.constant 0 : i32
          %add3A_347 = arith.addi %add3A_346, %mul3A_345 : i32
          %get3A_348 = arith.index_cast %add3A_347 : i32 to index
          %get3A_349 = tpu.vector_load %arg16[%get3A_348] {strides = array<i32>} : memref<4096xf32, #tpu.memory_space<vmem>>, vector<16xf32>,
          %mul3A_350 = arith.mulf %get3A_343, %get3A_349 : vector<16xf32>
          %add3A_351 = arith.addf %scan3A_337, %mul3A_350 : vector<16xf32>
          %mul3A_352 = arith.constant 16 : i32
          %mul3A_353 = arith.muli %scan3A_336, %mul3A_352 : i32
          %add3A_354 = arith.constant 1024 : i32
          %add3A_355 = arith.addi %add3A_354, %mul3A_353 : i32
          %get3A_356 = arith.index_cast %add3A_355 : i32 to index
          %get3A_357 = tpu.vector_load %arg16[%get3A_356] {strides = array<i32>} : memref<4096xf32, #tpu.memory_space<vmem>>, vector<16xf32>,
          %mul3A_358 = arith.mulf %get3A_343, %get3A_357 : vector<16xf32>
          %add3A_359 = arith.addf %scan3A_338, %mul3A_358 : vector<16xf32>
          %mul3A_360 = arith.constant 16 : i32
          %mul3A_361 = arith.muli %scan3A_336, %mul3A_360 : i32
          %add3A_362 = arith.constant 2048 : i32
          %add3A_363 = arith.addi %add3A_362, %mul3A_361 : i32
          %get3A_364 = arith.index_cast %add3A_363 : i32 to index
          %get3A_365 = tpu.vector_load %arg16[%get3A_364] {strides = array<i32>} : memref<4096xf32, #tpu.memory_space<vmem>>, vector<16xf32>,
          %mul3A_366 = arith.mulf %get3A_343, %get3A_365 : vector<16xf32>
          %add3A_367 = arith.addf %scan3A_339, %mul3A_366 : vector<16xf32>
          %mul3A_368 = arith.constant 16 : i32
          %mul3A_369 = arith.muli %scan3A_336, %mul3A_368 : i32
          %add3A_370 = arith.constant 3072 : i32
          %add3A_371 = arith.addi %add3A_370, %mul3A_369 : i32
          %get3A_372 = arith.index_cast %add3A_371 : i32 to index
          %get3A_373 = tpu.vector_load %arg16[%get3A_372] {strides = array<i32>} : memref<4096xf32, #tpu.memory_space<vmem>>, vector<16xf32>,
          %mul3A_374 = arith.mulf %get3A_343, %get3A_373 : vector<16xf32>
          %add3A_375 = arith.addf %scan3A_340, %mul3A_374 : vector<16xf32>
          scf.yield %add3A_351, %add3A_359, %add3A_367, %add3A_375 : vector<16xf32>, vector<16xf32>, vector<16xf32>, vector<16xf32>
        }
        %scan3A_268 = arith.constant 64 : i32
        %ne3A_269 = arith.constant 0.000000e+00 : f32
        %ne3A_270 = vector.broadcast %ne3A_269 : f32 to vector<16xf32>
        %ne3A_271 = arith.cmpf one, %get3A_140, %ne3A_270 : vector<16xf32>
        %neg3A = arith.constant 0.000000e+00 : f32
        %neg3A_272 = vector.broadcast %neg3A : f32 to vector<16xf32>
        %neg3A_273 = arith.subf %neg3A_272, %scan3A_267#0 : vector<16xf32>
        %exp3A = math.exp %neg3A_273 : vector<16xf32>
        %add3A_274 = arith.constant 1.000000e+00 : f32
        %add3A_275 = vector.broadcast %add3A_274 : f32 to vector<16xf32>
        %add3A_276 = arith.addf %add3A_275, %exp3A : vector<16xf32>
        %div3A = arith.constant 1.000000e+00 : f32
        %div3A_277 = vector.broadcast %div3A : f32 to vector<16xf32>
        %div3A_278 = arith.divf %div3A_277, %add3A_276 : vector<16xf32>
        %mul3A_279 = arith.mulf %div3A_278, %get3A_140 : vector<16xf32>
        %jit3A = arith.constant 0.000000e+00 : f32
        %broadcast_in_dim3A_280 = vector.broadcast %jit3A : f32 to vector<16xf32>
        %select_n3A = arith.select %ne3A_271, %mul3A_279, %broadcast_in_dim3A_280 : vector<16xi1>, vector<16xf32>
        %add3A_281 = arith.addf %cond3A_134#0, %select_n3A : vector<16xf32>
        %ne3A_282 = arith.constant 0.000000e+00 : f32
        %ne3A_283 = vector.broadcast %ne3A_282 : f32 to vector<16xf32>
        %ne3A_284 = arith.cmpf one, %get3A_140, %ne3A_283 : vector<16xf32>
        %neg3A_285 = arith.constant 0.000000e+00 : f32
        %neg3A_286 = vector.broadcast %neg3A_285 : f32 to vector<16xf32>
        %neg3A_287 = arith.subf %neg3A_286, %scan3A_267#1 : vector<16xf32>
        %exp3A_288 = math.exp %neg3A_287 : vector<16xf32>
        %add3A_289 = arith.constant 1.000000e+00 : f32
        %add3A_290 = vector.broadcast %add3A_289 : f32 to vector<16xf32>
        %add3A_291 = arith.addf %add3A_290, %exp3A_288 : vector<16xf32>
        %div3A_292 = arith.constant 1.000000e+00 : f32
        %div3A_293 = vector.broadcast %div3A_292 : f32 to vector<16xf32>
        %div3A_294 = arith.divf %div3A_293, %add3A_291 : vector<16xf32>
        %mul3A_295 = arith.mulf %div3A_294, %get3A_140 : vector<16xf32>
        %jit3A_296 = arith.constant 0.000000e+00 : f32
        %broadcast_in_dim3A_297 = vector.broadcast %jit3A_296 : f32 to vector<16xf32>
        %select_n3A_298 = arith.select %ne3A_284, %mul3A_295, %broadcast_in_dim3A_297 : vector<16xi1>, vector<16xf32>
        %add3A_299 = arith.addf %cond3A_134#1, %select_n3A_298 : vector<16xf32>
        %ne3A_300 = arith.constant 0.000000e+00 : f32
        %ne3A_301 = vector.broadcast %ne3A_300 : f32 to vector<16xf32>
        %ne3A_302 = arith.cmpf one, %get3A_140, %ne3A_301 : vector<16xf32>
        %neg3A_303 = arith.constant 0.000000e+00 : f32
        %neg3A_304 = vector.broadcast %neg3A_303 : f32 to vector<16xf32>
        %neg3A_305 = arith.subf %neg3A_304, %scan3A_267#2 : vector<16xf32>
        %exp3A_306 = math.exp %neg3A_305 : vector<16xf32>
        %add3A_307 = arith.constant 1.000000e+00 : f32
        %add3A_308 = vector.broadcast %add3A_307 : f32 to vector<16xf32>
        %add3A_309 = arith.addf %add3A_308, %exp3A_306 : vector<16xf32>
        %div3A_310 = arith.constant 1.000000e+00 : f32
        %div3A_311 = vector.broadcast %div3A_310 : f32 to vector<16xf32>
        %div3A_312 = arith.divf %div3A_311, %add3A_309 : vector<16xf32>
        %mul3A_313 = arith.mulf %div3A_312, %get3A_140 : vector<16xf32>
        %jit3A_314 = arith.constant 0.000000e+00 : f32
        %broadcast_in_dim3A_315 = vector.broadcast %jit3A_314 : f32 to vector<16xf32>
        %select_n3A_316 = arith.select %ne3A_302, %mul3A_313, %broadcast_in_dim3A_315 : vector<16xi1>, vector<16xf32>
        %add3A_317 = arith.addf %cond3A_134#2, %select_n3A_316 : vector<16xf32>
        %ne3A_318 = arith.constant 0.000000e+00 : f32
        %ne3A_319 = vector.broadcast %ne3A_318 : f32 to vector<16xf32>
        %ne3A_320 = arith.cmpf one, %get3A_140, %ne3A_319 : vector<16xf32>
        %neg3A_321 = arith.constant 0.000000e+00 : f32
        %neg3A_322 = vector.broadcast %neg3A_321 : f32 to vector<16xf32>
        %neg3A_323 = arith.subf %neg3A_322, %scan3A_267#3 : vector<16xf32>
        %exp3A_324 = math.exp %neg3A_323 : vector<16xf32>
        %add3A_325 = arith.constant 1.000000e+00 : f32
        %add3A_326 = vector.broadcast %add3A_325 : f32 to vector<16xf32>
        %add3A_327 = arith.addf %add3A_326, %exp3A_324 : vector<16xf32>
        %div3A_328 = arith.constant 1.000000e+00 : f32
        %div3A_329 = vector.broadcast %div3A_328 : f32 to vector<16xf32>
        %div3A_330 = arith.divf %div3A_329, %add3A_327 : vector<16xf32>
        %mul3A_331 = arith.mulf %div3A_330, %get3A_140 : vector<16xf32>
        %jit3A_332 = arith.constant 0.000000e+00 : f32
        %broadcast_in_dim3A_333 = vector.broadcast %jit3A_332 : f32 to vector<16xf32>
        %select_n3A_334 = arith.select %ne3A_320, %mul3A_331, %broadcast_in_dim3A_333 : vector<16xi1>, vector<16xf32>
        %add3A_335 = arith.addf %cond3A_134#3, %select_n3A_334 : vector<16xf32>
        scf.yield %add3A_281, %add3A_299, %add3A_317, %add3A_335 : vector<16xf32>, vector<16xf32>, vector<16xf32>, vector<16xf32>
      } else {
        scf.yield %cond3A_134#0, %cond3A_134#1, %cond3A_134#2, %cond3A_134#3 : vector<16xf32>, vector<16xf32>, vector<16xf32>, vector<16xf32>
      }
      %mul3A_159 = arith.constant 128 : i32
      %mul3A_160 = arith.muli %while3A_51, %mul3A_159 : i32
      %add3A_161 = arith.constant 64 : i32
      %add3A_162 = arith.addi %mul3A_160, %add3A_161 : i32
      %get3A_163 = arith.index_cast %add3A_162 : i32 to index
      %get3A_164 = tpu.vector_load %arg13[%get3A_163] {strides = array<i32>} : memref<5376xf32, #tpu.memory_space<vmem>>, vector<16xf32>,
      %ne3A_165 = arith.constant 0.000000e+00 : f32
      %ne3A_166 = vector.broadcast %ne3A_165 : f32 to vector<16xf32>
      %ne3A_167 = arith.cmpf one, %get3A_164, %ne3A_166 : vector<16xf32>
      %reduce_or3A_168 = arith.constant 1.000000e+00 : f32
      %reduce_or3A_169 = arith.constant 0.000000e+00 : f32
      %reduce_or3A_170 = vector.broadcast %reduce_or3A_168 : f32 to vector<16xf32>
      %reduce_or3A_171 = vector.broadcast %reduce_or3A_169 : f32 to vector<16xf32>
      %reduce_or3A_172 = arith.select %ne3A_167, %reduce_or3A_170, %reduce_or3A_171 : vector<16xi1>, vector<16xf32>
      %reduce_or3A_173 = arith.constant true
      %reduce_or3A_174 = vector.broadcast %reduce_or3A_173 : i1 to vector<16xi1>
      %reduce_or3A_175 = tpu.scan <max>, %reduce_or3A_172 masked %reduce_or3A_174 : vector<16xf32>, vector<16xi1> -> vector<16xf32>
      %reduce_or3A_176 = vector.extract %reduce_or3A_175[15] : f32 from vector<16xf32>
      %reduce_or3A_177 = arith.constant 0.000000e+00 : f32
      %reduce_or3A_178 = arith.cmpf ogt, %reduce_or3A_176, %reduce_or3A_177 : f32
      %convert_element_type3A_179 = arith.extui %reduce_or3A_178 : i1 to i32
      %cond3A_180 = arith.constant 0 : i32
      %cond3A_181 = arith.cmpi ne, %convert_element_type3A_179, %cond3A_180 : i32
      %cond3A_182:4 = scf.if %cond3A_181 -> (vector<16xf32>, vector<16xf32>, vector<16xf32>, vector<16xf32>) {
        %broadcast_in_dim3A_255 = arith.constant 0.000000e+00 : f32
        %broadcast_in_dim3A_256 = vector.broadcast %broadcast_in_dim3A_255 : f32 to vector<16xf32>
        %broadcast_in_dim3A_257 = arith.constant 0.000000e+00 : f32
        %broadcast_in_dim3A_258 = vector.broadcast %broadcast_in_dim3A_257 : f32 to vector<16xf32>
        %broadcast_in_dim3A_259 = arith.constant 0.000000e+00 : f32
        %broadcast_in_dim3A_260 = vector.broadcast %broadcast_in_dim3A_259 : f32 to vector<16xf32>
        %broadcast_in_dim3A_261 = arith.constant 0.000000e+00 : f32
        %broadcast_in_dim3A_262 = vector.broadcast %broadcast_in_dim3A_261 : f32 to vector<16xf32>
        %scan3A_263 = arith.constant 0 : i32
        %scan3A_264 = arith.constant 64 : i32
        %scan3A_265 = arith.addi %scan3A_263, %scan3A_264 : i32
        %scan3A_266 = arith.constant 1 : i32
        %scan3A_267:4 = scf.for %scan3A_336 = %scan3A_263 to %scan3A_265 step %scan3A_266 iter_args(%scan3A_337 = %broadcast_in_dim3A_256, %scan3A_338 = %broadcast_in_dim3A_258, %scan3A_339 = %broadcast_in_dim3A_260, %scan3A_340 = %broadcast_in_dim3A_262) -> (vector<16xf32>, vector<16xf32>, vector<16xf32>, vector<16xf32>)  : i32 {
          %get3A_341 = arith.index_cast %scan3A_336 : i32 to index
          %get3A_342 = arith.constant 64 : index
          %get3A_343 = tpu.vector_load %arg15[%get3A_341, %get3A_342] {strides = array<i32>} : memref<64x128xf32, #tpu.memory_space<vmem>>, vector<16xf32>,
          %mul3A_344 = arith.constant 16 : i32
          %mul3A_345 = arith.muli %scan3A_336, %mul3A_344 : i32
          %add3A_346 = arith.constant 0 : i32
          %add3A_347 = arith.addi %add3A_346, %mul3A_345 : i32
          %get3A_348 = arith.index_cast %add3A_347 : i32 to index
          %get3A_349 = tpu.vector_load %arg16[%get3A_348] {strides = array<i32>} : memref<4096xf32, #tpu.memory_space<vmem>>, vector<16xf32>,
          %mul3A_350 = arith.mulf %get3A_343, %get3A_349 : vector<16xf32>
          %add3A_351 = arith.addf %scan3A_337, %mul3A_350 : vector<16xf32>
          %mul3A_352 = arith.constant 16 : i32
          %mul3A_353 = arith.muli %scan3A_336, %mul3A_352 : i32
          %add3A_354 = arith.constant 1024 : i32
          %add3A_355 = arith.addi %add3A_354, %mul3A_353 : i32
          %get3A_356 = arith.index_cast %add3A_355 : i32 to index
          %get3A_357 = tpu.vector_load %arg16[%get3A_356] {strides = array<i32>} : memref<4096xf32, #tpu.memory_space<vmem>>, vector<16xf32>,
          %mul3A_358 = arith.mulf %get3A_343, %get3A_357 : vector<16xf32>
          %add3A_359 = arith.addf %scan3A_338, %mul3A_358 : vector<16xf32>
          %mul3A_360 = arith.constant 16 : i32
          %mul3A_361 = arith.muli %scan3A_336, %mul3A_360 : i32
          %add3A_362 = arith.constant 2048 : i32
          %add3A_363 = arith.addi %add3A_362, %mul3A_361 : i32
          %get3A_364 = arith.index_cast %add3A_363 : i32 to index
          %get3A_365 = tpu.vector_load %arg16[%get3A_364] {strides = array<i32>} : memref<4096xf32, #tpu.memory_space<vmem>>, vector<16xf32>,
          %mul3A_366 = arith.mulf %get3A_343, %get3A_365 : vector<16xf32>
          %add3A_367 = arith.addf %scan3A_339, %mul3A_366 : vector<16xf32>
          %mul3A_368 = arith.constant 16 : i32
          %mul3A_369 = arith.muli %scan3A_336, %mul3A_368 : i32
          %add3A_370 = arith.constant 3072 : i32
          %add3A_371 = arith.addi %add3A_370, %mul3A_369 : i32
          %get3A_372 = arith.index_cast %add3A_371 : i32 to index
          %get3A_373 = tpu.vector_load %arg16[%get3A_372] {strides = array<i32>} : memref<4096xf32, #tpu.memory_space<vmem>>, vector<16xf32>,
          %mul3A_374 = arith.mulf %get3A_343, %get3A_373 : vector<16xf32>
          %add3A_375 = arith.addf %scan3A_340, %mul3A_374 : vector<16xf32>
          scf.yield %add3A_351, %add3A_359, %add3A_367, %add3A_375 : vector<16xf32>, vector<16xf32>, vector<16xf32>, vector<16xf32>
        }
        %scan3A_268 = arith.constant 64 : i32
        %ne3A_269 = arith.constant 0.000000e+00 : f32
        %ne3A_270 = vector.broadcast %ne3A_269 : f32 to vector<16xf32>
        %ne3A_271 = arith.cmpf one, %get3A_164, %ne3A_270 : vector<16xf32>
        %neg3A = arith.constant 0.000000e+00 : f32
        %neg3A_272 = vector.broadcast %neg3A : f32 to vector<16xf32>
        %neg3A_273 = arith.subf %neg3A_272, %scan3A_267#0 : vector<16xf32>
        %exp3A = math.exp %neg3A_273 : vector<16xf32>
        %add3A_274 = arith.constant 1.000000e+00 : f32
        %add3A_275 = vector.broadcast %add3A_274 : f32 to vector<16xf32>
        %add3A_276 = arith.addf %add3A_275, %exp3A : vector<16xf32>
        %div3A = arith.constant 1.000000e+00 : f32
        %div3A_277 = vector.broadcast %div3A : f32 to vector<16xf32>
        %div3A_278 = arith.divf %div3A_277, %add3A_276 : vector<16xf32>
        %mul3A_279 = arith.mulf %div3A_278, %get3A_164 : vector<16xf32>
        %jit3A = arith.constant 0.000000e+00 : f32
        %broadcast_in_dim3A_280 = vector.broadcast %jit3A : f32 to vector<16xf32>
        %select_n3A = arith.select %ne3A_271, %mul3A_279, %broadcast_in_dim3A_280 : vector<16xi1>, vector<16xf32>
        %add3A_281 = arith.addf %cond3A_158#0, %select_n3A : vector<16xf32>
        %ne3A_282 = arith.constant 0.000000e+00 : f32
        %ne3A_283 = vector.broadcast %ne3A_282 : f32 to vector<16xf32>
        %ne3A_284 = arith.cmpf one, %get3A_164, %ne3A_283 : vector<16xf32>
        %neg3A_285 = arith.constant 0.000000e+00 : f32
        %neg3A_286 = vector.broadcast %neg3A_285 : f32 to vector<16xf32>
        %neg3A_287 = arith.subf %neg3A_286, %scan3A_267#1 : vector<16xf32>
        %exp3A_288 = math.exp %neg3A_287 : vector<16xf32>
        %add3A_289 = arith.constant 1.000000e+00 : f32
        %add3A_290 = vector.broadcast %add3A_289 : f32 to vector<16xf32>
        %add3A_291 = arith.addf %add3A_290, %exp3A_288 : vector<16xf32>
        %div3A_292 = arith.constant 1.000000e+00 : f32
        %div3A_293 = vector.broadcast %div3A_292 : f32 to vector<16xf32>
        %div3A_294 = arith.divf %div3A_293, %add3A_291 : vector<16xf32>
        %mul3A_295 = arith.mulf %div3A_294, %get3A_164 : vector<16xf32>
        %jit3A_296 = arith.constant 0.000000e+00 : f32
        %broadcast_in_dim3A_297 = vector.broadcast %jit3A_296 : f32 to vector<16xf32>
        %select_n3A_298 = arith.select %ne3A_284, %mul3A_295, %broadcast_in_dim3A_297 : vector<16xi1>, vector<16xf32>
        %add3A_299 = arith.addf %cond3A_158#1, %select_n3A_298 : vector<16xf32>
        %ne3A_300 = arith.constant 0.000000e+00 : f32
        %ne3A_301 = vector.broadcast %ne3A_300 : f32 to vector<16xf32>
        %ne3A_302 = arith.cmpf one, %get3A_164, %ne3A_301 : vector<16xf32>
        %neg3A_303 = arith.constant 0.000000e+00 : f32
        %neg3A_304 = vector.broadcast %neg3A_303 : f32 to vector<16xf32>
        %neg3A_305 = arith.subf %neg3A_304, %scan3A_267#2 : vector<16xf32>
        %exp3A_306 = math.exp %neg3A_305 : vector<16xf32>
        %add3A_307 = arith.constant 1.000000e+00 : f32
        %add3A_308 = vector.broadcast %add3A_307 : f32 to vector<16xf32>
        %add3A_309 = arith.addf %add3A_308, %exp3A_306 : vector<16xf32>
        %div3A_310 = arith.constant 1.000000e+00 : f32
        %div3A_311 = vector.broadcast %div3A_310 : f32 to vector<16xf32>
        %div3A_312 = arith.divf %div3A_311, %add3A_309 : vector<16xf32>
        %mul3A_313 = arith.mulf %div3A_312, %get3A_164 : vector<16xf32>
        %jit3A_314 = arith.constant 0.000000e+00 : f32
        %broadcast_in_dim3A_315 = vector.broadcast %jit3A_314 : f32 to vector<16xf32>
        %select_n3A_316 = arith.select %ne3A_302, %mul3A_313, %broadcast_in_dim3A_315 : vector<16xi1>, vector<16xf32>
        %add3A_317 = arith.addf %cond3A_158#2, %select_n3A_316 : vector<16xf32>
        %ne3A_318 = arith.constant 0.000000e+00 : f32
        %ne3A_319 = vector.broadcast %ne3A_318 : f32 to vector<16xf32>
        %ne3A_320 = arith.cmpf one, %get3A_164, %ne3A_319 : vector<16xf32>
        %neg3A_321 = arith.constant 0.000000e+00 : f32
        %neg3A_322 = vector.broadcast %neg3A_321 : f32 to vector<16xf32>
        %neg3A_323 = arith.subf %neg3A_322, %scan3A_267#3 : vector<16xf32>
        %exp3A_324 = math.exp %neg3A_323 : vector<16xf32>
        %add3A_325 = arith.constant 1.000000e+00 : f32
        %add3A_326 = vector.broadcast %add3A_325 : f32 to vector<16xf32>
        %add3A_327 = arith.addf %add3A_326, %exp3A_324 : vector<16xf32>
        %div3A_328 = arith.constant 1.000000e+00 : f32
        %div3A_329 = vector.broadcast %div3A_328 : f32 to vector<16xf32>
        %div3A_330 = arith.divf %div3A_329, %add3A_327 : vector<16xf32>
        %mul3A_331 = arith.mulf %div3A_330, %get3A_164 : vector<16xf32>
        %jit3A_332 = arith.constant 0.000000e+00 : f32
        %broadcast_in_dim3A_333 = vector.broadcast %jit3A_332 : f32 to vector<16xf32>
        %select_n3A_334 = arith.select %ne3A_320, %mul3A_331, %broadcast_in_dim3A_333 : vector<16xi1>, vector<16xf32>
        %add3A_335 = arith.addf %cond3A_158#3, %select_n3A_334 : vector<16xf32>
        scf.yield %add3A_281, %add3A_299, %add3A_317, %add3A_335 : vector<16xf32>, vector<16xf32>, vector<16xf32>, vector<16xf32>
      } else {
        scf.yield %cond3A_158#0, %cond3A_158#1, %cond3A_158#2, %cond3A_158#3 : vector<16xf32>, vector<16xf32>, vector<16xf32>, vector<16xf32>
      }
      %mul3A_183 = arith.constant 128 : i32
      %mul3A_184 = arith.muli %while3A_51, %mul3A_183 : i32
      %add3A_185 = arith.constant 80 : i32
      %add3A_186 = arith.addi %mul3A_184, %add3A_185 : i32
      %get3A_187 = arith.index_cast %add3A_186 : i32 to index
      %get3A_188 = tpu.vector_load %arg13[%get3A_187] {strides = array<i32>} : memref<5376xf32, #tpu.memory_space<vmem>>, vector<16xf32>,
      %ne3A_189 = arith.constant 0.000000e+00 : f32
      %ne3A_190 = vector.broadcast %ne3A_189 : f32 to vector<16xf32>
      %ne3A_191 = arith.cmpf one, %get3A_188, %ne3A_190 : vector<16xf32>
      %reduce_or3A_192 = arith.constant 1.000000e+00 : f32
      %reduce_or3A_193 = arith.constant 0.000000e+00 : f32
      %reduce_or3A_194 = vector.broadcast %reduce_or3A_192 : f32 to vector<16xf32>
      %reduce_or3A_195 = vector.broadcast %reduce_or3A_193 : f32 to vector<16xf32>
      %reduce_or3A_196 = arith.select %ne3A_191, %reduce_or3A_194, %reduce_or3A_195 : vector<16xi1>, vector<16xf32>
      %reduce_or3A_197 = arith.constant true
      %reduce_or3A_198 = vector.broadcast %reduce_or3A_197 : i1 to vector<16xi1>
      %reduce_or3A_199 = tpu.scan <max>, %reduce_or3A_196 masked %reduce_or3A_198 : vector<16xf32>, vector<16xi1> -> vector<16xf32>
      %reduce_or3A_200 = vector.extract %reduce_or3A_199[15] : f32 from vector<16xf32>
      %reduce_or3A_201 = arith.constant 0.000000e+00 : f32
      %reduce_or3A_202 = arith.cmpf ogt, %reduce_or3A_200, %reduce_or3A_201 : f32
      %convert_element_type3A_203 = arith.extui %reduce_or3A_202 : i1 to i32
      %cond3A_204 = arith.constant 0 : i32
      %cond3A_205 = arith.cmpi ne, %convert_element_type3A_203, %cond3A_204 : i32
      %cond3A_206:4 = scf.if %cond3A_205 -> (vector<16xf32>, vector<16xf32>, vector<16xf32>, vector<16xf32>) {
        %broadcast_in_dim3A_255 = arith.constant 0.000000e+00 : f32
        %broadcast_in_dim3A_256 = vector.broadcast %broadcast_in_dim3A_255 : f32 to vector<16xf32>
        %broadcast_in_dim3A_257 = arith.constant 0.000000e+00 : f32
        %broadcast_in_dim3A_258 = vector.broadcast %broadcast_in_dim3A_257 : f32 to vector<16xf32>
        %broadcast_in_dim3A_259 = arith.constant 0.000000e+00 : f32
        %broadcast_in_dim3A_260 = vector.broadcast %broadcast_in_dim3A_259 : f32 to vector<16xf32>
        %broadcast_in_dim3A_261 = arith.constant 0.000000e+00 : f32
        %broadcast_in_dim3A_262 = vector.broadcast %broadcast_in_dim3A_261 : f32 to vector<16xf32>
        %scan3A_263 = arith.constant 0 : i32
        %scan3A_264 = arith.constant 64 : i32
        %scan3A_265 = arith.addi %scan3A_263, %scan3A_264 : i32
        %scan3A_266 = arith.constant 1 : i32
        %scan3A_267:4 = scf.for %scan3A_336 = %scan3A_263 to %scan3A_265 step %scan3A_266 iter_args(%scan3A_337 = %broadcast_in_dim3A_256, %scan3A_338 = %broadcast_in_dim3A_258, %scan3A_339 = %broadcast_in_dim3A_260, %scan3A_340 = %broadcast_in_dim3A_262) -> (vector<16xf32>, vector<16xf32>, vector<16xf32>, vector<16xf32>)  : i32 {
          %get3A_341 = arith.index_cast %scan3A_336 : i32 to index
          %get3A_342 = arith.constant 80 : index
          %get3A_343 = tpu.vector_load %arg15[%get3A_341, %get3A_342] {strides = array<i32>} : memref<64x128xf32, #tpu.memory_space<vmem>>, vector<16xf32>,
          %mul3A_344 = arith.constant 16 : i32
          %mul3A_345 = arith.muli %scan3A_336, %mul3A_344 : i32
          %add3A_346 = arith.constant 0 : i32
          %add3A_347 = arith.addi %add3A_346, %mul3A_345 : i32
          %get3A_348 = arith.index_cast %add3A_347 : i32 to index
          %get3A_349 = tpu.vector_load %arg16[%get3A_348] {strides = array<i32>} : memref<4096xf32, #tpu.memory_space<vmem>>, vector<16xf32>,
          %mul3A_350 = arith.mulf %get3A_343, %get3A_349 : vector<16xf32>
          %add3A_351 = arith.addf %scan3A_337, %mul3A_350 : vector<16xf32>
          %mul3A_352 = arith.constant 16 : i32
          %mul3A_353 = arith.muli %scan3A_336, %mul3A_352 : i32
          %add3A_354 = arith.constant 1024 : i32
          %add3A_355 = arith.addi %add3A_354, %mul3A_353 : i32
          %get3A_356 = arith.index_cast %add3A_355 : i32 to index
          %get3A_357 = tpu.vector_load %arg16[%get3A_356] {strides = array<i32>} : memref<4096xf32, #tpu.memory_space<vmem>>, vector<16xf32>,
          %mul3A_358 = arith.mulf %get3A_343, %get3A_357 : vector<16xf32>
          %add3A_359 = arith.addf %scan3A_338, %mul3A_358 : vector<16xf32>
          %mul3A_360 = arith.constant 16 : i32
          %mul3A_361 = arith.muli %scan3A_336, %mul3A_360 : i32
          %add3A_362 = arith.constant 2048 : i32
          %add3A_363 = arith.addi %add3A_362, %mul3A_361 : i32
          %get3A_364 = arith.index_cast %add3A_363 : i32 to index
          %get3A_365 = tpu.vector_load %arg16[%get3A_364] {strides = array<i32>} : memref<4096xf32, #tpu.memory_space<vmem>>, vector<16xf32>,
          %mul3A_366 = arith.mulf %get3A_343, %get3A_365 : vector<16xf32>
          %add3A_367 = arith.addf %scan3A_339, %mul3A_366 : vector<16xf32>
          %mul3A_368 = arith.constant 16 : i32
          %mul3A_369 = arith.muli %scan3A_336, %mul3A_368 : i32
          %add3A_370 = arith.constant 3072 : i32
          %add3A_371 = arith.addi %add3A_370, %mul3A_369 : i32
          %get3A_372 = arith.index_cast %add3A_371 : i32 to index
          %get3A_373 = tpu.vector_load %arg16[%get3A_372] {strides = array<i32>} : memref<4096xf32, #tpu.memory_space<vmem>>, vector<16xf32>,
          %mul3A_374 = arith.mulf %get3A_343, %get3A_373 : vector<16xf32>
          %add3A_375 = arith.addf %scan3A_340, %mul3A_374 : vector<16xf32>
          scf.yield %add3A_351, %add3A_359, %add3A_367, %add3A_375 : vector<16xf32>, vector<16xf32>, vector<16xf32>, vector<16xf32>
        }
        %scan3A_268 = arith.constant 64 : i32
        %ne3A_269 = arith.constant 0.000000e+00 : f32
        %ne3A_270 = vector.broadcast %ne3A_269 : f32 to vector<16xf32>
        %ne3A_271 = arith.cmpf one, %get3A_188, %ne3A_270 : vector<16xf32>
        %neg3A = arith.constant 0.000000e+00 : f32
        %neg3A_272 = vector.broadcast %neg3A : f32 to vector<16xf32>
        %neg3A_273 = arith.subf %neg3A_272, %scan3A_267#0 : vector<16xf32>
        %exp3A = math.exp %neg3A_273 : vector<16xf32>
        %add3A_274 = arith.constant 1.000000e+00 : f32
        %add3A_275 = vector.broadcast %add3A_274 : f32 to vector<16xf32>
        %add3A_276 = arith.addf %add3A_275, %exp3A : vector<16xf32>
        %div3A = arith.constant 1.000000e+00 : f32
        %div3A_277 = vector.broadcast %div3A : f32 to vector<16xf32>
        %div3A_278 = arith.divf %div3A_277, %add3A_276 : vector<16xf32>
        %mul3A_279 = arith.mulf %div3A_278, %get3A_188 : vector<16xf32>
        %jit3A = arith.constant 0.000000e+00 : f32
        %broadcast_in_dim3A_280 = vector.broadcast %jit3A : f32 to vector<16xf32>
        %select_n3A = arith.select %ne3A_271, %mul3A_279, %broadcast_in_dim3A_280 : vector<16xi1>, vector<16xf32>
        %add3A_281 = arith.addf %cond3A_182#0, %select_n3A : vector<16xf32>
        %ne3A_282 = arith.constant 0.000000e+00 : f32
        %ne3A_283 = vector.broadcast %ne3A_282 : f32 to vector<16xf32>
        %ne3A_284 = arith.cmpf one, %get3A_188, %ne3A_283 : vector<16xf32>
        %neg3A_285 = arith.constant 0.000000e+00 : f32
        %neg3A_286 = vector.broadcast %neg3A_285 : f32 to vector<16xf32>
        %neg3A_287 = arith.subf %neg3A_286, %scan3A_267#1 : vector<16xf32>
        %exp3A_288 = math.exp %neg3A_287 : vector<16xf32>
        %add3A_289 = arith.constant 1.000000e+00 : f32
        %add3A_290 = vector.broadcast %add3A_289 : f32 to vector<16xf32>
        %add3A_291 = arith.addf %add3A_290, %exp3A_288 : vector<16xf32>
        %div3A_292 = arith.constant 1.000000e+00 : f32
        %div3A_293 = vector.broadcast %div3A_292 : f32 to vector<16xf32>
        %div3A_294 = arith.divf %div3A_293, %add3A_291 : vector<16xf32>
        %mul3A_295 = arith.mulf %div3A_294, %get3A_188 : vector<16xf32>
        %jit3A_296 = arith.constant 0.000000e+00 : f32
        %broadcast_in_dim3A_297 = vector.broadcast %jit3A_296 : f32 to vector<16xf32>
        %select_n3A_298 = arith.select %ne3A_284, %mul3A_295, %broadcast_in_dim3A_297 : vector<16xi1>, vector<16xf32>
        %add3A_299 = arith.addf %cond3A_182#1, %select_n3A_298 : vector<16xf32>
        %ne3A_300 = arith.constant 0.000000e+00 : f32
        %ne3A_301 = vector.broadcast %ne3A_300 : f32 to vector<16xf32>
        %ne3A_302 = arith.cmpf one, %get3A_188, %ne3A_301 : vector<16xf32>
        %neg3A_303 = arith.constant 0.000000e+00 : f32
        %neg3A_304 = vector.broadcast %neg3A_303 : f32 to vector<16xf32>
        %neg3A_305 = arith.subf %neg3A_304, %scan3A_267#2 : vector<16xf32>
        %exp3A_306 = math.exp %neg3A_305 : vector<16xf32>
        %add3A_307 = arith.constant 1.000000e+00 : f32
        %add3A_308 = vector.broadcast %add3A_307 : f32 to vector<16xf32>
        %add3A_309 = arith.addf %add3A_308, %exp3A_306 : vector<16xf32>
        %div3A_310 = arith.constant 1.000000e+00 : f32
        %div3A_311 = vector.broadcast %div3A_310 : f32 to vector<16xf32>
        %div3A_312 = arith.divf %div3A_311, %add3A_309 : vector<16xf32>
        %mul3A_313 = arith.mulf %div3A_312, %get3A_188 : vector<16xf32>
        %jit3A_314 = arith.constant 0.000000e+00 : f32
        %broadcast_in_dim3A_315 = vector.broadcast %jit3A_314 : f32 to vector<16xf32>
        %select_n3A_316 = arith.select %ne3A_302, %mul3A_313, %broadcast_in_dim3A_315 : vector<16xi1>, vector<16xf32>
        %add3A_317 = arith.addf %cond3A_182#2, %select_n3A_316 : vector<16xf32>
        %ne3A_318 = arith.constant 0.000000e+00 : f32
        %ne3A_319 = vector.broadcast %ne3A_318 : f32 to vector<16xf32>
        %ne3A_320 = arith.cmpf one, %get3A_188, %ne3A_319 : vector<16xf32>
        %neg3A_321 = arith.constant 0.000000e+00 : f32
        %neg3A_322 = vector.broadcast %neg3A_321 : f32 to vector<16xf32>
        %neg3A_323 = arith.subf %neg3A_322, %scan3A_267#3 : vector<16xf32>
        %exp3A_324 = math.exp %neg3A_323 : vector<16xf32>
        %add3A_325 = arith.constant 1.000000e+00 : f32
        %add3A_326 = vector.broadcast %add3A_325 : f32 to vector<16xf32>
        %add3A_327 = arith.addf %add3A_326, %exp3A_324 : vector<16xf32>
        %div3A_328 = arith.constant 1.000000e+00 : f32
        %div3A_329 = vector.broadcast %div3A_328 : f32 to vector<16xf32>
        %div3A_330 = arith.divf %div3A_329, %add3A_327 : vector<16xf32>
        %mul3A_331 = arith.mulf %div3A_330, %get3A_188 : vector<16xf32>
        %jit3A_332 = arith.constant 0.000000e+00 : f32
        %broadcast_in_dim3A_333 = vector.broadcast %jit3A_332 : f32 to vector<16xf32>
        %select_n3A_334 = arith.select %ne3A_320, %mul3A_331, %broadcast_in_dim3A_333 : vector<16xi1>, vector<16xf32>
        %add3A_335 = arith.addf %cond3A_182#3, %select_n3A_334 : vector<16xf32>
        scf.yield %add3A_281, %add3A_299, %add3A_317, %add3A_335 : vector<16xf32>, vector<16xf32>, vector<16xf32>, vector<16xf32>
      } else {
        scf.yield %cond3A_182#0, %cond3A_182#1, %cond3A_182#2, %cond3A_182#3 : vector<16xf32>, vector<16xf32>, vector<16xf32>, vector<16xf32>
      }
      %mul3A_207 = arith.constant 128 : i32
      %mul3A_208 = arith.muli %while3A_51, %mul3A_207 : i32
      %add3A_209 = arith.constant 96 : i32
      %add3A_210 = arith.addi %mul3A_208, %add3A_209 : i32
      %get3A_211 = arith.index_cast %add3A_210 : i32 to index
      %get3A_212 = tpu.vector_load %arg13[%get3A_211] {strides = array<i32>} : memref<5376xf32, #tpu.memory_space<vmem>>, vector<16xf32>,
      %ne3A_213 = arith.constant 0.000000e+00 : f32
      %ne3A_214 = vector.broadcast %ne3A_213 : f32 to vector<16xf32>
      %ne3A_215 = arith.cmpf one, %get3A_212, %ne3A_214 : vector<16xf32>
      %reduce_or3A_216 = arith.constant 1.000000e+00 : f32
      %reduce_or3A_217 = arith.constant 0.000000e+00 : f32
      %reduce_or3A_218 = vector.broadcast %reduce_or3A_216 : f32 to vector<16xf32>
      %reduce_or3A_219 = vector.broadcast %reduce_or3A_217 : f32 to vector<16xf32>
      %reduce_or3A_220 = arith.select %ne3A_215, %reduce_or3A_218, %reduce_or3A_219 : vector<16xi1>, vector<16xf32>
      %reduce_or3A_221 = arith.constant true
      %reduce_or3A_222 = vector.broadcast %reduce_or3A_221 : i1 to vector<16xi1>
      %reduce_or3A_223 = tpu.scan <max>, %reduce_or3A_220 masked %reduce_or3A_222 : vector<16xf32>, vector<16xi1> -> vector<16xf32>
      %reduce_or3A_224 = vector.extract %reduce_or3A_223[15] : f32 from vector<16xf32>
      %reduce_or3A_225 = arith.constant 0.000000e+00 : f32
      %reduce_or3A_226 = arith.cmpf ogt, %reduce_or3A_224, %reduce_or3A_225 : f32
      %convert_element_type3A_227 = arith.extui %reduce_or3A_226 : i1 to i32
      %cond3A_228 = arith.constant 0 : i32
      %cond3A_229 = arith.cmpi ne, %convert_element_type3A_227, %cond3A_228 : i32
      %cond3A_230:4 = scf.if %cond3A_229 -> (vector<16xf32>, vector<16xf32>, vector<16xf32>, vector<16xf32>) {
        %broadcast_in_dim3A_255 = arith.constant 0.000000e+00 : f32
        %broadcast_in_dim3A_256 = vector.broadcast %broadcast_in_dim3A_255 : f32 to vector<16xf32>
        %broadcast_in_dim3A_257 = arith.constant 0.000000e+00 : f32
        %broadcast_in_dim3A_258 = vector.broadcast %broadcast_in_dim3A_257 : f32 to vector<16xf32>
        %broadcast_in_dim3A_259 = arith.constant 0.000000e+00 : f32
        %broadcast_in_dim3A_260 = vector.broadcast %broadcast_in_dim3A_259 : f32 to vector<16xf32>
        %broadcast_in_dim3A_261 = arith.constant 0.000000e+00 : f32
        %broadcast_in_dim3A_262 = vector.broadcast %broadcast_in_dim3A_261 : f32 to vector<16xf32>
        %scan3A_263 = arith.constant 0 : i32
        %scan3A_264 = arith.constant 64 : i32
        %scan3A_265 = arith.addi %scan3A_263, %scan3A_264 : i32
        %scan3A_266 = arith.constant 1 : i32
        %scan3A_267:4 = scf.for %scan3A_336 = %scan3A_263 to %scan3A_265 step %scan3A_266 iter_args(%scan3A_337 = %broadcast_in_dim3A_256, %scan3A_338 = %broadcast_in_dim3A_258, %scan3A_339 = %broadcast_in_dim3A_260, %scan3A_340 = %broadcast_in_dim3A_262) -> (vector<16xf32>, vector<16xf32>, vector<16xf32>, vector<16xf32>)  : i32 {
          %get3A_341 = arith.index_cast %scan3A_336 : i32 to index
          %get3A_342 = arith.constant 96 : index
          %get3A_343 = tpu.vector_load %arg15[%get3A_341, %get3A_342] {strides = array<i32>} : memref<64x128xf32, #tpu.memory_space<vmem>>, vector<16xf32>,
          %mul3A_344 = arith.constant 16 : i32
          %mul3A_345 = arith.muli %scan3A_336, %mul3A_344 : i32
          %add3A_346 = arith.constant 0 : i32
          %add3A_347 = arith.addi %add3A_346, %mul3A_345 : i32
          %get3A_348 = arith.index_cast %add3A_347 : i32 to index
          %get3A_349 = tpu.vector_load %arg16[%get3A_348] {strides = array<i32>} : memref<4096xf32, #tpu.memory_space<vmem>>, vector<16xf32>,
          %mul3A_350 = arith.mulf %get3A_343, %get3A_349 : vector<16xf32>
          %add3A_351 = arith.addf %scan3A_337, %mul3A_350 : vector<16xf32>
          %mul3A_352 = arith.constant 16 : i32
          %mul3A_353 = arith.muli %scan3A_336, %mul3A_352 : i32
          %add3A_354 = arith.constant 1024 : i32
          %add3A_355 = arith.addi %add3A_354, %mul3A_353 : i32
          %get3A_356 = arith.index_cast %add3A_355 : i32 to index
          %get3A_357 = tpu.vector_load %arg16[%get3A_356] {strides = array<i32>} : memref<4096xf32, #tpu.memory_space<vmem>>, vector<16xf32>,
          %mul3A_358 = arith.mulf %get3A_343, %get3A_357 : vector<16xf32>
          %add3A_359 = arith.addf %scan3A_338, %mul3A_358 : vector<16xf32>
          %mul3A_360 = arith.constant 16 : i32
          %mul3A_361 = arith.muli %scan3A_336, %mul3A_360 : i32
          %add3A_362 = arith.constant 2048 : i32
          %add3A_363 = arith.addi %add3A_362, %mul3A_361 : i32
          %get3A_364 = arith.index_cast %add3A_363 : i32 to index
          %get3A_365 = tpu.vector_load %arg16[%get3A_364] {strides = array<i32>} : memref<4096xf32, #tpu.memory_space<vmem>>, vector<16xf32>,
          %mul3A_366 = arith.mulf %get3A_343, %get3A_365 : vector<16xf32>
          %add3A_367 = arith.addf %scan3A_339, %mul3A_366 : vector<16xf32>
          %mul3A_368 = arith.constant 16 : i32
          %mul3A_369 = arith.muli %scan3A_336, %mul3A_368 : i32
          %add3A_370 = arith.constant 3072 : i32
          %add3A_371 = arith.addi %add3A_370, %mul3A_369 : i32
          %get3A_372 = arith.index_cast %add3A_371 : i32 to index
          %get3A_373 = tpu.vector_load %arg16[%get3A_372] {strides = array<i32>} : memref<4096xf32, #tpu.memory_space<vmem>>, vector<16xf32>,
          %mul3A_374 = arith.mulf %get3A_343, %get3A_373 : vector<16xf32>
          %add3A_375 = arith.addf %scan3A_340, %mul3A_374 : vector<16xf32>
          scf.yield %add3A_351, %add3A_359, %add3A_367, %add3A_375 : vector<16xf32>, vector<16xf32>, vector<16xf32>, vector<16xf32>
        }
        %scan3A_268 = arith.constant 64 : i32
        %ne3A_269 = arith.constant 0.000000e+00 : f32
        %ne3A_270 = vector.broadcast %ne3A_269 : f32 to vector<16xf32>
        %ne3A_271 = arith.cmpf one, %get3A_212, %ne3A_270 : vector<16xf32>
        %neg3A = arith.constant 0.000000e+00 : f32
        %neg3A_272 = vector.broadcast %neg3A : f32 to vector<16xf32>
        %neg3A_273 = arith.subf %neg3A_272, %scan3A_267#0 : vector<16xf32>
        %exp3A = math.exp %neg3A_273 : vector<16xf32>
        %add3A_274 = arith.constant 1.000000e+00 : f32
        %add3A_275 = vector.broadcast %add3A_274 : f32 to vector<16xf32>
        %add3A_276 = arith.addf %add3A_275, %exp3A : vector<16xf32>
        %div3A = arith.constant 1.000000e+00 : f32
        %div3A_277 = vector.broadcast %div3A : f32 to vector<16xf32>
        %div3A_278 = arith.divf %div3A_277, %add3A_276 : vector<16xf32>
        %mul3A_279 = arith.mulf %div3A_278, %get3A_212 : vector<16xf32>
        %jit3A = arith.constant 0.000000e+00 : f32
        %broadcast_in_dim3A_280 = vector.broadcast %jit3A : f32 to vector<16xf32>
        %select_n3A = arith.select %ne3A_271, %mul3A_279, %broadcast_in_dim3A_280 : vector<16xi1>, vector<16xf32>
        %add3A_281 = arith.addf %cond3A_206#0, %select_n3A : vector<16xf32>
        %ne3A_282 = arith.constant 0.000000e+00 : f32
        %ne3A_283 = vector.broadcast %ne3A_282 : f32 to vector<16xf32>
        %ne3A_284 = arith.cmpf one, %get3A_212, %ne3A_283 : vector<16xf32>
        %neg3A_285 = arith.constant 0.000000e+00 : f32
        %neg3A_286 = vector.broadcast %neg3A_285 : f32 to vector<16xf32>
        %neg3A_287 = arith.subf %neg3A_286, %scan3A_267#1 : vector<16xf32>
        %exp3A_288 = math.exp %neg3A_287 : vector<16xf32>
        %add3A_289 = arith.constant 1.000000e+00 : f32
        %add3A_290 = vector.broadcast %add3A_289 : f32 to vector<16xf32>
        %add3A_291 = arith.addf %add3A_290, %exp3A_288 : vector<16xf32>
        %div3A_292 = arith.constant 1.000000e+00 : f32
        %div3A_293 = vector.broadcast %div3A_292 : f32 to vector<16xf32>
        %div3A_294 = arith.divf %div3A_293, %add3A_291 : vector<16xf32>
        %mul3A_295 = arith.mulf %div3A_294, %get3A_212 : vector<16xf32>
        %jit3A_296 = arith.constant 0.000000e+00 : f32
        %broadcast_in_dim3A_297 = vector.broadcast %jit3A_296 : f32 to vector<16xf32>
        %select_n3A_298 = arith.select %ne3A_284, %mul3A_295, %broadcast_in_dim3A_297 : vector<16xi1>, vector<16xf32>
        %add3A_299 = arith.addf %cond3A_206#1, %select_n3A_298 : vector<16xf32>
        %ne3A_300 = arith.constant 0.000000e+00 : f32
        %ne3A_301 = vector.broadcast %ne3A_300 : f32 to vector<16xf32>
        %ne3A_302 = arith.cmpf one, %get3A_212, %ne3A_301 : vector<16xf32>
        %neg3A_303 = arith.constant 0.000000e+00 : f32
        %neg3A_304 = vector.broadcast %neg3A_303 : f32 to vector<16xf32>
        %neg3A_305 = arith.subf %neg3A_304, %scan3A_267#2 : vector<16xf32>
        %exp3A_306 = math.exp %neg3A_305 : vector<16xf32>
        %add3A_307 = arith.constant 1.000000e+00 : f32
        %add3A_308 = vector.broadcast %add3A_307 : f32 to vector<16xf32>
        %add3A_309 = arith.addf %add3A_308, %exp3A_306 : vector<16xf32>
        %div3A_310 = arith.constant 1.000000e+00 : f32
        %div3A_311 = vector.broadcast %div3A_310 : f32 to vector<16xf32>
        %div3A_312 = arith.divf %div3A_311, %add3A_309 : vector<16xf32>
        %mul3A_313 = arith.mulf %div3A_312, %get3A_212 : vector<16xf32>
        %jit3A_314 = arith.constant 0.000000e+00 : f32
        %broadcast_in_dim3A_315 = vector.broadcast %jit3A_314 : f32 to vector<16xf32>
        %select_n3A_316 = arith.select %ne3A_302, %mul3A_313, %broadcast_in_dim3A_315 : vector<16xi1>, vector<16xf32>
        %add3A_317 = arith.addf %cond3A_206#2, %select_n3A_316 : vector<16xf32>
        %ne3A_318 = arith.constant 0.000000e+00 : f32
        %ne3A_319 = vector.broadcast %ne3A_318 : f32 to vector<16xf32>
        %ne3A_320 = arith.cmpf one, %get3A_212, %ne3A_319 : vector<16xf32>
        %neg3A_321 = arith.constant 0.000000e+00 : f32
        %neg3A_322 = vector.broadcast %neg3A_321 : f32 to vector<16xf32>
        %neg3A_323 = arith.subf %neg3A_322, %scan3A_267#3 : vector<16xf32>
        %exp3A_324 = math.exp %neg3A_323 : vector<16xf32>
        %add3A_325 = arith.constant 1.000000e+00 : f32
        %add3A_326 = vector.broadcast %add3A_325 : f32 to vector<16xf32>
        %add3A_327 = arith.addf %add3A_326, %exp3A_324 : vector<16xf32>
        %div3A_328 = arith.constant 1.000000e+00 : f32
        %div3A_329 = vector.broadcast %div3A_328 : f32 to vector<16xf32>
        %div3A_330 = arith.divf %div3A_329, %add3A_327 : vector<16xf32>
        %mul3A_331 = arith.mulf %div3A_330, %get3A_212 : vector<16xf32>
        %jit3A_332 = arith.constant 0.000000e+00 : f32
        %broadcast_in_dim3A_333 = vector.broadcast %jit3A_332 : f32 to vector<16xf32>
        %select_n3A_334 = arith.select %ne3A_320, %mul3A_331, %broadcast_in_dim3A_333 : vector<16xi1>, vector<16xf32>
        %add3A_335 = arith.addf %cond3A_206#3, %select_n3A_334 : vector<16xf32>
        scf.yield %add3A_281, %add3A_299, %add3A_317, %add3A_335 : vector<16xf32>, vector<16xf32>, vector<16xf32>, vector<16xf32>
      } else {
        scf.yield %cond3A_206#0, %cond3A_206#1, %cond3A_206#2, %cond3A_206#3 : vector<16xf32>, vector<16xf32>, vector<16xf32>, vector<16xf32>
      }
      %mul3A_231 = arith.constant 128 : i32
      %mul3A_232 = arith.muli %while3A_51, %mul3A_231 : i32
      %add3A_233 = arith.constant 112 : i32
      %add3A_234 = arith.addi %mul3A_232, %add3A_233 : i32
      %get3A_235 = arith.index_cast %add3A_234 : i32 to index
      %get3A_236 = tpu.vector_load %arg13[%get3A_235] {strides = array<i32>} : memref<5376xf32, #tpu.memory_space<vmem>>, vector<16xf32>,
      %ne3A_237 = arith.constant 0.000000e+00 : f32
      %ne3A_238 = vector.broadcast %ne3A_237 : f32 to vector<16xf32>
      %ne3A_239 = arith.cmpf one, %get3A_236, %ne3A_238 : vector<16xf32>
      %reduce_or3A_240 = arith.constant 1.000000e+00 : f32
      %reduce_or3A_241 = arith.constant 0.000000e+00 : f32
      %reduce_or3A_242 = vector.broadcast %reduce_or3A_240 : f32 to vector<16xf32>
      %reduce_or3A_243 = vector.broadcast %reduce_or3A_241 : f32 to vector<16xf32>
      %reduce_or3A_244 = arith.select %ne3A_239, %reduce_or3A_242, %reduce_or3A_243 : vector<16xi1>, vector<16xf32>
      %reduce_or3A_245 = arith.constant true
      %reduce_or3A_246 = vector.broadcast %reduce_or3A_245 : i1 to vector<16xi1>
      %reduce_or3A_247 = tpu.scan <max>, %reduce_or3A_244 masked %reduce_or3A_246 : vector<16xf32>, vector<16xi1> -> vector<16xf32>
      %reduce_or3A_248 = vector.extract %reduce_or3A_247[15] : f32 from vector<16xf32>
      %reduce_or3A_249 = arith.constant 0.000000e+00 : f32
      %reduce_or3A_250 = arith.cmpf ogt, %reduce_or3A_248, %reduce_or3A_249 : f32
      %convert_element_type3A_251 = arith.extui %reduce_or3A_250 : i1 to i32
      %cond3A_252 = arith.constant 0 : i32
      %cond3A_253 = arith.cmpi ne, %convert_element_type3A_251, %cond3A_252 : i32
      %cond3A_254:4 = scf.if %cond3A_253 -> (vector<16xf32>, vector<16xf32>, vector<16xf32>, vector<16xf32>) {
        %broadcast_in_dim3A_255 = arith.constant 0.000000e+00 : f32
        %broadcast_in_dim3A_256 = vector.broadcast %broadcast_in_dim3A_255 : f32 to vector<16xf32>
        %broadcast_in_dim3A_257 = arith.constant 0.000000e+00 : f32
        %broadcast_in_dim3A_258 = vector.broadcast %broadcast_in_dim3A_257 : f32 to vector<16xf32>
        %broadcast_in_dim3A_259 = arith.constant 0.000000e+00 : f32
        %broadcast_in_dim3A_260 = vector.broadcast %broadcast_in_dim3A_259 : f32 to vector<16xf32>
        %broadcast_in_dim3A_261 = arith.constant 0.000000e+00 : f32
        %broadcast_in_dim3A_262 = vector.broadcast %broadcast_in_dim3A_261 : f32 to vector<16xf32>
        %scan3A_263 = arith.constant 0 : i32
        %scan3A_264 = arith.constant 64 : i32
        %scan3A_265 = arith.addi %scan3A_263, %scan3A_264 : i32
        %scan3A_266 = arith.constant 1 : i32
        %scan3A_267:4 = scf.for %scan3A_336 = %scan3A_263 to %scan3A_265 step %scan3A_266 iter_args(%scan3A_337 = %broadcast_in_dim3A_256, %scan3A_338 = %broadcast_in_dim3A_258, %scan3A_339 = %broadcast_in_dim3A_260, %scan3A_340 = %broadcast_in_dim3A_262) -> (vector<16xf32>, vector<16xf32>, vector<16xf32>, vector<16xf32>)  : i32 {
          %get3A_341 = arith.index_cast %scan3A_336 : i32 to index
          %get3A_342 = arith.constant 112 : index
          %get3A_343 = tpu.vector_load %arg15[%get3A_341, %get3A_342] {strides = array<i32>} : memref<64x128xf32, #tpu.memory_space<vmem>>, vector<16xf32>,
          %mul3A_344 = arith.constant 16 : i32
          %mul3A_345 = arith.muli %scan3A_336, %mul3A_344 : i32
          %add3A_346 = arith.constant 0 : i32
          %add3A_347 = arith.addi %add3A_346, %mul3A_345 : i32
          %get3A_348 = arith.index_cast %add3A_347 : i32 to index
          %get3A_349 = tpu.vector_load %arg16[%get3A_348] {strides = array<i32>} : memref<4096xf32, #tpu.memory_space<vmem>>, vector<16xf32>,
          %mul3A_350 = arith.mulf %get3A_343, %get3A_349 : vector<16xf32>
          %add3A_351 = arith.addf %scan3A_337, %mul3A_350 : vector<16xf32>
          %mul3A_352 = arith.constant 16 : i32
          %mul3A_353 = arith.muli %scan3A_336, %mul3A_352 : i32
          %add3A_354 = arith.constant 1024 : i32
          %add3A_355 = arith.addi %add3A_354, %mul3A_353 : i32
          %get3A_356 = arith.index_cast %add3A_355 : i32 to index
          %get3A_357 = tpu.vector_load %arg16[%get3A_356] {strides = array<i32>} : memref<4096xf32, #tpu.memory_space<vmem>>, vector<16xf32>,
          %mul3A_358 = arith.mulf %get3A_343, %get3A_357 : vector<16xf32>
          %add3A_359 = arith.addf %scan3A_338, %mul3A_358 : vector<16xf32>
          %mul3A_360 = arith.constant 16 : i32
          %mul3A_361 = arith.muli %scan3A_336, %mul3A_360 : i32
          %add3A_362 = arith.constant 2048 : i32
          %add3A_363 = arith.addi %add3A_362, %mul3A_361 : i32
          %get3A_364 = arith.index_cast %add3A_363 : i32 to index
          %get3A_365 = tpu.vector_load %arg16[%get3A_364] {strides = array<i32>} : memref<4096xf32, #tpu.memory_space<vmem>>, vector<16xf32>,
          %mul3A_366 = arith.mulf %get3A_343, %get3A_365 : vector<16xf32>
          %add3A_367 = arith.addf %scan3A_339, %mul3A_366 : vector<16xf32>
          %mul3A_368 = arith.constant 16 : i32
          %mul3A_369 = arith.muli %scan3A_336, %mul3A_368 : i32
          %add3A_370 = arith.constant 3072 : i32
          %add3A_371 = arith.addi %add3A_370, %mul3A_369 : i32
          %get3A_372 = arith.index_cast %add3A_371 : i32 to index
          %get3A_373 = tpu.vector_load %arg16[%get3A_372] {strides = array<i32>} : memref<4096xf32, #tpu.memory_space<vmem>>, vector<16xf32>,
          %mul3A_374 = arith.mulf %get3A_343, %get3A_373 : vector<16xf32>
          %add3A_375 = arith.addf %scan3A_340, %mul3A_374 : vector<16xf32>
          scf.yield %add3A_351, %add3A_359, %add3A_367, %add3A_375 : vector<16xf32>, vector<16xf32>, vector<16xf32>, vector<16xf32>
        }
        %scan3A_268 = arith.constant 64 : i32
        %ne3A_269 = arith.constant 0.000000e+00 : f32
        %ne3A_270 = vector.broadcast %ne3A_269 : f32 to vector<16xf32>
        %ne3A_271 = arith.cmpf one, %get3A_236, %ne3A_270 : vector<16xf32>
        %neg3A = arith.constant 0.000000e+00 : f32
        %neg3A_272 = vector.broadcast %neg3A : f32 to vector<16xf32>
        %neg3A_273 = arith.subf %neg3A_272, %scan3A_267#0 : vector<16xf32>
        %exp3A = math.exp %neg3A_273 : vector<16xf32>
        %add3A_274 = arith.constant 1.000000e+00 : f32
        %add3A_275 = vector.broadcast %add3A_274 : f32 to vector<16xf32>
        %add3A_276 = arith.addf %add3A_275, %exp3A : vector<16xf32>
        %div3A = arith.constant 1.000000e+00 : f32
        %div3A_277 = vector.broadcast %div3A : f32 to vector<16xf32>
        %div3A_278 = arith.divf %div3A_277, %add3A_276 : vector<16xf32>
        %mul3A_279 = arith.mulf %div3A_278, %get3A_236 : vector<16xf32>
        %jit3A = arith.constant 0.000000e+00 : f32
        %broadcast_in_dim3A_280 = vector.broadcast %jit3A : f32 to vector<16xf32>
        %select_n3A = arith.select %ne3A_271, %mul3A_279, %broadcast_in_dim3A_280 : vector<16xi1>, vector<16xf32>
        %add3A_281 = arith.addf %cond3A_230#0, %select_n3A : vector<16xf32>
        %ne3A_282 = arith.constant 0.000000e+00 : f32
        %ne3A_283 = vector.broadcast %ne3A_282 : f32 to vector<16xf32>
        %ne3A_284 = arith.cmpf one, %get3A_236, %ne3A_283 : vector<16xf32>
        %neg3A_285 = arith.constant 0.000000e+00 : f32
        %neg3A_286 = vector.broadcast %neg3A_285 : f32 to vector<16xf32>
        %neg3A_287 = arith.subf %neg3A_286, %scan3A_267#1 : vector<16xf32>
        %exp3A_288 = math.exp %neg3A_287 : vector<16xf32>
        %add3A_289 = arith.constant 1.000000e+00 : f32
        %add3A_290 = vector.broadcast %add3A_289 : f32 to vector<16xf32>
        %add3A_291 = arith.addf %add3A_290, %exp3A_288 : vector<16xf32>
        %div3A_292 = arith.constant 1.000000e+00 : f32
        %div3A_293 = vector.broadcast %div3A_292 : f32 to vector<16xf32>
        %div3A_294 = arith.divf %div3A_293, %add3A_291 : vector<16xf32>
        %mul3A_295 = arith.mulf %div3A_294, %get3A_236 : vector<16xf32>
        %jit3A_296 = arith.constant 0.000000e+00 : f32
        %broadcast_in_dim3A_297 = vector.broadcast %jit3A_296 : f32 to vector<16xf32>
        %select_n3A_298 = arith.select %ne3A_284, %mul3A_295, %broadcast_in_dim3A_297 : vector<16xi1>, vector<16xf32>
        %add3A_299 = arith.addf %cond3A_230#1, %select_n3A_298 : vector<16xf32>
        %ne3A_300 = arith.constant 0.000000e+00 : f32
        %ne3A_301 = vector.broadcast %ne3A_300 : f32 to vector<16xf32>
        %ne3A_302 = arith.cmpf one, %get3A_236, %ne3A_301 : vector<16xf32>
        %neg3A_303 = arith.constant 0.000000e+00 : f32
        %neg3A_304 = vector.broadcast %neg3A_303 : f32 to vector<16xf32>
        %neg3A_305 = arith.subf %neg3A_304, %scan3A_267#2 : vector<16xf32>
        %exp3A_306 = math.exp %neg3A_305 : vector<16xf32>
        %add3A_307 = arith.constant 1.000000e+00 : f32
        %add3A_308 = vector.broadcast %add3A_307 : f32 to vector<16xf32>
        %add3A_309 = arith.addf %add3A_308, %exp3A_306 : vector<16xf32>
        %div3A_310 = arith.constant 1.000000e+00 : f32
        %div3A_311 = vector.broadcast %div3A_310 : f32 to vector<16xf32>
        %div3A_312 = arith.divf %div3A_311, %add3A_309 : vector<16xf32>
        %mul3A_313 = arith.mulf %div3A_312, %get3A_236 : vector<16xf32>
        %jit3A_314 = arith.constant 0.000000e+00 : f32
        %broadcast_in_dim3A_315 = vector.broadcast %jit3A_314 : f32 to vector<16xf32>
        %select_n3A_316 = arith.select %ne3A_302, %mul3A_313, %broadcast_in_dim3A_315 : vector<16xi1>, vector<16xf32>
        %add3A_317 = arith.addf %cond3A_230#2, %select_n3A_316 : vector<16xf32>
        %ne3A_318 = arith.constant 0.000000e+00 : f32
        %ne3A_319 = vector.broadcast %ne3A_318 : f32 to vector<16xf32>
        %ne3A_320 = arith.cmpf one, %get3A_236, %ne3A_319 : vector<16xf32>
        %neg3A_321 = arith.constant 0.000000e+00 : f32
        %neg3A_322 = vector.broadcast %neg3A_321 : f32 to vector<16xf32>
        %neg3A_323 = arith.subf %neg3A_322, %scan3A_267#3 : vector<16xf32>
        %exp3A_324 = math.exp %neg3A_323 : vector<16xf32>
        %add3A_325 = arith.constant 1.000000e+00 : f32
        %add3A_326 = vector.broadcast %add3A_325 : f32 to vector<16xf32>
        %add3A_327 = arith.addf %add3A_326, %exp3A_324 : vector<16xf32>
        %div3A_328 = arith.constant 1.000000e+00 : f32
        %div3A_329 = vector.broadcast %div3A_328 : f32 to vector<16xf32>
        %div3A_330 = arith.divf %div3A_329, %add3A_327 : vector<16xf32>
        %mul3A_331 = arith.mulf %div3A_330, %get3A_236 : vector<16xf32>
        %jit3A_332 = arith.constant 0.000000e+00 : f32
        %broadcast_in_dim3A_333 = vector.broadcast %jit3A_332 : f32 to vector<16xf32>
        %select_n3A_334 = arith.select %ne3A_320, %mul3A_331, %broadcast_in_dim3A_333 : vector<16xi1>, vector<16xf32>
        %add3A_335 = arith.addf %cond3A_230#3, %select_n3A_334 : vector<16xf32>
        scf.yield %add3A_281, %add3A_299, %add3A_317, %add3A_335 : vector<16xf32>, vector<16xf32>, vector<16xf32>, vector<16xf32>
      } else {
        scf.yield %cond3A_230#0, %cond3A_230#1, %cond3A_230#2, %cond3A_230#3 : vector<16xf32>, vector<16xf32>, vector<16xf32>, vector<16xf32>
      }
      scf.yield %cond3A_254#0, %cond3A_254#1, %cond3A_254#2, %cond3A_254#3 : vector<16xf32>, vector<16xf32>, vector<16xf32>, vector<16xf32>
    }
    %swap3A = arith.constant 0 : index
    %swap3A_40 = tpu.vector_load %arg17[%swap3A] {strides = array<i32>} : memref<64xf32, #tpu.memory_space<vmem>>, vector<16xf32>,
    tpu.vector_store %arg17[%swap3A], %while3A_39#0 {strides = array<i32>} : memref<64xf32, #tpu.memory_space<vmem>>, vector<16xf32>,
    %swap3A_41 = arith.constant 16 : index
    %swap3A_42 = tpu.vector_load %arg17[%swap3A_41] {strides = array<i32>} : memref<64xf32, #tpu.memory_space<vmem>>, vector<16xf32>,
    tpu.vector_store %arg17[%swap3A_41], %while3A_39#1 {strides = array<i32>} : memref<64xf32, #tpu.memory_space<vmem>>, vector<16xf32>,
    %swap3A_43 = arith.constant 32 : index
    %swap3A_44 = tpu.vector_load %arg17[%swap3A_43] {strides = array<i32>} : memref<64xf32, #tpu.memory_space<vmem>>, vector<16xf32>,
    tpu.vector_store %arg17[%swap3A_43], %while3A_39#2 {strides = array<i32>} : memref<64xf32, #tpu.memory_space<vmem>>, vector<16xf32>,
    %swap3A_45 = arith.constant 48 : index
    %swap3A_46 = tpu.vector_load %arg17[%swap3A_45] {strides = array<i32>} : memref<64xf32, #tpu.memory_space<vmem>>, vector<16xf32>,
    tpu.vector_store %arg17[%swap3A_45], %while3A_39#3 {strides = array<i32>} : memref<64xf32, #tpu.memory_space<vmem>>, vector<16xf32>,
    %mul3A_47 = arith.constant 4 : i32
    %mul3A_48 = arith.muli %add3A, %mul3A_47 : i32
    %mul3A_49 = arith.constant 16 : i32
    %mul3A_50 = arith.muli %mul3A_48, %mul3A_49 : i32
    "tpu.region"() ({
      %run_scoped3A = tpu.sem_alloc : memref<!tpu.dma_semaphore, #tpu.memory_space<semaphore_mem>>
      %dma_start3A_51 = tpu.memref_slice %arg8[%mul3A_50] : memref<2048xf32, #tpu.memory_space<hbm>> -> memref<64xf32, #tpu.memory_space<hbm>>
      %dma_start3A_52 = tpu.memref_slice %arg8[%mul3A_50] : memref<2048xf32, #tpu.memory_space<hbm>> -> memref<64xf32, #tpu.memory_space<hbm>>
      tpu.enqueue_dma source(%arg17 : memref<64xf32, #tpu.memory_space<vmem>>) target(%dma_start3A_52 : memref<64xf32, #tpu.memory_space<hbm>>) target_semaphore(%run_scoped3A : memref<!tpu.dma_semaphore, #tpu.memory_space<semaphore_mem>>)
      %dma_wait3A_53 = tpu.memref_slice %arg8[%mul3A_50] : memref<2048xf32, #tpu.memory_space<hbm>> -> memref<64xf32, #tpu.memory_space<hbm>>
      %dma_wait3A_54 = tpu.memref_slice %arg8[%mul3A_50] : memref<2048xf32, #tpu.memory_space<hbm>> -> memref<64xf32, #tpu.memory_space<hbm>>
      tpu.wait_dma2 semaphore(%run_scoped3A : memref<!tpu.dma_semaphore, #tpu.memory_space<semaphore_mem>>) src(%arg17 : memref<64xf32, #tpu.memory_space<vmem>>) dst(%dma_wait3A_54 : memref<64xf32, #tpu.memory_space<hbm>>)
      tpu.yield
    }) : () -> ()
    return
  }
}

#map = affine_map<(d0, d1) -> (0)>
module attributes {stable_mosaic.version = 14 : i64} {
  func.func @kb(%arg0: i32, %arg1: i32, %arg2: memref<2048xf32, #tpu.memory_space<hbm>>, %arg3: memref<16xf32, #tpu.memory_space<hbm>>, %arg4: memref<2048xf32, #tpu.memory_space<vmem>>, %arg5: memref<16xf32, #tpu.memory_space<vmem>>) attributes {dimension_semantics = [#tpu.dimension_semantics<core_parallel>, #tpu.dimension_semantics<subcore_parallel>], iteration_bounds = array<i64: 2, 16>, scalar_prefetch = 0 : i64, scratch_operands = 2 : i64, tpu.core_type = #tpu.core_type<sc_vector_subcore>, window_params = [{transform_indices = #map}, {transform_indices = #map}]} {
    %mul3A = arith.constant 2 : i32
    %mul3A_0 = arith.muli %arg1, %mul3A : i32
    %add3A = arith.addi %mul3A_0, %arg0 : i32
    %iota3A = tpu.iota {dimensions = array<i32: 0>} : vector<16xi32>
    %eq3A = arith.constant 0 : i32
    %eq3A_1 = arith.cmpi eq, %add3A, %eq3A : i32
    %convert_element_type3A = arith.extui %eq3A_1 : i1 to i32
    %cond3A = arith.constant 0 : i32
    %cond3A_2 = arith.cmpi ne, %convert_element_type3A, %cond3A : i32
    scf.if %cond3A_2 {
      "tpu.region"() ({
        %run_scoped3A = tpu.sem_alloc : memref<!tpu.dma_semaphore, #tpu.memory_space<semaphore_mem>>
        tpu.enqueue_dma source(%arg2 : memref<2048xf32, #tpu.memory_space<hbm>>) target(%arg4 : memref<2048xf32, #tpu.memory_space<vmem>>) target_semaphore(%run_scoped3A : memref<!tpu.dma_semaphore, #tpu.memory_space<semaphore_mem>>)
        tpu.wait_dma2 semaphore(%run_scoped3A : memref<!tpu.dma_semaphore, #tpu.memory_space<semaphore_mem>>) src(%arg2 : memref<2048xf32, #tpu.memory_space<hbm>>) dst(%arg4 : memref<2048xf32, #tpu.memory_space<vmem>>)
        tpu.yield
      }) : () -> ()
      %broadcast_in_dim3A = arith.constant 0.000000e+00 : f32
      %broadcast_in_dim3A_3 = vector.broadcast %broadcast_in_dim3A : f32 to vector<16xf32>
      %swap3A = arith.constant 0 : index
      %swap3A_4 = tpu.vector_load %arg5[%swap3A] {strides = array<i32>} : memref<16xf32, #tpu.memory_space<vmem>>, vector<16xf32>,
      tpu.vector_store %arg5[%swap3A], %broadcast_in_dim3A_3 {strides = array<i32>} : memref<16xf32, #tpu.memory_space<vmem>>, vector<16xf32>,
      %broadcast_in_dim3A_5 = arith.constant 0.000000e+00 : f32
      %broadcast_in_dim3A_6 = vector.broadcast %broadcast_in_dim3A_5 : f32 to vector<16xf32>
      %scan3A = arith.constant 0 : i32
      %scan3A_7 = arith.constant 32 : i32
      %scan3A_8 = arith.addi %scan3A, %scan3A_7 : i32
      %scan3A_9 = arith.constant 1 : i32
      %scan3A_10 = scf.for %scan3A_75 = %scan3A to %scan3A_8 step %scan3A_9 iter_args(%scan3A_76 = %broadcast_in_dim3A_6) -> (vector<16xf32>)  : i32 {
        %mul3A_77 = arith.constant 4 : i32
        %mul3A_78 = arith.muli %scan3A_75, %mul3A_77 : i32
        %mul3A_79 = arith.constant 16 : i32
        %mul3A_80 = arith.muli %mul3A_78, %mul3A_79 : i32
        %add3A_81 = arith.constant 0 : i32
        %add3A_82 = arith.addi %mul3A_80, %add3A_81 : i32
        %get3A = arith.index_cast %add3A_82 : i32 to index
        %get3A_83 = tpu.vector_load %arg4[%get3A] {strides = array<i32>} : memref<2048xf32, #tpu.memory_space<vmem>>, vector<16xf32>,
        %add3A_84 = arith.addf %scan3A_76, %get3A_83 : vector<16xf32>
        scf.yield %add3A_84 : vector<16xf32>
      }
      %scan3A_11 = arith.constant 32 : i32
      %reduce_sum3A = arith.constant true
      %reduce_sum3A_12 = vector.broadcast %reduce_sum3A : i1 to vector<16xi1>
      %reduce_sum3A_13 = tpu.scan <sum>, %scan3A_10 masked %reduce_sum3A_12 : vector<16xf32>, vector<16xi1> -> vector<16xf32>
      %reduce_sum3A_14 = vector.extract %reduce_sum3A_13[15] : f32 from vector<16xf32>
      %broadcast_in_dim3A_15 = arith.constant 0 : i32
      %broadcast_in_dim3A_16 = vector.broadcast %broadcast_in_dim3A_15 : i32 to vector<16xi32>
      %broadcast_in_dim3A_17 = vector.broadcast %reduce_sum3A_14 : f32 to vector<16xf32>
      %eq3A_18 = arith.constant 0 : i32
      %eq3A_19 = vector.broadcast %eq3A_18 : i32 to vector<16xi32>
      %eq3A_20 = arith.cmpi eq, %iota3A, %eq3A_19 : vector<16xi32>
      tpu.vector_store_idx %arg5[%broadcast_in_dim3A_16], %broadcast_in_dim3A_17 masked %eq3A_20 : memref<16xf32, #tpu.memory_space<vmem>>[vector<16xi32>], vector<16xf32>, vector<16xi1>
      %broadcast_in_dim3A_21 = arith.constant 0.000000e+00 : f32
      %broadcast_in_dim3A_22 = vector.broadcast %broadcast_in_dim3A_21 : f32 to vector<16xf32>
      %scan3A_23 = arith.constant 0 : i32
      %scan3A_24 = arith.constant 32 : i32
      %scan3A_25 = arith.addi %scan3A_23, %scan3A_24 : i32
      %scan3A_26 = arith.constant 1 : i32
      %scan3A_27 = scf.for %scan3A_75 = %scan3A_23 to %scan3A_25 step %scan3A_26 iter_args(%scan3A_76 = %broadcast_in_dim3A_22) -> (vector<16xf32>)  : i32 {
        %mul3A_77 = arith.constant 4 : i32
        %mul3A_78 = arith.muli %scan3A_75, %mul3A_77 : i32
        %mul3A_79 = arith.constant 16 : i32
        %mul3A_80 = arith.muli %mul3A_78, %mul3A_79 : i32
        %add3A_81 = arith.constant 16 : i32
        %add3A_82 = arith.addi %mul3A_80, %add3A_81 : i32
        %get3A = arith.index_cast %add3A_82 : i32 to index
        %get3A_83 = tpu.vector_load %arg4[%get3A] {strides = array<i32>} : memref<2048xf32, #tpu.memory_space<vmem>>, vector<16xf32>,
        %add3A_84 = arith.addf %scan3A_76, %get3A_83 : vector<16xf32>
        scf.yield %add3A_84 : vector<16xf32>
      }
      %scan3A_28 = arith.constant 32 : i32
      %reduce_sum3A_29 = arith.constant true
      %reduce_sum3A_30 = vector.broadcast %reduce_sum3A_29 : i1 to vector<16xi1>
      %reduce_sum3A_31 = tpu.scan <sum>, %scan3A_27 masked %reduce_sum3A_30 : vector<16xf32>, vector<16xi1> -> vector<16xf32>
      %reduce_sum3A_32 = vector.extract %reduce_sum3A_31[15] : f32 from vector<16xf32>
      %broadcast_in_dim3A_33 = arith.constant 1 : i32
      %broadcast_in_dim3A_34 = vector.broadcast %broadcast_in_dim3A_33 : i32 to vector<16xi32>
      %broadcast_in_dim3A_35 = vector.broadcast %reduce_sum3A_32 : f32 to vector<16xf32>
      %eq3A_36 = arith.constant 0 : i32
      %eq3A_37 = vector.broadcast %eq3A_36 : i32 to vector<16xi32>
      %eq3A_38 = arith.cmpi eq, %iota3A, %eq3A_37 : vector<16xi32>
      tpu.vector_store_idx %arg5[%broadcast_in_dim3A_34], %broadcast_in_dim3A_35 masked %eq3A_38 : memref<16xf32, #tpu.memory_space<vmem>>[vector<16xi32>], vector<16xf32>, vector<16xi1>
      %broadcast_in_dim3A_39 = arith.constant 0.000000e+00 : f32
      %broadcast_in_dim3A_40 = vector.broadcast %broadcast_in_dim3A_39 : f32 to vector<16xf32>
      %scan3A_41 = arith.constant 0 : i32
      %scan3A_42 = arith.constant 32 : i32
      %scan3A_43 = arith.addi %scan3A_41, %scan3A_42 : i32
      %scan3A_44 = arith.constant 1 : i32
      %scan3A_45 = scf.for %scan3A_75 = %scan3A_41 to %scan3A_43 step %scan3A_44 iter_args(%scan3A_76 = %broadcast_in_dim3A_40) -> (vector<16xf32>)  : i32 {
        %mul3A_77 = arith.constant 4 : i32
        %mul3A_78 = arith.muli %scan3A_75, %mul3A_77 : i32
        %mul3A_79 = arith.constant 16 : i32
        %mul3A_80 = arith.muli %mul3A_78, %mul3A_79 : i32
        %add3A_81 = arith.constant 32 : i32
        %add3A_82 = arith.addi %mul3A_80, %add3A_81 : i32
        %get3A = arith.index_cast %add3A_82 : i32 to index
        %get3A_83 = tpu.vector_load %arg4[%get3A] {strides = array<i32>} : memref<2048xf32, #tpu.memory_space<vmem>>, vector<16xf32>,
        %add3A_84 = arith.addf %scan3A_76, %get3A_83 : vector<16xf32>
        scf.yield %add3A_84 : vector<16xf32>
      }
      %scan3A_46 = arith.constant 32 : i32
      %reduce_sum3A_47 = arith.constant true
      %reduce_sum3A_48 = vector.broadcast %reduce_sum3A_47 : i1 to vector<16xi1>
      %reduce_sum3A_49 = tpu.scan <sum>, %scan3A_45 masked %reduce_sum3A_48 : vector<16xf32>, vector<16xi1> -> vector<16xf32>
      %reduce_sum3A_50 = vector.extract %reduce_sum3A_49[15] : f32 from vector<16xf32>
      %broadcast_in_dim3A_51 = arith.constant 2 : i32
      %broadcast_in_dim3A_52 = vector.broadcast %broadcast_in_dim3A_51 : i32 to vector<16xi32>
      %broadcast_in_dim3A_53 = vector.broadcast %reduce_sum3A_50 : f32 to vector<16xf32>
      %eq3A_54 = arith.constant 0 : i32
      %eq3A_55 = vector.broadcast %eq3A_54 : i32 to vector<16xi32>
      %eq3A_56 = arith.cmpi eq, %iota3A, %eq3A_55 : vector<16xi32>
      tpu.vector_store_idx %arg5[%broadcast_in_dim3A_52], %broadcast_in_dim3A_53 masked %eq3A_56 : memref<16xf32, #tpu.memory_space<vmem>>[vector<16xi32>], vector<16xf32>, vector<16xi1>
      %broadcast_in_dim3A_57 = arith.constant 0.000000e+00 : f32
      %broadcast_in_dim3A_58 = vector.broadcast %broadcast_in_dim3A_57 : f32 to vector<16xf32>
      %scan3A_59 = arith.constant 0 : i32
      %scan3A_60 = arith.constant 32 : i32
      %scan3A_61 = arith.addi %scan3A_59, %scan3A_60 : i32
      %scan3A_62 = arith.constant 1 : i32
      %scan3A_63 = scf.for %scan3A_75 = %scan3A_59 to %scan3A_61 step %scan3A_62 iter_args(%scan3A_76 = %broadcast_in_dim3A_58) -> (vector<16xf32>)  : i32 {
        %mul3A_77 = arith.constant 4 : i32
        %mul3A_78 = arith.muli %scan3A_75, %mul3A_77 : i32
        %mul3A_79 = arith.constant 16 : i32
        %mul3A_80 = arith.muli %mul3A_78, %mul3A_79 : i32
        %add3A_81 = arith.constant 48 : i32
        %add3A_82 = arith.addi %mul3A_80, %add3A_81 : i32
        %get3A = arith.index_cast %add3A_82 : i32 to index
        %get3A_83 = tpu.vector_load %arg4[%get3A] {strides = array<i32>} : memref<2048xf32, #tpu.memory_space<vmem>>, vector<16xf32>,
        %add3A_84 = arith.addf %scan3A_76, %get3A_83 : vector<16xf32>
        scf.yield %add3A_84 : vector<16xf32>
      }
      %scan3A_64 = arith.constant 32 : i32
      %reduce_sum3A_65 = arith.constant true
      %reduce_sum3A_66 = vector.broadcast %reduce_sum3A_65 : i1 to vector<16xi1>
      %reduce_sum3A_67 = tpu.scan <sum>, %scan3A_63 masked %reduce_sum3A_66 : vector<16xf32>, vector<16xi1> -> vector<16xf32>
      %reduce_sum3A_68 = vector.extract %reduce_sum3A_67[15] : f32 from vector<16xf32>
      %broadcast_in_dim3A_69 = arith.constant 3 : i32
      %broadcast_in_dim3A_70 = vector.broadcast %broadcast_in_dim3A_69 : i32 to vector<16xi32>
      %broadcast_in_dim3A_71 = vector.broadcast %reduce_sum3A_68 : f32 to vector<16xf32>
      %eq3A_72 = arith.constant 0 : i32
      %eq3A_73 = vector.broadcast %eq3A_72 : i32 to vector<16xi32>
      %eq3A_74 = arith.cmpi eq, %iota3A, %eq3A_73 : vector<16xi32>
      tpu.vector_store_idx %arg5[%broadcast_in_dim3A_70], %broadcast_in_dim3A_71 masked %eq3A_74 : memref<16xf32, #tpu.memory_space<vmem>>[vector<16xi32>], vector<16xf32>, vector<16xi1>
      "tpu.region"() ({
        %run_scoped3A = tpu.sem_alloc : memref<!tpu.dma_semaphore, #tpu.memory_space<semaphore_mem>>
        tpu.enqueue_dma source(%arg5 : memref<16xf32, #tpu.memory_space<vmem>>) target(%arg3 : memref<16xf32, #tpu.memory_space<hbm>>) target_semaphore(%run_scoped3A : memref<!tpu.dma_semaphore, #tpu.memory_space<semaphore_mem>>)
        tpu.wait_dma2 semaphore(%run_scoped3A : memref<!tpu.dma_semaphore, #tpu.memory_space<semaphore_mem>>) src(%arg5 : memref<16xf32, #tpu.memory_space<vmem>>) dst(%arg3 : memref<16xf32, #tpu.memory_space<hbm>>)
        tpu.yield
      }) : () -> ()
    } else {
    }
    return
  }
}

</mosaic_0001>

<sc_bundles>
// kernel: kernel.4.cloned.1.call-start
scs
__scs_entry_jumppad:
0x0: {  	(pc) =	sbr.rel $0x88, $3  }
0x1: {  	(tag) =	ssettag $0x0;
	lr =	simm.s32 $0x1  }
0x2: {  	[smem:$0x3F9B] =	sst lr;
	_ =	strace $0xD0000000  }
0x3: {  	_ = 	snop  }
0x4: {  	_ = 	snop  }
0x5: {  	_ = 	snop  }
0x6: {  	_ = 	snop  }
0x7: {  	_ = 	snop  }
__scs_overlays_trampoline_lowered:
0x8: {  	[smem:$0x3FAA] =	sst s0  }
0x9: {  	[smem:$0x3FAB] =	sst s1  }
0xa: {  	[smem:$0x3FAC] =	sst s2  }
0xb: {  	[smem:$0x3FAD] =	sst s3  }
0xc: {  	[smem:$0x3FAE] =	sst s4  }
0xd: {  	[smem:$0x3FAF] =	sst s5  }
0xe: {  	[smem:$0x3FB0] =	sst s6  }
0xf: {  	[smem:$0x3FB1] =	sst s7  }
0x10: {  	[smem:$0x3FB2] =	sst s8  }
0x11: {  	[smem:$0x3FB3] =	sst s9;
	s0 =	simm.s32 @!p0 $0x0  }
0x12: {  	s1 =	sld [smem:$0x3F99];
	s0 =	simm.s32 @p0 $0x1  }
0x13: {  	[smem:$0x3FB4] =	sst s0;
	s0 =	simm.s32 @!p1 $0x0  }
0x14: {  	s2 =	sld [smem:$0x3F98];
	s0 =	simm.s32 @p1 $0x1  }
0x15: {  	[smem:$0x3FB5] =	sst s0;
	s0 =	simm.s32 @!p2 $0x0  }
0x16: {  	s3 =	sld [smem:$0x3FDB];
	s0 =	simm.s32 @p2 $0x1  }
0x17: {  	s4 =	simm.s32 $0x1BF5;
	[smem:$0x3FB7] =	sst s0  }
0x18: {  	s0 =	sld [smem:$0x3F9A];
	_ =	swait.ge [sflag:s4], $0x0  }
0x19: {  	s7 =	sld [smem:$0x3F9B]  }
0x1a: {  	s8 =	sadd.s32 $0xFFFFE003, lr  }
0x1b: {  	s9 =	sadd.s32 $0xFFFFFEF7, lr;
	s5 =	simm.s32 $0xFFFFFFFF;
	p2 =	slt.u32 s8, $0xFFFFF086  }
0x1c: {  	p1 =	slt.u32 s9, $0xF7A;
	s5 =	simm.s32 @!p2 $0x0  }
0x1d: {  	s5 =	simm.s32 @p1 $0x1;
	p0 =	seq.s32 s7, s2  }
0x1e: {  	s7 =	smul.u32 @!p0 $0xF7A, s2;
	p2 =	seq.s32 @!p0 s5, $0x0  }
0x1f: {  	s9 =	smul.u32 $0xF7A, s1;
	s8 =	simm.s32 @!p0 $0x1BF5;
	p2 =	por !p2, p0  }
0x20: {  	[sflag:s8] =	ssyncset.s32 @!p0 $0xFFFFF086;
	s6 =	sadd.s32 @!p0 s3, s7;
	s7 =	simm.s32 @!p0 $0x108  }
0x21: {  	s3 =	sadd.s32 s3, s9;
	s6 =	sadd.s32 @!p0 $0x88, s6;
	s7 =	simm.s32 @p2 $0x1082  }
0x22: {  	[simem:s7], [sflag:s8] =	dma.local @!p0 [hbm:s6], $0xF7A  }
0x23: {  	s9 =	sor.u32 $0xD0000000, s2;
	s6 =	simm.s32 $0x108;
	_ =	swait.ge @!p0 [sflag:s8], $0x0  }
0x24: {  	s3 =	sadd.s32 $0x88, s3;
	s6 =	simm.s32 @!p1 $0x1082;
	[sflag:s4] =	ssyncset.s32 $0xFFFFF086  }
0x25: {  	[simem:s6], [sflag:s4] =	dma.local [hbm:s3], $0xF7A  }
0x26: {  	[smem:$0x3F9B] =	sst s1;
	(tag) =	ssettag s2;
	_ =	strace s9  }
0x27: {  	s1 =	sld [smem:$0x3FAB]  }
0x28: {  	s2 =	sld [smem:$0x3FAC]  }
0x29: {  	s4 =	sld [smem:$0x3FAE]  }
0x2a: {  	p0 =	seq.s32 s5, $0x0;
	s5 =	sld [smem:$0x3FAF]  }
0x2b: {  	s6 =	sld [smem:$0x3FB0]  }
0x2c: {  	s7 =	sld [smem:$0x3FB1]  }
0x2d: {  	s3 =	simm.s32 $0x108;
	s8 =	sld [smem:$0x3FB2]  }
0x2e: {  	s3 =	simm.s32 @!p0 $0x1082;
	s9 =	sld [smem:$0x3FB3]  }
0x2f: {  	lr =	sadd.s32 s0, s3;
	s0 =	sld [smem:$0x3FAA]  }
0x30: {  	s3 =	sld [smem:$0x3FAD]  }
0x31: {  	[smem:$0x3FB6] =	sst s10  }
0x32: {  	s10 =	sld [smem:$0x3FB4];
	_ =	sdelay $0x3  }
0x33: {  	p0 =	seq.s32 s10, $0x1;
	s10 =	sld [smem:$0x3FB6];
	_ =	sdelay $0x3  }
0x34: {  	[smem:$0x3FB6] =	sst s10  }
0x35: {  	s10 =	sld [smem:$0x3FB5];
	_ =	sdelay $0x3  }
0x36: {  	p1 =	seq.s32 s10, $0x1;
	s10 =	sld [smem:$0x3FB6];
	_ =	sdelay $0x3  }
0x37: {  	[smem:$0x3FB6] =	sst s10  }
0x38: {  	s10 =	sld [smem:$0x3FB7]  }
0x39: {  	_ = 	snop;
	(pc) =	sbr.ind lr, $3  }
0x3a: {  	_ = 	snop  }
0x3b: {  	_ = 	snop  }
0x3c: {  	p2 =	seq.s32 s10, $0x1;
	s10 =	sld [smem:$0x3FB6]  }
0x3d: {  	_ =	shalt  }
0x3e: {  	_ =	shalt  }
0x3f: {  	_ =	shalt  }
0x40: {  	_ =	shalt  }
0x41: {  	_ =	shalt  }
0x42: {  	_ =	shalt  }
0x43: {  	_ =	shalt  }
0x44: {  	_ =	shalt  }
0x45: {  	_ =	shalt  }
0x46: {  	_ =	shalt  }
0x47: {  	_ =	shalt  }
0x48: {  	_ =	shalt  }
0x49: {  	_ =	shalt  }
0x4a: {  	_ =	shalt  }
0x4b: {  	_ =	shalt  }
0x4c: {  	_ =	shalt  }
0x4d: {  	_ =	shalt  }
0x4e: {  	_ =	shalt  }
0x4f: {  	_ =	shalt  }
0x50: {  	_ =	shalt  }
0x51: {  	_ =	shalt  }
0x52: {  	_ =	shalt  }
0x53: {  	_ =	shalt  }
0x54: {  	_ =	shalt  }
0x55: {  	_ =	shalt  }
0x56: {  	_ =	shalt  }
0x57: {  	_ =	shalt  }
0x58: {  	_ =	shalt  }
0x59: {  	_ =	shalt  }
0x5a: {  	_ =	shalt  }
0x5b: {  	_ =	shalt  }
0x5c: {  	_ =	shalt  }
0x5d: {  	_ =	shalt  }
0x5e: {  	_ =	shalt  }
0x5f: {  	_ =	shalt  }
0x60: {  	_ =	shalt  }
0x61: {  	_ =	shalt  }
0x62: {  	_ =	shalt  }
0x63: {  	_ =	shalt  }
0x64: {  	_ =	shalt  }
0x65: {  	_ =	shalt  }
0x66: {  	_ =	shalt  }
0x67: {  	_ =	shalt  }
0x68: {  	_ =	shalt  }
0x69: {  	_ =	shalt  }
0x6a: {  	_ =	shalt  }
0x6b: {  	_ =	shalt  }
0x6c: {  	_ =	shalt  }
0x6d: {  	_ =	shalt  }
0x6e: {  	_ =	shalt  }
0x6f: {  	_ =	shalt  }
0x70: {  	_ =	shalt  }
0x71: {  	_ =	shalt  }
0x72: {  	_ =	shalt  }
0x73: {  	_ =	shalt  }
0x74: {  	_ =	shalt  }
0x75: {  	_ =	shalt  }
0x76: {  	_ =	shalt  }
0x77: {  	_ =	shalt  }
0x78: {  	_ =	shalt  }
0x79: {  	_ =	shalt  }
0x7a: {  	_ =	shalt  }
0x7b: {  	_ =	shalt  }
0x7c: {  	_ =	shalt  }
0x7d: {  	_ =	shalt  }
0x7e: {  	_ =	shalt  }
0x7f: {  	_ =	shalt  }
0x80: {  	_ =	shalt  }
0x81: {  	_ =	shalt  }
0x82: {  	_ =	shalt  }
0x83: {  	_ =	shalt  }
0x84: {  	_ =	shalt  }
0x85: {  	_ =	shalt  }
0x86: {  	_ =	shalt  }
0x87: {  	_ =	shalt  }
.Lfunc_end0:
.L_simem_size_0:
called_computation_lowered:
.L_overlay_start_0:
0x88: {  	s2 =	sld [smem:$0x3FD9]  }
0x89: {  	s3 =	sld [smem:$0x3FFE];
	_ =	sdelay $0x1  }
0x8a: {  	s1 =	srdreg.scid  }
0x8b: {  	s0 =	sand.u32 $0x1, s1  }
0x8c: {  	s17 =	sshll.u32 s0, $0xA;
	s2 =	sadd.s32 s3, s2  }
0x8d: {  	s2 =	sadd.s32 s2, s17  }
0x8e: {  	[smem:$0x3FC2] =	sst s2  }
0x8f: {  	_ = 	snop  }
0x90: {  	s2 =	sld [smem:$0x3FC8]  }
0x91: {  	s18 =	sld [smem:$0x3FC7]  }
0x92: {  	s4 =	sld [smem:$0x3FC6]  }
0x93: {  	s5 =	sld [smem:$0x3FC5]  }
0x94: {  	s6 =	sld [smem:$0x3FC4];
	(tm) =	ssettm $0x1  }
0x95: {  	s7 =	sld [smem:$0x3FFB];
	_ =	sdelay $0x3  }
0x96: {  	_ =	strace s7  }
0x97: {  	s7 =	sld [smem:$0x3FFC];
	_ =	sdelay $0x3  }
0x98: {  	_ =	strace s7  }
0x99: {  	s7 =	sld [smem:$0x3FFD];
	_ =	sdelay $0x3  }
0x9a: {  	_ =	strace s7  }
0x9b: {  	_ =	strace $0x8FFFFFFF  }
0x9c: {  	s19 =	sld [smem:$0x3FDB];
	_ =	sdelay $0x1  }
0x9d: {  	s8 =	simm.s32 $_scs_section_size  }
0x9e: {  	s9 =	simm.s32 $_size__tile_overlayer_lowered;
	s10 =	simm.s32 $_tile_overlayer_lowered  }
0x9f: {  	s22 =	simm.s32 $0x1BFF;
	s21 =	sshll.u32 s10, $0x1;
	s7 =	sadd.s32 s8, s19  }
0xa0: {  	s11 =	simm.s32 $0x0;
	s20 =	sshll.u32 s9, $0x1;
	s9 =	sadd.s32 s21, s7  }
0xa1: {  	[timem:s11], [sflag:s22] =	dma.local [hbm:s9], s20  }
0xa2: {  	_ =	swait.ge [sflag:s22], s20  }
0xa3: {  	s8 =	ssub.s32 $0x0, s20;
	[sflag:s22] =	ssyncset.done $0x0  }
0xa4: {  	[sflag:s22] =	ssyncadd.s32 s8;
	_ =	sdelay $0x1  }
0xa5: {  	s23 =	simm.s32 $0x1B8B  }
0xa6: {  	_ =	swait.ge [sflag:s23], $0x1  }
0xa7: {  	[sflag:s23] =	ssyncset.done $0x0  }
0xa8: {  	s25 =	simm.s32 $0x1B8E;
	s24 =	sld [smem:$0x3FFE];
	[sflag:s23] =	ssyncadd.s32 $0xFFFFFFFF  }
0xa9: {  	s26 =	simm.s32 $execute0_lowered;
	[smem:$0x3FD2] =	sst s25  }
0xaa: {  	s9 =	sshll.u32 s26, $0x1;
	_ =	strace $0x80000046;
	[dreg:$0x1] =	wrdreg $0xFFFFFFFF  }
0xab: {  	s28 =	simm.s32 $_size_execute0_lowered;
	s7 =	sadd.s32 s7, s9;
	[dreg:$0x0] =	wrdreg $0x0  }
0xac: {  	s9 =	sshll.u32 s28, $0x1;
	[dreg:$0x2] =	wrdreg s7  }
0xad: {  	[dreg:$0x3] =	wrdreg s9  }
0xae: {  	[dreg:$0x4] =	wrdreg $0xC0  }
0xaf: {  	_ =	task [dreg:s11], $0x5FFFF  }
0xb0: {  	[dreg:$0x1] =	wrdreg $0xFFFFFFFF  }
0xb1: {  	[dreg:$0x0] =	wrdreg $0x60  }
0xb2: {  	[dreg:$0x2] =	wrdreg s24  }
0xb3: {  	[dreg:$0x3] =	wrdreg s2  }
0xb4: {  	[dreg:$0x4] =	wrdreg s18  }
0xb5: {  	[dreg:$0x5] =	wrdreg s4  }
0xb6: {  	[dreg:$0x6] =	wrdreg s5  }
0xb7: {  	[dreg:$0x7] =	wrdreg s6  }
0xb8: {  	[dreg:$0x8] =	wrdreg $0x9  }
0xb9: {  	_ =	task.clear_ibuf [dreg:s11], $0x9FFFF;
	_ =	strace $0x90000046  }
0xba: {  	s29 =	simm.s32 $0x9;
	_ =	strace $0x80000048  }
0xbb: {  	_ =	swait.ge [sflag:s29], $0x1  }
0xbc: {  	[sflag:s29] =	ssyncadd.s32 $0xFFFFFFFF  }
0xbd: {  	_ =	strace $0x90000048  }
0xbe: {  	_ =	sfence  }
0xbf: {  	s30 =	sld [smem:$0x0];
	_ =	sdelay $0x2  }
0xc0: {  	s31 =	sshll.u32 s1, $0xD;
	s1 =	sshrl.u32 s1, $0x2  }
0xc1: {  	s3 =	sand.u32 $0x4000, s31;
	s1 =	sadd.s32 s1, s30  }
0xc2: {  	s0 =	sor.u32 s3, s0;
	s1 =	sshll.u32 s1, $0x11  }
0xc3: {  	s0 =	sor.u32 s1, s0  }
0xc4: {  	s0 =	sadd.s32 $0x8F2B, s0  }
0xc5: {  	[sflag:s0] =	ssyncadd.remote.s32 $0x1  }
0xc6: {  	_ =	sfence.sel $0xFFFF  }
0xc7: {  	[dreg:$0x0] =	wrdreg $0xFFFFFFFF;
	(pc) =	sbr.abs _section_cstart, $3  }
0xc8: {  	[dreg:$0x1] =	wrdreg $0xFFFFFFFF  }
0xc9: {  	_ =	task.clear_ibuf [dreg:s11], $0x2FFFF;
	_ =	strace $0x9FFFFFFF  }
0xca: {  	(tm) =	ssettm $0x7FFFFFFF  }
0xcb: {  	_ =	shalt  }
tec
execute0_lowered:
.L_overlay_start_1:
0x0: {  	(tag) =	ssettag $0x1  }
0x1: {  	s0 =	rddreg [dreg:$0x0]  }
0x2: {  	s8 =	rddreg [dreg:$0x1]  }
0x3: {  	s9 =	rddreg [dreg:$0x2]  }
0x4: {  	s1 =	rddreg [dreg:$0x3];
	s5 =	simm.s32 $0x0  }
0x5: {  	s6 =	srdreg.scid;
	s2 =	stileid.u32;
	s17 =	simm.s32 $0x1  }
0x6: {  	s18 =	simm.s32 $0x4900;
	s19 =	simm.s32 $0x5E00;
	s20 =	simm.s32 $0x400  }
0x7: {  	s21 =	simm.s32 $0x147C00;
	s22 =	simm.s32 $0x2;
	s23 =	simm.s32 $0x9100  }
0x8: {  	s24 =	simm.s32 $0x0;
	[smem:$0x7FF] =	sst s5;
	s10 =	sand.u32 $0x1, s6  }
0x9: {  	s30 =	sshll.u32 s2, $0x1;
	s6 =	sadd.s32 $0x800, s0;
	s12 =	smul.u32 $0x2900, s2  }
0xa: {  	_ =	strace $0x80000047;
	s7 =	sor.u32 s10, s30;
	s15 =	smul.u32 $0x1480, s10  }
.Ltmp0:
0xb: {  	s31 =	ssub.s32 $0x2, s10;
	s11 =	sshll.u32 s7, $0x3;
	(pc) =	sbr.rel .LBB2_1-.Ltmp0, $4  }
0xc: {  	v0 =	vlaneseq.u32;
	v9 =	vimm.s32 $0x0;
	s7 =	smul.u32 $0x1480, s7;
	s13 =	sshrl.u32 s31, $0x1;
	s0 =	sadd.s32 s11, s0  }
0xd: {  	v1 =	vmul.u32 $0xFFFFFFFF, v0;
	v2 =	vor.u32 $0x10, v0;
	v3 =	vor.u32 $0x20, v0;
	s11 =	ssub.s32 s31, s13;
	s12 =	sadd.s32 s15, s12;
	s15 =	simm.s32 $0x3900  }
0xe: {  	v4 =	vor.u32 $0x30, v0;
	v5 =	vor.u32 $0x40, v0;
	v6 =	vor.u32 $0x50, v0;
	s14 =	sshrl.u32 s7, $0x3;
	s10 =	sadd.s32 $0xA00, s0;
	s11 =	smax.u32 s11, $0x1  }
0xf: {  	v7 =	vor.u32 $0x60, v0;
	v8 =	vor.u32 $0x70, v0;
	v1 =	vadd.s32 $0x28F5C, v1;
	s8 =	sadd.s32 s8, s14;
	s9 =	sadd.s32 s9, s14;
	s14 =	simm.s32 $0x2900  }
.LBB2_4:
0x10: {  	v13 =	vimm.f32 $0.0e+00  }
0x11: {  	v12 =	vimm.f32 $0.0e+00;
	v11 =	vimm.f32 $0.0e+00;
	v10 =	vimm.f32 $0.0e+00  }
.LBB2_39:
0x12: {  	[tilespmem:$0x9100] =	vst v13  }
0x13: {  	[tilespmem:$0x9110] =	vst v12;
	s24 =	sadd.s32 $0x1, s24  }
0x14: {  	[tilespmem:$0x9120] =	vst v11;
	p0 =	sne.s32 s24, s11  }
.Ltmp1:
0x15: {  	[tilespmem:$0x9130] =	vst v10;
	(pc) =	sbr.rel @!p0 .LBB2_40-.Ltmp1, $4  }
0x16: {  	[hbm4b:s10+s5] =	stream.linear.scatter [tilespmem:s23], [sflag:$0x2], $0x40, $0x38;
	[tilespmem:$0x9180] =	vst v63  }
0x17: {  	_ =	swait.ge [sflag:s22], $0x40  }
0x18: {  	[sflag:s22] =	ssyncset.done $0x0  }
0x19: {  	[sflag:s22] =	ssyncadd.s32 $0xFFFFFFC0  }
.LBB2_1:
0x1a: {  	s0 =	simm.s32 $0x8100  }
0x1b: {  	[tilespmem:s0], [sflag:$0x1] =	stream.linear.gather [hbm4b:s6+s5], $0x1000, $0x38;
	[tilespmem:$0x9180] =	vst v63  }
0x1c: {  	s2 =	rddreg [dreg:$0x4]  }
0x1d: {  	[tilespmem:s14], [sflag:$0x1] =	stream.linear.gather [hbm4b:s2+s5], $0x1000, $0x38;
	[tilespmem:$0x9180] =	vst v63  }
0x1e: {  	s3 =	rddreg [dreg:$0x5]  }
0x1f: {  	[tilespmem:s15], [sflag:$0x1] =	stream.linear.gather [hbm4b:s3+s5], $0x1000, $0x38;
	[tilespmem:$0x9180] =	vst v63  }
0x20: {  	_ = 	snop  }
0x21: {  	[tilespmem:s5], [sflag:$0x1] =	stream.linear.gather [hbm4b:s8+s5], $0x1480, $0x38;
	[tilespmem:$0x9180] =	vst v63  }
0x22: {  	s4 =	simm.s32 $0x1480  }
0x23: {  	[tilespmem:s4], [sflag:$0x1] =	stream.linear.gather [hbm4b:s9+s5], $0x1480, $0x38;
	[tilespmem:$0x9180] =	vst v63  }
0x24: {  	_ =	swait.ge [sflag:s17], $0x1000  }
0x25: {  	[sflag:s17] =	ssyncset.done $0x0  }
0x26: {  	[sflag:s17] =	ssyncadd.s32 $0xFFFFF000  }
0x27: {  	_ =	swait.ge [sflag:s17], $0x1000  }
0x28: {  	[sflag:s17] =	ssyncset.done $0x0  }
0x29: {  	[sflag:s17] =	ssyncadd.s32 $0xFFFFF000  }
0x2a: {  	_ =	swait.ge [sflag:s17], $0x1000  }
0x2b: {  	[sflag:s17] =	ssyncset.done $0x0  }
0x2c: {  	[sflag:s17] =	ssyncadd.s32 $0xFFFFF000  }
0x2d: {  	_ =	swait.ge [sflag:s17], $0x1480  }
0x2e: {  	[sflag:s17] =	ssyncset.done $0x0  }
0x2f: {  	[sflag:s17] =	ssyncadd.s32 $0xFFFFEB80  }
0x30: {  	_ =	swait.ge [sflag:s17], $0x1480  }
0x31: {  	[sflag:s17] =	ssyncset.done $0x0  }
0x32: {  	s26 =	simm.s32 $0x40;
	[sflag:s17] =	ssyncadd.s32 $0xFFFFEB80  }
0x33: {  	v11 =	vld [tilespmem:s26+$0xFFFFFFF0]  }
0x34: {  	s13 =	sadd.s32 $0x0, s12;
	v14 =	vld [tilespmem:s26+$0xFFFFFFC0]  }
0x35: {  	s28 =	simm.s32 $0x14C0;
	s16 =	sadd.s32 $0x70, s13;
	v20 =	vld [tilespmem:s26+$0x0]  }
0x36: {  	v17 =	vshll.u32 v9, $0x4;
	s30 =	sadd.s32 $0x20, s13;
	v10 =	vmov s16;
	v16 =	vld [tilespmem:s28+$0x10]  }
0x37: {  	v18 =	vmov s30;
	vm0 =	vlt.u32 v10, v1;
	v10 =	vor.u32 v0, v17;
	v17 =	vld [tilespmem:s28+$0xFFFFFFF0]  }
0x38: {  	vm1 =	vlt.u32 v18, v1;
	v18 =	vld [tilespmem:s26+$0x10]  }
0x39: {  	s31 =	sadd.s32 $0x40, s13;
	v19 =	vld [tilespmem:s26+$0x20]  }
0x3a: {  	v12 =	vshll.u32 v9, $0x7;
	s25 =	sadd.s32 $0x30, s13;
	s29 =	sadd.s32 $0x60, s13;
	v24 =	vmov s31;
	s31 =	sadd.s32 $0x50, s13;
	v22 =	vld [tilespmem:s28+$0xFFFFFFC0]  }
0x3b: {  	v15 =	vmov s25;
	v13 =	vmov s29;
	v27 =	vmov s31  }
0x3c: {  	vm6 =	vlt.u32 v24, v1;
	v23 =	vld [tilespmem:s28+$0x0];
	vm2 =	vgt.s32 v11, $0x0;
	vm3 =	vgt.s32 v14, $0x0  }
0x3d: {  	vm4 =	vgt.s32 v20, $0x0;
	vm7 =	vgt.s32 v16, $0x0;
	vm8 =	vgt.s32 v17, $0x0  }
0x3e: {  	vm10 =	vgt.s32 v18, $0x0;
	vm9 =	vgt.s32 v19, $0x0;
	v14 =	vnsel vm3, $0x0, v14  }
0x3f: {  	v26 =	vld [tilespmem:s28+$0xFFFFFFD0];
	v11 =	vnsel vm2, $0x0, v11;
	vm3 =	vlt.u32 v15, v1;
	vm2 =	vgt.s32 v22, $0x0  }
0x40: {  	v25 =	vmin.u32 v14, $0xFFF;
	v21 =	vmin.u32 v11, $0xFFF;
	v11 =	vnsel vm4, $0x0, v20;
	v20 =	vld [tilespmem:s26+$0xFFFFFFD0]  }
0x41: {  	s0 =	sadd.s32 $0x10, s13;
	v15 =	vld [tilespmem:s26+$0xFFFFFFE0];
	v14 =	vmov s13;
	vm4 =	vgt.s32 v23, $0x0;
	v22 =	vnsel vm2, $0x0, v22  }
0x42: {  	vm5 =	vlt.u32 v14, v1;
	v14 =	vld [tilespmem:s28+$0x30];
	v29 =	vnsel vm4, $0x0, v23;
	v23 =	vmov s0  }
0x43: {  	vm2 =	vlt.u32 v27, v1;
	v28 =	vmin.u32 v11, $0xFFF;
	vm4 =	vlt.u32 v23, v1;
	v23 =	vld [tilespmem:s28+$0x20]  }
0x44: {  	s30 =	simm.s32 $0x80;
	s29 =	simm.s32 $0x40;
	s25 =	simm.s32 $0x0;
	v24 =	vmin.u32 v22, $0xFFF;
	v22 =	vld [tilespmem:s28+$0xFFFFFFE0];
	v11 =	vimm.s32 $0x0;
	v27 =	vmin.u32 v29, $0xFFF  }
.LBB2_2:
0x45: {  	p0 =	sne.s32 s30, $0x1400;
	v25 =	vld.idx.msk [tilespmem:v25+s14+$0x0], $0xffff;
	vm11 =	vgt.s32 v20, $0x0;
	v18 =	vnsel vm10, $0x0, v18;
	v16 =	vnsel vm7, $0x0, v16;
	s26 =	sadd.s32 $0x80, s26;
	s28 =	sadd.s32 $0x80, s28  }
0x46: {  	v17 =	vnsel vm8, $0x0, v17;
	s31 =	smov.u32 s30;
	s30 =	sadd.s32 $0x80, s30;
	vm7 =	vgt.s32 v26, $0x0;
	v18 =	vmin.u32 v18, $0xFFF;
	v29 =	vld [tilespmem:s29+$0x30];
	s29 =	smov.u32 s26  }
0x47: {  	v19 =	vnsel vm9, $0x0, v19;
	v17 =	vmin.u32 v17, $0xFFF;
	v26 =	vnsel vm7, $0x0, v26;
	v21 =	vld.idx.msk [tilespmem:v21+s14+$0x0], $0xffff  }
0x48: {  	v20 =	vnsel vm11, $0x0, v20;
	v19 =	vmin.u32 v19, $0xFFF;
	vm7 =	vgt.s32 v23, $0x0;
	v28 =	vld.idx.msk [tilespmem:v28+s14+$0x0], $0xffff  }
0x49: {  	v20 =	vmin.u32 v20, $0xFFF;
	v26 =	vmin.u32 v26, $0xFFF;
	v23 =	vnsel vm7, $0x0, v23;
	v27 =	vld.idx.msk [tilespmem:v27+s15+$0x0], $0xffff  }
0x4a: {  	vm7 =	vgt.s32 v15, $0x0;
	vm8 =	vgt.s32 v22, $0x0;
	v23 =	vmin.u32 v23, $0xFFF;
	v24 =	vld.idx.msk [tilespmem:v24+s15+$0x0], $0xffff  }
0x4b: {  	v15 =	vnsel vm7, $0x0, v15;
	v22 =	vnsel vm8, $0x0, v22;
	v18 =	vld.idx.msk [tilespmem:v18+s14+$0x0], $0xffff;
	vm7 =	vgt.s32 v29, $0x0  }
0x4c: {  	v15 =	vmin.u32 v15, $0xFFF;
	v22 =	vmin.u32 v22, $0xFFF;
	v17 =	vld.idx.msk [tilespmem:v17+s15+$0x0], $0xffff;
	v29 =	vnsel vm7, $0x0, v29  }
0x4d: {  	v16 =	vmin.u32 v16, $0xFFF;
	vm7 =	vlt.u32 v13, v1;
	v13 =	vor.u32 v8, v12;
	v19 =	vld.idx.msk [tilespmem:v19+s14+$0x0], $0xffff  }
0x4e: {  	v30 =	vor.u32 v6, v12;
	v31 =	vor.u32 v7, v12;
	vm8 =	vgt.s32 v14, $0x0;
	v26 =	vld.idx.msk [tilespmem:v26+s15+$0x0], $0xffff  }
0x4f: {  	v14 =	vnsel vm8, $0x0, v14;
	v29 =	vmin.u32 v29, $0xFFF;
	v27 =	vmul.f32 v27, v28;
	v20 =	vld.idx.msk [tilespmem:v20+s14+$0x0], $0xffff  }
0x50: {  	v14 =	vmin.u32 v14, $0xFFF;
	v24 =	vmul.f32 v24, v25;
	v25 =	vor.u32 v5, v12;
	v23 =	vld.idx.msk [tilespmem:v23+s15+$0x0], $0xffff  }
0x51: {  	v28 =	vor.u32 v0, v12;
	vm8 =	vlt.f32 v27, $0.0e+00;
	vm9 =	vgt.f32 v27, $0.0e+00;
	v15 =	vld.idx.msk [tilespmem:v15+s14+$0x0], $0xffff  }
0x52: {  	vm10 =	vlt.f32 v24, $0.0e+00;
	vm11 =	vgt.f32 v24, $0.0e+00;
	v17 =	vmul.f32 v17, v21;
	v16 =	vld.idx.msk [tilespmem:v16+s15+$0x0], $0xffff  }
0x53: {  	vm8 =	vmor vm9, vm8;
	vm10 =	vmor vm11, vm10;
	v21 =	vld.idx.msk [tilespmem:v22+s15+$0x0], $0xffff;
	v22 =	vor.u32 v4, v12  }
0x54: {  	vm9 =	vmand vm5, vm10;
	vm5 =	vlt.f32 v17, $0.0e+00;
	vm10 =	vgt.f32 v17, $0.0e+00;
	v29 =	vld.idx.msk [tilespmem:v29+s14+$0x0], $0xffff  }
0x55: {  	v24 =	vnsel vm9, $0x0, v24;
	v20 =	vmul.f32 v26, v20;
	vm5 =	vmor vm10, vm5;
	v14 =	vld.idx.msk [tilespmem:v14+s15+$0x0], $0xffff  }
0x56: {  	vm5 =	vmand vm3, vm5;
	vm3 =	vmand vm6, vm8;
	v19 =	vmul.f32 v23, v19;
	[tilespmem:v28+s18+$0x0] =	vst.idx.msk $0xffff, v24  }
0x57: {  	v23 =	vor.u32 v2, v12;
	vm6 =	vlt.f32 v20, $0.0e+00;
	vm8 =	vgt.f32 v20, $0.0e+00  }
0x58: {  	vm6 =	vmor vm8, vm6;
	v16 =	vmul.f32 v16, v18;
	vm8 =	vlt.f32 v19, $0.0e+00  }
0x59: {  	vm4 =	vmand vm4, vm6;
	v15 =	vmul.f32 v21, v15;
	vm6 =	vgt.f32 v19, $0.0e+00  }
0x5a: {  	v12 =	vor.u32 v3, v12;
	vm9 =	vmor vm9, vm4;
	vm10 =	vlt.f32 v16, $0.0e+00  }
0x5b: {  	v18 =	vnsel vm4, $0x0, v20;
	vm4 =	vlt.f32 v15, $0.0e+00;
	v14 =	vmul.f32 v14, v29  }
0x5c: {  	v17 =	vnsel vm5, $0x0, v17;
	vm6 =	vmor vm6, vm8;
	vm11 =	vgt.f32 v15, $0.0e+00;
	[tilespmem:v23+s18+$0x0] =	vst.idx.msk $0xffff, v18  }
0x5d: {  	vm4 =	vmor vm11, vm4;
	vm8 =	vlt.f32 v14, $0.0e+00;
	vm11 =	vgt.f32 v14, $0.0e+00  }
0x5e: {  	vm1 =	vmand vm1, vm4;
	v18 =	vnsel vm3, $0x0, v27;
	vm4 =	vmor vm11, vm8  }
0x5f: {  	v15 =	vnsel vm1, $0x0, v15;
	vm8 =	vgt.f32 v16, $0.0e+00;
	vm0 =	vmand vm0, vm4  }
0x60: {  	vm1 =	vmor vm9, vm1;
	vm4 =	vmor vm8, vm10;
	[tilespmem:v12+s18+$0x0] =	vst.idx.msk $0xffff, v15;
	v12 =	vnsel vm0, $0x0, v14  }
0x61: {  	vm1 =	vmor vm1, vm5;
	vm2 =	vmand vm2, vm4;
	vm4 =	vmand vm7, vm6;
	[tilespmem:v22+s18+$0x0] =	vst.idx.msk $0xffff, v17  }
0x62: {  	vm1 =	vmor vm1, vm3;
	v14 =	vnsel vm2, $0x0, v16;
	v15 =	vnsel vm4, $0x0, v19;
	[tilespmem:v25+s18+$0x0] =	vst.idx.msk $0xffff, v18  }
0x63: {  	vm1 =	vmor vm1, vm2;
	[tilespmem:v30+s18+$0x0] =	vst.idx.msk $0xffff, v14  }
0x64: {  	s0 =	sadd.s32 s7, s25;
	s25 =	smov.u32 s31;
	vm1 =	vmor vm1, vm4;
	[tilespmem:v31+s18+$0x0] =	vst.idx.msk $0xffff, v15  }
0x65: {  	vm0 =	vmor vm1, vm0;
	[tilespmem:v13+s18+$0x0] =	vst.idx.msk $0xffff, v12;
	v12 =	vmov s0  }
0x66: {  	[tilespmem:v10+s19+$0x0] =	vst.idx.msk $0xffff, v12;
	v10 =	vmpcnt.ones.xlane vm0  }
0x67: {  	v22 =	vld [tilespmem:s28+$0xFFFFFFC0]  }
0x68: {  	s0 =	sadd.s32 s25, s12;
	v14 =	vld [tilespmem:s26+$0xFFFFFFF0];
	vm0 =	vgt.s32 v10, $0x0  }
0x69: {  	s31 =	sadd.s32 $0x10, s0;
	s3 =	sadd.s32 $0x20, s0;
	s2 =	sadd.s32 $0x30, s0;
	v23 =	vld [tilespmem:s26+$0x0];
	v10 =	vsel vm0, $0x1, v9  }
0x6a: {  	s4 =	sadd.s32 $0x50, s0;
	s13 =	sadd.s32 $0x70, s0;
	v20 =	vmov s2;
	s2 =	sadd.s32 $0x40, s0;
	v19 =	vld [tilespmem:s26+$0xFFFFFFC0];
	v11 =	vadd.s32 v10, v11  }
0x6b: {  	s16 =	sadd.s32 $0x60, s0;
	v10 =	vmov s13;
	v17 =	vld [tilespmem:s28+$0xFFFFFFF0];
	v12 =	vshll.u32 v11, $0x7;
	v15 =	vshll.u32 v11, $0x4  }
0x6c: {  	v13 =	vmov s16;
	vm0 =	vlt.u32 v10, v1;
	v18 =	vld [tilespmem:s26+$0x10]  }
0x6d: {  	v21 =	vmov s3;
	v27 =	vmov s2;
	v24 =	vld [tilespmem:s28+$0x0]  }
0x6e: {  	v10 =	vor.u32 v0, v15;
	vm2 =	vgt.s32 v14, $0x0;
	v16 =	vld [tilespmem:s28+$0x10]  }
0x6f: {  	v29 =	vmov s4;
	vm1 =	vlt.u32 v21, v1;
	vm3 =	vgt.s32 v19, $0x0;
	v15 =	vld [tilespmem:s26+$0xFFFFFFE0]  }
0x70: {  	v14 =	vnsel vm2, $0x0, v14;
	v19 =	vnsel vm3, $0x0, v19;
	vm3 =	vlt.u32 v20, v1  }
0x71: {  	v26 =	vmov s0;
	vm2 =	vgt.s32 v22, $0x0;
	v25 =	vmin.u32 v19, $0xFFF;
	v19 =	vld [tilespmem:s26+$0x20]  }
0x72: {  	vm5 =	vlt.u32 v26, v1;
	vm4 =	vgt.s32 v23, $0x0;
	v21 =	vmin.u32 v14, $0xFFF;
	v20 =	vld [tilespmem:s26+$0xFFFFFFD0]  }
.Ltmp2:
0x73: {  	v28 =	vnsel vm4, $0x0, v23;
	vm4 =	vgt.s32 v24, $0x0;
	vm7 =	vgt.s32 v16, $0x0;
	v14 =	vld [tilespmem:s28+$0x30];
	(pc) =	sbr.rel @p0 .LBB2_2-.Ltmp2, $4  }
0x74: {  	v22 =	vnsel vm2, $0x0, v22;
	v30 =	vnsel vm4, $0x0, v24;
	v24 =	vmov s31;
	v26 =	vld [tilespmem:s28+$0xFFFFFFD0]  }
0x75: {  	vm6 =	vlt.u32 v27, v1;
	vm8 =	vgt.s32 v17, $0x0;
	vm4 =	vlt.u32 v24, v1;
	v23 =	vld [tilespmem:s28+$0x20]  }
0x76: {  	vm2 =	vlt.u32 v29, v1;
	v28 =	vmin.u32 v28, $0xFFF;
	v24 =	vmin.u32 v22, $0xFFF  }
0x77: {  	vm10 =	vgt.s32 v18, $0x0;
	v27 =	vmin.u32 v30, $0xFFF;
	vm9 =	vgt.s32 v19, $0x0;
	v22 =	vld [tilespmem:s28+$0xFFFFFFE0]  }
0x78: {  	_ =	sdelay $0x3  }
0x79: {  	v25 =	vld.idx.msk [tilespmem:v25+s14+$0x0], $0xffff;
	v18 =	vnsel vm10, $0x0, v18  }
0x7a: {  	v17 =	vnsel vm8, $0x0, v17;
	v29 =	vld [tilespmem:s29+$0x30];
	v18 =	vmin.u32 v18, $0xFFF  }
0x7b: {  	v21 =	vld.idx.msk [tilespmem:v21+s14+$0x0], $0xffff;
	v19 =	vnsel vm9, $0x0, v19;
	vm12 =	vgt.s32 v20, $0x0;
	v17 =	vmin.u32 v17, $0xFFF  }
0x7c: {  	v28 =	vld.idx.msk [tilespmem:v28+s14+$0x0], $0xffff;
	vm14 =	vgt.s32 v15, $0x0;
	v19 =	vmin.u32 v19, $0xFFF;
	v20 =	vnsel vm12, $0x0, v20  }
0x7d: {  	v27 =	vld.idx.msk [tilespmem:v27+s15+$0x0], $0xffff;
	vm15 =	vgt.s32 v26, $0x0;
	v15 =	vnsel vm14, $0x0, v15;
	v20 =	vmin.u32 v20, $0xFFF  }
0x7e: {  	v24 =	vld.idx.msk [tilespmem:v24+s15+$0x0], $0xffff;
	v26 =	vnsel vm15, $0x0, v26;
	vm13 =	vgt.s32 v23, $0x0;
	v15 =	vmin.u32 v15, $0xFFF  }
0x7f: {  	v26 =	vmin.u32 v26, $0xFFF;
	v23 =	vnsel vm13, $0x0, v23;
	vm15 =	vgt.s32 v22, $0x0;
	v18 =	vld.idx.msk [tilespmem:v18+s14+$0x0], $0xffff  }
0x80: {  	v23 =	vmin.u32 v23, $0xFFF;
	v22 =	vnsel vm15, $0x0, v22;
	v17 =	vld.idx.msk [tilespmem:v17+s15+$0x0], $0xffff  }
0x81: {  	v16 =	vnsel vm7, $0x0, v16;
	vm13 =	vgt.s32 v14, $0x0;
	v22 =	vmin.u32 v22, $0xFFF;
	v19 =	vld.idx.msk [tilespmem:v19+s14+$0x0], $0xffff  }
0x82: {  	v16 =	vmin.u32 v16, $0xFFF;
	v14 =	vnsel vm13, $0x0, v14;
	vm12 =	vgt.s32 v29, $0x0;
	v20 =	vld.idx.msk [tilespmem:v20+s14+$0x0], $0xffff  }
0x83: {  	v14 =	vmin.u32 v14, $0xFFF;
	v29 =	vnsel vm12, $0x0, v29;
	v15 =	vld.idx.msk [tilespmem:v15+s14+$0x0], $0xffff  }
0x84: {  	v24 =	vmul.f32 v24, v25;
	v29 =	vmin.u32 v29, $0xFFF;
	v26 =	vld.idx.msk [tilespmem:v26+s15+$0x0], $0xffff  }
0x85: {  	vm8 =	vlt.u32 v13, v1;
	v51 =	vmul.f32 v27, v28;
	v23 =	vld.idx.msk [tilespmem:v23+s15+$0x0], $0xffff  }
0x86: {  	vm14 =	vlt.f32 v24, $0.0e+00;
	vm15 =	vgt.f32 v24, $0.0e+00;
	v17 =	vmul.f32 v17, v21;
	v52 =	vld.idx.msk [tilespmem:v22+s15+$0x0], $0xffff  }
0x87: {  	v16 =	vld.idx.msk [tilespmem:v16+s15+$0x0], $0xffff;
	vm12 =	vlt.f32 v51, $0.0e+00;
	vm11 =	vgt.f32 v51, $0.0e+00;
	vm7 =	vmor vm15, vm14  }
0x88: {  	vm13 =	vmor vm11, vm12;
	v14 =	vld.idx.msk [tilespmem:v14+s15+$0x0], $0xffff;
	vm14 =	vlt.f32 v17, $0.0e+00;
	vm15 =	vgt.f32 v17, $0.0e+00  }
0x89: {  	vm7 =	vmand vm5, vm7;
	v53 =	vld.idx.msk [tilespmem:v29+s14+$0x0], $0xffff;
	v20 =	vmul.f32 v26, v20;
	vm11 =	vmor vm15, vm14  }
0x8a: {  	v19 =	vmul.f32 v23, v19;
	vm5 =	vmand vm3, vm11;
	vm3 =	vmand vm6, vm13  }
0x8b: {  	vm12 =	vlt.f32 v20, $0.0e+00;
	vm13 =	vgt.f32 v20, $0.0e+00;
	v15 =	vmul.f32 v52, v15  }
0x8c: {  	v16 =	vmul.f32 v16, v18;
	vm6 =	vmor vm13, vm12;
	vm9 =	vlt.f32 v19, $0.0e+00  }
0x8d: {  	vm12 =	vgt.f32 v19, $0.0e+00;
	vm14 =	vlt.f32 v15, $0.0e+00;
	vm15 =	vgt.f32 v15, $0.0e+00  }
0x8e: {  	vm4 =	vmand vm4, vm6;
	v14 =	vmul.f32 v14, v53;
	vm6 =	vmor vm15, vm14  }
0x8f: {  	vm9 =	vmor vm12, vm9;
	vm13 =	vmor vm7, vm4;
	vm1 =	vmand vm1, vm6  }
0x90: {  	vm14 =	vlt.f32 v16, $0.0e+00;
	vm15 =	vgt.f32 v16, $0.0e+00;
	vm10 =	vmor vm13, vm1  }
0x91: {  	vm12 =	vlt.f32 v14, $0.0e+00;
	vm6 =	vmor vm15, vm14;
	vm10 =	vmor vm10, vm5  }
0x92: {  	vm2 =	vmand vm2, vm6;
	vm13 =	vgt.f32 v14, $0.0e+00;
	vm10 =	vmor vm10, vm3  }
0x93: {  	vm8 =	vmand vm8, vm9;
	vm6 =	vmor vm13, vm12;
	vm14 =	vmor vm10, vm2  }
0x94: {  	vm0 =	vmand vm0, vm6;
	vm15 =	vmor vm14, vm8  }
0x95: {  	vm6 =	vmor vm15, vm0  }
0x96: {  	v54 =	vmpcnt.ones.xlane vm6;
	_ =	sdelay $0x1  }
0x97: {  	vm6 =	vgt.s32 v54, $0x0  }
0x98: {  	v18 =	vsel vm6, $0x1, v9  }
0x99: {  	v11 =	vadd.s32 v18, v11  }
0x9a: {  	v11 =	vxor.u32 $0x80000000, v11  }
0x9b: {  	(xrf0) =	vmax.scan.msk.u32 $0xffff, v11;
	_ =	sdelay $0x5  }
0x9c: {  	v11, _, _ =	vpop (xrf0)  }
0x9d: {  	(v2sf) =	vpush v11, $0xF;
	_ =	sdelay $0x8  }
0x9e: {  	v11 =	vor.u32 v0, v12  }
0x9f: {  	v55 =	vor.u32 v2, v12  }
0xa0: {  	v56 =	vor.u32 v3, v12  }
0xa1: {  	v57 =	vor.u32 v4, v12  }
0xa2: {  	v58 =	vor.u32 v5, v12;
	v24 =	vnsel vm7, $0x0, v24  }
0xa3: {  	v59 =	vor.u32 v6, v12;
	[tilespmem:v11+s18+$0x0] =	vst.idx.msk $0xffff, v24;
	v11 =	vnsel vm4, $0x0, v20  }
0xa4: {  	v60 =	vor.u32 v7, v12;
	[tilespmem:v55+s18+$0x0] =	vst.idx.msk $0xffff, v11;
	v11 =	vnsel vm1, $0x0, v15;
	s0 =	spop (v2sf)  }
0xa5: {  	v61 =	vor.u32 v8, v12;
	s2 =	sadd.s32 s7, s25;
	v62 =	vnsel vm5, $0x0, v17;
	[tilespmem:v56+s18+$0x0] =	vst.idx.msk $0xffff, v11;
	s25 =	sxor.u32 $0x80000000, s0  }
0xa6: {  	v11 =	vnsel vm3, $0x0, v51;
	[tilespmem:v57+s18+$0x0] =	vst.idx.msk $0xffff, v62;
	p0 =	slt.s32 s25, $0x1  }
.Ltmp3:
0xa7: {  	[tilespmem:v58+s18+$0x0] =	vst.idx.msk $0xffff, v11;
	v11 =	vnsel vm2, $0x0, v16;
	(pc) =	sbr.rel @p0 .LBB2_4-.Ltmp3, $4  }
0xa8: {  	v63 =	vnsel vm8, $0x0, v19;
	[tilespmem:v59+s18+$0x0] =	vst.idx.msk $0xffff, v11  }
0xa9: {  	v11 =	vnsel vm0, $0x0, v14;
	[tilespmem:v60+s18+$0x0] =	vst.idx.msk $0xffff, v63  }
0xaa: {  	[tilespmem:v61+s18+$0x0] =	vst.idx.msk $0xffff, v11;
	v11 =	vmov s2  }
0xab: {  	[tilespmem:v10+s19+$0x0] =	vst.idx.msk $0xffff, v11  }
.Ltmp4:
0xac: {  	(pc) =	sbr.rel .LBB2_6-.Ltmp4, $3  }
0xad: {  	_ =	sdelay $0x1  }
0xae: {  	v14 =	vimm.f32 $0.0e+00;
	v10 =	vimm.f32 $0.0e+00  }
0xaf: {  	s26 =	simm.s32 $0x0;
	v11 =	vimm.f32 $0.0e+00;
	v12 =	vimm.f32 $0.0e+00;
	v13 =	vimm.f32 $0.0e+00;
	s28 =	simm.s32 $0x0  }
.LBB2_38:
0xb0: {  	s28 =	sadd.s32 $0x1, s28  }
0xb1: {  	p0 =	sne.s32 s28, s25  }
.Ltmp5:
0xb2: {  	_ = 	snop;
	(pc) =	sbr.rel @!p0 .LBB2_39-.Ltmp5, $1  }
0xb3: {  	_ =	sdelay $0x3  }
.LBB2_6:
0xb4: {  	s0 =	sshll.u32 s28, $0x6  }
0xb5: {  	s0 =	sshra.s32 s0, $0x2  }
0xb6: {  	v15 =	vld [tilespmem:s0+$0x5E00];
	_ =	sdelay $0x4  }
0xb7: {  	v15 =	vxor.u32 $0x80000000, v15  }
0xb8: {  	(xrf0) =	vmax.scan.msk.u32 $0xffff, v15;
	_ =	sdelay $0x5  }
0xb9: {  	v15, _, _ =	vpop (xrf0)  }
0xba: {  	(v2sf) =	vpush v15, $0xF;
	_ =	sdelay $0xe  }
0xbb: {  	s13 =	spop (v2sf)  }
0xbc: {  	s0 =	sand.u32 $0x1FFFFF80, s13  }
0xbd: {  	s30 =	simm.s32 $0x6100;
	s0 =	sadd.s32 s1, s0  }
0xbe: {  	[tilespmem:s30], [sflag:$0x2] =	stream.strided.gather [hbm4b:s0+s20], $0x2000, s21, s20, $0x38;
	[tilespmem:$0x9180] =	vst v63  }
0xbf: {  	_ =	swait.ge [sflag:s22], $0x2000  }
0xc0: {  	s16 =	sshll.u32 s28, $0x9;
	[sflag:s22] =	ssyncset.done $0x0  }
0xc1: {  	s29 =	sshra.s32 s16, $0x2;
	[sflag:s22] =	ssyncadd.s32 $0xFFFFE000  }
0xc2: {  	v15 =	vld [tilespmem:s29+$0x4900];
	_ =	sdelay $0x4  }
0xc3: {  	vm0 =	vlt.f32 v15, $0.0e+00;
	vm1 =	vgt.f32 v15, $0.0e+00  }
0xc4: {  	vm0 =	vmor vm1, vm0  }
0xc5: {  	v16 =	vsel vm0, $0x3F800000, v14  }
0xc6: {  	(xrf0) =	vmax.scan.msk.f32 $0xffff, v16;
	_ =	sdelay $0x5  }
0xc7: {  	v16, _, _ =	vpop (xrf0)  }
0xc8: {  	(v2sf) =	vpush v16, $0xF;
	_ =	sdelay $0xe  }
0xc9: {  	s31 =	spop (v2sf)  }
0xca: {  	p0 =	sgt.f32 s31, $0.0e+00  }
.Ltmp6:
0xcb: {  	_ = 	snop;
	(pc) =	sbr.rel @!p0 .LBB2_10-.Ltmp6, $2  }
0xcc: {  	_ =	sdelay $0x2  }
0xcd: {  	s0 =	simm.s32 $0x8100  }
0xce: {  	v21 =	vld [tilespmem:s0+$0x0]  }
0xcf: {  	v16 =	vld [tilespmem:s30+$0x0];
	s16 =	sand.u32 $0x3F0, s26  }
0xd0: {  	v17 =	vld [tilespmem:s16+$0x8D00]  }
0xd1: {  	v22 =	vld [tilespmem:s16+$0x8500]  }
0xd2: {  	v23 =	vimm.f32 $0.0e+00;
	v19 =	vld [tilespmem:s16+$0x8900]  }
0xd3: {  	s31 =	simm.s32 $0x10;
	s0 =	simm.s32 $0x8110;
	v18 =	vimm.f32 $0.0e+00;
	v24 =	vimm.f32 $0.0e+00;
	v20 =	vimm.f32 $0.0e+00  }
.LBB2_8:
0xd4: {  	v25 =	vmul.f32 v21, v16;
	v21 =	vld [tilespmem:s0+$0x0];
	s30 =	sadd.s32 $0x80, s30;
	v26 =	vmov v16;
	p0 =	sne.s32 s31, $0x3F0  }
.Ltmp7:
0xd5: {  	s2 =	sand.u32 $0x3F0, s31;
	s31 =	sadd.s32 $0x10, s31;
	v16 =	vld [tilespmem:s30+$0x0];
	v27 =	vmul.f32 v17, v26;
	(pc) =	sbr.rel @p0 .LBB2_8-.Ltmp7, $4  }
0xd6: {  	v17 =	vld [tilespmem:s2+$0x8D00];
	v23 =	vadd.f32 v25, v23;
	v25 =	vmul.f32 v22, v26  }
0xd7: {  	v22 =	vld [tilespmem:s2+$0x8500];
	v26 =	vmul.f32 v19, v26;
	v18 =	vadd.f32 v27, v18  }
0xd8: {  	v19 =	vld [tilespmem:s2+$0x8900];
	v24 =	vadd.f32 v25, v24  }
0xd9: {  	s0 =	sadd.s32 $0x10, s0;
	v20 =	vadd.f32 v26, v20  }
0xda: {  	v21 =	vmul.f32 v21, v16;
	_ =	sdelay $0x1  }
0xdb: {  	v21 =	vadd.f32 v21, v23;
	_ =	sdelay $0x1  }
0xdc: {  	v21 =	vsub.f32 $0.0e+00, v21;
	_ =	sdelay $0x1  }
0xdd: {  	v21 =	vmul.f32 $1.442695020e+00, v21;
	_ =	sdelay $0x1  }
0xde: {  	(erf) = vpow2.f32 v21;
	_ =	sdelay $0x4  }
0xdf: {  	v54 =	vmul.f32 v22, v16;
	_ =	sdelay $0x1  }
0xe0: {  	v21 =	vadd.f32 v54, v24;
	_ =	sdelay $0x1  }
0xe1: {  	v21 =	vsub.f32 $0.0e+00, v21;
	v55 =	vpop (erf)  }
0xe2: {  	v22 =	vadd.f32 $1.000000000e+00, v55  }
0xe3: {  	v21 =	vmul.f32 $1.442695020e+00, v21  }
0xe4: {  	(erf) = vrcp.f32 v22  }
0xe5: {  	(erf) = vpow2.f32 v21;
	_ =	sdelay $0x4  }
0xe6: {  	v19 =	vmul.f32 v19, v16;
	_ =	sdelay $0x1  }
0xe7: {  	v19 =	vadd.f32 v19, v20  }
0xe8: {  	v56 =	vpop (erf)  }
0xe9: {  	v19 =	vsub.f32 $0.0e+00, v19;
	v21 =	vpop (erf)  }
0xea: {  	v21 =	vadd.f32 $1.000000000e+00, v21  }
0xeb: {  	v19 =	vmul.f32 $1.442695020e+00, v19  }
0xec: {  	(erf) = vrcp.f32 v21  }
0xed: {  	(erf) = vpow2.f32 v19;
	_ =	sdelay $0x4  }
0xee: {  	v57 =	vmul.f32 v17, v16;
	_ =	sdelay $0x1  }
0xef: {  	v16 =	vadd.f32 v57, v18  }
0xf0: {  	v58 =	vpop (erf)  }
0xf1: {  	v16 =	vsub.f32 $0.0e+00, v16;
	v59 =	vpop (erf)  }
0xf2: {  	v18 =	vadd.f32 $1.000000000e+00, v59  }
0xf3: {  	v16 =	vmul.f32 $1.442695020e+00, v16  }
0xf4: {  	(erf) = vrcp.f32 v18  }
0xf5: {  	(erf) = vpow2.f32 v16;
	_ =	sdelay $0x7  }
0xf6: {  	v60 =	vpop (erf)  }
0xf7: {  	v61 =	vpop (erf)  }
0xf8: {  	v18 =	vadd.f32 $1.000000000e+00, v61;
	_ =	sdelay $0x1  }
0xf9: {  	(erf) = vrcp.f32 v18;
	_ =	sdelay $0x7  }
0xfa: {  	v17 =	vmul.f32 v58, v15  }
0xfb: {  	v62 =	vmul.f32 v56, v15;
	v63 =	vpop (erf)  }
0xfc: {  	v17 =	vnsel vm0, $0x0, v17;
	v16 =	vmul.f32 v60, v15;
	v15 =	vmul.f32 v63, v15  }
0xfd: {  	v12 =	vadd.f32 v17, v12;
	v18 =	vnsel vm0, $0x0, v62  }
0xfe: {  	v16 =	vnsel vm0, $0x0, v16;
	v13 =	vadd.f32 v18, v13;
	v15 =	vnsel vm0, $0x0, v15  }
0xff: {  	v11 =	vadd.f32 v16, v11;
	v10 =	vadd.f32 v15, v10  }
.LBB2_10:
0x100: {  	v15 =	vld [tilespmem:s29+$0x4910];
	_ =	sdelay $0x4  }
0x101: {  	vm0 =	vlt.f32 v15, $0.0e+00;
	vm1 =	vgt.f32 v15, $0.0e+00  }
0x102: {  	v19 =	vimm.f32 $0.0e+00;
	vm0 =	vmor vm1, vm0  }
0x103: {  	v16 =	vsel vm0, $0x3F800000, v19  }
0x104: {  	(xrf0) =	vmax.scan.msk.f32 $0xffff, v16;
	_ =	sdelay $0x5  }
0x105: {  	v16, _, _ =	vpop (xrf0)  }
0x106: {  	(v2sf) =	vpush v16, $0xF;
	_ =	sdelay $0xe  }
0x107: {  	s0 =	spop (v2sf)  }
0x108: {  	p0 =	sgt.f32 s0, $0.0e+00  }
.Ltmp8:
0x109: {  	_ = 	snop;
	(pc) =	sbr.rel @!p0 .LBB2_14-.Ltmp8, $1  }
0x10a: {  	_ =	sdelay $0x3  }
0x10b: {  	s0 =	simm.s32 $0x8100  }
0x10c: {  	s2 =	simm.s32 $0x0;
	s30 =	simm.s32 $0x6110;
	v22 =	vld [tilespmem:s0+$0x0]  }
0x10d: {  	v16 =	vld [tilespmem:s30+$0x0];
	s16 =	sand.u32 $0x3F0, s2  }
0x10e: {  	v17 =	vld [tilespmem:s16+$0x8D00]  }
0x10f: {  	v23 =	vld [tilespmem:s16+$0x8500]  }
0x110: {  	v20 =	vld [tilespmem:s16+$0x8900]  }
0x111: {  	s31 =	simm.s32 $0x10;
	v18 =	vimm.f32 $0.0e+00;
	v24 =	vimm.f32 $0.0e+00;
	v21 =	vimm.f32 $0.0e+00;
	s0 =	simm.s32 $0x8110  }
.LBB2_12:
0x112: {  	v25 =	vmul.f32 v22, v16;
	v22 =	vld [tilespmem:s0+$0x0];
	s30 =	sadd.s32 $0x80, s30;
	v26 =	vmov v16;
	p0 =	sne.s32 s31, $0x3F0  }
.Ltmp9:
0x113: {  	s2 =	sand.u32 $0x3F0, s31;
	s31 =	sadd.s32 $0x10, s31;
	v16 =	vld [tilespmem:s30+$0x0];
	v27 =	vmul.f32 v17, v26;
	(pc) =	sbr.rel @p0 .LBB2_12-.Ltmp9, $4  }
0x114: {  	v17 =	vld [tilespmem:s2+$0x8D00];
	v19 =	vadd.f32 v25, v19;
	v25 =	vmul.f32 v23, v26  }
0x115: {  	v23 =	vld [tilespmem:s2+$0x8500];
	v26 =	vmul.f32 v20, v26;
	v18 =	vadd.f32 v27, v18  }
0x116: {  	v20 =	vld [tilespmem:s2+$0x8900];
	v24 =	vadd.f32 v25, v24  }
0x117: {  	s0 =	sadd.s32 $0x10, s0;
	v21 =	vadd.f32 v26, v21  }
0x118: {  	v22 =	vmul.f32 v22, v16;
	_ =	sdelay $0x1  }
0x119: {  	v19 =	vadd.f32 v22, v19;
	_ =	sdelay $0x1  }
0x11a: {  	v19 =	vsub.f32 $0.0e+00, v19;
	_ =	sdelay $0x1  }
0x11b: {  	v19 =	vmul.f32 $1.442695020e+00, v19;
	_ =	sdelay $0x1  }
0x11c: {  	(erf) = vpow2.f32 v19;
	_ =	sdelay $0x4  }
0x11d: {  	v52 =	vmul.f32 v23, v16;
	_ =	sdelay $0x1  }
0x11e: {  	v19 =	vadd.f32 v52, v24;
	_ =	sdelay $0x1  }
0x11f: {  	v19 =	vsub.f32 $0.0e+00, v19;
	v53 =	vpop (erf)  }
0x120: {  	v22 =	vadd.f32 $1.000000000e+00, v53  }
0x121: {  	v19 =	vmul.f32 $1.442695020e+00, v19  }
0x122: {  	(erf) = vrcp.f32 v22  }
0x123: {  	(erf) = vpow2.f32 v19;
	_ =	sdelay $0x4  }
0x124: {  	v54 =	vmul.f32 v20, v16;
	_ =	sdelay $0x1  }
0x125: {  	v19 =	vadd.f32 v54, v21  }
0x126: {  	v55 =	vpop (erf)  }
0x127: {  	v19 =	vsub.f32 $0.0e+00, v19;
	v56 =	vpop (erf)  }
0x128: {  	v21 =	vadd.f32 $1.000000000e+00, v56  }
0x129: {  	v19 =	vmul.f32 $1.442695020e+00, v19  }
0x12a: {  	(erf) = vrcp.f32 v21  }
0x12b: {  	(erf) = vpow2.f32 v19;
	_ =	sdelay $0x4  }
0x12c: {  	v57 =	vmul.f32 v17, v16;
	_ =	sdelay $0x1  }
0x12d: {  	v16 =	vadd.f32 v57, v18  }
0x12e: {  	v58 =	vpop (erf)  }
0x12f: {  	v16 =	vsub.f32 $0.0e+00, v16;
	v59 =	vpop (erf)  }
0x130: {  	v18 =	vadd.f32 $1.000000000e+00, v59  }
0x131: {  	v16 =	vmul.f32 $1.442695020e+00, v16  }
0x132: {  	(erf) = vrcp.f32 v18  }
0x133: {  	(erf) = vpow2.f32 v16;
	_ =	sdelay $0x7  }
0x134: {  	v60 =	vpop (erf)  }
0x135: {  	v61 =	vpop (erf)  }
0x136: {  	v18 =	vadd.f32 $1.000000000e+00, v61;
	_ =	sdelay $0x1  }
0x137: {  	(erf) = vrcp.f32 v18;
	_ =	sdelay $0x7  }
0x138: {  	v17 =	vmul.f32 v58, v15  }
0x139: {  	v62 =	vmul.f32 v55, v15;
	v63 =	vpop (erf)  }
0x13a: {  	v17 =	vnsel vm0, $0x0, v17;
	v16 =	vmul.f32 v60, v15;
	v15 =	vmul.f32 v63, v15  }
0x13b: {  	v12 =	vadd.f32 v17, v12;
	v18 =	vnsel vm0, $0x0, v62  }
0x13c: {  	v16 =	vnsel vm0, $0x0, v16;
	v13 =	vadd.f32 v18, v13;
	v15 =	vnsel vm0, $0x0, v15  }
0x13d: {  	v11 =	vadd.f32 v16, v11;
	v10 =	vadd.f32 v15, v10  }
.LBB2_14:
0x13e: {  	v15 =	vld [tilespmem:s29+$0x4920];
	_ =	sdelay $0x4  }
0x13f: {  	vm0 =	vlt.f32 v15, $0.0e+00;
	vm1 =	vgt.f32 v15, $0.0e+00  }
0x140: {  	v19 =	vimm.f32 $0.0e+00;
	vm0 =	vmor vm1, vm0  }
0x141: {  	v16 =	vsel vm0, $0x3F800000, v19  }
0x142: {  	(xrf0) =	vmax.scan.msk.f32 $0xffff, v16;
	_ =	sdelay $0x5  }
0x143: {  	v16, _, _ =	vpop (xrf0)  }
0x144: {  	(v2sf) =	vpush v16, $0xF;
	_ =	sdelay $0xe  }
0x145: {  	s0 =	spop (v2sf)  }
0x146: {  	p0 =	sgt.f32 s0, $0.0e+00  }
.Ltmp10:
0x147: {  	_ = 	snop;
	(pc) =	sbr.rel @!p0 .LBB2_18-.Ltmp10, $1  }
0x148: {  	_ =	sdelay $0x3  }
0x149: {  	s0 =	simm.s32 $0x8100  }
0x14a: {  	s2 =	simm.s32 $0x0;
	s30 =	simm.s32 $0x6120;
	v22 =	vld [tilespmem:s0+$0x0]  }
0x14b: {  	v16 =	vld [tilespmem:s30+$0x0];
	s16 =	sand.u32 $0x3F0, s2  }
0x14c: {  	v17 =	vld [tilespmem:s16+$0x8D00]  }
0x14d: {  	v23 =	vld [tilespmem:s16+$0x8500]  }
0x14e: {  	v20 =	vld [tilespmem:s16+$0x8900]  }
0x14f: {  	s31 =	simm.s32 $0x10;
	v18 =	vimm.f32 $0.0e+00;
	v24 =	vimm.f32 $0.0e+00;
	v21 =	vimm.f32 $0.0e+00;
	s0 =	simm.s32 $0x8110  }
.LBB2_16:
0x150: {  	v25 =	vmul.f32 v22, v16;
	v22 =	vld [tilespmem:s0+$0x0];
	s30 =	sadd.s32 $0x80, s30;
	v26 =	vmov v16;
	p0 =	sne.s32 s31, $0x3F0  }
.Ltmp11:
0x151: {  	s2 =	sand.u32 $0x3F0, s31;
	s31 =	sadd.s32 $0x10, s31;
	v16 =	vld [tilespmem:s30+$0x0];
	v27 =	vmul.f32 v17, v26;
	(pc) =	sbr.rel @p0 .LBB2_16-.Ltmp11, $4  }
0x152: {  	v17 =	vld [tilespmem:s2+$0x8D00];
	v19 =	vadd.f32 v25, v19;
	v25 =	vmul.f32 v23, v26  }
0x153: {  	v23 =	vld [tilespmem:s2+$0x8500];
	v26 =	vmul.f32 v20, v26;
	v18 =	vadd.f32 v27, v18  }
0x154: {  	v20 =	vld [tilespmem:s2+$0x8900];
	v24 =	vadd.f32 v25, v24  }
0x155: {  	s0 =	sadd.s32 $0x10, s0;
	v21 =	vadd.f32 v26, v21  }
0x156: {  	v22 =	vmul.f32 v22, v16;
	_ =	sdelay $0x1  }
0x157: {  	v19 =	vadd.f32 v22, v19;
	_ =	sdelay $0x1  }
0x158: {  	v19 =	vsub.f32 $0.0e+00, v19;
	_ =	sdelay $0x1  }
0x159: {  	v19 =	vmul.f32 $1.442695020e+00, v19;
	_ =	sdelay $0x1  }
0x15a: {  	(erf) = vpow2.f32 v19;
	_ =	sdelay $0x4  }
0x15b: {  	v52 =	vmul.f32 v23, v16;
	_ =	sdelay $0x1  }
0x15c: {  	v19 =	vadd.f32 v52, v24;
	_ =	sdelay $0x1  }
0x15d: {  	v19 =	vsub.f32 $0.0e+00, v19;
	v53 =	vpop (erf)  }
0x15e: {  	v22 =	vadd.f32 $1.000000000e+00, v53  }
0x15f: {  	v19 =	vmul.f32 $1.442695020e+00, v19  }
0x160: {  	(erf) = vrcp.f32 v22  }
0x161: {  	(erf) = vpow2.f32 v19;
	_ =	sdelay $0x4  }
0x162: {  	v54 =	vmul.f32 v20, v16;
	_ =	sdelay $0x1  }
0x163: {  	v19 =	vadd.f32 v54, v21  }
0x164: {  	v55 =	vpop (erf)  }
0x165: {  	v19 =	vsub.f32 $0.0e+00, v19;
	v56 =	vpop (erf)  }
0x166: {  	v21 =	vadd.f32 $1.000000000e+00, v56  }
0x167: {  	v19 =	vmul.f32 $1.442695020e+00, v19  }
0x168: {  	(erf) = vrcp.f32 v21  }
0x169: {  	(erf) = vpow2.f32 v19;
	_ =	sdelay $0x4  }
0x16a: {  	v57 =	vmul.f32 v17, v16;
	_ =	sdelay $0x1  }
0x16b: {  	v16 =	vadd.f32 v57, v18  }
0x16c: {  	v58 =	vpop (erf)  }
0x16d: {  	v16 =	vsub.f32 $0.0e+00, v16;
	v59 =	vpop (erf)  }
0x16e: {  	v18 =	vadd.f32 $1.000000000e+00, v59  }
0x16f: {  	v16 =	vmul.f32 $1.442695020e+00, v16  }
0x170: {  	(erf) = vrcp.f32 v18  }
0x171: {  	(erf) = vpow2.f32 v16;
	_ =	sdelay $0x7  }
0x172: {  	v60 =	vpop (erf)  }
0x173: {  	v61 =	vpop (erf)  }
0x174: {  	v18 =	vadd.f32 $1.000000000e+00, v61;
	_ =	sdelay $0x1  }
0x175: {  	(erf) = vrcp.f32 v18;
	_ =	sdelay $0x7  }
0x176: {  	v17 =	vmul.f32 v58, v15  }
0x177: {  	v62 =	vmul.f32 v55, v15;
	v63 =	vpop (erf)  }
0x178: {  	v17 =	vnsel vm0, $0x0, v17;
	v16 =	vmul.f32 v60, v15;
	v15 =	vmul.f32 v63, v15  }
0x179: {  	v12 =	vadd.f32 v17, v12;
	v18 =	vnsel vm0, $0x0, v62  }
0x17a: {  	v16 =	vnsel vm0, $0x0, v16;
	v13 =	vadd.f32 v18, v13;
	v15 =	vnsel vm0, $0x0, v15  }
0x17b: {  	v11 =	vadd.f32 v16, v11;
	v10 =	vadd.f32 v15, v10  }
.LBB2_18:
0x17c: {  	v15 =	vld [tilespmem:s29+$0x4930];
	_ =	sdelay $0x4  }
0x17d: {  	vm0 =	vlt.f32 v15, $0.0e+00;
	vm1 =	vgt.f32 v15, $0.0e+00  }
0x17e: {  	v19 =	vimm.f32 $0.0e+00;
	vm0 =	vmor vm1, vm0  }
0x17f: {  	v16 =	vsel vm0, $0x3F800000, v19  }
0x180: {  	(xrf0) =	vmax.scan.msk.f32 $0xffff, v16;
	_ =	sdelay $0x5  }
0x181: {  	v16, _, _ =	vpop (xrf0)  }
0x182: {  	(v2sf) =	vpush v16, $0xF;
	_ =	sdelay $0xe  }
0x183: {  	s0 =	spop (v2sf)  }
0x184: {  	p0 =	sgt.f32 s0, $0.0e+00  }
.Ltmp12:
0x185: {  	_ = 	snop;
	(pc) =	sbr.rel @!p0 .LBB2_22-.Ltmp12, $1  }
0x186: {  	_ =	sdelay $0x3  }
0x187: {  	s0 =	simm.s32 $0x8100  }
0x188: {  	s2 =	simm.s32 $0x0;
	s30 =	simm.s32 $0x6130;
	v22 =	vld [tilespmem:s0+$0x0]  }
0x189: {  	v16 =	vld [tilespmem:s30+$0x0];
	s16 =	sand.u32 $0x3F0, s2  }
0x18a: {  	v17 =	vld [tilespmem:s16+$0x8D00]  }
0x18b: {  	v23 =	vld [tilespmem:s16+$0x8500]  }
0x18c: {  	v20 =	vld [tilespmem:s16+$0x8900]  }
0x18d: {  	s31 =	simm.s32 $0x10;
	v18 =	vimm.f32 $0.0e+00;
	v24 =	vimm.f32 $0.0e+00;
	v21 =	vimm.f32 $0.0e+00;
	s0 =	simm.s32 $0x8110  }
.LBB2_20:
0x18e: {  	v25 =	vmul.f32 v22, v16;
	v22 =	vld [tilespmem:s0+$0x0];
	s30 =	sadd.s32 $0x80, s30;
	v26 =	vmov v16;
	p0 =	sne.s32 s31, $0x3F0  }
.Ltmp13:
0x18f: {  	s2 =	sand.u32 $0x3F0, s31;
	s31 =	sadd.s32 $0x10, s31;
	v16 =	vld [tilespmem:s30+$0x0];
	v27 =	vmul.f32 v17, v26;
	(pc) =	sbr.rel @p0 .LBB2_20-.Ltmp13, $4  }
0x190: {  	v17 =	vld [tilespmem:s2+$0x8D00];
	v19 =	vadd.f32 v25, v19;
	v25 =	vmul.f32 v23, v26  }
0x191: {  	v23 =	vld [tilespmem:s2+$0x8500];
	v26 =	vmul.f32 v20, v26;
	v18 =	vadd.f32 v27, v18  }
0x192: {  	v20 =	vld [tilespmem:s2+$0x8900];
	v24 =	vadd.f32 v25, v24  }
0x193: {  	s0 =	sadd.s32 $0x10, s0;
	v21 =	vadd.f32 v26, v21  }
0x194: {  	v22 =	vmul.f32 v22, v16;
	_ =	sdelay $0x1  }
0x195: {  	v19 =	vadd.f32 v22, v19;
	_ =	sdelay $0x1  }
0x196: {  	v19 =	vsub.f32 $0.0e+00, v19;
	_ =	sdelay $0x1  }
0x197: {  	v19 =	vmul.f32 $1.442695020e+00, v19;
	_ =	sdelay $0x1  }
0x198: {  	(erf) = vpow2.f32 v19;
	_ =	sdelay $0x4  }
0x199: {  	v52 =	vmul.f32 v23, v16;
	_ =	sdelay $0x1  }
0x19a: {  	v19 =	vadd.f32 v52, v24;
	_ =	sdelay $0x1  }
0x19b: {  	v19 =	vsub.f32 $0.0e+00, v19;
	v53 =	vpop (erf)  }
0x19c: {  	v22 =	vadd.f32 $1.000000000e+00, v53  }
0x19d: {  	v19 =	vmul.f32 $1.442695020e+00, v19  }
0x19e: {  	(erf) = vrcp.f32 v22  }
0x19f: {  	(erf) = vpow2.f32 v19;
	_ =	sdelay $0x4  }
0x1a0: {  	v54 =	vmul.f32 v20, v16;
	_ =	sdelay $0x1  }
0x1a1: {  	v19 =	vadd.f32 v54, v21  }
0x1a2: {  	v55 =	vpop (erf)  }
0x1a3: {  	v19 =	vsub.f32 $0.0e+00, v19;
	v56 =	vpop (erf)  }
0x1a4: {  	v21 =	vadd.f32 $1.000000000e+00, v56  }
0x1a5: {  	v19 =	vmul.f32 $1.442695020e+00, v19  }
0x1a6: {  	(erf) = vrcp.f32 v21  }
0x1a7: {  	(erf) = vpow2.f32 v19;
	_ =	sdelay $0x4  }
0x1a8: {  	v57 =	vmul.f32 v17, v16;
	_ =	sdelay $0x1  }
0x1a9: {  	v16 =	vadd.f32 v57, v18  }
0x1aa: {  	v58 =	vpop (erf)  }
0x1ab: {  	v16 =	vsub.f32 $0.0e+00, v16;
	v59 =	vpop (erf)  }
0x1ac: {  	v18 =	vadd.f32 $1.000000000e+00, v59  }
0x1ad: {  	v16 =	vmul.f32 $1.442695020e+00, v16  }
0x1ae: {  	(erf) = vrcp.f32 v18  }
0x1af: {  	(erf) = vpow2.f32 v16;
	_ =	sdelay $0x7  }
0x1b0: {  	v60 =	vpop (erf)  }
0x1b1: {  	v61 =	vpop (erf)  }
0x1b2: {  	v18 =	vadd.f32 $1.000000000e+00, v61;
	_ =	sdelay $0x1  }
0x1b3: {  	(erf) = vrcp.f32 v18;
	_ =	sdelay $0x7  }
0x1b4: {  	v17 =	vmul.f32 v58, v15  }
0x1b5: {  	v62 =	vmul.f32 v55, v15;
	v63 =	vpop (erf)  }
0x1b6: {  	v17 =	vnsel vm0, $0x0, v17;
	v16 =	vmul.f32 v60, v15;
	v15 =	vmul.f32 v63, v15  }
0x1b7: {  	v12 =	vadd.f32 v17, v12;
	v18 =	vnsel vm0, $0x0, v62  }
0x1b8: {  	v16 =	vnsel vm0, $0x0, v16;
	v13 =	vadd.f32 v18, v13;
	v15 =	vnsel vm0, $0x0, v15  }
0x1b9: {  	v11 =	vadd.f32 v16, v11;
	v10 =	vadd.f32 v15, v10  }
.LBB2_22:
0x1ba: {  	v15 =	vld [tilespmem:s29+$0x4940];
	_ =	sdelay $0x4  }
0x1bb: {  	vm0 =	vlt.f32 v15, $0.0e+00;
	vm1 =	vgt.f32 v15, $0.0e+00  }
0x1bc: {  	v19 =	vimm.f32 $0.0e+00;
	vm0 =	vmor vm1, vm0  }
0x1bd: {  	v16 =	vsel vm0, $0x3F800000, v19  }
0x1be: {  	(xrf0) =	vmax.scan.msk.f32 $0xffff, v16;
	_ =	sdelay $0x5  }
0x1bf: {  	v16, _, _ =	vpop (xrf0)  }
0x1c0: {  	(v2sf) =	vpush v16, $0xF;
	_ =	sdelay $0xe  }
0x1c1: {  	s0 =	spop (v2sf)  }
0x1c2: {  	p0 =	sgt.f32 s0, $0.0e+00  }
.Ltmp14:
0x1c3: {  	_ = 	snop;
	(pc) =	sbr.rel @!p0 .LBB2_26-.Ltmp14, $1  }
0x1c4: {  	_ =	sdelay $0x3  }
0x1c5: {  	s0 =	simm.s32 $0x8100  }
0x1c6: {  	s2 =	simm.s32 $0x0;
	s30 =	simm.s32 $0x6140;
	v22 =	vld [tilespmem:s0+$0x0]  }
0x1c7: {  	v16 =	vld [tilespmem:s30+$0x0];
	s16 =	sand.u32 $0x3F0, s2  }
0x1c8: {  	v17 =	vld [tilespmem:s16+$0x8D00]  }
0x1c9: {  	v23 =	vld [tilespmem:s16+$0x8500]  }
0x1ca: {  	v20 =	vld [tilespmem:s16+$0x8900]  }
0x1cb: {  	s31 =	simm.s32 $0x10;
	v18 =	vimm.f32 $0.0e+00;
	v24 =	vimm.f32 $0.0e+00;
	v21 =	vimm.f32 $0.0e+00;
	s0 =	simm.s32 $0x8110  }
.LBB2_24:
0x1cc: {  	v25 =	vmul.f32 v22, v16;
	v22 =	vld [tilespmem:s0+$0x0];
	s30 =	sadd.s32 $0x80, s30;
	v26 =	vmov v16;
	p0 =	sne.s32 s31, $0x3F0  }
.Ltmp15:
0x1cd: {  	s2 =	sand.u32 $0x3F0, s31;
	s31 =	sadd.s32 $0x10, s31;
	v16 =	vld [tilespmem:s30+$0x0];
	v27 =	vmul.f32 v17, v26;
	(pc) =	sbr.rel @p0 .LBB2_24-.Ltmp15, $4  }
0x1ce: {  	v17 =	vld [tilespmem:s2+$0x8D00];
	v19 =	vadd.f32 v25, v19;
	v25 =	vmul.f32 v23, v26  }
0x1cf: {  	v23 =	vld [tilespmem:s2+$0x8500];
	v26 =	vmul.f32 v20, v26;
	v18 =	vadd.f32 v27, v18  }
0x1d0: {  	v20 =	vld [tilespmem:s2+$0x8900];
	v24 =	vadd.f32 v25, v24  }
0x1d1: {  	s0 =	sadd.s32 $0x10, s0;
	v21 =	vadd.f32 v26, v21  }
0x1d2: {  	v22 =	vmul.f32 v22, v16;
	_ =	sdelay $0x1  }
0x1d3: {  	v19 =	vadd.f32 v22, v19;
	_ =	sdelay $0x1  }
0x1d4: {  	v19 =	vsub.f32 $0.0e+00, v19;
	_ =	sdelay $0x1  }
0x1d5: {  	v19 =	vmul.f32 $1.442695020e+00, v19;
	_ =	sdelay $0x1  }
0x1d6: {  	(erf) = vpow2.f32 v19;
	_ =	sdelay $0x4  }
0x1d7: {  	v52 =	vmul.f32 v23, v16;
	_ =	sdelay $0x1  }
0x1d8: {  	v19 =	vadd.f32 v52, v24;
	_ =	sdelay $0x1  }
0x1d9: {  	v19 =	vsub.f32 $0.0e+00, v19;
	v53 =	vpop (erf)  }
0x1da: {  	v22 =	vadd.f32 $1.000000000e+00, v53  }
0x1db: {  	v19 =	vmul.f32 $1.442695020e+00, v19  }
0x1dc: {  	(erf) = vrcp.f32 v22  }
0x1dd: {  	(erf) = vpow2.f32 v19;
	_ =	sdelay $0x4  }
0x1de: {  	v54 =	vmul.f32 v20, v16;
	_ =	sdelay $0x1  }
0x1df: {  	v19 =	vadd.f32 v54, v21  }
0x1e0: {  	v55 =	vpop (erf)  }
0x1e1: {  	v19 =	vsub.f32 $0.0e+00, v19;
	v56 =	vpop (erf)  }
0x1e2: {  	v21 =	vadd.f32 $1.000000000e+00, v56  }
0x1e3: {  	v19 =	vmul.f32 $1.442695020e+00, v19  }
0x1e4: {  	(erf) = vrcp.f32 v21  }
0x1e5: {  	(erf) = vpow2.f32 v19;
	_ =	sdelay $0x4  }
0x1e6: {  	v57 =	vmul.f32 v17, v16;
	_ =	sdelay $0x1  }
0x1e7: {  	v16 =	vadd.f32 v57, v18  }
0x1e8: {  	v58 =	vpop (erf)  }
0x1e9: {  	v16 =	vsub.f32 $0.0e+00, v16;
	v59 =	vpop (erf)  }
0x1ea: {  	v18 =	vadd.f32 $1.000000000e+00, v59  }
0x1eb: {  	v16 =	vmul.f32 $1.442695020e+00, v16  }
0x1ec: {  	(erf) = vrcp.f32 v18  }
0x1ed: {  	(erf) = vpow2.f32 v16;
	_ =	sdelay $0x7  }
0x1ee: {  	v60 =	vpop (erf)  }
0x1ef: {  	v61 =	vpop (erf)  }
0x1f0: {  	v18 =	vadd.f32 $1.000000000e+00, v61;
	_ =	sdelay $0x1  }
0x1f1: {  	(erf) = vrcp.f32 v18;
	_ =	sdelay $0x7  }
0x1f2: {  	v17 =	vmul.f32 v58, v15  }
0x1f3: {  	v62 =	vmul.f32 v55, v15;
	v63 =	vpop (erf)  }
0x1f4: {  	v17 =	vnsel vm0, $0x0, v17;
	v16 =	vmul.f32 v60, v15;
	v15 =	vmul.f32 v63, v15  }
0x1f5: {  	v12 =	vadd.f32 v17, v12;
	v18 =	vnsel vm0, $0x0, v62  }
0x1f6: {  	v16 =	vnsel vm0, $0x0, v16;
	v13 =	vadd.f32 v18, v13;
	v15 =	vnsel vm0, $0x0, v15  }
0x1f7: {  	v11 =	vadd.f32 v16, v11;
	v10 =	vadd.f32 v15, v10  }
.LBB2_26:
0x1f8: {  	v15 =	vld [tilespmem:s29+$0x4950];
	_ =	sdelay $0x4  }
0x1f9: {  	vm0 =	vlt.f32 v15, $0.0e+00;
	vm1 =	vgt.f32 v15, $0.0e+00  }
0x1fa: {  	v19 =	vimm.f32 $0.0e+00;
	vm0 =	vmor vm1, vm0  }
0x1fb: {  	v16 =	vsel vm0, $0x3F800000, v19  }
0x1fc: {  	(xrf0) =	vmax.scan.msk.f32 $0xffff, v16;
	_ =	sdelay $0x5  }
0x1fd: {  	v16, _, _ =	vpop (xrf0)  }
0x1fe: {  	(v2sf) =	vpush v16, $0xF;
	_ =	sdelay $0xe  }
0x1ff: {  	s0 =	spop (v2sf)  }
0x200: {  	p0 =	sgt.f32 s0, $0.0e+00  }
.Ltmp16:
0x201: {  	_ = 	snop;
	(pc) =	sbr.rel @!p0 .LBB2_30-.Ltmp16, $1  }
0x202: {  	_ =	sdelay $0x3  }
0x203: {  	s0 =	simm.s32 $0x8100  }
0x204: {  	s2 =	simm.s32 $0x0;
	s30 =	simm.s32 $0x6150;
	v22 =	vld [tilespmem:s0+$0x0]  }
0x205: {  	v16 =	vld [tilespmem:s30+$0x0];
	s16 =	sand.u32 $0x3F0, s2  }
0x206: {  	v17 =	vld [tilespmem:s16+$0x8D00]  }
0x207: {  	v23 =	vld [tilespmem:s16+$0x8500]  }
0x208: {  	v20 =	vld [tilespmem:s16+$0x8900]  }
0x209: {  	s31 =	simm.s32 $0x10;
	v18 =	vimm.f32 $0.0e+00;
	v24 =	vimm.f32 $0.0e+00;
	v21 =	vimm.f32 $0.0e+00;
	s0 =	simm.s32 $0x8110  }
.LBB2_28:
0x20a: {  	v25 =	vmul.f32 v22, v16;
	v22 =	vld [tilespmem:s0+$0x0];
	s30 =	sadd.s32 $0x80, s30;
	v26 =	vmov v16;
	p0 =	sne.s32 s31, $0x3F0  }
.Ltmp17:
0x20b: {  	s2 =	sand.u32 $0x3F0, s31;
	s31 =	sadd.s32 $0x10, s31;
	v16 =	vld [tilespmem:s30+$0x0];
	v27 =	vmul.f32 v17, v26;
	(pc) =	sbr.rel @p0 .LBB2_28-.Ltmp17, $4  }
0x20c: {  	v17 =	vld [tilespmem:s2+$0x8D00];
	v19 =	vadd.f32 v25, v19;
	v25 =	vmul.f32 v23, v26  }
0x20d: {  	v23 =	vld [tilespmem:s2+$0x8500];
	v26 =	vmul.f32 v20, v26;
	v18 =	vadd.f32 v27, v18  }
0x20e: {  	v20 =	vld [tilespmem:s2+$0x8900];
	v24 =	vadd.f32 v25, v24  }
0x20f: {  	s0 =	sadd.s32 $0x10, s0;
	v21 =	vadd.f32 v26, v21  }
0x210: {  	v22 =	vmul.f32 v22, v16;
	_ =	sdelay $0x1  }
0x211: {  	v19 =	vadd.f32 v22, v19;
	_ =	sdelay $0x1  }
0x212: {  	v19 =	vsub.f32 $0.0e+00, v19;
	_ =	sdelay $0x1  }
0x213: {  	v19 =	vmul.f32 $1.442695020e+00, v19;
	_ =	sdelay $0x1  }
0x214: {  	(erf) = vpow2.f32 v19;
	_ =	sdelay $0x4  }
0x215: {  	v52 =	vmul.f32 v23, v16;
	_ =	sdelay $0x1  }
0x216: {  	v19 =	vadd.f32 v52, v24;
	_ =	sdelay $0x1  }
0x217: {  	v19 =	vsub.f32 $0.0e+00, v19;
	v53 =	vpop (erf)  }
0x218: {  	v22 =	vadd.f32 $1.000000000e+00, v53  }
0x219: {  	v19 =	vmul.f32 $1.442695020e+00, v19  }
0x21a: {  	(erf) = vrcp.f32 v22  }
0x21b: {  	(erf) = vpow2.f32 v19;
	_ =	sdelay $0x4  }
0x21c: {  	v54 =	vmul.f32 v20, v16;
	_ =	sdelay $0x1  }
0x21d: {  	v19 =	vadd.f32 v54, v21  }
0x21e: {  	v55 =	vpop (erf)  }
0x21f: {  	v19 =	vsub.f32 $0.0e+00, v19;
	v56 =	vpop (erf)  }
0x220: {  	v21 =	vadd.f32 $1.000000000e+00, v56  }
0x221: {  	v19 =	vmul.f32 $1.442695020e+00, v19  }
0x222: {  	(erf) = vrcp.f32 v21  }
0x223: {  	(erf) = vpow2.f32 v19;
	_ =	sdelay $0x4  }
0x224: {  	v57 =	vmul.f32 v17, v16;
	_ =	sdelay $0x1  }
0x225: {  	v16 =	vadd.f32 v57, v18  }
0x226: {  	v58 =	vpop (erf)  }
0x227: {  	v16 =	vsub.f32 $0.0e+00, v16;
	v59 =	vpop (erf)  }
0x228: {  	v18 =	vadd.f32 $1.000000000e+00, v59  }
0x229: {  	v16 =	vmul.f32 $1.442695020e+00, v16  }
0x22a: {  	(erf) = vrcp.f32 v18  }
0x22b: {  	(erf) = vpow2.f32 v16;
	_ =	sdelay $0x7  }
0x22c: {  	v60 =	vpop (erf)  }
0x22d: {  	v61 =	vpop (erf)  }
0x22e: {  	v18 =	vadd.f32 $1.000000000e+00, v61;
	_ =	sdelay $0x1  }
0x22f: {  	(erf) = vrcp.f32 v18;
	_ =	sdelay $0x7  }
0x230: {  	v17 =	vmul.f32 v58, v15  }
0x231: {  	v62 =	vmul.f32 v55, v15;
	v63 =	vpop (erf)  }
0x232: {  	v17 =	vnsel vm0, $0x0, v17;
	v16 =	vmul.f32 v60, v15;
	v15 =	vmul.f32 v63, v15  }
0x233: {  	v12 =	vadd.f32 v17, v12;
	v18 =	vnsel vm0, $0x0, v62  }
0x234: {  	v16 =	vnsel vm0, $0x0, v16;
	v13 =	vadd.f32 v18, v13;
	v15 =	vnsel vm0, $0x0, v15  }
0x235: {  	v11 =	vadd.f32 v16, v11;
	v10 =	vadd.f32 v15, v10  }
.LBB2_30:
0x236: {  	v15 =	vld [tilespmem:s29+$0x4960];
	_ =	sdelay $0x4  }
0x237: {  	vm0 =	vlt.f32 v15, $0.0e+00;
	vm1 =	vgt.f32 v15, $0.0e+00  }
0x238: {  	v19 =	vimm.f32 $0.0e+00;
	vm0 =	vmor vm1, vm0  }
0x239: {  	v16 =	vsel vm0, $0x3F800000, v19  }
0x23a: {  	(xrf0) =	vmax.scan.msk.f32 $0xffff, v16;
	_ =	sdelay $0x5  }
0x23b: {  	v16, _, _ =	vpop (xrf0)  }
0x23c: {  	(v2sf) =	vpush v16, $0xF;
	_ =	sdelay $0xe  }
0x23d: {  	s0 =	spop (v2sf)  }
0x23e: {  	p0 =	sgt.f32 s0, $0.0e+00  }
.Ltmp18:
0x23f: {  	_ = 	snop;
	(pc) =	sbr.rel @!p0 .LBB2_34-.Ltmp18, $1  }
0x240: {  	_ =	sdelay $0x3  }
0x241: {  	s0 =	simm.s32 $0x8100  }
0x242: {  	s2 =	simm.s32 $0x0;
	s30 =	simm.s32 $0x6160;
	v22 =	vld [tilespmem:s0+$0x0]  }
0x243: {  	v16 =	vld [tilespmem:s30+$0x0];
	s16 =	sand.u32 $0x3F0, s2  }
0x244: {  	v17 =	vld [tilespmem:s16+$0x8D00]  }
0x245: {  	v23 =	vld [tilespmem:s16+$0x8500]  }
0x246: {  	v20 =	vld [tilespmem:s16+$0x8900]  }
0x247: {  	s31 =	simm.s32 $0x10;
	v18 =	vimm.f32 $0.0e+00;
	v24 =	vimm.f32 $0.0e+00;
	v21 =	vimm.f32 $0.0e+00;
	s0 =	simm.s32 $0x8110  }
.LBB2_32:
0x248: {  	v25 =	vmul.f32 v22, v16;
	v22 =	vld [tilespmem:s0+$0x0];
	s30 =	sadd.s32 $0x80, s30;
	v26 =	vmov v16;
	p0 =	sne.s32 s31, $0x3F0  }
.Ltmp19:
0x249: {  	s2 =	sand.u32 $0x3F0, s31;
	s31 =	sadd.s32 $0x10, s31;
	v16 =	vld [tilespmem:s30+$0x0];
	v27 =	vmul.f32 v17, v26;
	(pc) =	sbr.rel @p0 .LBB2_32-.Ltmp19, $4  }
0x24a: {  	v17 =	vld [tilespmem:s2+$0x8D00];
	v19 =	vadd.f32 v25, v19;
	v25 =	vmul.f32 v23, v26  }
0x24b: {  	v23 =	vld [tilespmem:s2+$0x8500];
	v26 =	vmul.f32 v20, v26;
	v18 =	vadd.f32 v27, v18  }
0x24c: {  	v20 =	vld [tilespmem:s2+$0x8900];
	v24 =	vadd.f32 v25, v24  }
0x24d: {  	s0 =	sadd.s32 $0x10, s0;
	v21 =	vadd.f32 v26, v21  }
0x24e: {  	v22 =	vmul.f32 v22, v16;
	_ =	sdelay $0x1  }
0x24f: {  	v19 =	vadd.f32 v22, v19;
	_ =	sdelay $0x1  }
0x250: {  	v19 =	vsub.f32 $0.0e+00, v19;
	_ =	sdelay $0x1  }
0x251: {  	v19 =	vmul.f32 $1.442695020e+00, v19;
	_ =	sdelay $0x1  }
0x252: {  	(erf) = vpow2.f32 v19;
	_ =	sdelay $0x4  }
0x253: {  	v52 =	vmul.f32 v23, v16;
	_ =	sdelay $0x1  }
0x254: {  	v19 =	vadd.f32 v52, v24;
	_ =	sdelay $0x1  }
0x255: {  	v19 =	vsub.f32 $0.0e+00, v19;
	v53 =	vpop (erf)  }
0x256: {  	v22 =	vadd.f32 $1.000000000e+00, v53  }
0x257: {  	v19 =	vmul.f32 $1.442695020e+00, v19  }
0x258: {  	(erf) = vrcp.f32 v22  }
0x259: {  	(erf) = vpow2.f32 v19;
	_ =	sdelay $0x4  }
0x25a: {  	v54 =	vmul.f32 v20, v16;
	_ =	sdelay $0x1  }
0x25b: {  	v19 =	vadd.f32 v54, v21  }
0x25c: {  	v55 =	vpop (erf)  }
0x25d: {  	v19 =	vsub.f32 $0.0e+00, v19;
	v56 =	vpop (erf)  }
0x25e: {  	v21 =	vadd.f32 $1.000000000e+00, v56  }
0x25f: {  	v19 =	vmul.f32 $1.442695020e+00, v19  }
0x260: {  	(erf) = vrcp.f32 v21  }
0x261: {  	(erf) = vpow2.f32 v19;
	_ =	sdelay $0x4  }
0x262: {  	v57 =	vmul.f32 v17, v16;
	_ =	sdelay $0x1  }
0x263: {  	v16 =	vadd.f32 v57, v18  }
0x264: {  	v58 =	vpop (erf)  }
0x265: {  	v16 =	vsub.f32 $0.0e+00, v16;
	v59 =	vpop (erf)  }
0x266: {  	v18 =	vadd.f32 $1.000000000e+00, v59  }
0x267: {  	v16 =	vmul.f32 $1.442695020e+00, v16  }
0x268: {  	(erf) = vrcp.f32 v18  }
0x269: {  	(erf) = vpow2.f32 v16;
	_ =	sdelay $0x7  }
0x26a: {  	v60 =	vpop (erf)  }
0x26b: {  	v61 =	vpop (erf)  }
0x26c: {  	v18 =	vadd.f32 $1.000000000e+00, v61;
	_ =	sdelay $0x1  }
0x26d: {  	(erf) = vrcp.f32 v18;
	_ =	sdelay $0x7  }
0x26e: {  	v17 =	vmul.f32 v58, v15  }
0x26f: {  	v62 =	vmul.f32 v55, v15;
	v63 =	vpop (erf)  }
0x270: {  	v17 =	vnsel vm0, $0x0, v17;
	v16 =	vmul.f32 v60, v15;
	v15 =	vmul.f32 v63, v15  }
0x271: {  	v12 =	vadd.f32 v17, v12;
	v18 =	vnsel vm0, $0x0, v62  }
0x272: {  	v16 =	vnsel vm0, $0x0, v16;
	v13 =	vadd.f32 v18, v13;
	v15 =	vnsel vm0, $0x0, v15  }
0x273: {  	v11 =	vadd.f32 v16, v11;
	v10 =	vadd.f32 v15, v10  }
.LBB2_34:
0x274: {  	v15 =	vld [tilespmem:s29+$0x4970];
	_ =	sdelay $0x4  }
0x275: {  	vm0 =	vlt.f32 v15, $0.0e+00;
	vm1 =	vgt.f32 v15, $0.0e+00  }
0x276: {  	v19 =	vimm.f32 $0.0e+00;
	vm0 =	vmor vm1, vm0  }
0x277: {  	v16 =	vsel vm0, $0x3F800000, v19  }
0x278: {  	(xrf0) =	vmax.scan.msk.f32 $0xffff, v16;
	_ =	sdelay $0x5  }
0x279: {  	v16, _, _ =	vpop (xrf0)  }
0x27a: {  	(v2sf) =	vpush v16, $0xF;
	_ =	sdelay $0xe  }
0x27b: {  	s0 =	spop (v2sf)  }
0x27c: {  	p0 =	sgt.f32 s0, $0.0e+00  }
.Ltmp20:
0x27d: {  	_ = 	snop;
	(pc) =	sbr.rel @!p0 .LBB2_38-.Ltmp20, $1  }
0x27e: {  	_ =	sdelay $0x3  }
0x27f: {  	s0 =	simm.s32 $0x8100  }
0x280: {  	s2 =	simm.s32 $0x0;
	s29 =	simm.s32 $0x6170;
	v22 =	vld [tilespmem:s0+$0x0]  }
0x281: {  	v16 =	vld [tilespmem:s29+$0x0];
	s31 =	sand.u32 $0x3F0, s2  }
0x282: {  	v17 =	vld [tilespmem:s31+$0x8D00]  }
0x283: {  	v23 =	vld [tilespmem:s31+$0x8500]  }
0x284: {  	v20 =	vld [tilespmem:s31+$0x8900]  }
0x285: {  	s30 =	simm.s32 $0x10;
	v18 =	vimm.f32 $0.0e+00;
	v24 =	vimm.f32 $0.0e+00;
	v21 =	vimm.f32 $0.0e+00;
	s0 =	simm.s32 $0x8110  }
.LBB2_36:
0x286: {  	v25 =	vmul.f32 v22, v16;
	v22 =	vld [tilespmem:s0+$0x0];
	s29 =	sadd.s32 $0x80, s29;
	v26 =	vmov v16;
	p0 =	sne.s32 s30, $0x3F0  }
.Ltmp21:
0x287: {  	s2 =	sand.u32 $0x3F0, s30;
	s30 =	sadd.s32 $0x10, s30;
	v16 =	vld [tilespmem:s29+$0x0];
	v27 =	vmul.f32 v17, v26;
	(pc) =	sbr.rel @p0 .LBB2_36-.Ltmp21, $4  }
0x288: {  	v17 =	vld [tilespmem:s2+$0x8D00];
	v19 =	vadd.f32 v25, v19;
	v25 =	vmul.f32 v23, v26  }
0x289: {  	v23 =	vld [tilespmem:s2+$0x8500];
	v26 =	vmul.f32 v20, v26;
	v18 =	vadd.f32 v27, v18  }
0x28a: {  	v20 =	vld [tilespmem:s2+$0x8900];
	v24 =	vadd.f32 v25, v24  }
0x28b: {  	s0 =	sadd.s32 $0x10, s0;
	v21 =	vadd.f32 v26, v21  }
0x28c: {  	v22 =	vmul.f32 v22, v16;
	_ =	sdelay $0x1  }
0x28d: {  	v19 =	vadd.f32 v22, v19;
	_ =	sdelay $0x1  }
0x28e: {  	v19 =	vsub.f32 $0.0e+00, v19;
	_ =	sdelay $0x1  }
0x28f: {  	v19 =	vmul.f32 $1.442695020e+00, v19;
	_ =	sdelay $0x1  }
0x290: {  	(erf) = vpow2.f32 v19;
	_ =	sdelay $0x4  }
0x291: {  	v52 =	vmul.f32 v23, v16;
	_ =	sdelay $0x1  }
0x292: {  	v19 =	vadd.f32 v52, v24;
	_ =	sdelay $0x1  }
0x293: {  	v19 =	vsub.f32 $0.0e+00, v19;
	v53 =	vpop (erf)  }
0x294: {  	v22 =	vadd.f32 $1.000000000e+00, v53  }
0x295: {  	v19 =	vmul.f32 $1.442695020e+00, v19  }
0x296: {  	(erf) = vrcp.f32 v22  }
0x297: {  	(erf) = vpow2.f32 v19;
	_ =	sdelay $0x4  }
0x298: {  	v54 =	vmul.f32 v20, v16;
	_ =	sdelay $0x1  }
0x299: {  	v19 =	vadd.f32 v54, v21  }
0x29a: {  	v55 =	vpop (erf)  }
0x29b: {  	v19 =	vsub.f32 $0.0e+00, v19;
	v56 =	vpop (erf)  }
0x29c: {  	v21 =	vadd.f32 $1.000000000e+00, v56  }
0x29d: {  	v19 =	vmul.f32 $1.442695020e+00, v19  }
0x29e: {  	(erf) = vrcp.f32 v21  }
0x29f: {  	(erf) = vpow2.f32 v19;
	_ =	sdelay $0x4  }
0x2a0: {  	v57 =	vmul.f32 v17, v16;
	_ =	sdelay $0x1  }
0x2a1: {  	v16 =	vadd.f32 v57, v18  }
0x2a2: {  	v58 =	vpop (erf)  }
0x2a3: {  	v16 =	vsub.f32 $0.0e+00, v16;
	v59 =	vpop (erf)  }
0x2a4: {  	v18 =	vadd.f32 $1.000000000e+00, v59  }
0x2a5: {  	v16 =	vmul.f32 $1.442695020e+00, v16  }
0x2a6: {  	(erf) = vrcp.f32 v18  }
0x2a7: {  	(erf) = vpow2.f32 v16;
	_ =	sdelay $0x7  }
0x2a8: {  	v60 =	vpop (erf)  }
0x2a9: {  	v61 =	vpop (erf)  }
0x2aa: {  	v18 =	vadd.f32 $1.000000000e+00, v61;
	_ =	sdelay $0x1  }
0x2ab: {  	(erf) = vrcp.f32 v18;
	_ =	sdelay $0x7  }
0x2ac: {  	v17 =	vmul.f32 v58, v15  }
.Ltmp22:
0x2ad: {  	v62 =	vmul.f32 v55, v15;
	v63 =	vpop (erf);
	(pc) =	sbr.rel .LBB2_38-.Ltmp22, $4  }
0x2ae: {  	v17 =	vnsel vm0, $0x0, v17;
	v16 =	vmul.f32 v60, v15;
	v15 =	vmul.f32 v63, v15  }
0x2af: {  	v12 =	vadd.f32 v17, v12;
	v18 =	vnsel vm0, $0x0, v62  }
0x2b0: {  	v16 =	vnsel vm0, $0x0, v16;
	v13 =	vadd.f32 v18, v13;
	v15 =	vnsel vm0, $0x0, v15  }
0x2b1: {  	v11 =	vadd.f32 v16, v11;
	v10 =	vadd.f32 v15, v10  }
.LBB2_40:
0x2b2: {  	_ =	sfence.sel $0x180000  }
0x2b3: {  	[bflag:$0x0] =	sbarrier.arrive $0xFFFF  }
0x2b4: {  	_ =	strace $0x90000047  }
0x2b5: {  	s0 =	stileid.u32;
	[bflag:$0x2] =	sbarrier.arrive $0xFFFF  }
0x2b6: {  	p0 =	sne.s32 s0, $0x0;
	s0 =	rddreg [dreg:$0x6]  }
0x2b7: {  	s0 =	sadd.s32 @!p0 $0x100000, s0  }
0x2b8: {  	[sflag:s0] =	ssyncadd.tile.s32 @!p0 $0x1;
	_ =	shalt  }
.Lfunc_end2:
_tile_overlayer_lowered:
.L_overlay_start_2:
0x2b9: {  	(tag) =	ssettag $0x2  }
0x2ba: {  	s0 =	rddreg [dreg:$0x0];
	s2 =	stileid.u32  }
0x2bb: {  	s1 =	rddreg [dreg:$0x1];
	p0 =	sne.s32 s2, $0x0  }
0x2bc: {  	s3 =	rddreg [dreg:$0x2];
	[bflag:$0x3] =	sbarrier.arrive $0xFFFF;
	s2 =	simm.s32 @!p0 $0x1C02  }
0x2bd: {  	[timem:s3], [sflag:s2] =	dma.local @!p0 [hbm:s0], s1  }
0x2be: {  	s0 =	simm.s32 @!p0 $0x2  }
0x2bf: {  	_ =	swait.ge @!p0 [sflag:s0], s1  }
0x2c0: {  	s1 =	ssub.s32 @!p0 $0x0, s1;
	[sflag:s0] =	ssyncset.done @!p0 $0x0  }
0x2c1: {  	[sflag:s0] =	ssyncadd.s32 @!p0 s1  }
0x2c2: {  	[bflag:$0x3] =	sbarrier.arrive $0xFFFF  }
0x2c3: {  	_ =	shalt  }

// kernel: kernel.7.cloned.1.call-start
scs
__scs_entry_jumppad:
0x0: {  	(pc) =	sbr.rel $0x88, $3  }
0x1: {  	(tag) =	ssettag $0x0;
	lr =	simm.s32 $0x1  }
0x2: {  	[smem:$0x3F9B] =	sst lr;
	_ =	strace $0xD0000000  }
0x3: {  	_ = 	snop  }
0x4: {  	_ = 	snop  }
0x5: {  	_ = 	snop  }
0x6: {  	_ = 	snop  }
0x7: {  	_ = 	snop  }
__scs_overlays_trampoline_lowered:
0x8: {  	[smem:$0x3FAA] =	sst s0  }
0x9: {  	[smem:$0x3FAB] =	sst s1  }
0xa: {  	[smem:$0x3FAC] =	sst s2  }
0xb: {  	[smem:$0x3FAD] =	sst s3  }
0xc: {  	[smem:$0x3FAE] =	sst s4  }
0xd: {  	[smem:$0x3FAF] =	sst s5  }
0xe: {  	[smem:$0x3FB0] =	sst s6  }
0xf: {  	[smem:$0x3FB1] =	sst s7  }
0x10: {  	[smem:$0x3FB2] =	sst s8  }
0x11: {  	[smem:$0x3FB3] =	sst s9;
	s0 =	simm.s32 @!p0 $0x0  }
0x12: {  	s1 =	sld [smem:$0x3F99];
	s0 =	simm.s32 @p0 $0x1  }
0x13: {  	[smem:$0x3FB4] =	sst s0;
	s0 =	simm.s32 @!p1 $0x0  }
0x14: {  	s2 =	sld [smem:$0x3F98];
	s0 =	simm.s32 @p1 $0x1  }
0x15: {  	[smem:$0x3FB5] =	sst s0;
	s0 =	simm.s32 @!p2 $0x0  }
0x16: {  	s3 =	sld [smem:$0x3FDB];
	s0 =	simm.s32 @p2 $0x1  }
0x17: {  	s4 =	simm.s32 $0x1BF5;
	[smem:$0x3FB7] =	sst s0  }
0x18: {  	s0 =	sld [smem:$0x3F9A];
	_ =	swait.ge [sflag:s4], $0x0  }
0x19: {  	s7 =	sld [smem:$0x3F9B]  }
0x1a: {  	s8 =	sadd.s32 $0xFFFFE003, lr  }
0x1b: {  	s9 =	sadd.s32 $0xFFFFFEF7, lr;
	s5 =	simm.s32 $0xFFFFFFFF;
	p2 =	slt.u32 s8, $0xFFFFF086  }
0x1c: {  	p1 =	slt.u32 s9, $0xF7A;
	s5 =	simm.s32 @!p2 $0x0  }
0x1d: {  	s5 =	simm.s32 @p1 $0x1;
	p0 =	seq.s32 s7, s2  }
0x1e: {  	s7 =	smul.u32 @!p0 $0xF7A, s2;
	p2 =	seq.s32 @!p0 s5, $0x0  }
0x1f: {  	s9 =	smul.u32 $0xF7A, s1;
	s8 =	simm.s32 @!p0 $0x1BF5;
	p2 =	por !p2, p0  }
0x20: {  	[sflag:s8] =	ssyncset.s32 @!p0 $0xFFFFF086;
	s6 =	sadd.s32 @!p0 s3, s7;
	s7 =	simm.s32 @!p0 $0x108  }
0x21: {  	s3 =	sadd.s32 s3, s9;
	s6 =	sadd.s32 @!p0 $0x88, s6;
	s7 =	simm.s32 @p2 $0x1082  }
0x22: {  	[simem:s7], [sflag:s8] =	dma.local @!p0 [hbm:s6], $0xF7A  }
0x23: {  	s9 =	sor.u32 $0xD0000000, s2;
	s6 =	simm.s32 $0x108;
	_ =	swait.ge @!p0 [sflag:s8], $0x0  }
0x24: {  	s3 =	sadd.s32 $0x88, s3;
	s6 =	simm.s32 @!p1 $0x1082;
	[sflag:s4] =	ssyncset.s32 $0xFFFFF086  }
0x25: {  	[simem:s6], [sflag:s4] =	dma.local [hbm:s3], $0xF7A  }
0x26: {  	[smem:$0x3F9B] =	sst s1;
	(tag) =	ssettag s2;
	_ =	strace s9  }
0x27: {  	s1 =	sld [smem:$0x3FAB]  }
0x28: {  	s2 =	sld [smem:$0x3FAC]  }
0x29: {  	s4 =	sld [smem:$0x3FAE]  }
0x2a: {  	p0 =	seq.s32 s5, $0x0;
	s5 =	sld [smem:$0x3FAF]  }
0x2b: {  	s6 =	sld [smem:$0x3FB0]  }
0x2c: {  	s7 =	sld [smem:$0x3FB1]  }
0x2d: {  	s3 =	simm.s32 $0x108;
	s8 =	sld [smem:$0x3FB2]  }
0x2e: {  	s3 =	simm.s32 @!p0 $0x1082;
	s9 =	sld [smem:$0x3FB3]  }
0x2f: {  	lr =	sadd.s32 s0, s3;
	s0 =	sld [smem:$0x3FAA]  }
0x30: {  	s3 =	sld [smem:$0x3FAD]  }
0x31: {  	[smem:$0x3FB6] =	sst s10  }
0x32: {  	s10 =	sld [smem:$0x3FB4];
	_ =	sdelay $0x3  }
0x33: {  	p0 =	seq.s32 s10, $0x1;
	s10 =	sld [smem:$0x3FB6];
	_ =	sdelay $0x3  }
0x34: {  	[smem:$0x3FB6] =	sst s10  }
0x35: {  	s10 =	sld [smem:$0x3FB5];
	_ =	sdelay $0x3  }
0x36: {  	p1 =	seq.s32 s10, $0x1;
	s10 =	sld [smem:$0x3FB6];
	_ =	sdelay $0x3  }
0x37: {  	[smem:$0x3FB6] =	sst s10  }
0x38: {  	s10 =	sld [smem:$0x3FB7]  }
0x39: {  	_ = 	snop;
	(pc) =	sbr.ind lr, $3  }
0x3a: {  	_ = 	snop  }
0x3b: {  	_ = 	snop  }
0x3c: {  	p2 =	seq.s32 s10, $0x1;
	s10 =	sld [smem:$0x3FB6]  }
0x3d: {  	_ =	shalt  }
0x3e: {  	_ =	shalt  }
0x3f: {  	_ =	shalt  }
0x40: {  	_ =	shalt  }
0x41: {  	_ =	shalt  }
0x42: {  	_ =	shalt  }
0x43: {  	_ =	shalt  }
0x44: {  	_ =	shalt  }
0x45: {  	_ =	shalt  }
0x46: {  	_ =	shalt  }
0x47: {  	_ =	shalt  }
0x48: {  	_ =	shalt  }
0x49: {  	_ =	shalt  }
0x4a: {  	_ =	shalt  }
0x4b: {  	_ =	shalt  }
0x4c: {  	_ =	shalt  }
0x4d: {  	_ =	shalt  }
0x4e: {  	_ =	shalt  }
0x4f: {  	_ =	shalt  }
0x50: {  	_ =	shalt  }
0x51: {  	_ =	shalt  }
0x52: {  	_ =	shalt  }
0x53: {  	_ =	shalt  }
0x54: {  	_ =	shalt  }
0x55: {  	_ =	shalt  }
0x56: {  	_ =	shalt  }
0x57: {  	_ =	shalt  }
0x58: {  	_ =	shalt  }
0x59: {  	_ =	shalt  }
0x5a: {  	_ =	shalt  }
0x5b: {  	_ =	shalt  }
0x5c: {  	_ =	shalt  }
0x5d: {  	_ =	shalt  }
0x5e: {  	_ =	shalt  }
0x5f: {  	_ =	shalt  }
0x60: {  	_ =	shalt  }
0x61: {  	_ =	shalt  }
0x62: {  	_ =	shalt  }
0x63: {  	_ =	shalt  }
0x64: {  	_ =	shalt  }
0x65: {  	_ =	shalt  }
0x66: {  	_ =	shalt  }
0x67: {  	_ =	shalt  }
0x68: {  	_ =	shalt  }
0x69: {  	_ =	shalt  }
0x6a: {  	_ =	shalt  }
0x6b: {  	_ =	shalt  }
0x6c: {  	_ =	shalt  }
0x6d: {  	_ =	shalt  }
0x6e: {  	_ =	shalt  }
0x6f: {  	_ =	shalt  }
0x70: {  	_ =	shalt  }
0x71: {  	_ =	shalt  }
0x72: {  	_ =	shalt  }
0x73: {  	_ =	shalt  }
0x74: {  	_ =	shalt  }
0x75: {  	_ =	shalt  }
0x76: {  	_ =	shalt  }
0x77: {  	_ =	shalt  }
0x78: {  	_ =	shalt  }
0x79: {  	_ =	shalt  }
0x7a: {  	_ =	shalt  }
0x7b: {  	_ =	shalt  }
0x7c: {  	_ =	shalt  }
0x7d: {  	_ =	shalt  }
0x7e: {  	_ =	shalt  }
0x7f: {  	_ =	shalt  }
0x80: {  	_ =	shalt  }
0x81: {  	_ =	shalt  }
0x82: {  	_ =	shalt  }
0x83: {  	_ =	shalt  }
0x84: {  	_ =	shalt  }
0x85: {  	_ =	shalt  }
0x86: {  	_ =	shalt  }
0x87: {  	_ =	shalt  }
.Lfunc_end0:
.L_simem_size_0:
called_computation.1_lowered:
.L_overlay_start_0:
0x88: {  	s2 =	sld [smem:$0x3FD9]  }
0x89: {  	s3 =	sld [smem:$0x3FFE];
	_ =	sdelay $0x1  }
0x8a: {  	s1 =	srdreg.scid  }
0x8b: {  	s0 =	sand.u32 $0x1, s1  }
0x8c: {  	s17 =	sshll.u32 s0, $0xA;
	s2 =	sadd.s32 s3, s2  }
0x8d: {  	s2 =	sadd.s32 s2, s17  }
0x8e: {  	[smem:$0x3FC2] =	sst s2  }
0x8f: {  	_ = 	snop  }
0x90: {  	s2 =	sld [smem:$0x3FD0];
	(tm) =	ssettm $0x1  }
0x91: {  	s18 =	sld [smem:$0x3FFB];
	_ =	sdelay $0x3  }
0x92: {  	_ =	strace s18  }
0x93: {  	s3 =	sld [smem:$0x3FFC];
	_ =	sdelay $0x3  }
0x94: {  	_ =	strace s3  }
0x95: {  	s3 =	sld [smem:$0x3FFD];
	_ =	sdelay $0x3  }
0x96: {  	_ =	strace s3  }
0x97: {  	_ =	strace $0x8FFFFFFF  }
0x98: {  	s19 =	sld [smem:$0x3FDB];
	_ =	sdelay $0x1  }
0x99: {  	s4 =	simm.s32 $_scs_section_size  }
0x9a: {  	s5 =	simm.s32 $_size__tile_overlayer_lowered;
	s6 =	simm.s32 $_tile_overlayer_lowered  }
0x9b: {  	s22 =	simm.s32 $0x1BFF;
	s21 =	sshll.u32 s6, $0x1;
	s3 =	sadd.s32 s4, s19  }
0x9c: {  	s7 =	simm.s32 $0x0;
	s20 =	sshll.u32 s5, $0x1;
	s5 =	sadd.s32 s21, s3  }
0x9d: {  	[timem:s7], [sflag:s22] =	dma.local [hbm:s5], s20  }
0x9e: {  	_ =	swait.ge [sflag:s22], s20  }
0x9f: {  	s4 =	ssub.s32 $0x0, s20;
	[sflag:s22] =	ssyncset.done $0x0  }
0xa0: {  	[sflag:s22] =	ssyncadd.s32 s4;
	_ =	sdelay $0x1  }
0xa1: {  	s23 =	simm.s32 $0x1B8B  }
0xa2: {  	_ =	swait.ge [sflag:s23], $0x1  }
0xa3: {  	[sflag:s23] =	ssyncset.done $0x0  }
0xa4: {  	s25 =	simm.s32 $0x1B8E;
	s24 =	sld [smem:$0x3FFE];
	[sflag:s23] =	ssyncadd.s32 $0xFFFFFFFF  }
0xa5: {  	s26 =	simm.s32 $execute0_lowered;
	[smem:$0x3FD2] =	sst s25  }
0xa6: {  	s5 =	sshll.u32 s26, $0x1;
	_ =	strace $0x80000049;
	[dreg:$0x1] =	wrdreg $0xFFFFFFFF  }
0xa7: {  	s28 =	simm.s32 $_size_execute0_lowered;
	s3 =	sadd.s32 s3, s5;
	[dreg:$0x0] =	wrdreg $0x0  }
0xa8: {  	s5 =	sshll.u32 s28, $0x1;
	[dreg:$0x2] =	wrdreg s3  }
0xa9: {  	[dreg:$0x3] =	wrdreg s5  }
0xaa: {  	[dreg:$0x4] =	wrdreg $0xC0  }
0xab: {  	_ =	task [dreg:s7], $0x5FFFF  }
0xac: {  	[dreg:$0x1] =	wrdreg $0xFFFFFFFF  }
0xad: {  	[dreg:$0x0] =	wrdreg $0x60  }
0xae: {  	[dreg:$0x2] =	wrdreg s24  }
0xaf: {  	[dreg:$0x3] =	wrdreg s2  }
0xb0: {  	[dreg:$0x4] =	wrdreg $0x9  }
0xb1: {  	_ =	task.clear_ibuf [dreg:s7], $0x5FFFF;
	_ =	strace $0x90000049  }
0xb2: {  	s29 =	simm.s32 $0x9;
	_ =	strace $0x8000004B  }
0xb3: {  	_ =	swait.ge [sflag:s29], $0x1  }
0xb4: {  	[sflag:s29] =	ssyncadd.s32 $0xFFFFFFFF  }
0xb5: {  	_ =	strace $0x9000004B  }
0xb6: {  	_ =	sfence  }
0xb7: {  	s30 =	sld [smem:$0x0];
	_ =	sdelay $0x2  }
0xb8: {  	s31 =	sshll.u32 s1, $0xD;
	s1 =	sshrl.u32 s1, $0x2  }
0xb9: {  	s3 =	sand.u32 $0x4000, s31;
	s1 =	sadd.s32 s1, s30  }
0xba: {  	s0 =	sor.u32 s3, s0;
	s1 =	sshll.u32 s1, $0x11  }
0xbb: {  	s0 =	sor.u32 s1, s0  }
0xbc: {  	s0 =	sadd.s32 $0x8F2B, s0  }
0xbd: {  	[sflag:s0] =	ssyncadd.remote.s32 $0x1  }
0xbe: {  	_ =	sfence.sel $0xFFFF  }
0xbf: {  	[dreg:$0x0] =	wrdreg $0xFFFFFFFF;
	(pc) =	sbr.abs _section_cstart, $3  }
0xc0: {  	[dreg:$0x1] =	wrdreg $0xFFFFFFFF  }
0xc1: {  	_ =	task.clear_ibuf [dreg:s7], $0x2FFFF;
	_ =	strace $0x9FFFFFFF  }
0xc2: {  	(tm) =	ssettm $0x7FFFFFFF  }
0xc3: {  	_ =	shalt  }
tec
execute0_lowered:
.L_overlay_start_1:
0x0: {  	(tag) =	ssettag $0x1  }
0x1: {  	s0 =	srdreg.scid  }
0x2: {  	s7 =	sand.u32 $0x1, s0;
	s0 =	stileid.u32  }
0x3: {  	s4 =	sshll.u32 s0, $0x1;
	s5 =	ssub.s32 $0x0, s7  }
0x4: {  	p0 =	sne.s32 s4, s5  }
.Ltmp0:
0x5: {  	_ = 	snop;
	(pc) =	sbr.rel @p0 .LBB2_4-.Ltmp0, $4  }
0x6: {  	_ = 	snop  }
0x7: {  	s3 =	rddreg [dreg:$0x0]  }
0x8: {  	s2 =	rddreg [dreg:$0x1]  }
0x9: {  	s1 =	rddreg [dreg:$0x2];
	_ =	strace $0x8000004A  }
0xa: {  	s3 =	sadd.s32 $0xA00, s3;
	s5 =	simm.s32 $0x0;
	s4 =	simm.s32 $0x1  }
0xb: {  	[tilespmem:s5], [sflag:$0x1] =	stream.linear.gather [hbm4b:s3+s5], $0x800, $0x38;
	[tilespmem:$0x880] =	vst v63  }
0xc: {  	_ =	swait.ge [sflag:s4], $0x800  }
0xd: {  	[sflag:s4] =	ssyncset.done $0x0  }
0xe: {  	[sflag:s4] =	ssyncadd.s32 $0xFFFFF800  }
0xf: {  	v0 =	vld [tilespmem:$0x0];
	_ =	sdelay $0x1  }
0x10: {  	v1 =	vld [tilespmem:$0x40];
	_ =	sdelay $0x1  }
0x11: {  	v2 =	vld [tilespmem:$0x80]  }
0x12: {  	v0 =	vadd.f32 $0.0e+00, v0  }
0x13: {  	v3 =	vld [tilespmem:$0xC0]  }
0x14: {  	v0 =	vadd.f32 v1, v0  }
0x15: {  	v1 =	vld [tilespmem:$0x100]  }
0x16: {  	v0 =	vadd.f32 v2, v0  }
0x17: {  	v2 =	vld [tilespmem:$0x140]  }
0x18: {  	v0 =	vadd.f32 v3, v0  }
0x19: {  	v3 =	vld [tilespmem:$0x180]  }
0x1a: {  	v0 =	vadd.f32 v1, v0  }
0x1b: {  	v1 =	vld [tilespmem:$0x1C0]  }
0x1c: {  	v0 =	vadd.f32 v2, v0  }
0x1d: {  	v2 =	vld [tilespmem:$0x200]  }
0x1e: {  	v0 =	vadd.f32 v3, v0  }
0x1f: {  	v3 =	vld [tilespmem:$0x240]  }
0x20: {  	v0 =	vadd.f32 v1, v0  }
0x21: {  	v1 =	vld [tilespmem:$0x280]  }
0x22: {  	v0 =	vadd.f32 v2, v0  }
0x23: {  	v2 =	vld [tilespmem:$0x2C0]  }
0x24: {  	v0 =	vadd.f32 v3, v0  }
0x25: {  	v3 =	vld [tilespmem:$0x300]  }
0x26: {  	v0 =	vadd.f32 v1, v0  }
0x27: {  	v1 =	vld [tilespmem:$0x340]  }
0x28: {  	v0 =	vadd.f32 v2, v0  }
0x29: {  	v2 =	vld [tilespmem:$0x380]  }
0x2a: {  	v0 =	vadd.f32 v3, v0  }
0x2b: {  	v3 =	vld [tilespmem:$0x3C0]  }
0x2c: {  	v0 =	vadd.f32 v1, v0  }
0x2d: {  	v1 =	vld [tilespmem:$0x400]  }
0x2e: {  	v0 =	vadd.f32 v2, v0  }
0x2f: {  	v2 =	vld [tilespmem:$0x440]  }
0x30: {  	v0 =	vadd.f32 v3, v0  }
0x31: {  	v3 =	vld [tilespmem:$0x480]  }
0x32: {  	v0 =	vadd.f32 v1, v0  }
0x33: {  	v1 =	vld [tilespmem:$0x4C0]  }
0x34: {  	v0 =	vadd.f32 v2, v0  }
0x35: {  	v2 =	vld [tilespmem:$0x500]  }
0x36: {  	v0 =	vadd.f32 v3, v0  }
0x37: {  	v3 =	vld [tilespmem:$0x540]  }
0x38: {  	v0 =	vadd.f32 v1, v0  }
0x39: {  	v1 =	vld [tilespmem:$0x580]  }
0x3a: {  	v0 =	vadd.f32 v2, v0  }
0x3b: {  	v2 =	vld [tilespmem:$0x5C0]  }
0x3c: {  	v0 =	vadd.f32 v3, v0  }
0x3d: {  	v3 =	vld [tilespmem:$0x600]  }
0x3e: {  	v0 =	vadd.f32 v1, v0  }
0x3f: {  	v1 =	vld [tilespmem:$0x640]  }
0x40: {  	v0 =	vadd.f32 v2, v0  }
0x41: {  	v2 =	vld [tilespmem:$0x680]  }
0x42: {  	v0 =	vadd.f32 v3, v0  }
0x43: {  	v3 =	vld [tilespmem:$0x6C0]  }
0x44: {  	v0 =	vadd.f32 v1, v0  }
0x45: {  	v1 =	vld [tilespmem:$0x700]  }
0x46: {  	v0 =	vadd.f32 v2, v0  }
0x47: {  	v2 =	vld [tilespmem:$0x740]  }
0x48: {  	v0 =	vadd.f32 v3, v0  }
0x49: {  	v3 =	vld [tilespmem:$0x780]  }
0x4a: {  	v0 =	vadd.f32 v1, v0  }
0x4b: {  	v1 =	vld [tilespmem:$0x7C0]  }
0x4c: {  	v0 =	vadd.f32 v2, v0;
	_ =	sdelay $0x1  }
0x4d: {  	v0 =	vadd.f32 v3, v0;
	_ =	sdelay $0x1  }
0x4e: {  	v0 =	vadd.f32 v1, v0;
	_ =	sdelay $0x1  }
0x4f: {  	(xrf2) =	vadd.scan.msk.f32 $0xffff, v0;
	_ =	sdelay $0x7  }
0x50: {  	v0 =	vimm.s32 $0x0;
	_ =	sdelay $0x1  }
0x51: {  	v2, _, _ =	vpop (xrf2)  }
0x52: {  	v1 =	vimm.f32 $0.0e+00;
	v2 =	vbroadcast v2, $0xF  }
0x53: {  	s6 =	simm.s32 $0x800;
	[tilespmem:$0x800] =	vst v1  }
0x54: {  	[tilespmem:v0+s6+$0x0] =	vst.idx.msk $0x1, v2  }
0x55: {  	v2 =	vld [tilespmem:$0x10];
	_ =	sdelay $0x1  }
0x56: {  	v3 =	vld [tilespmem:$0x50];
	_ =	sdelay $0x1  }
0x57: {  	v4 =	vld [tilespmem:$0x90]  }
0x58: {  	v2 =	vadd.f32 $0.0e+00, v2  }
0x59: {  	v5 =	vld [tilespmem:$0xD0]  }
0x5a: {  	v2 =	vadd.f32 v3, v2  }
0x5b: {  	v3 =	vld [tilespmem:$0x110]  }
0x5c: {  	v2 =	vadd.f32 v4, v2  }
0x5d: {  	v4 =	vld [tilespmem:$0x150]  }
0x5e: {  	v2 =	vadd.f32 v5, v2  }
0x5f: {  	v5 =	vld [tilespmem:$0x190]  }
0x60: {  	v2 =	vadd.f32 v3, v2  }
0x61: {  	v3 =	vld [tilespmem:$0x1D0]  }
0x62: {  	v2 =	vadd.f32 v4, v2  }
0x63: {  	v4 =	vld [tilespmem:$0x210]  }
0x64: {  	v2 =	vadd.f32 v5, v2  }
0x65: {  	v5 =	vld [tilespmem:$0x250]  }
0x66: {  	v2 =	vadd.f32 v3, v2  }
0x67: {  	v3 =	vld [tilespmem:$0x290]  }
0x68: {  	v2 =	vadd.f32 v4, v2  }
0x69: {  	v4 =	vld [tilespmem:$0x2D0]  }
0x6a: {  	v2 =	vadd.f32 v5, v2  }
0x6b: {  	v5 =	vld [tilespmem:$0x310]  }
0x6c: {  	v2 =	vadd.f32 v3, v2  }
0x6d: {  	v3 =	vld [tilespmem:$0x350]  }
0x6e: {  	v2 =	vadd.f32 v4, v2  }
0x6f: {  	v4 =	vld [tilespmem:$0x390]  }
0x70: {  	v2 =	vadd.f32 v5, v2  }
0x71: {  	v5 =	vld [tilespmem:$0x3D0]  }
0x72: {  	v2 =	vadd.f32 v3, v2  }
0x73: {  	v3 =	vld [tilespmem:$0x410]  }
0x74: {  	v2 =	vadd.f32 v4, v2  }
0x75: {  	v4 =	vld [tilespmem:$0x450]  }
0x76: {  	v2 =	vadd.f32 v5, v2  }
0x77: {  	v5 =	vld [tilespmem:$0x490]  }
0x78: {  	v2 =	vadd.f32 v3, v2  }
0x79: {  	v3 =	vld [tilespmem:$0x4D0]  }
0x7a: {  	v2 =	vadd.f32 v4, v2  }
0x7b: {  	v4 =	vld [tilespmem:$0x510]  }
0x7c: {  	v2 =	vadd.f32 v5, v2  }
0x7d: {  	v5 =	vld [tilespmem:$0x550]  }
0x7e: {  	v2 =	vadd.f32 v3, v2  }
0x7f: {  	v3 =	vld [tilespmem:$0x590]  }
0x80: {  	v2 =	vadd.f32 v4, v2  }
0x81: {  	v4 =	vld [tilespmem:$0x5D0]  }
0x82: {  	v2 =	vadd.f32 v5, v2  }
0x83: {  	v5 =	vld [tilespmem:$0x610]  }
0x84: {  	v2 =	vadd.f32 v3, v2  }
0x85: {  	v3 =	vld [tilespmem:$0x650]  }
0x86: {  	v2 =	vadd.f32 v4, v2  }
0x87: {  	v4 =	vld [tilespmem:$0x690]  }
0x88: {  	v2 =	vadd.f32 v5, v2  }
0x89: {  	v5 =	vld [tilespmem:$0x6D0]  }
0x8a: {  	v2 =	vadd.f32 v3, v2  }
0x8b: {  	v3 =	vld [tilespmem:$0x710]  }
0x8c: {  	v2 =	vadd.f32 v4, v2  }
0x8d: {  	v4 =	vld [tilespmem:$0x750]  }
0x8e: {  	v2 =	vadd.f32 v5, v2  }
0x8f: {  	v5 =	vld [tilespmem:$0x790]  }
0x90: {  	v2 =	vadd.f32 v3, v2  }
0x91: {  	v3 =	vld [tilespmem:$0x7D0]  }
0x92: {  	v2 =	vadd.f32 v4, v2;
	_ =	sdelay $0x1  }
0x93: {  	v2 =	vadd.f32 v5, v2;
	_ =	sdelay $0x1  }
0x94: {  	v2 =	vadd.f32 v3, v2;
	_ =	sdelay $0x1  }
0x95: {  	(xrf2) =	vadd.scan.msk.f32 $0xffff, v2;
	_ =	sdelay $0x7  }
0x96: {  	v2 =	vimm.s32 $0x1;
	_ =	sdelay $0x1  }
0x97: {  	v3, _, _ =	vpop (xrf2)  }
0x98: {  	v3 =	vbroadcast v3, $0xF;
	_ =	sdelay $0x1  }
0x99: {  	[tilespmem:v2+s6+$0x0] =	vst.idx.msk $0x1, v3  }
0x9a: {  	v3 =	vld [tilespmem:$0x20];
	_ =	sdelay $0x1  }
0x9b: {  	v4 =	vld [tilespmem:$0x60];
	_ =	sdelay $0x1  }
0x9c: {  	v5 =	vld [tilespmem:$0xA0]  }
0x9d: {  	v3 =	vadd.f32 $0.0e+00, v3  }
0x9e: {  	v6 =	vld [tilespmem:$0xE0]  }
0x9f: {  	v3 =	vadd.f32 v4, v3  }
0xa0: {  	v4 =	vld [tilespmem:$0x120]  }
0xa1: {  	v3 =	vadd.f32 v5, v3  }
0xa2: {  	v5 =	vld [tilespmem:$0x160]  }
0xa3: {  	v3 =	vadd.f32 v6, v3  }
0xa4: {  	v6 =	vld [tilespmem:$0x1A0]  }
0xa5: {  	v3 =	vadd.f32 v4, v3  }
0xa6: {  	v4 =	vld [tilespmem:$0x1E0]  }
0xa7: {  	v3 =	vadd.f32 v5, v3  }
0xa8: {  	v5 =	vld [tilespmem:$0x220]  }
0xa9: {  	v3 =	vadd.f32 v6, v3  }
0xaa: {  	v6 =	vld [tilespmem:$0x260]  }
0xab: {  	v3 =	vadd.f32 v4, v3  }
0xac: {  	v4 =	vld [tilespmem:$0x2A0]  }
0xad: {  	v3 =	vadd.f32 v5, v3  }
0xae: {  	v5 =	vld [tilespmem:$0x2E0]  }
0xaf: {  	v3 =	vadd.f32 v6, v3  }
0xb0: {  	v6 =	vld [tilespmem:$0x320]  }
0xb1: {  	v3 =	vadd.f32 v4, v3  }
0xb2: {  	v4 =	vld [tilespmem:$0x360]  }
0xb3: {  	v3 =	vadd.f32 v5, v3  }
0xb4: {  	v5 =	vld [tilespmem:$0x3A0]  }
0xb5: {  	v3 =	vadd.f32 v6, v3  }
0xb6: {  	v6 =	vld [tilespmem:$0x3E0]  }
0xb7: {  	v3 =	vadd.f32 v4, v3  }
0xb8: {  	v4 =	vld [tilespmem:$0x420]  }
0xb9: {  	v3 =	vadd.f32 v5, v3  }
0xba: {  	v5 =	vld [tilespmem:$0x460]  }
0xbb: {  	v3 =	vadd.f32 v6, v3  }
0xbc: {  	v6 =	vld [tilespmem:$0x4A0]  }
0xbd: {  	v3 =	vadd.f32 v4, v3  }
0xbe: {  	v4 =	vld [tilespmem:$0x4E0]  }
0xbf: {  	v3 =	vadd.f32 v5, v3  }
0xc0: {  	v5 =	vld [tilespmem:$0x520]  }
0xc1: {  	v3 =	vadd.f32 v6, v3  }
0xc2: {  	v6 =	vld [tilespmem:$0x560]  }
0xc3: {  	v3 =	vadd.f32 v4, v3  }
0xc4: {  	v4 =	vld [tilespmem:$0x5A0]  }
0xc5: {  	v3 =	vadd.f32 v5, v3  }
0xc6: {  	v5 =	vld [tilespmem:$0x5E0]  }
0xc7: {  	v3 =	vadd.f32 v6, v3  }
0xc8: {  	v6 =	vld [tilespmem:$0x620]  }
0xc9: {  	v3 =	vadd.f32 v4, v3  }
0xca: {  	v4 =	vld [tilespmem:$0x660]  }
0xcb: {  	v3 =	vadd.f32 v5, v3  }
0xcc: {  	v5 =	vld [tilespmem:$0x6A0]  }
0xcd: {  	v3 =	vadd.f32 v6, v3  }
0xce: {  	v6 =	vld [tilespmem:$0x6E0]  }
0xcf: {  	v3 =	vadd.f32 v4, v3  }
0xd0: {  	v4 =	vld [tilespmem:$0x720]  }
0xd1: {  	v3 =	vadd.f32 v5, v3  }
0xd2: {  	v5 =	vld [tilespmem:$0x760]  }
0xd3: {  	v3 =	vadd.f32 v6, v3  }
0xd4: {  	v6 =	vld [tilespmem:$0x7A0]  }
0xd5: {  	v3 =	vadd.f32 v4, v3  }
0xd6: {  	v4 =	vld [tilespmem:$0x7E0]  }
0xd7: {  	v3 =	vadd.f32 v5, v3;
	_ =	sdelay $0x1  }
0xd8: {  	v3 =	vadd.f32 v6, v3;
	_ =	sdelay $0x1  }
0xd9: {  	v3 =	vadd.f32 v4, v3;
	_ =	sdelay $0x1  }
0xda: {  	(xrf2) =	vadd.scan.msk.f32 $0xffff, v3;
	_ =	sdelay $0x7  }
0xdb: {  	v3 =	vimm.s32 $0x2;
	_ =	sdelay $0x1  }
0xdc: {  	v4, _, _ =	vpop (xrf2)  }
0xdd: {  	v4 =	vbroadcast v4, $0xF;
	_ =	sdelay $0x1  }
0xde: {  	[tilespmem:v3+s6+$0x0] =	vst.idx.msk $0x1, v4  }
0xdf: {  	v4 =	vld [tilespmem:$0x30];
	_ =	sdelay $0x1  }
0xe0: {  	v5 =	vld [tilespmem:$0x70];
	_ =	sdelay $0x1  }
0xe1: {  	v6 =	vld [tilespmem:$0xB0]  }
0xe2: {  	v4 =	vadd.f32 $0.0e+00, v4  }
0xe3: {  	v7 =	vld [tilespmem:$0xF0]  }
0xe4: {  	v4 =	vadd.f32 v5, v4  }
0xe5: {  	v5 =	vld [tilespmem:$0x130]  }
0xe6: {  	v4 =	vadd.f32 v6, v4  }
0xe7: {  	v6 =	vld [tilespmem:$0x170]  }
0xe8: {  	v4 =	vadd.f32 v7, v4  }
0xe9: {  	v7 =	vld [tilespmem:$0x1B0]  }
0xea: {  	v4 =	vadd.f32 v5, v4  }
0xeb: {  	v5 =	vld [tilespmem:$0x1F0]  }
0xec: {  	v4 =	vadd.f32 v6, v4  }
0xed: {  	v6 =	vld [tilespmem:$0x230]  }
0xee: {  	v4 =	vadd.f32 v7, v4  }
0xef: {  	v7 =	vld [tilespmem:$0x270]  }
0xf0: {  	v4 =	vadd.f32 v5, v4  }
0xf1: {  	v5 =	vld [tilespmem:$0x2B0]  }
0xf2: {  	v4 =	vadd.f32 v6, v4  }
0xf3: {  	v6 =	vld [tilespmem:$0x2F0]  }
0xf4: {  	v4 =	vadd.f32 v7, v4  }
0xf5: {  	v7 =	vld [tilespmem:$0x330]  }
0xf6: {  	v4 =	vadd.f32 v5, v4  }
0xf7: {  	v5 =	vld [tilespmem:$0x370]  }
0xf8: {  	v4 =	vadd.f32 v6, v4  }
0xf9: {  	v6 =	vld [tilespmem:$0x3B0]  }
0xfa: {  	v4 =	vadd.f32 v7, v4  }
0xfb: {  	v7 =	vld [tilespmem:$0x3F0]  }
0xfc: {  	v4 =	vadd.f32 v5, v4  }
0xfd: {  	v5 =	vld [tilespmem:$0x430]  }
0xfe: {  	v4 =	vadd.f32 v6, v4  }
0xff: {  	v6 =	vld [tilespmem:$0x470]  }
0x100: {  	v4 =	vadd.f32 v7, v4  }
0x101: {  	v7 =	vld [tilespmem:$0x4B0]  }
0x102: {  	v4 =	vadd.f32 v5, v4  }
0x103: {  	v5 =	vld [tilespmem:$0x4F0]  }
0x104: {  	v4 =	vadd.f32 v6, v4  }
0x105: {  	v6 =	vld [tilespmem:$0x530]  }
0x106: {  	v4 =	vadd.f32 v7, v4  }
0x107: {  	v7 =	vld [tilespmem:$0x570]  }
0x108: {  	v4 =	vadd.f32 v5, v4  }
0x109: {  	v5 =	vld [tilespmem:$0x5B0]  }
0x10a: {  	v4 =	vadd.f32 v6, v4  }
0x10b: {  	v6 =	vld [tilespmem:$0x5F0]  }
0x10c: {  	v4 =	vadd.f32 v7, v4  }
0x10d: {  	v7 =	vld [tilespmem:$0x630]  }
0x10e: {  	v4 =	vadd.f32 v5, v4  }
0x10f: {  	v5 =	vld [tilespmem:$0x670]  }
0x110: {  	v4 =	vadd.f32 v6, v4  }
0x111: {  	v6 =	vld [tilespmem:$0x6B0]  }
0x112: {  	v4 =	vadd.f32 v7, v4  }
0x113: {  	v7 =	vld [tilespmem:$0x6F0]  }
0x114: {  	v4 =	vadd.f32 v5, v4  }
0x115: {  	v5 =	vld [tilespmem:$0x730]  }
0x116: {  	v4 =	vadd.f32 v6, v4  }
0x117: {  	v6 =	vld [tilespmem:$0x770]  }
0x118: {  	v4 =	vadd.f32 v7, v4  }
0x119: {  	v7 =	vld [tilespmem:$0x7B0]  }
0x11a: {  	v4 =	vadd.f32 v5, v4  }
0x11b: {  	v5 =	vld [tilespmem:$0x7F0]  }
0x11c: {  	v4 =	vadd.f32 v6, v4;
	_ =	sdelay $0x1  }
0x11d: {  	v4 =	vadd.f32 v7, v4;
	_ =	sdelay $0x1  }
0x11e: {  	v4 =	vadd.f32 v5, v4;
	_ =	sdelay $0x1  }
0x11f: {  	(xrf2) =	vadd.scan.msk.f32 $0xffff, v4;
	_ =	sdelay $0x6  }
0x120: {  	s7 =	ssub.s32 $0x2, s7  }
0x121: {  	s8 =	sshrl.u32 s7, $0x1;
	v4 =	vimm.s32 $0x3  }
0x122: {  	s7 =	ssub.s32 s7, s8  }
0x123: {  	s7 =	smax.u32 s7, $0x1;
	v5, _, _ =	vpop (xrf2)  }
0x124: {  	p0 =	sne.s32 s7, $0x1;
	v5 =	vbroadcast v5, $0xF  }
.Ltmp1:
0x125: {  	_ = 	snop;
	(pc) =	sbr.rel @!p0 .LBB2_3-.Ltmp1, $4  }
0x126: {  	[tilespmem:v4+s6+$0x0] =	vst.idx.msk $0x1, v5  }
0x127: {  	[hbm4b:s2+s5] =	stream.linear.scatter [tilespmem:s6], [sflag:$0x1], $0x80, $0x38;
	[tilespmem:$0x880] =	vst v63  }
0x128: {  	_ =	swait.ge [sflag:s4], $0x80  }
0x129: {  	s7 =	sadd.s32 $0xFFFFFFFF, s7;
	[sflag:s4] =	ssyncset.done $0x0  }
.LBB2_2:
0x12a: {  	p0 =	sne.s32 s7, $0x1;
	s7 =	sadd.s32 $0xFFFFFFFF, s7;
	[sflag:s4] =	ssyncadd.s32 $0xFFFFFF80  }
0x12b: {  	[tilespmem:s5], [sflag:$0x1] =	stream.linear.gather [hbm4b:s3+s5], $0x800, $0x38;
	[tilespmem:$0x880] =	vst v63  }
0x12c: {  	_ =	swait.ge [sflag:s4], $0x800  }
0x12d: {  	[sflag:s4] =	ssyncset.done $0x0  }
0x12e: {  	[sflag:s4] =	ssyncadd.s32 $0xFFFFF800  }
0x12f: {  	v5 =	vld [tilespmem:$0x0];
	_ =	sdelay $0x1  }
0x130: {  	v6 =	vld [tilespmem:$0x40];
	_ =	sdelay $0x1  }
0x131: {  	v7 =	vld [tilespmem:$0x80]  }
0x132: {  	v5 =	vadd.f32 $0.0e+00, v5  }
0x133: {  	v8 =	vld [tilespmem:$0xC0]  }
0x134: {  	v5 =	vadd.f32 v6, v5  }
0x135: {  	v6 =	vld [tilespmem:$0x100]  }
0x136: {  	v5 =	vadd.f32 v7, v5  }
0x137: {  	v7 =	vld [tilespmem:$0x140]  }
0x138: {  	v5 =	vadd.f32 v8, v5  }
0x139: {  	v8 =	vld [tilespmem:$0x180]  }
0x13a: {  	v5 =	vadd.f32 v6, v5  }
0x13b: {  	v6 =	vld [tilespmem:$0x1C0]  }
0x13c: {  	v5 =	vadd.f32 v7, v5  }
0x13d: {  	v7 =	vld [tilespmem:$0x200]  }
0x13e: {  	v5 =	vadd.f32 v8, v5  }
0x13f: {  	v8 =	vld [tilespmem:$0x240]  }
0x140: {  	v5 =	vadd.f32 v6, v5  }
0x141: {  	v6 =	vld [tilespmem:$0x280]  }
0x142: {  	v5 =	vadd.f32 v7, v5  }
0x143: {  	v7 =	vld [tilespmem:$0x2C0]  }
0x144: {  	v5 =	vadd.f32 v8, v5  }
0x145: {  	v8 =	vld [tilespmem:$0x300]  }
0x146: {  	v5 =	vadd.f32 v6, v5  }
0x147: {  	v6 =	vld [tilespmem:$0x340]  }
0x148: {  	v5 =	vadd.f32 v7, v5  }
0x149: {  	v7 =	vld [tilespmem:$0x380]  }
0x14a: {  	v5 =	vadd.f32 v8, v5  }
0x14b: {  	v8 =	vld [tilespmem:$0x3C0]  }
0x14c: {  	v5 =	vadd.f32 v6, v5  }
0x14d: {  	v6 =	vld [tilespmem:$0x400]  }
0x14e: {  	v5 =	vadd.f32 v7, v5  }
0x14f: {  	v7 =	vld [tilespmem:$0x440]  }
0x150: {  	v5 =	vadd.f32 v8, v5  }
0x151: {  	v8 =	vld [tilespmem:$0x480]  }
0x152: {  	v5 =	vadd.f32 v6, v5  }
0x153: {  	v6 =	vld [tilespmem:$0x4C0]  }
0x154: {  	v5 =	vadd.f32 v7, v5  }
0x155: {  	v7 =	vld [tilespmem:$0x500]  }
0x156: {  	v5 =	vadd.f32 v8, v5  }
0x157: {  	v8 =	vld [tilespmem:$0x540]  }
0x158: {  	v5 =	vadd.f32 v6, v5  }
0x159: {  	v6 =	vld [tilespmem:$0x580]  }
0x15a: {  	v5 =	vadd.f32 v7, v5  }
0x15b: {  	v7 =	vld [tilespmem:$0x5C0]  }
0x15c: {  	v5 =	vadd.f32 v8, v5  }
0x15d: {  	v8 =	vld [tilespmem:$0x600]  }
0x15e: {  	v5 =	vadd.f32 v6, v5  }
0x15f: {  	v6 =	vld [tilespmem:$0x640]  }
0x160: {  	v5 =	vadd.f32 v7, v5  }
0x161: {  	v7 =	vld [tilespmem:$0x680]  }
0x162: {  	v5 =	vadd.f32 v8, v5  }
0x163: {  	v8 =	vld [tilespmem:$0x6C0]  }
0x164: {  	v5 =	vadd.f32 v6, v5  }
0x165: {  	v6 =	vld [tilespmem:$0x700]  }
0x166: {  	v5 =	vadd.f32 v7, v5  }
0x167: {  	v7 =	vld [tilespmem:$0x740]  }
0x168: {  	v5 =	vadd.f32 v8, v5  }
0x169: {  	v8 =	vld [tilespmem:$0x780]  }
0x16a: {  	v5 =	vadd.f32 v6, v5  }
0x16b: {  	v6 =	vld [tilespmem:$0x7C0]  }
0x16c: {  	v5 =	vadd.f32 v7, v5;
	_ =	sdelay $0x1  }
0x16d: {  	v5 =	vadd.f32 v8, v5;
	_ =	sdelay $0x1  }
0x16e: {  	v5 =	vadd.f32 v6, v5;
	_ =	sdelay $0x1  }
0x16f: {  	(xrf2) =	vadd.scan.msk.f32 $0xffff, v5;
	_ =	sdelay $0x9  }
0x170: {  	v5, _, _ =	vpop (xrf2)  }
0x171: {  	v5 =	vbroadcast v5, $0xF  }
0x172: {  	[tilespmem:$0x800] =	vst v1  }
0x173: {  	[tilespmem:v0+s6+$0x0] =	vst.idx.msk $0x1, v5  }
0x174: {  	v5 =	vld [tilespmem:$0x10];
	_ =	sdelay $0x1  }
0x175: {  	v6 =	vld [tilespmem:$0x50];
	_ =	sdelay $0x1  }
0x176: {  	v7 =	vld [tilespmem:$0x90]  }
0x177: {  	v5 =	vadd.f32 $0.0e+00, v5  }
0x178: {  	v8 =	vld [tilespmem:$0xD0]  }
0x179: {  	v5 =	vadd.f32 v6, v5  }
0x17a: {  	v6 =	vld [tilespmem:$0x110]  }
0x17b: {  	v5 =	vadd.f32 v7, v5  }
0x17c: {  	v7 =	vld [tilespmem:$0x150]  }
0x17d: {  	v5 =	vadd.f32 v8, v5  }
0x17e: {  	v8 =	vld [tilespmem:$0x190]  }
0x17f: {  	v5 =	vadd.f32 v6, v5  }
0x180: {  	v6 =	vld [tilespmem:$0x1D0]  }
0x181: {  	v5 =	vadd.f32 v7, v5  }
0x182: {  	v7 =	vld [tilespmem:$0x210]  }
0x183: {  	v5 =	vadd.f32 v8, v5  }
0x184: {  	v8 =	vld [tilespmem:$0x250]  }
0x185: {  	v5 =	vadd.f32 v6, v5  }
0x186: {  	v6 =	vld [tilespmem:$0x290]  }
0x187: {  	v5 =	vadd.f32 v7, v5  }
0x188: {  	v7 =	vld [tilespmem:$0x2D0]  }
0x189: {  	v5 =	vadd.f32 v8, v5  }
0x18a: {  	v8 =	vld [tilespmem:$0x310]  }
0x18b: {  	v5 =	vadd.f32 v6, v5  }
0x18c: {  	v6 =	vld [tilespmem:$0x350]  }
0x18d: {  	v5 =	vadd.f32 v7, v5  }
0x18e: {  	v7 =	vld [tilespmem:$0x390]  }
0x18f: {  	v5 =	vadd.f32 v8, v5  }
0x190: {  	v8 =	vld [tilespmem:$0x3D0]  }
0x191: {  	v5 =	vadd.f32 v6, v5  }
0x192: {  	v6 =	vld [tilespmem:$0x410]  }
0x193: {  	v5 =	vadd.f32 v7, v5  }
0x194: {  	v7 =	vld [tilespmem:$0x450]  }
0x195: {  	v5 =	vadd.f32 v8, v5  }
0x196: {  	v8 =	vld [tilespmem:$0x490]  }
0x197: {  	v5 =	vadd.f32 v6, v5  }
0x198: {  	v6 =	vld [tilespmem:$0x4D0]  }
0x199: {  	v5 =	vadd.f32 v7, v5  }
0x19a: {  	v7 =	vld [tilespmem:$0x510]  }
0x19b: {  	v5 =	vadd.f32 v8, v5  }
0x19c: {  	v8 =	vld [tilespmem:$0x550]  }
0x19d: {  	v5 =	vadd.f32 v6, v5  }
0x19e: {  	v6 =	vld [tilespmem:$0x590]  }
0x19f: {  	v5 =	vadd.f32 v7, v5  }
0x1a0: {  	v7 =	vld [tilespmem:$0x5D0]  }
0x1a1: {  	v5 =	vadd.f32 v8, v5  }
0x1a2: {  	v8 =	vld [tilespmem:$0x610]  }
0x1a3: {  	v5 =	vadd.f32 v6, v5  }
0x1a4: {  	v6 =	vld [tilespmem:$0x650]  }
0x1a5: {  	v5 =	vadd.f32 v7, v5  }
0x1a6: {  	v7 =	vld [tilespmem:$0x690]  }
0x1a7: {  	v5 =	vadd.f32 v8, v5  }
0x1a8: {  	v8 =	vld [tilespmem:$0x6D0]  }
0x1a9: {  	v5 =	vadd.f32 v6, v5  }
0x1aa: {  	v6 =	vld [tilespmem:$0x710]  }
0x1ab: {  	v5 =	vadd.f32 v7, v5  }
0x1ac: {  	v7 =	vld [tilespmem:$0x750]  }
0x1ad: {  	v5 =	vadd.f32 v8, v5  }
0x1ae: {  	v8 =	vld [tilespmem:$0x790]  }
0x1af: {  	v5 =	vadd.f32 v6, v5  }
0x1b0: {  	v6 =	vld [tilespmem:$0x7D0]  }
0x1b1: {  	v5 =	vadd.f32 v7, v5;
	_ =	sdelay $0x1  }
0x1b2: {  	v5 =	vadd.f32 v8, v5;
	_ =	sdelay $0x1  }
0x1b3: {  	v5 =	vadd.f32 v6, v5;
	_ =	sdelay $0x1  }
0x1b4: {  	(xrf2) =	vadd.scan.msk.f32 $0xffff, v5;
	_ =	sdelay $0x9  }
0x1b5: {  	v5, _, _ =	vpop (xrf2)  }
0x1b6: {  	v5 =	vbroadcast v5, $0xF;
	_ =	sdelay $0x1  }
0x1b7: {  	[tilespmem:v2+s6+$0x0] =	vst.idx.msk $0x1, v5  }
0x1b8: {  	v5 =	vld [tilespmem:$0x20];
	_ =	sdelay $0x1  }
0x1b9: {  	v6 =	vld [tilespmem:$0x60];
	_ =	sdelay $0x1  }
0x1ba: {  	v7 =	vld [tilespmem:$0xA0]  }
0x1bb: {  	v5 =	vadd.f32 $0.0e+00, v5  }
0x1bc: {  	v8 =	vld [tilespmem:$0xE0]  }
0x1bd: {  	v5 =	vadd.f32 v6, v5  }
0x1be: {  	v6 =	vld [tilespmem:$0x120]  }
0x1bf: {  	v5 =	vadd.f32 v7, v5  }
0x1c0: {  	v7 =	vld [tilespmem:$0x160]  }
0x1c1: {  	v5 =	vadd.f32 v8, v5  }
0x1c2: {  	v8 =	vld [tilespmem:$0x1A0]  }
0x1c3: {  	v5 =	vadd.f32 v6, v5  }
0x1c4: {  	v6 =	vld [tilespmem:$0x1E0]  }
0x1c5: {  	v5 =	vadd.f32 v7, v5  }
0x1c6: {  	v7 =	vld [tilespmem:$0x220]  }
0x1c7: {  	v5 =	vadd.f32 v8, v5  }
0x1c8: {  	v8 =	vld [tilespmem:$0x260]  }
0x1c9: {  	v5 =	vadd.f32 v6, v5  }
0x1ca: {  	v6 =	vld [tilespmem:$0x2A0]  }
0x1cb: {  	v5 =	vadd.f32 v7, v5  }
0x1cc: {  	v7 =	vld [tilespmem:$0x2E0]  }
0x1cd: {  	v5 =	vadd.f32 v8, v5  }
0x1ce: {  	v8 =	vld [tilespmem:$0x320]  }
0x1cf: {  	v5 =	vadd.f32 v6, v5  }
0x1d0: {  	v6 =	vld [tilespmem:$0x360]  }
0x1d1: {  	v5 =	vadd.f32 v7, v5  }
0x1d2: {  	v7 =	vld [tilespmem:$0x3A0]  }
0x1d3: {  	v5 =	vadd.f32 v8, v5  }
0x1d4: {  	v8 =	vld [tilespmem:$0x3E0]  }
0x1d5: {  	v5 =	vadd.f32 v6, v5  }
0x1d6: {  	v6 =	vld [tilespmem:$0x420]  }
0x1d7: {  	v5 =	vadd.f32 v7, v5  }
0x1d8: {  	v7 =	vld [tilespmem:$0x460]  }
0x1d9: {  	v5 =	vadd.f32 v8, v5  }
0x1da: {  	v8 =	vld [tilespmem:$0x4A0]  }
0x1db: {  	v5 =	vadd.f32 v6, v5  }
0x1dc: {  	v6 =	vld [tilespmem:$0x4E0]  }
0x1dd: {  	v5 =	vadd.f32 v7, v5  }
0x1de: {  	v7 =	vld [tilespmem:$0x520]  }
0x1df: {  	v5 =	vadd.f32 v8, v5  }
0x1e0: {  	v8 =	vld [tilespmem:$0x560]  }
0x1e1: {  	v5 =	vadd.f32 v6, v5  }
0x1e2: {  	v6 =	vld [tilespmem:$0x5A0]  }
0x1e3: {  	v5 =	vadd.f32 v7, v5  }
0x1e4: {  	v7 =	vld [tilespmem:$0x5E0]  }
0x1e5: {  	v5 =	vadd.f32 v8, v5  }
0x1e6: {  	v8 =	vld [tilespmem:$0x620]  }
0x1e7: {  	v5 =	vadd.f32 v6, v5  }
0x1e8: {  	v6 =	vld [tilespmem:$0x660]  }
0x1e9: {  	v5 =	vadd.f32 v7, v5  }
0x1ea: {  	v7 =	vld [tilespmem:$0x6A0]  }
0x1eb: {  	v5 =	vadd.f32 v8, v5  }
0x1ec: {  	v8 =	vld [tilespmem:$0x6E0]  }
0x1ed: {  	v5 =	vadd.f32 v6, v5  }
0x1ee: {  	v6 =	vld [tilespmem:$0x720]  }
0x1ef: {  	v5 =	vadd.f32 v7, v5  }
0x1f0: {  	v7 =	vld [tilespmem:$0x760]  }
0x1f1: {  	v5 =	vadd.f32 v8, v5  }
0x1f2: {  	v8 =	vld [tilespmem:$0x7A0]  }
0x1f3: {  	v5 =	vadd.f32 v6, v5  }
0x1f4: {  	v6 =	vld [tilespmem:$0x7E0]  }
0x1f5: {  	v5 =	vadd.f32 v7, v5;
	_ =	sdelay $0x1  }
0x1f6: {  	v5 =	vadd.f32 v8, v5;
	_ =	sdelay $0x1  }
0x1f7: {  	v5 =	vadd.f32 v6, v5;
	_ =	sdelay $0x1  }
0x1f8: {  	(xrf2) =	vadd.scan.msk.f32 $0xffff, v5;
	_ =	sdelay $0x9  }
0x1f9: {  	v5, _, _ =	vpop (xrf2)  }
0x1fa: {  	v5 =	vbroadcast v5, $0xF;
	_ =	sdelay $0x1  }
0x1fb: {  	[tilespmem:v3+s6+$0x0] =	vst.idx.msk $0x1, v5  }
0x1fc: {  	v5 =	vld [tilespmem:$0x30]  }
0x1fd: {  	v6 =	vld [tilespmem:$0x70]  }
0x1fe: {  	v7 =	vld [tilespmem:$0xB0]  }
0x1ff: {  	v8 =	vld [tilespmem:$0xF0]  }
0x200: {  	v9 =	vld [tilespmem:$0x130]  }
0x201: {  	v5 =	vadd.f32 $0.0e+00, v5;
	v10 =	vld [tilespmem:$0x170]  }
0x202: {  	v11 =	vld [tilespmem:$0x1B0]  }
0x203: {  	v5 =	vadd.f32 v6, v5;
	v6 =	vld [tilespmem:$0x1F0]  }
0x204: {  	v12 =	vld [tilespmem:$0x230]  }
0x205: {  	v5 =	vadd.f32 v7, v5;
	v7 =	vld [tilespmem:$0x270]  }
0x206: {  	v13 =	vld [tilespmem:$0x2B0]  }
0x207: {  	v5 =	vadd.f32 v8, v5;
	v8 =	vld [tilespmem:$0x2F0]  }
0x208: {  	v14 =	vld [tilespmem:$0x330]  }
0x209: {  	v5 =	vadd.f32 v9, v5;
	v9 =	vld [tilespmem:$0x370]  }
0x20a: {  	v15 =	vld [tilespmem:$0x3B0]  }
0x20b: {  	v5 =	vadd.f32 v10, v5;
	v10 =	vld [tilespmem:$0x3F0]  }
0x20c: {  	v16 =	vld [tilespmem:$0x430]  }
0x20d: {  	v5 =	vadd.f32 v11, v5;
	v11 =	vld [tilespmem:$0x470]  }
0x20e: {  	v17 =	vld [tilespmem:$0x4B0]  }
0x20f: {  	v5 =	vadd.f32 v6, v5;
	v6 =	vld [tilespmem:$0x4F0]  }
0x210: {  	v18 =	vld [tilespmem:$0x530]  }
0x211: {  	v5 =	vadd.f32 v12, v5;
	v12 =	vld [tilespmem:$0x570]  }
0x212: {  	v19 =	vld [tilespmem:$0x5B0]  }
0x213: {  	v5 =	vadd.f32 v7, v5;
	v7 =	vld [tilespmem:$0x5F0]  }
0x214: {  	v20 =	vld [tilespmem:$0x630]  }
0x215: {  	v5 =	vadd.f32 v13, v5;
	v13 =	vld [tilespmem:$0x670]  }
0x216: {  	v21 =	vld [tilespmem:$0x6B0]  }
0x217: {  	v5 =	vadd.f32 v8, v5;
	v8 =	vld [tilespmem:$0x6F0]  }
0x218: {  	v22 =	vld [tilespmem:$0x730]  }
0x219: {  	v5 =	vadd.f32 v14, v5;
	v14 =	vld [tilespmem:$0x770]  }
0x21a: {  	v23 =	vld [tilespmem:$0x7B0]  }
0x21b: {  	v5 =	vadd.f32 v9, v5;
	v9 =	vld [tilespmem:$0x7F0];
	_ =	sdelay $0x1  }
0x21c: {  	v5 =	vadd.f32 v15, v5;
	_ =	sdelay $0x1  }
0x21d: {  	v5 =	vadd.f32 v10, v5;
	_ =	sdelay $0x1  }
0x21e: {  	v5 =	vadd.f32 v16, v5;
	_ =	sdelay $0x1  }
0x21f: {  	v5 =	vadd.f32 v11, v5;
	_ =	sdelay $0x1  }
0x220: {  	v5 =	vadd.f32 v17, v5;
	_ =	sdelay $0x1  }
0x221: {  	v5 =	vadd.f32 v6, v5;
	_ =	sdelay $0x1  }
0x222: {  	v5 =	vadd.f32 v18, v5;
	_ =	sdelay $0x1  }
0x223: {  	v5 =	vadd.f32 v12, v5;
	_ =	sdelay $0x1  }
0x224: {  	v5 =	vadd.f32 v19, v5;
	_ =	sdelay $0x1  }
0x225: {  	v5 =	vadd.f32 v7, v5;
	_ =	sdelay $0x1  }
0x226: {  	v5 =	vadd.f32 v20, v5;
	_ =	sdelay $0x1  }
0x227: {  	v5 =	vadd.f32 v13, v5;
	_ =	sdelay $0x1  }
0x228: {  	v5 =	vadd.f32 v21, v5;
	_ =	sdelay $0x1  }
0x229: {  	v5 =	vadd.f32 v8, v5;
	_ =	sdelay $0x1  }
0x22a: {  	v5 =	vadd.f32 v22, v5;
	_ =	sdelay $0x1  }
0x22b: {  	v5 =	vadd.f32 v14, v5;
	_ =	sdelay $0x1  }
0x22c: {  	v5 =	vadd.f32 v23, v5;
	_ =	sdelay $0x1  }
0x22d: {  	v5 =	vadd.f32 v9, v5;
	_ =	sdelay $0x1  }
0x22e: {  	(xrf2) =	vadd.scan.msk.f32 $0xffff, v5;
	_ =	sdelay $0x9  }
0x22f: {  	v5, _, _ =	vpop (xrf2)  }
0x230: {  	v5 =	vbroadcast v5, $0xF  }
.Ltmp2:
0x231: {  	(pc) =	sbr.rel @p0 .LBB2_2-.Ltmp2, $4  }
0x232: {  	[tilespmem:v4+s6+$0x0] =	vst.idx.msk $0x1, v5  }
0x233: {  	[hbm4b:s2+s5] =	stream.linear.scatter [tilespmem:s6], [sflag:$0x1], $0x80, $0x38;
	[tilespmem:$0x880] =	vst v63  }
0x234: {  	_ =	swait.ge [sflag:s4], $0x80  }
0x235: {  	[sflag:s4] =	ssyncset.done $0x0  }
.LBB2_3:
0x236: {  	[sflag:s4] =	ssyncadd.s32 $0xFFFFFF80  }
.LBB2_4:
0x237: {  	_ =	sfence.sel $0x180000  }
0x238: {  	[bflag:$0x0] =	sbarrier.arrive $0xFFFF  }
0x239: {  	p0 =	sne.s32 s0, $0x0;
	_ =	strace $0x9000004A  }
0x23a: {  	s0 =	sadd.s32 @!p0 $0x100000, s1;
	[bflag:$0x2] =	sbarrier.arrive $0xFFFF  }
0x23b: {  	[sflag:s0] =	ssyncadd.tile.s32 @!p0 $0x1;
	_ =	shalt  }
.Lfunc_end2:
_tile_overlayer_lowered:
.L_overlay_start_2:
0x23c: {  	(tag) =	ssettag $0x2  }
0x23d: {  	s0 =	rddreg [dreg:$0x0];
	s2 =	stileid.u32  }
0x23e: {  	s1 =	rddreg [dreg:$0x1];
	p0 =	sne.s32 s2, $0x0  }
0x23f: {  	s3 =	rddreg [dreg:$0x2];
	[bflag:$0x3] =	sbarrier.arrive $0xFFFF;
	s2 =	simm.s32 @!p0 $0x1C01  }
0x240: {  	[timem:s3], [sflag:s2] =	dma.local @!p0 [hbm:s0], s1  }
0x241: {  	s0 =	simm.s32 @!p0 $0x1  }
0x242: {  	_ =	swait.ge @!p0 [sflag:s0], s1  }
0x243: {  	s1 =	ssub.s32 @!p0 $0x0, s1;
	[sflag:s0] =	ssyncset.done @!p0 $0x0  }
0x244: {  	[sflag:s0] =	ssyncadd.s32 @!p0 s1  }
0x245: {  	[bflag:$0x3] =	sbarrier.arrive $0xFFFF  }
0x246: {  	_ =	shalt  }

</sc_bundles>
